<compile_context>
chip_gen: v7x
topology: tpu7x:2x2x1
jax: 0.10.2.dev20260603
libtpu: 0.0.44.dev20260713+nightly
codegen_flags: <defaults>
</compile_context>

<pallas_src>
import functools

import jax
import jax.numpy as jnp
from jax import lax
from jax.experimental import pallas as pl
from jax.experimental.pallas import tpu as pltpu
from jax.experimental.pallas import tpu_sc as plsc

BATCH = 16384
EMBED_DIM = 64
NUM_USERS = 1000000
NUM_MOVIES = 100000
NUM_GENRES = 1000
NUM_CORES = 2
NUM_SUBCORES = 16
NUM_WORKERS = NUM_CORES * NUM_SUBCORES
CW = 20224
NVEC = BATCH // 16


def _gather3(uid, mid, gid, utT, mtT, gtT, utail, mtail, gtail):
    mesh = plsc.VectorSubcoreMesh(core_axis_name="c", subcore_axis_name="s")
    out = jax.ShapeDtypeStruct((EMBED_DIM, BATCH), jnp.float32)

    @functools.partial(
        pl.kernel,
        mesh=mesh,
        out_type=(out, out, out),
        compiler_params=pltpu.CompilerParams(needs_layout_passes=False),
        scratch_types=[
            pltpu.VMEM((CW + 128,), jnp.float32),
            pltpu.VMEM((CW + 128,), jnp.float32),
            pltpu.VMEM((CW + 128,), jnp.float32),
            pltpu.VMEM((CW + 128,), jnp.float32),
            pltpu.VMEM((BATCH,), jnp.int32),
            pltpu.VMEM((BATCH,), jnp.float32),
            pltpu.VMEM((BATCH,), jnp.float32),
            pltpu.SemaphoreType.DMA,
            pltpu.SemaphoreType.DMA,
        ],
    )
    def k(uid_h, mid_h, gid_h, ut_h, mt_h, gt_h, utl_h, mtl_h, gtl_h,
          ou_h, om_h, og_h, ra0, ra1, rb0, rb1, idxb, ob0, ob1, s_a, s_b):
        wid = lax.axis_index("s") * NUM_CORES + lax.axis_index("c")
        c0 = wid * 2
        iota = lax.iota(jnp.int32, 16)
        rows = ((ra0, ra1), (rb0, rb1))
        sems = (s_a, s_b)
        for idx_h, tbl_h, tail_h, out_h, ncols in (
            (uid_h, ut_h, utl_h, ou_h, NUM_USERS),
            (mid_h, mt_h, mtl_h, om_h, NUM_MOVIES),
            (gid_h, gt_h, gtl_h, og_h, NUM_GENRES),
        ):
            pltpu.sync_copy(idx_h, idxb)
            tw = ncols % 128
            mcols = ncols - tw
            nfull = mcols // CW
            rem = mcols - nfull * CW
            elo = nfull * CW
            ewe = jnp.uint32(rem + tw)

            def scan_chunk(lo, we, row0, row1):
                def scan(t, carry):
                    posv = t * 128 + iota
                    vs = [idxb[pl.ds(t * 128 + u * 16, 16)] for u in range(8)]
                    dd = [v - lo for v in vs]
                    ms = [d.astype(jnp.uint32) < we for d in dd]
                    locs = [d & 0xFFFF for d in dd]
                    g0s = [plsc.load_gather(row0, [loc], mask=m)
                           for loc, m in zip(locs, ms)]
                    g1s = [plsc.load_gather(row1, [loc], mask=m)
                           for loc, m in zip(locs, ms)]
                    for u in range(8):
                        plsc.store_scatter(ob0, [posv + u * 16], g0s[u],
                                           mask=ms[u])
                        plsc.store_scatter(ob1, [posv + u * 16], g1s[u],
                                           mask=ms[u])
                    return carry

                lax.fori_loop(0, NVEC // 8, scan, 0)

            def fire_full(i, par):
                lo = pl.multiple_of(i * CW, CW)
                r0, r1 = rows[par]
                sm = sems[par]
                pltpu.async_copy(tbl_h.at[c0, pl.ds(lo, CW)],
                                 r0.at[pl.ds(0, CW)], sm)
                pltpu.async_copy(tbl_h.at[c0 + 1, pl.ds(lo, CW)],
                                 r1.at[pl.ds(0, CW)], sm)

            def fire_epi():
                r0, r1 = rows[nfull % 2]
                sm = sems[nfull % 2]
                if rem:
                    pltpu.async_copy(tbl_h.at[c0, pl.ds(elo, rem)],
                                     r0.at[pl.ds(0, rem)], sm)
                    pltpu.async_copy(tbl_h.at[c0 + 1, pl.ds(elo, rem)],
                                     r1.at[pl.ds(0, rem)], sm)
                pltpu.async_copy(tail_h.at[c0], r0.at[pl.ds(rem, 128)], sm)
                pltpu.async_copy(tail_h.at[c0 + 1], r1.at[pl.ds(rem, 128)],
                                 sm)

            def wait_epi():
                r0, r1 = rows[nfull % 2]
                sm = sems[nfull % 2]
                if rem:
                    pltpu.make_async_copy(tbl_h.at[c0, pl.ds(0, rem)],
                                          r0.at[pl.ds(0, rem)], sm).wait()
                    pltpu.make_async_copy(tbl_h.at[c0, pl.ds(0, rem)],
                                          r1.at[pl.ds(0, rem)], sm).wait()
                pltpu.make_async_copy(tail_h.at[c0],
                                      r0.at[pl.ds(rem, 128)], sm).wait()
                pltpu.make_async_copy(tail_h.at[c0],
                                      r1.at[pl.ds(rem, 128)], sm).wait()

            if nfull:
                fire_full(0, 0)

                def body(i, par):
                    @pl.when(i + 1 < nfull)
                    def _():
                        fire_full(i + 1, 1 - par)

                    if (nfull % 2) == (1 - par):
                        @pl.when(i + 1 == nfull)
                        def _():
                            fire_epi()

                    r0, r1 = rows[par]
                    sm = sems[par]
                    pltpu.make_async_copy(tbl_h.at[c0, pl.ds(0, CW)],
                                          r0.at[pl.ds(0, CW)], sm).wait()
                    pltpu.make_async_copy(tbl_h.at[c0, pl.ds(0, CW)],
                                          r1.at[pl.ds(0, CW)], sm).wait()
                    scan_chunk(i * CW, jnp.uint32(CW), r0, r1)

                def body2(p, carry):
                    i0 = p * 2
                    body(i0, 0)

                    @pl.when(i0 + 1 < nfull)
                    def _():
                        body(i0 + 1, 1)

                    return carry

                lax.fori_loop(0, -(-nfull // 2), body2, 0)
            else:
                fire_epi()
            wait_epi()
            r0, r1 = rows[nfull % 2]
            scan_chunk(elo, ewe, r0, r1)
            pltpu.sync_copy(ob0, out_h.at[c0])
            pltpu.sync_copy(ob1, out_h.at[c0 + 1])

    return k(uid, mid, gid, utT, mtT, gtT, utail, mtail, gtail)


def _tail(tbl):
    tw = tbl.shape[0] % 128
    return jnp.pad(tbl[tbl.shape[0] - tw:].T, ((0, 0), (0, 128 - tw)))


@jax.jit
def kernel(uid, mid, gid, user_table, movie_table, genre_table):
    ouT, omT, ogT = _gather3(
        uid.astype(jnp.int32), mid.astype(jnp.int32), gid.astype(jnp.int32),
        user_table.T, movie_table.T, genre_table.T,
        _tail(user_table), _tail(movie_table), _tail(genre_table))
    return (ouT.T, omT.T, ogT.T)

# --- scband reference (transcript-rebuilt; emitter-appended) ---
"""Pipeline reference for scband-contrastive-model-36893769073249 (READ-ONLY COPY).

The authoritative reference and input builder live on the scoring server;
editing this copy changes nothing except your own understanding.
"""

import jax, jax.numpy as jnp
import numpy as np

NUM_USERS = 1000000
NUM_MOVIES = 100000
NUM_GENRES = 1000
EMBED_DIM = 64
BATCH = 16384


def setup_inputs(seed: int = 0) -> dict:
    key = jax.random.key(seed)
    k0, k1, k2, k3, k4, k5 = jax.random.split(key, 6)
    uid = jax.random.randint(k0, (BATCH,), 0, NUM_USERS, dtype=jnp.int64 if jax.config.jax_enable_x64 else jnp.int32)
    mid = jax.random.randint(k1, (BATCH,), 0, NUM_MOVIES, dtype=jnp.int64 if jax.config.jax_enable_x64 else jnp.int32)
    gid = jax.random.randint(k2, (BATCH,), 0, NUM_GENRES, dtype=jnp.int64 if jax.config.jax_enable_x64 else jnp.int32)
    user_table = jax.random.normal(k3, (NUM_USERS, EMBED_DIM), dtype=jnp.float32)
    movie_table = jax.random.normal(k4, (NUM_MOVIES, EMBED_DIM), dtype=jnp.float32)
    genre_table = jax.random.normal(k5, (NUM_GENRES, EMBED_DIM), dtype=jnp.float32)
    return {
        "uid": uid,
        "mid": mid,
        "gid": gid,
        "user_table": user_table,
        "movie_table": movie_table,
        "genre_table": genre_table,
    }


def reference(uid, mid, gid, user_table, movie_table, genre_table):
    # Faithful translation of ContrastiveModel.forward: three embedding lookups.
    user_emb = jnp.take(user_table, uid, axis=0)
    movie_emb = jnp.take(movie_table, mid, axis=0)
    genre_emb = jnp.take(genre_table, gid, axis=0)
    return (user_emb, movie_emb, genre_emb)

if __name__ == "__main__":
    import jax
    _d = setup_inputs()
    print(jax.jit(kernel)(*tuple(_d.values())))

</pallas_src>

<mosaic_0001>
#map = affine_map<(d0, d1) -> (0)>
#map1 = affine_map<(d0, d1) -> (0, 0)>
module attributes {stable_mosaic.version = 14 : i64} {
  func.func @k(%arg0: i32, %arg1: i32, %arg2: memref<16384xi32, #tpu.memory_space<hbm>>, %arg3: memref<16384xi32, #tpu.memory_space<hbm>>, %arg4: memref<16384xi32, #tpu.memory_space<hbm>>, %arg5: memref<64x1000000xf32, #tpu.memory_space<hbm>>, %arg6: memref<64x100000xf32, #tpu.memory_space<hbm>>, %arg7: memref<64x1000xf32, #tpu.memory_space<hbm>>, %arg8: memref<64x128xf32, #tpu.memory_space<hbm>>, %arg9: memref<64x128xf32, #tpu.memory_space<hbm>>, %arg10: memref<64x128xf32, #tpu.memory_space<hbm>>, %arg11: memref<64x16384xf32, #tpu.memory_space<hbm>>, %arg12: memref<64x16384xf32, #tpu.memory_space<hbm>>, %arg13: memref<64x16384xf32, #tpu.memory_space<hbm>>, %arg14: memref<20352xf32, #tpu.memory_space<vmem>>, %arg15: memref<20352xf32, #tpu.memory_space<vmem>>, %arg16: memref<20352xf32, #tpu.memory_space<vmem>>, %arg17: memref<20352xf32, #tpu.memory_space<vmem>>, %arg18: memref<16384xi32, #tpu.memory_space<vmem>>, %arg19: memref<16384xf32, #tpu.memory_space<vmem>>, %arg20: memref<16384xf32, #tpu.memory_space<vmem>>, %arg21: memref<!tpu.dma_semaphore, #tpu.memory_space<semaphore_mem>>, %arg22: memref<!tpu.dma_semaphore, #tpu.memory_space<semaphore_mem>>) attributes {dimension_semantics = [#tpu.dimension_semantics<core_parallel>, #tpu.dimension_semantics<subcore_parallel>], iteration_bounds = array<i64: 2, 16>, scalar_prefetch = 0 : i64, scratch_operands = 9 : i64, tpu.core_type = #tpu.core_type<sc_vector_subcore>, window_params = [{transform_indices = #map}, {transform_indices = #map}, {transform_indices = #map}, {transform_indices = #map1}, {transform_indices = #map1}, {transform_indices = #map1}, {transform_indices = #map1}, {transform_indices = #map1}, {transform_indices = #map1}, {transform_indices = #map1}, {transform_indices = #map1}, {transform_indices = #map1}]} {
    %mul3A = arith.constant 2 : i32
    %mul3A_0 = arith.muli %arg1, %mul3A : i32
    %add3A = arith.addi %mul3A_0, %arg0 : i32
    %mul3A_1 = arith.constant 2 : i32
    %mul3A_2 = arith.muli %add3A, %mul3A_1 : i32
    %iota3A = tpu.iota {dimensions = array<i32: 0>} : vector<16xi32>
    "tpu.region"() ({
      %run_scoped3A = tpu.sem_alloc : memref<!tpu.dma_semaphore, #tpu.memory_space<semaphore_mem>>
      tpu.enqueue_dma source(%arg2 : memref<16384xi32, #tpu.memory_space<hbm>>) target(%arg18 : memref<16384xi32, #tpu.memory_space<vmem>>) target_semaphore(%run_scoped3A : memref<!tpu.dma_semaphore, #tpu.memory_space<semaphore_mem>>)
      tpu.wait_dma2 semaphore(%run_scoped3A : memref<!tpu.dma_semaphore, #tpu.memory_space<semaphore_mem>>) src(%arg2 : memref<16384xi32, #tpu.memory_space<hbm>>) dst(%arg18 : memref<16384xi32, #tpu.memory_space<vmem>>)
      tpu.yield
    }) : () -> ()
    %multiple_of3A = arith.constant 0 : i32
    %multiple_of3A_3 = tpu.assume_multiple %multiple_of3A, 20224 : i32
    %dma_start3A = arith.constant 0 : i32
    %dma_start3A_4 = tpu.memref_slice %arg14[%dma_start3A] : memref<20352xf32, #tpu.memory_space<vmem>> -> memref<20224xf32, #tpu.memory_space<vmem>>
    %dma_start3A_5 = tpu.memref_slice %arg5[%mul3A_2, %multiple_of3A_3] : memref<64x1000000xf32, #tpu.memory_space<hbm>> -> memref<1x20224xf32, #tpu.memory_space<hbm>>
    %dma_start3A_6 = tpu.memref_squeeze %dma_start3A_5 : memref<1x20224xf32, #tpu.memory_space<hbm>> -> memref<20224xf32, #tpu.memory_space<hbm>>
    %dma_start3A_7 = arith.constant 0 : i32
    %dma_start3A_8 = tpu.memref_slice %arg14[%dma_start3A_7] : memref<20352xf32, #tpu.memory_space<vmem>> -> memref<20224xf32, #tpu.memory_space<vmem>>
    %dma_start3A_9 = tpu.memref_slice %arg5[%mul3A_2, %multiple_of3A_3] : memref<64x1000000xf32, #tpu.memory_space<hbm>> -> memref<1x20224xf32, #tpu.memory_space<hbm>>
    %dma_start3A_10 = tpu.memref_squeeze %dma_start3A_9 : memref<1x20224xf32, #tpu.memory_space<hbm>> -> memref<20224xf32, #tpu.memory_space<hbm>>
    tpu.enqueue_dma source(%dma_start3A_10 : memref<20224xf32, #tpu.memory_space<hbm>>) target(%dma_start3A_8 : memref<20224xf32, #tpu.memory_space<vmem>>) target_semaphore(%arg21 : memref<!tpu.dma_semaphore, #tpu.memory_space<semaphore_mem>>)
    %add3A_11 = arith.constant 1 : i32
    %add3A_12 = arith.addi %mul3A_2, %add3A_11 : i32
    %dma_start3A_13 = arith.constant 0 : i32
    %dma_start3A_14 = tpu.memref_slice %arg15[%dma_start3A_13] : memref<20352xf32, #tpu.memory_space<vmem>> -> memref<20224xf32, #tpu.memory_space<vmem>>
    %dma_start3A_15 = tpu.memref_slice %arg5[%add3A_12, %multiple_of3A_3] : memref<64x1000000xf32, #tpu.memory_space<hbm>> -> memref<1x20224xf32, #tpu.memory_space<hbm>>
    %dma_start3A_16 = tpu.memref_squeeze %dma_start3A_15 : memref<1x20224xf32, #tpu.memory_space<hbm>> -> memref<20224xf32, #tpu.memory_space<hbm>>
    %dma_start3A_17 = arith.constant 0 : i32
    %dma_start3A_18 = tpu.memref_slice %arg15[%dma_start3A_17] : memref<20352xf32, #tpu.memory_space<vmem>> -> memref<20224xf32, #tpu.memory_space<vmem>>
    %dma_start3A_19 = tpu.memref_slice %arg5[%add3A_12, %multiple_of3A_3] : memref<64x1000000xf32, #tpu.memory_space<hbm>> -> memref<1x20224xf32, #tpu.memory_space<hbm>>
    %dma_start3A_20 = tpu.memref_squeeze %dma_start3A_19 : memref<1x20224xf32, #tpu.memory_space<hbm>> -> memref<20224xf32, #tpu.memory_space<hbm>>
    tpu.enqueue_dma source(%dma_start3A_20 : memref<20224xf32, #tpu.memory_space<hbm>>) target(%dma_start3A_18 : memref<20224xf32, #tpu.memory_space<vmem>>) target_semaphore(%arg21 : memref<!tpu.dma_semaphore, #tpu.memory_space<semaphore_mem>>)
    %scan3A = arith.constant 0 : i32
    %scan3A_21 = arith.constant 0 : i32
    %scan3A_22 = arith.constant 25 : i32
    %scan3A_23 = arith.addi %scan3A_21, %scan3A_22 : i32
    %scan3A_24 = arith.constant 1 : i32
    scf.for %scan3A_242 = %scan3A_21 to %scan3A_23 step %scan3A_24  : i32 {
      %mul3A_243 = arith.constant 2 : i32
      %mul3A_244 = arith.muli %scan3A_242, %mul3A_243 : i32
      %add3A_245 = arith.constant 1 : i32
      %add3A_246 = arith.addi %mul3A_244, %add3A_245 : i32
      %lt3A = arith.constant 49 : i32
      %lt3A_247 = arith.cmpi slt, %add3A_246, %lt3A : i32
      %convert_element_type3A = arith.extui %lt3A_247 : i1 to i32
      %cond3A = arith.constant 0 : i32
      %cond3A_248 = arith.cmpi ne, %convert_element_type3A, %cond3A : i32
      scf.if %cond3A_248 {
        %add3A_291 = arith.constant 1 : i32
        %add3A_292 = arith.addi %mul3A_244, %add3A_291 : i32
        %mul3A_293 = arith.constant 20224 : i32
        %mul3A_294 = arith.muli %add3A_292, %mul3A_293 : i32
        %multiple_of3A_295 = tpu.assume_multiple %mul3A_294, 20224 : i32
        %dma_start3A_296 = arith.constant 0 : i32
        %dma_start3A_297 = tpu.memref_slice %arg16[%dma_start3A_296] : memref<20352xf32, #tpu.memory_space<vmem>> -> memref<20224xf32, #tpu.memory_space<vmem>>
        %dma_start3A_298 = tpu.memref_slice %arg5[%mul3A_2, %multiple_of3A_295] : memref<64x1000000xf32, #tpu.memory_space<hbm>> -> memref<1x20224xf32, #tpu.memory_space<hbm>>
        %dma_start3A_299 = tpu.memref_squeeze %dma_start3A_298 : memref<1x20224xf32, #tpu.memory_space<hbm>> -> memref<20224xf32, #tpu.memory_space<hbm>>
        %dma_start3A_300 = arith.constant 0 : i32
        %dma_start3A_301 = tpu.memref_slice %arg16[%dma_start3A_300] : memref<20352xf32, #tpu.memory_space<vmem>> -> memref<20224xf32, #tpu.memory_space<vmem>>
        %dma_start3A_302 = tpu.memref_slice %arg5[%mul3A_2, %multiple_of3A_295] : memref<64x1000000xf32, #tpu.memory_space<hbm>> -> memref<1x20224xf32, #tpu.memory_space<hbm>>
        %dma_start3A_303 = tpu.memref_squeeze %dma_start3A_302 : memref<1x20224xf32, #tpu.memory_space<hbm>> -> memref<20224xf32, #tpu.memory_space<hbm>>
        tpu.enqueue_dma source(%dma_start3A_303 : memref<20224xf32, #tpu.memory_space<hbm>>) target(%dma_start3A_301 : memref<20224xf32, #tpu.memory_space<vmem>>) target_semaphore(%arg22 : memref<!tpu.dma_semaphore, #tpu.memory_space<semaphore_mem>>)
        %add3A_304 = arith.constant 1 : i32
        %add3A_305 = arith.addi %mul3A_2, %add3A_304 : i32
        %dma_start3A_306 = arith.constant 0 : i32
        %dma_start3A_307 = tpu.memref_slice %arg17[%dma_start3A_306] : memref<20352xf32, #tpu.memory_space<vmem>> -> memref<20224xf32, #tpu.memory_space<vmem>>
        %dma_start3A_308 = tpu.memref_slice %arg5[%add3A_305, %multiple_of3A_295] : memref<64x1000000xf32, #tpu.memory_space<hbm>> -> memref<1x20224xf32, #tpu.memory_space<hbm>>
        %dma_start3A_309 = tpu.memref_squeeze %dma_start3A_308 : memref<1x20224xf32, #tpu.memory_space<hbm>> -> memref<20224xf32, #tpu.memory_space<hbm>>
        %dma_start3A_310 = arith.constant 0 : i32
        %dma_start3A_311 = tpu.memref_slice %arg17[%dma_start3A_310] : memref<20352xf32, #tpu.memory_space<vmem>> -> memref<20224xf32, #tpu.memory_space<vmem>>
        %dma_start3A_312 = tpu.memref_slice %arg5[%add3A_305, %multiple_of3A_295] : memref<64x1000000xf32, #tpu.memory_space<hbm>> -> memref<1x20224xf32, #tpu.memory_space<hbm>>
        %dma_start3A_313 = tpu.memref_squeeze %dma_start3A_312 : memref<1x20224xf32, #tpu.memory_space<hbm>> -> memref<20224xf32, #tpu.memory_space<hbm>>
        tpu.enqueue_dma source(%dma_start3A_313 : memref<20224xf32, #tpu.memory_space<hbm>>) target(%dma_start3A_311 : memref<20224xf32, #tpu.memory_space<vmem>>) target_semaphore(%arg22 : memref<!tpu.dma_semaphore, #tpu.memory_space<semaphore_mem>>)
      } else {
      }
      %add3A_249 = arith.constant 1 : i32
      %add3A_250 = arith.addi %mul3A_244, %add3A_249 : i32
      %eq3A = arith.constant 49 : i32
      %eq3A_251 = arith.cmpi eq, %add3A_250, %eq3A : i32
      %convert_element_type3A_252 = arith.extui %eq3A_251 : i1 to i32
      %cond3A_253 = arith.constant 0 : i32
      %cond3A_254 = arith.cmpi ne, %convert_element_type3A_252, %cond3A_253 : i32
      scf.if %cond3A_254 {
        %dma_start3A_291 = arith.constant 0 : i32
        %dma_start3A_292 = tpu.memref_slice %arg16[%dma_start3A_291] : memref<20352xf32, #tpu.memory_space<vmem>> -> memref<8960xf32, #tpu.memory_space<vmem>>
        %dma_start3A_293 = arith.constant 990976 : i32
        %dma_start3A_294 = tpu.memref_slice %arg5[%mul3A_2, %dma_start3A_293] : memref<64x1000000xf32, #tpu.memory_space<hbm>> -> memref<1x8960xf32, #tpu.memory_space<hbm>>
        %dma_start3A_295 = tpu.memref_squeeze %dma_start3A_294 : memref<1x8960xf32, #tpu.memory_space<hbm>> -> memref<8960xf32, #tpu.memory_space<hbm>>
        %dma_start3A_296 = arith.constant 0 : i32
        %dma_start3A_297 = tpu.memref_slice %arg16[%dma_start3A_296] : memref<20352xf32, #tpu.memory_space<vmem>> -> memref<8960xf32, #tpu.memory_space<vmem>>
        %dma_start3A_298 = arith.constant 990976 : i32
        %dma_start3A_299 = tpu.memref_slice %arg5[%mul3A_2, %dma_start3A_298] : memref<64x1000000xf32, #tpu.memory_space<hbm>> -> memref<1x8960xf32, #tpu.memory_space<hbm>>
        %dma_start3A_300 = tpu.memref_squeeze %dma_start3A_299 : memref<1x8960xf32, #tpu.memory_space<hbm>> -> memref<8960xf32, #tpu.memory_space<hbm>>
        tpu.enqueue_dma source(%dma_start3A_300 : memref<8960xf32, #tpu.memory_space<hbm>>) target(%dma_start3A_297 : memref<8960xf32, #tpu.memory_space<vmem>>) target_semaphore(%arg22 : memref<!tpu.dma_semaphore, #tpu.memory_space<semaphore_mem>>)
        %add3A_301 = arith.constant 1 : i32
        %add3A_302 = arith.addi %mul3A_2, %add3A_301 : i32
        %dma_start3A_303 = arith.constant 0 : i32
        %dma_start3A_304 = tpu.memref_slice %arg17[%dma_start3A_303] : memref<20352xf32, #tpu.memory_space<vmem>> -> memref<8960xf32, #tpu.memory_space<vmem>>
        %dma_start3A_305 = arith.constant 990976 : i32
        %dma_start3A_306 = tpu.memref_slice %arg5[%add3A_302, %dma_start3A_305] : memref<64x1000000xf32, #tpu.memory_space<hbm>> -> memref<1x8960xf32, #tpu.memory_space<hbm>>
        %dma_start3A_307 = tpu.memref_squeeze %dma_start3A_306 : memref<1x8960xf32, #tpu.memory_space<hbm>> -> memref<8960xf32, #tpu.memory_space<hbm>>
        %dma_start3A_308 = arith.constant 0 : i32
        %dma_start3A_309 = tpu.memref_slice %arg17[%dma_start3A_308] : memref<20352xf32, #tpu.memory_space<vmem>> -> memref<8960xf32, #tpu.memory_space<vmem>>
        %dma_start3A_310 = arith.constant 990976 : i32
        %dma_start3A_311 = tpu.memref_slice %arg5[%add3A_302, %dma_start3A_310] : memref<64x1000000xf32, #tpu.memory_space<hbm>> -> memref<1x8960xf32, #tpu.memory_space<hbm>>
        %dma_start3A_312 = tpu.memref_squeeze %dma_start3A_311 : memref<1x8960xf32, #tpu.memory_space<hbm>> -> memref<8960xf32, #tpu.memory_space<hbm>>
        tpu.enqueue_dma source(%dma_start3A_312 : memref<8960xf32, #tpu.memory_space<hbm>>) target(%dma_start3A_309 : memref<8960xf32, #tpu.memory_space<vmem>>) target_semaphore(%arg22 : memref<!tpu.dma_semaphore, #tpu.memory_space<semaphore_mem>>)
        %dma_start3A_313 = arith.constant 8960 : i32
        %dma_start3A_314 = tpu.memref_slice %arg16[%dma_start3A_313] : memref<20352xf32, #tpu.memory_space<vmem>> -> memref<128xf32, #tpu.memory_space<vmem>>
        %dma_start3A_315 = arith.constant 0 : i32
        %dma_start3A_316 = tpu.memref_slice %arg8[%mul3A_2, %dma_start3A_315] : memref<64x128xf32, #tpu.memory_space<hbm>> -> memref<1x128xf32, #tpu.memory_space<hbm>>
        %dma_start3A_317 = tpu.memref_squeeze %dma_start3A_316 : memref<1x128xf32, #tpu.memory_space<hbm>> -> memref<128xf32, #tpu.memory_space<hbm>>
        %dma_start3A_318 = arith.constant 8960 : i32
        %dma_start3A_319 = tpu.memref_slice %arg16[%dma_start3A_318] : memref<20352xf32, #tpu.memory_space<vmem>> -> memref<128xf32, #tpu.memory_space<vmem>>
        %dma_start3A_320 = arith.constant 0 : i32
        %dma_start3A_321 = tpu.memref_slice %arg8[%mul3A_2, %dma_start3A_320] : memref<64x128xf32, #tpu.memory_space<hbm>> -> memref<1x128xf32, #tpu.memory_space<hbm>>
        %dma_start3A_322 = tpu.memref_squeeze %dma_start3A_321 : memref<1x128xf32, #tpu.memory_space<hbm>> -> memref<128xf32, #tpu.memory_space<hbm>>
        tpu.enqueue_dma source(%dma_start3A_322 : memref<128xf32, #tpu.memory_space<hbm>>) target(%dma_start3A_319 : memref<128xf32, #tpu.memory_space<vmem>>) target_semaphore(%arg22 : memref<!tpu.dma_semaphore, #tpu.memory_space<semaphore_mem>>)
        %add3A_323 = arith.constant 1 : i32
        %add3A_324 = arith.addi %mul3A_2, %add3A_323 : i32
        %dma_start3A_325 = arith.constant 8960 : i32
        %dma_start3A_326 = tpu.memref_slice %arg17[%dma_start3A_325] : memref<20352xf32, #tpu.memory_space<vmem>> -> memref<128xf32, #tpu.memory_space<vmem>>
        %dma_start3A_327 = arith.constant 0 : i32
        %dma_start3A_328 = tpu.memref_slice %arg8[%add3A_324, %dma_start3A_327] : memref<64x128xf32, #tpu.memory_space<hbm>> -> memref<1x128xf32, #tpu.memory_space<hbm>>
        %dma_start3A_329 = tpu.memref_squeeze %dma_start3A_328 : memref<1x128xf32, #tpu.memory_space<hbm>> -> memref<128xf32, #tpu.memory_space<hbm>>
        %dma_start3A_330 = arith.constant 8960 : i32
        %dma_start3A_331 = tpu.memref_slice %arg17[%dma_start3A_330] : memref<20352xf32, #tpu.memory_space<vmem>> -> memref<128xf32, #tpu.memory_space<vmem>>
        %dma_start3A_332 = arith.constant 0 : i32
        %dma_start3A_333 = tpu.memref_slice %arg8[%add3A_324, %dma_start3A_332] : memref<64x128xf32, #tpu.memory_space<hbm>> -> memref<1x128xf32, #tpu.memory_space<hbm>>
        %dma_start3A_334 = tpu.memref_squeeze %dma_start3A_333 : memref<1x128xf32, #tpu.memory_space<hbm>> -> memref<128xf32, #tpu.memory_space<hbm>>
        tpu.enqueue_dma source(%dma_start3A_334 : memref<128xf32, #tpu.memory_space<hbm>>) target(%dma_start3A_331 : memref<128xf32, #tpu.memory_space<vmem>>) target_semaphore(%arg22 : memref<!tpu.dma_semaphore, #tpu.memory_space<semaphore_mem>>)
      } else {
      }
      %dma_wait3A_255 = arith.constant 0 : i32
      %dma_wait3A_256 = tpu.memref_slice %arg14[%dma_wait3A_255] : memref<20352xf32, #tpu.memory_space<vmem>> -> memref<20224xf32, #tpu.memory_space<vmem>>
      %dma_wait3A_257 = arith.constant 0 : i32
      %dma_wait3A_258 = tpu.memref_slice %arg5[%mul3A_2, %dma_wait3A_257] : memref<64x1000000xf32, #tpu.memory_space<hbm>> -> memref<1x20224xf32, #tpu.memory_space<hbm>>
      %dma_wait3A_259 = tpu.memref_squeeze %dma_wait3A_258 : memref<1x20224xf32, #tpu.memory_space<hbm>> -> memref<20224xf32, #tpu.memory_space<hbm>>
      %dma_wait3A_260 = arith.constant 0 : i32
      %dma_wait3A_261 = tpu.memref_slice %arg14[%dma_wait3A_260] : memref<20352xf32, #tpu.memory_space<vmem>> -> memref<20224xf32, #tpu.memory_space<vmem>>
      %dma_wait3A_262 = arith.constant 0 : i32
      %dma_wait3A_263 = tpu.memref_slice %arg5[%mul3A_2, %dma_wait3A_262] : memref<64x1000000xf32, #tpu.memory_space<hbm>> -> memref<1x20224xf32, #tpu.memory_space<hbm>>
      %dma_wait3A_264 = tpu.memref_squeeze %dma_wait3A_263 : memref<1x20224xf32, #tpu.memory_space<hbm>> -> memref<20224xf32, #tpu.memory_space<hbm>>
      tpu.wait_dma2 semaphore(%arg21 : memref<!tpu.dma_semaphore, #tpu.memory_space<semaphore_mem>>) src(%dma_wait3A_264 : memref<20224xf32, #tpu.memory_space<hbm>>) dst(%dma_wait3A_261 : memref<20224xf32, #tpu.memory_space<vmem>>)
      %dma_wait3A_265 = arith.constant 0 : i32
      %dma_wait3A_266 = tpu.memref_slice %arg15[%dma_wait3A_265] : memref<20352xf32, #tpu.memory_space<vmem>> -> memref<20224xf32, #tpu.memory_space<vmem>>
      %dma_wait3A_267 = arith.constant 0 : i32
      %dma_wait3A_268 = tpu.memref_slice %arg5[%mul3A_2, %dma_wait3A_267] : memref<64x1000000xf32, #tpu.memory_space<hbm>> -> memref<1x20224xf32, #tpu.memory_space<hbm>>
      %dma_wait3A_269 = tpu.memref_squeeze %dma_wait3A_268 : memref<1x20224xf32, #tpu.memory_space<hbm>> -> memref<20224xf32, #tpu.memory_space<hbm>>
      %dma_wait3A_270 = arith.constant 0 : i32
      %dma_wait3A_271 = tpu.memref_slice %arg15[%dma_wait3A_270] : memref<20352xf32, #tpu.memory_space<vmem>> -> memref<20224xf32, #tpu.memory_space<vmem>>
      %dma_wait3A_272 = arith.constant 0 : i32
      %dma_wait3A_273 = tpu.memref_slice %arg5[%mul3A_2, %dma_wait3A_272] : memref<64x1000000xf32, #tpu.memory_space<hbm>> -> memref<1x20224xf32, #tpu.memory_space<hbm>>
      %dma_wait3A_274 = tpu.memref_squeeze %dma_wait3A_273 : memref<1x20224xf32, #tpu.memory_space<hbm>> -> memref<20224xf32, #tpu.memory_space<hbm>>
      tpu.wait_dma2 semaphore(%arg21 : memref<!tpu.dma_semaphore, #tpu.memory_space<semaphore_mem>>) src(%dma_wait3A_274 : memref<20224xf32, #tpu.memory_space<hbm>>) dst(%dma_wait3A_271 : memref<20224xf32, #tpu.memory_space<vmem>>)
      %mul3A_275 = arith.constant 20224 : i32
      %mul3A_276 = arith.muli %mul3A_244, %mul3A_275 : i32
      %scan3A_277 = arith.constant 0 : i32
      %scan3A_278 = arith.constant 20224 : i32
      %scan3A_279 = arith.constant 0 : i32
      %scan3A_280 = arith.constant 128 : i32
      %scan3A_281 = arith.addi %scan3A_279, %scan3A_280 : i32
      %scan3A_282 = arith.constant 1 : i32
      scf.for %scan3A_291 = %scan3A_279 to %scan3A_281 step %scan3A_282  : i32 {
        %mul3A_292 = arith.constant 128 : i32
        %mul3A_293 = arith.muli %scan3A_291, %mul3A_292 : i32
        %add3A_294 = vector.broadcast %mul3A_293 : i32 to vector<16xi32>
        %add3A_295 = arith.addi %add3A_294, %iota3A : vector<16xi32>
        %mul3A_296 = arith.constant 128 : i32
        %mul3A_297 = arith.muli %scan3A_291, %mul3A_296 : i32
        %add3A_298 = arith.constant 0 : i32
        %add3A_299 = arith.addi %mul3A_297, %add3A_298 : i32
        %get3A = arith.index_cast %add3A_299 : i32 to index
        %get3A_300 = tpu.vector_load %arg18[%get3A] {strides = array<i32>} : memref<16384xi32, #tpu.memory_space<vmem>>, vector<16xi32>,
        %mul3A_301 = arith.constant 128 : i32
        %mul3A_302 = arith.muli %scan3A_291, %mul3A_301 : i32
        %add3A_303 = arith.constant 16 : i32
        %add3A_304 = arith.addi %mul3A_302, %add3A_303 : i32
        %get3A_305 = arith.index_cast %add3A_304 : i32 to index
        %get3A_306 = tpu.vector_load %arg18[%get3A_305] {strides = array<i32>} : memref<16384xi32, #tpu.memory_space<vmem>>, vector<16xi32>,
        %mul3A_307 = arith.constant 128 : i32
        %mul3A_308 = arith.muli %scan3A_291, %mul3A_307 : i32
        %add3A_309 = arith.constant 32 : i32
        %add3A_310 = arith.addi %mul3A_308, %add3A_309 : i32
        %get3A_311 = arith.index_cast %add3A_310 : i32 to index
        %get3A_312 = tpu.vector_load %arg18[%get3A_311] {strides = array<i32>} : memref<16384xi32, #tpu.memory_space<vmem>>, vector<16xi32>,
        %mul3A_313 = arith.constant 128 : i32
        %mul3A_314 = arith.muli %scan3A_291, %mul3A_313 : i32
        %add3A_315 = arith.constant 48 : i32
        %add3A_316 = arith.addi %mul3A_314, %add3A_315 : i32
        %get3A_317 = arith.index_cast %add3A_316 : i32 to index
        %get3A_318 = tpu.vector_load %arg18[%get3A_317] {strides = array<i32>} : memref<16384xi32, #tpu.memory_space<vmem>>, vector<16xi32>,
        %mul3A_319 = arith.constant 128 : i32
        %mul3A_320 = arith.muli %scan3A_291, %mul3A_319 : i32
        %add3A_321 = arith.constant 64 : i32
        %add3A_322 = arith.addi %mul3A_320, %add3A_321 : i32
        %get3A_323 = arith.index_cast %add3A_322 : i32 to index
        %get3A_324 = tpu.vector_load %arg18[%get3A_323] {strides = array<i32>} : memref<16384xi32, #tpu.memory_space<vmem>>, vector<16xi32>,
        %mul3A_325 = arith.constant 128 : i32
        %mul3A_326 = arith.muli %scan3A_291, %mul3A_325 : i32
        %add3A_327 = arith.constant 80 : i32
        %add3A_328 = arith.addi %mul3A_326, %add3A_327 : i32
        %get3A_329 = arith.index_cast %add3A_328 : i32 to index
        %get3A_330 = tpu.vector_load %arg18[%get3A_329] {strides = array<i32>} : memref<16384xi32, #tpu.memory_space<vmem>>, vector<16xi32>,
        %mul3A_331 = arith.constant 128 : i32
        %mul3A_332 = arith.muli %scan3A_291, %mul3A_331 : i32
        %add3A_333 = arith.constant 96 : i32
        %add3A_334 = arith.addi %mul3A_332, %add3A_333 : i32
        %get3A_335 = arith.index_cast %add3A_334 : i32 to index
        %get3A_336 = tpu.vector_load %arg18[%get3A_335] {strides = array<i32>} : memref<16384xi32, #tpu.memory_space<vmem>>, vector<16xi32>,
        %mul3A_337 = arith.constant 128 : i32
        %mul3A_338 = arith.muli %scan3A_291, %mul3A_337 : i32
        %add3A_339 = arith.constant 112 : i32
        %add3A_340 = arith.addi %mul3A_338, %add3A_339 : i32
        %get3A_341 = arith.index_cast %add3A_340 : i32 to index
        %get3A_342 = tpu.vector_load %arg18[%get3A_341] {strides = array<i32>} : memref<16384xi32, #tpu.memory_space<vmem>>, vector<16xi32>,
        %sub3A = vector.broadcast %mul3A_276 : i32 to vector<16xi32>
        %sub3A_343 = arith.subi %get3A_300, %sub3A : vector<16xi32>
        %sub3A_344 = vector.broadcast %mul3A_276 : i32 to vector<16xi32>
        %sub3A_345 = arith.subi %get3A_306, %sub3A_344 : vector<16xi32>
        %sub3A_346 = vector.broadcast %mul3A_276 : i32 to vector<16xi32>
        %sub3A_347 = arith.subi %get3A_312, %sub3A_346 : vector<16xi32>
        %sub3A_348 = vector.broadcast %mul3A_276 : i32 to vector<16xi32>
        %sub3A_349 = arith.subi %get3A_318, %sub3A_348 : vector<16xi32>
        %sub3A_350 = vector.broadcast %mul3A_276 : i32 to vector<16xi32>
        %sub3A_351 = arith.subi %get3A_324, %sub3A_350 : vector<16xi32>
        %sub3A_352 = vector.broadcast %mul3A_276 : i32 to vector<16xi32>
        %sub3A_353 = arith.subi %get3A_330, %sub3A_352 : vector<16xi32>
        %sub3A_354 = vector.broadcast %mul3A_276 : i32 to vector<16xi32>
        %sub3A_355 = arith.subi %get3A_336, %sub3A_354 : vector<16xi32>
        %sub3A_356 = vector.broadcast %mul3A_276 : i32 to vector<16xi32>
        %sub3A_357 = arith.subi %get3A_342, %sub3A_356 : vector<16xi32>
        %lt3A_358 = vector.broadcast %scan3A_278 : i32 to vector<16xi32>
        %lt3A_359 = arith.cmpi ult, %sub3A_343, %lt3A_358 : vector<16xi32>
        %lt3A_360 = vector.broadcast %scan3A_278 : i32 to vector<16xi32>
        %lt3A_361 = arith.cmpi ult, %sub3A_345, %lt3A_360 : vector<16xi32>
        %lt3A_362 = vector.broadcast %scan3A_278 : i32 to vector<16xi32>
        %lt3A_363 = arith.cmpi ult, %sub3A_347, %lt3A_362 : vector<16xi32>
        %lt3A_364 = vector.broadcast %scan3A_278 : i32 to vector<16xi32>
        %lt3A_365 = arith.cmpi ult, %sub3A_349, %lt3A_364 : vector<16xi32>
        %lt3A_366 = vector.broadcast %scan3A_278 : i32 to vector<16xi32>
        %lt3A_367 = arith.cmpi ult, %sub3A_351, %lt3A_366 : vector<16xi32>
        %lt3A_368 = vector.broadcast %scan3A_278 : i32 to vector<16xi32>
        %lt3A_369 = arith.cmpi ult, %sub3A_353, %lt3A_368 : vector<16xi32>
        %lt3A_370 = vector.broadcast %scan3A_278 : i32 to vector<16xi32>
        %lt3A_371 = arith.cmpi ult, %sub3A_355, %lt3A_370 : vector<16xi32>
        %lt3A_372 = vector.broadcast %scan3A_278 : i32 to vector<16xi32>
        %lt3A_373 = arith.cmpi ult, %sub3A_357, %lt3A_372 : vector<16xi32>
        %and3A = arith.constant 65535 : i32
        %and3A_374 = vector.broadcast %and3A : i32 to vector<16xi32>
        %and3A_375 = arith.andi %sub3A_343, %and3A_374 : vector<16xi32>
        %and3A_376 = arith.constant 65535 : i32
        %and3A_377 = vector.broadcast %and3A_376 : i32 to vector<16xi32>
        %and3A_378 = arith.andi %sub3A_345, %and3A_377 : vector<16xi32>
        %and3A_379 = arith.constant 65535 : i32
        %and3A_380 = vector.broadcast %and3A_379 : i32 to vector<16xi32>
        %and3A_381 = arith.andi %sub3A_347, %and3A_380 : vector<16xi32>
        %and3A_382 = arith.constant 65535 : i32
        %and3A_383 = vector.broadcast %and3A_382 : i32 to vector<16xi32>
        %and3A_384 = arith.andi %sub3A_349, %and3A_383 : vector<16xi32>
        %and3A_385 = arith.constant 65535 : i32
        %and3A_386 = vector.broadcast %and3A_385 : i32 to vector<16xi32>
        %and3A_387 = arith.andi %sub3A_351, %and3A_386 : vector<16xi32>
        %and3A_388 = arith.constant 65535 : i32
        %and3A_389 = vector.broadcast %and3A_388 : i32 to vector<16xi32>
        %and3A_390 = arith.andi %sub3A_353, %and3A_389 : vector<16xi32>
        %and3A_391 = arith.constant 65535 : i32
        %and3A_392 = vector.broadcast %and3A_391 : i32 to vector<16xi32>
        %and3A_393 = arith.andi %sub3A_355, %and3A_392 : vector<16xi32>
        %and3A_394 = arith.constant 65535 : i32
        %and3A_395 = vector.broadcast %and3A_394 : i32 to vector<16xi32>
        %and3A_396 = arith.andi %sub3A_357, %and3A_395 : vector<16xi32>
        %gather3A = tpu.vector_load_idx %arg14[%and3A_375] masked %lt3A_359 : memref<20352xf32, #tpu.memory_space<vmem>>[vector<16xi32>], vector<16xf32>, vector<16xi1>
        %gather3A_397 = tpu.vector_load_idx %arg14[%and3A_378] masked %lt3A_361 : memref<20352xf32, #tpu.memory_space<vmem>>[vector<16xi32>], vector<16xf32>, vector<16xi1>
        %gather3A_398 = tpu.vector_load_idx %arg14[%and3A_381] masked %lt3A_363 : memref<20352xf32, #tpu.memory_space<vmem>>[vector<16xi32>], vector<16xf32>, vector<16xi1>
        %gather3A_399 = tpu.vector_load_idx %arg14[%and3A_384] masked %lt3A_365 : memref<20352xf32, #tpu.memory_space<vmem>>[vector<16xi32>], vector<16xf32>, vector<16xi1>
        %gather3A_400 = tpu.vector_load_idx %arg14[%and3A_387] masked %lt3A_367 : memref<20352xf32, #tpu.memory_space<vmem>>[vector<16xi32>], vector<16xf32>, vector<16xi1>
        %gather3A_401 = tpu.vector_load_idx %arg14[%and3A_390] masked %lt3A_369 : memref<20352xf32, #tpu.memory_space<vmem>>[vector<16xi32>], vector<16xf32>, vector<16xi1>
        %gather3A_402 = tpu.vector_load_idx %arg14[%and3A_393] masked %lt3A_371 : memref<20352xf32, #tpu.memory_space<vmem>>[vector<16xi32>], vector<16xf32>, vector<16xi1>
        %gather3A_403 = tpu.vector_load_idx %arg14[%and3A_396] masked %lt3A_373 : memref<20352xf32, #tpu.memory_space<vmem>>[vector<16xi32>], vector<16xf32>, vector<16xi1>
        %gather3A_404 = tpu.vector_load_idx %arg15[%and3A_375] masked %lt3A_359 : memref<20352xf32, #tpu.memory_space<vmem>>[vector<16xi32>], vector<16xf32>, vector<16xi1>
        %gather3A_405 = tpu.vector_load_idx %arg15[%and3A_378] masked %lt3A_361 : memref<20352xf32, #tpu.memory_space<vmem>>[vector<16xi32>], vector<16xf32>, vector<16xi1>
        %gather3A_406 = tpu.vector_load_idx %arg15[%and3A_381] masked %lt3A_363 : memref<20352xf32, #tpu.memory_space<vmem>>[vector<16xi32>], vector<16xf32>, vector<16xi1>
        %gather3A_407 = tpu.vector_load_idx %arg15[%and3A_384] masked %lt3A_365 : memref<20352xf32, #tpu.memory_space<vmem>>[vector<16xi32>], vector<16xf32>, vector<16xi1>
        %gather3A_408 = tpu.vector_load_idx %arg15[%and3A_387] masked %lt3A_367 : memref<20352xf32, #tpu.memory_space<vmem>>[vector<16xi32>], vector<16xf32>, vector<16xi1>
        %gather3A_409 = tpu.vector_load_idx %arg15[%and3A_390] masked %lt3A_369 : memref<20352xf32, #tpu.memory_space<vmem>>[vector<16xi32>], vector<16xf32>, vector<16xi1>
        %gather3A_410 = tpu.vector_load_idx %arg15[%and3A_393] masked %lt3A_371 : memref<20352xf32, #tpu.memory_space<vmem>>[vector<16xi32>], vector<16xf32>, vector<16xi1>
        %gather3A_411 = tpu.vector_load_idx %arg15[%and3A_396] masked %lt3A_373 : memref<20352xf32, #tpu.memory_space<vmem>>[vector<16xi32>], vector<16xf32>, vector<16xi1>
        %add3A_412 = arith.constant 0 : i32
        %add3A_413 = vector.broadcast %add3A_412 : i32 to vector<16xi32>
        %add3A_414 = arith.addi %add3A_295, %add3A_413 : vector<16xi32>
        tpu.vector_store_idx %arg19[%add3A_414], %gather3A masked %lt3A_359 : memref<16384xf32, #tpu.memory_space<vmem>>[vector<16xi32>], vector<16xf32>, vector<16xi1>
        %add3A_415 = arith.constant 0 : i32
        %add3A_416 = vector.broadcast %add3A_415 : i32 to vector<16xi32>
        %add3A_417 = arith.addi %add3A_295, %add3A_416 : vector<16xi32>
        tpu.vector_store_idx %arg20[%add3A_417], %gather3A_404 masked %lt3A_359 : memref<16384xf32, #tpu.memory_space<vmem>>[vector<16xi32>], vector<16xf32>, vector<16xi1>
        %add3A_418 = arith.constant 16 : i32
        %add3A_419 = vector.broadcast %add3A_418 : i32 to vector<16xi32>
        %add3A_420 = arith.addi %add3A_295, %add3A_419 : vector<16xi32>
        tpu.vector_store_idx %arg19[%add3A_420], %gather3A_397 masked %lt3A_361 : memref<16384xf32, #tpu.memory_space<vmem>>[vector<16xi32>], vector<16xf32>, vector<16xi1>
        %add3A_421 = arith.constant 16 : i32
        %add3A_422 = vector.broadcast %add3A_421 : i32 to vector<16xi32>
        %add3A_423 = arith.addi %add3A_295, %add3A_422 : vector<16xi32>
        tpu.vector_store_idx %arg20[%add3A_423], %gather3A_405 masked %lt3A_361 : memref<16384xf32, #tpu.memory_space<vmem>>[vector<16xi32>], vector<16xf32>, vector<16xi1>
        %add3A_424 = arith.constant 32 : i32
        %add3A_425 = vector.broadcast %add3A_424 : i32 to vector<16xi32>
        %add3A_426 = arith.addi %add3A_295, %add3A_425 : vector<16xi32>
        tpu.vector_store_idx %arg19[%add3A_426], %gather3A_398 masked %lt3A_363 : memref<16384xf32, #tpu.memory_space<vmem>>[vector<16xi32>], vector<16xf32>, vector<16xi1>
        %add3A_427 = arith.constant 32 : i32
        %add3A_428 = vector.broadcast %add3A_427 : i32 to vector<16xi32>
        %add3A_429 = arith.addi %add3A_295, %add3A_428 : vector<16xi32>
        tpu.vector_store_idx %arg20[%add3A_429], %gather3A_406 masked %lt3A_363 : memref<16384xf32, #tpu.memory_space<vmem>>[vector<16xi32>], vector<16xf32>, vector<16xi1>
        %add3A_430 = arith.constant 48 : i32
        %add3A_431 = vector.broadcast %add3A_430 : i32 to vector<16xi32>
        %add3A_432 = arith.addi %add3A_295, %add3A_431 : vector<16xi32>
        tpu.vector_store_idx %arg19[%add3A_432], %gather3A_399 masked %lt3A_365 : memref<16384xf32, #tpu.memory_space<vmem>>[vector<16xi32>], vector<16xf32>, vector<16xi1>
        %add3A_433 = arith.constant 48 : i32
        %add3A_434 = vector.broadcast %add3A_433 : i32 to vector<16xi32>
        %add3A_435 = arith.addi %add3A_295, %add3A_434 : vector<16xi32>
        tpu.vector_store_idx %arg20[%add3A_435], %gather3A_407 masked %lt3A_365 : memref<16384xf32, #tpu.memory_space<vmem>>[vector<16xi32>], vector<16xf32>, vector<16xi1>
        %add3A_436 = arith.constant 64 : i32
        %add3A_437 = vector.broadcast %add3A_436 : i32 to vector<16xi32>
        %add3A_438 = arith.addi %add3A_295, %add3A_437 : vector<16xi32>
        tpu.vector_store_idx %arg19[%add3A_438], %gather3A_400 masked %lt3A_367 : memref<16384xf32, #tpu.memory_space<vmem>>[vector<16xi32>], vector<16xf32>, vector<16xi1>
        %add3A_439 = arith.constant 64 : i32
        %add3A_440 = vector.broadcast %add3A_439 : i32 to vector<16xi32>
        %add3A_441 = arith.addi %add3A_295, %add3A_440 : vector<16xi32>
        tpu.vector_store_idx %arg20[%add3A_441], %gather3A_408 masked %lt3A_367 : memref<16384xf32, #tpu.memory_space<vmem>>[vector<16xi32>], vector<16xf32>, vector<16xi1>
        %add3A_442 = arith.constant 80 : i32
        %add3A_443 = vector.broadcast %add3A_442 : i32 to vector<16xi32>
        %add3A_444 = arith.addi %add3A_295, %add3A_443 : vector<16xi32>
        tpu.vector_store_idx %arg19[%add3A_444], %gather3A_401 masked %lt3A_369 : memref<16384xf32, #tpu.memory_space<vmem>>[vector<16xi32>], vector<16xf32>, vector<16xi1>
        %add3A_445 = arith.constant 80 : i32
        %add3A_446 = vector.broadcast %add3A_445 : i32 to vector<16xi32>
        %add3A_447 = arith.addi %add3A_295, %add3A_446 : vector<16xi32>
        tpu.vector_store_idx %arg20[%add3A_447], %gather3A_409 masked %lt3A_369 : memref<16384xf32, #tpu.memory_space<vmem>>[vector<16xi32>], vector<16xf32>, vector<16xi1>
        %add3A_448 = arith.constant 96 : i32
        %add3A_449 = vector.broadcast %add3A_448 : i32 to vector<16xi32>
        %add3A_450 = arith.addi %add3A_295, %add3A_449 : vector<16xi32>
        tpu.vector_store_idx %arg19[%add3A_450], %gather3A_402 masked %lt3A_371 : memref<16384xf32, #tpu.memory_space<vmem>>[vector<16xi32>], vector<16xf32>, vector<16xi1>
        %add3A_451 = arith.constant 96 : i32
        %add3A_452 = vector.broadcast %add3A_451 : i32 to vector<16xi32>
        %add3A_453 = arith.addi %add3A_295, %add3A_452 : vector<16xi32>
        tpu.vector_store_idx %arg20[%add3A_453], %gather3A_410 masked %lt3A_371 : memref<16384xf32, #tpu.memory_space<vmem>>[vector<16xi32>], vector<16xf32>, vector<16xi1>
        %add3A_454 = arith.constant 112 : i32
        %add3A_455 = vector.broadcast %add3A_454 : i32 to vector<16xi32>
        %add3A_456 = arith.addi %add3A_295, %add3A_455 : vector<16xi32>
        tpu.vector_store_idx %arg19[%add3A_456], %gather3A_403 masked %lt3A_373 : memref<16384xf32, #tpu.memory_space<vmem>>[vector<16xi32>], vector<16xf32>, vector<16xi1>
        %add3A_457 = arith.constant 112 : i32
        %add3A_458 = vector.broadcast %add3A_457 : i32 to vector<16xi32>
        %add3A_459 = arith.addi %add3A_295, %add3A_458 : vector<16xi32>
        tpu.vector_store_idx %arg20[%add3A_459], %gather3A_411 masked %lt3A_373 : memref<16384xf32, #tpu.memory_space<vmem>>[vector<16xi32>], vector<16xf32>, vector<16xi1>
      }
      %scan3A_283 = arith.constant 128 : i32
      %add3A_284 = arith.constant 1 : i32
      %add3A_285 = arith.addi %mul3A_244, %add3A_284 : i32
      %lt3A_286 = arith.constant 49 : i32
      %lt3A_287 = arith.cmpi slt, %add3A_285, %lt3A_286 : i32
      %convert_element_type3A_288 = arith.extui %lt3A_287 : i1 to i32
      %cond3A_289 = arith.constant 0 : i32
      %cond3A_290 = arith.cmpi ne, %convert_element_type3A_288, %cond3A_289 : i32
      scf.if %cond3A_290 {
        %add3A_291 = arith.constant 1 : i32
        %add3A_292 = arith.addi %mul3A_244, %add3A_291 : i32
        %add3A_293 = arith.constant 1 : i32
        %add3A_294 = arith.addi %add3A_292, %add3A_293 : i32
        %lt3A_295 = arith.constant 49 : i32
        %lt3A_296 = arith.cmpi slt, %add3A_294, %lt3A_295 : i32
        %convert_element_type3A_297 = arith.extui %lt3A_296 : i1 to i32
        %cond3A_298 = arith.constant 0 : i32
        %cond3A_299 = arith.cmpi ne, %convert_element_type3A_297, %cond3A_298 : i32
        scf.if %cond3A_299 {
          %add3A_329 = arith.constant 1 : i32
          %add3A_330 = arith.addi %add3A_292, %add3A_329 : i32
          %mul3A_331 = arith.constant 20224 : i32
          %mul3A_332 = arith.muli %add3A_330, %mul3A_331 : i32
          %multiple_of3A_333 = tpu.assume_multiple %mul3A_332, 20224 : i32
          %dma_start3A_334 = arith.constant 0 : i32
          %dma_start3A_335 = tpu.memref_slice %arg14[%dma_start3A_334] : memref<20352xf32, #tpu.memory_space<vmem>> -> memref<20224xf32, #tpu.memory_space<vmem>>
          %dma_start3A_336 = tpu.memref_slice %arg5[%mul3A_2, %multiple_of3A_333] : memref<64x1000000xf32, #tpu.memory_space<hbm>> -> memref<1x20224xf32, #tpu.memory_space<hbm>>
          %dma_start3A_337 = tpu.memref_squeeze %dma_start3A_336 : memref<1x20224xf32, #tpu.memory_space<hbm>> -> memref<20224xf32, #tpu.memory_space<hbm>>
          %dma_start3A_338 = arith.constant 0 : i32
          %dma_start3A_339 = tpu.memref_slice %arg14[%dma_start3A_338] : memref<20352xf32, #tpu.memory_space<vmem>> -> memref<20224xf32, #tpu.memory_space<vmem>>
          %dma_start3A_340 = tpu.memref_slice %arg5[%mul3A_2, %multiple_of3A_333] : memref<64x1000000xf32, #tpu.memory_space<hbm>> -> memref<1x20224xf32, #tpu.memory_space<hbm>>
          %dma_start3A_341 = tpu.memref_squeeze %dma_start3A_340 : memref<1x20224xf32, #tpu.memory_space<hbm>> -> memref<20224xf32, #tpu.memory_space<hbm>>
          tpu.enqueue_dma source(%dma_start3A_341 : memref<20224xf32, #tpu.memory_space<hbm>>) target(%dma_start3A_339 : memref<20224xf32, #tpu.memory_space<vmem>>) target_semaphore(%arg21 : memref<!tpu.dma_semaphore, #tpu.memory_space<semaphore_mem>>)
          %add3A_342 = arith.constant 1 : i32
          %add3A_343 = arith.addi %mul3A_2, %add3A_342 : i32
          %dma_start3A_344 = arith.constant 0 : i32
          %dma_start3A_345 = tpu.memref_slice %arg15[%dma_start3A_344] : memref<20352xf32, #tpu.memory_space<vmem>> -> memref<20224xf32, #tpu.memory_space<vmem>>
          %dma_start3A_346 = tpu.memref_slice %arg5[%add3A_343, %multiple_of3A_333] : memref<64x1000000xf32, #tpu.memory_space<hbm>> -> memref<1x20224xf32, #tpu.memory_space<hbm>>
          %dma_start3A_347 = tpu.memref_squeeze %dma_start3A_346 : memref<1x20224xf32, #tpu.memory_space<hbm>> -> memref<20224xf32, #tpu.memory_space<hbm>>
          %dma_start3A_348 = arith.constant 0 : i32
          %dma_start3A_349 = tpu.memref_slice %arg15[%dma_start3A_348] : memref<20352xf32, #tpu.memory_space<vmem>> -> memref<20224xf32, #tpu.memory_space<vmem>>
          %dma_start3A_350 = tpu.memref_slice %arg5[%add3A_343, %multiple_of3A_333] : memref<64x1000000xf32, #tpu.memory_space<hbm>> -> memref<1x20224xf32, #tpu.memory_space<hbm>>
          %dma_start3A_351 = tpu.memref_squeeze %dma_start3A_350 : memref<1x20224xf32, #tpu.memory_space<hbm>> -> memref<20224xf32, #tpu.memory_space<hbm>>
          tpu.enqueue_dma source(%dma_start3A_351 : memref<20224xf32, #tpu.memory_space<hbm>>) target(%dma_start3A_349 : memref<20224xf32, #tpu.memory_space<vmem>>) target_semaphore(%arg21 : memref<!tpu.dma_semaphore, #tpu.memory_space<semaphore_mem>>)
        } else {
        }
        %dma_wait3A_300 = arith.constant 0 : i32
        %dma_wait3A_301 = tpu.memref_slice %arg16[%dma_wait3A_300] : memref<20352xf32, #tpu.memory_space<vmem>> -> memref<20224xf32, #tpu.memory_space<vmem>>
        %dma_wait3A_302 = arith.constant 0 : i32
        %dma_wait3A_303 = tpu.memref_slice %arg5[%mul3A_2, %dma_wait3A_302] : memref<64x1000000xf32, #tpu.memory_space<hbm>> -> memref<1x20224xf32, #tpu.memory_space<hbm>>
        %dma_wait3A_304 = tpu.memref_squeeze %dma_wait3A_303 : memref<1x20224xf32, #tpu.memory_space<hbm>> -> memref<20224xf32, #tpu.memory_space<hbm>>
        %dma_wait3A_305 = arith.constant 0 : i32
        %dma_wait3A_306 = tpu.memref_slice %arg16[%dma_wait3A_305] : memref<20352xf32, #tpu.memory_space<vmem>> -> memref<20224xf32, #tpu.memory_space<vmem>>
        %dma_wait3A_307 = arith.constant 0 : i32
        %dma_wait3A_308 = tpu.memref_slice %arg5[%mul3A_2, %dma_wait3A_307] : memref<64x1000000xf32, #tpu.memory_space<hbm>> -> memref<1x20224xf32, #tpu.memory_space<hbm>>
        %dma_wait3A_309 = tpu.memref_squeeze %dma_wait3A_308 : memref<1x20224xf32, #tpu.memory_space<hbm>> -> memref<20224xf32, #tpu.memory_space<hbm>>
        tpu.wait_dma2 semaphore(%arg22 : memref<!tpu.dma_semaphore, #tpu.memory_space<semaphore_mem>>) src(%dma_wait3A_309 : memref<20224xf32, #tpu.memory_space<hbm>>) dst(%dma_wait3A_306 : memref<20224xf32, #tpu.memory_space<vmem>>)
        %dma_wait3A_310 = arith.constant 0 : i32
        %dma_wait3A_311 = tpu.memref_slice %arg17[%dma_wait3A_310] : memref<20352xf32, #tpu.memory_space<vmem>> -> memref<20224xf32, #tpu.memory_space<vmem>>
        %dma_wait3A_312 = arith.constant 0 : i32
        %dma_wait3A_313 = tpu.memref_slice %arg5[%mul3A_2, %dma_wait3A_312] : memref<64x1000000xf32, #tpu.memory_space<hbm>> -> memref<1x20224xf32, #tpu.memory_space<hbm>>
        %dma_wait3A_314 = tpu.memref_squeeze %dma_wait3A_313 : memref<1x20224xf32, #tpu.memory_space<hbm>> -> memref<20224xf32, #tpu.memory_space<hbm>>
        %dma_wait3A_315 = arith.constant 0 : i32
        %dma_wait3A_316 = tpu.memref_slice %arg17[%dma_wait3A_315] : memref<20352xf32, #tpu.memory_space<vmem>> -> memref<20224xf32, #tpu.memory_space<vmem>>
        %dma_wait3A_317 = arith.constant 0 : i32
        %dma_wait3A_318 = tpu.memref_slice %arg5[%mul3A_2, %dma_wait3A_317] : memref<64x1000000xf32, #tpu.memory_space<hbm>> -> memref<1x20224xf32, #tpu.memory_space<hbm>>
        %dma_wait3A_319 = tpu.memref_squeeze %dma_wait3A_318 : memref<1x20224xf32, #tpu.memory_space<hbm>> -> memref<20224xf32, #tpu.memory_space<hbm>>
        tpu.wait_dma2 semaphore(%arg22 : memref<!tpu.dma_semaphore, #tpu.memory_space<semaphore_mem>>) src(%dma_wait3A_319 : memref<20224xf32, #tpu.memory_space<hbm>>) dst(%dma_wait3A_316 : memref<20224xf32, #tpu.memory_space<vmem>>)
        %mul3A_320 = arith.constant 20224 : i32
        %mul3A_321 = arith.muli %add3A_292, %mul3A_320 : i32
        %scan3A_322 = arith.constant 0 : i32
        %scan3A_323 = arith.constant 20224 : i32
        %scan3A_324 = arith.constant 0 : i32
        %scan3A_325 = arith.constant 128 : i32
        %scan3A_326 = arith.addi %scan3A_324, %scan3A_325 : i32
        %scan3A_327 = arith.constant 1 : i32
        scf.for %scan3A_329 = %scan3A_324 to %scan3A_326 step %scan3A_327  : i32 {
          %mul3A_330 = arith.constant 128 : i32
          %mul3A_331 = arith.muli %scan3A_329, %mul3A_330 : i32
          %add3A_332 = vector.broadcast %mul3A_331 : i32 to vector<16xi32>
          %add3A_333 = arith.addi %add3A_332, %iota3A : vector<16xi32>
          %mul3A_334 = arith.constant 128 : i32
          %mul3A_335 = arith.muli %scan3A_329, %mul3A_334 : i32
          %add3A_336 = arith.constant 0 : i32
          %add3A_337 = arith.addi %mul3A_335, %add3A_336 : i32
          %get3A = arith.index_cast %add3A_337 : i32 to index
          %get3A_338 = tpu.vector_load %arg18[%get3A] {strides = array<i32>} : memref<16384xi32, #tpu.memory_space<vmem>>, vector<16xi32>,
          %mul3A_339 = arith.constant 128 : i32
          %mul3A_340 = arith.muli %scan3A_329, %mul3A_339 : i32
          %add3A_341 = arith.constant 16 : i32
          %add3A_342 = arith.addi %mul3A_340, %add3A_341 : i32
          %get3A_343 = arith.index_cast %add3A_342 : i32 to index
          %get3A_344 = tpu.vector_load %arg18[%get3A_343] {strides = array<i32>} : memref<16384xi32, #tpu.memory_space<vmem>>, vector<16xi32>,
          %mul3A_345 = arith.constant 128 : i32
          %mul3A_346 = arith.muli %scan3A_329, %mul3A_345 : i32
          %add3A_347 = arith.constant 32 : i32
          %add3A_348 = arith.addi %mul3A_346, %add3A_347 : i32
          %get3A_349 = arith.index_cast %add3A_348 : i32 to index
          %get3A_350 = tpu.vector_load %arg18[%get3A_349] {strides = array<i32>} : memref<16384xi32, #tpu.memory_space<vmem>>, vector<16xi32>,
          %mul3A_351 = arith.constant 128 : i32
          %mul3A_352 = arith.muli %scan3A_329, %mul3A_351 : i32
          %add3A_353 = arith.constant 48 : i32
          %add3A_354 = arith.addi %mul3A_352, %add3A_353 : i32
          %get3A_355 = arith.index_cast %add3A_354 : i32 to index
          %get3A_356 = tpu.vector_load %arg18[%get3A_355] {strides = array<i32>} : memref<16384xi32, #tpu.memory_space<vmem>>, vector<16xi32>,
          %mul3A_357 = arith.constant 128 : i32
          %mul3A_358 = arith.muli %scan3A_329, %mul3A_357 : i32
          %add3A_359 = arith.constant 64 : i32
          %add3A_360 = arith.addi %mul3A_358, %add3A_359 : i32
          %get3A_361 = arith.index_cast %add3A_360 : i32 to index
          %get3A_362 = tpu.vector_load %arg18[%get3A_361] {strides = array<i32>} : memref<16384xi32, #tpu.memory_space<vmem>>, vector<16xi32>,
          %mul3A_363 = arith.constant 128 : i32
          %mul3A_364 = arith.muli %scan3A_329, %mul3A_363 : i32
          %add3A_365 = arith.constant 80 : i32
          %add3A_366 = arith.addi %mul3A_364, %add3A_365 : i32
          %get3A_367 = arith.index_cast %add3A_366 : i32 to index
          %get3A_368 = tpu.vector_load %arg18[%get3A_367] {strides = array<i32>} : memref<16384xi32, #tpu.memory_space<vmem>>, vector<16xi32>,
          %mul3A_369 = arith.constant 128 : i32
          %mul3A_370 = arith.muli %scan3A_329, %mul3A_369 : i32
          %add3A_371 = arith.constant 96 : i32
          %add3A_372 = arith.addi %mul3A_370, %add3A_371 : i32
          %get3A_373 = arith.index_cast %add3A_372 : i32 to index
          %get3A_374 = tpu.vector_load %arg18[%get3A_373] {strides = array<i32>} : memref<16384xi32, #tpu.memory_space<vmem>>, vector<16xi32>,
          %mul3A_375 = arith.constant 128 : i32
          %mul3A_376 = arith.muli %scan3A_329, %mul3A_375 : i32
          %add3A_377 = arith.constant 112 : i32
          %add3A_378 = arith.addi %mul3A_376, %add3A_377 : i32
          %get3A_379 = arith.index_cast %add3A_378 : i32 to index
          %get3A_380 = tpu.vector_load %arg18[%get3A_379] {strides = array<i32>} : memref<16384xi32, #tpu.memory_space<vmem>>, vector<16xi32>,
          %sub3A = vector.broadcast %mul3A_321 : i32 to vector<16xi32>
          %sub3A_381 = arith.subi %get3A_338, %sub3A : vector<16xi32>
          %sub3A_382 = vector.broadcast %mul3A_321 : i32 to vector<16xi32>
          %sub3A_383 = arith.subi %get3A_344, %sub3A_382 : vector<16xi32>
          %sub3A_384 = vector.broadcast %mul3A_321 : i32 to vector<16xi32>
          %sub3A_385 = arith.subi %get3A_350, %sub3A_384 : vector<16xi32>
          %sub3A_386 = vector.broadcast %mul3A_321 : i32 to vector<16xi32>
          %sub3A_387 = arith.subi %get3A_356, %sub3A_386 : vector<16xi32>
          %sub3A_388 = vector.broadcast %mul3A_321 : i32 to vector<16xi32>
          %sub3A_389 = arith.subi %get3A_362, %sub3A_388 : vector<16xi32>
          %sub3A_390 = vector.broadcast %mul3A_321 : i32 to vector<16xi32>
          %sub3A_391 = arith.subi %get3A_368, %sub3A_390 : vector<16xi32>
          %sub3A_392 = vector.broadcast %mul3A_321 : i32 to vector<16xi32>
          %sub3A_393 = arith.subi %get3A_374, %sub3A_392 : vector<16xi32>
          %sub3A_394 = vector.broadcast %mul3A_321 : i32 to vector<16xi32>
          %sub3A_395 = arith.subi %get3A_380, %sub3A_394 : vector<16xi32>
          %lt3A_396 = vector.broadcast %scan3A_323 : i32 to vector<16xi32>
          %lt3A_397 = arith.cmpi ult, %sub3A_381, %lt3A_396 : vector<16xi32>
          %lt3A_398 = vector.broadcast %scan3A_323 : i32 to vector<16xi32>
          %lt3A_399 = arith.cmpi ult, %sub3A_383, %lt3A_398 : vector<16xi32>
          %lt3A_400 = vector.broadcast %scan3A_323 : i32 to vector<16xi32>
          %lt3A_401 = arith.cmpi ult, %sub3A_385, %lt3A_400 : vector<16xi32>
          %lt3A_402 = vector.broadcast %scan3A_323 : i32 to vector<16xi32>
          %lt3A_403 = arith.cmpi ult, %sub3A_387, %lt3A_402 : vector<16xi32>
          %lt3A_404 = vector.broadcast %scan3A_323 : i32 to vector<16xi32>
          %lt3A_405 = arith.cmpi ult, %sub3A_389, %lt3A_404 : vector<16xi32>
          %lt3A_406 = vector.broadcast %scan3A_323 : i32 to vector<16xi32>
          %lt3A_407 = arith.cmpi ult, %sub3A_391, %lt3A_406 : vector<16xi32>
          %lt3A_408 = vector.broadcast %scan3A_323 : i32 to vector<16xi32>
          %lt3A_409 = arith.cmpi ult, %sub3A_393, %lt3A_408 : vector<16xi32>
          %lt3A_410 = vector.broadcast %scan3A_323 : i32 to vector<16xi32>
          %lt3A_411 = arith.cmpi ult, %sub3A_395, %lt3A_410 : vector<16xi32>
          %and3A = arith.constant 65535 : i32
          %and3A_412 = vector.broadcast %and3A : i32 to vector<16xi32>
          %and3A_413 = arith.andi %sub3A_381, %and3A_412 : vector<16xi32>
          %and3A_414 = arith.constant 65535 : i32
          %and3A_415 = vector.broadcast %and3A_414 : i32 to vector<16xi32>
          %and3A_416 = arith.andi %sub3A_383, %and3A_415 : vector<16xi32>
          %and3A_417 = arith.constant 65535 : i32
          %and3A_418 = vector.broadcast %and3A_417 : i32 to vector<16xi32>
          %and3A_419 = arith.andi %sub3A_385, %and3A_418 : vector<16xi32>
          %and3A_420 = arith.constant 65535 : i32
          %and3A_421 = vector.broadcast %and3A_420 : i32 to vector<16xi32>
          %and3A_422 = arith.andi %sub3A_387, %and3A_421 : vector<16xi32>
          %and3A_423 = arith.constant 65535 : i32
          %and3A_424 = vector.broadcast %and3A_423 : i32 to vector<16xi32>
          %and3A_425 = arith.andi %sub3A_389, %and3A_424 : vector<16xi32>
          %and3A_426 = arith.constant 65535 : i32
          %and3A_427 = vector.broadcast %and3A_426 : i32 to vector<16xi32>
          %and3A_428 = arith.andi %sub3A_391, %and3A_427 : vector<16xi32>
          %and3A_429 = arith.constant 65535 : i32
          %and3A_430 = vector.broadcast %and3A_429 : i32 to vector<16xi32>
          %and3A_431 = arith.andi %sub3A_393, %and3A_430 : vector<16xi32>
          %and3A_432 = arith.constant 65535 : i32
          %and3A_433 = vector.broadcast %and3A_432 : i32 to vector<16xi32>
          %and3A_434 = arith.andi %sub3A_395, %and3A_433 : vector<16xi32>
          %gather3A = tpu.vector_load_idx %arg16[%and3A_413] masked %lt3A_397 : memref<20352xf32, #tpu.memory_space<vmem>>[vector<16xi32>], vector<16xf32>, vector<16xi1>
          %gather3A_435 = tpu.vector_load_idx %arg16[%and3A_416] masked %lt3A_399 : memref<20352xf32, #tpu.memory_space<vmem>>[vector<16xi32>], vector<16xf32>, vector<16xi1>
          %gather3A_436 = tpu.vector_load_idx %arg16[%and3A_419] masked %lt3A_401 : memref<20352xf32, #tpu.memory_space<vmem>>[vector<16xi32>], vector<16xf32>, vector<16xi1>
          %gather3A_437 = tpu.vector_load_idx %arg16[%and3A_422] masked %lt3A_403 : memref<20352xf32, #tpu.memory_space<vmem>>[vector<16xi32>], vector<16xf32>, vector<16xi1>
          %gather3A_438 = tpu.vector_load_idx %arg16[%and3A_425] masked %lt3A_405 : memref<20352xf32, #tpu.memory_space<vmem>>[vector<16xi32>], vector<16xf32>, vector<16xi1>
          %gather3A_439 = tpu.vector_load_idx %arg16[%and3A_428] masked %lt3A_407 : memref<20352xf32, #tpu.memory_space<vmem>>[vector<16xi32>], vector<16xf32>, vector<16xi1>
          %gather3A_440 = tpu.vector_load_idx %arg16[%and3A_431] masked %lt3A_409 : memref<20352xf32, #tpu.memory_space<vmem>>[vector<16xi32>], vector<16xf32>, vector<16xi1>
          %gather3A_441 = tpu.vector_load_idx %arg16[%and3A_434] masked %lt3A_411 : memref<20352xf32, #tpu.memory_space<vmem>>[vector<16xi32>], vector<16xf32>, vector<16xi1>
          %gather3A_442 = tpu.vector_load_idx %arg17[%and3A_413] masked %lt3A_397 : memref<20352xf32, #tpu.memory_space<vmem>>[vector<16xi32>], vector<16xf32>, vector<16xi1>
          %gather3A_443 = tpu.vector_load_idx %arg17[%and3A_416] masked %lt3A_399 : memref<20352xf32, #tpu.memory_space<vmem>>[vector<16xi32>], vector<16xf32>, vector<16xi1>
          %gather3A_444 = tpu.vector_load_idx %arg17[%and3A_419] masked %lt3A_401 : memref<20352xf32, #tpu.memory_space<vmem>>[vector<16xi32>], vector<16xf32>, vector<16xi1>
          %gather3A_445 = tpu.vector_load_idx %arg17[%and3A_422] masked %lt3A_403 : memref<20352xf32, #tpu.memory_space<vmem>>[vector<16xi32>], vector<16xf32>, vector<16xi1>
          %gather3A_446 = tpu.vector_load_idx %arg17[%and3A_425] masked %lt3A_405 : memref<20352xf32, #tpu.memory_space<vmem>>[vector<16xi32>], vector<16xf32>, vector<16xi1>
          %gather3A_447 = tpu.vector_load_idx %arg17[%and3A_428] masked %lt3A_407 : memref<20352xf32, #tpu.memory_space<vmem>>[vector<16xi32>], vector<16xf32>, vector<16xi1>
          %gather3A_448 = tpu.vector_load_idx %arg17[%and3A_431] masked %lt3A_409 : memref<20352xf32, #tpu.memory_space<vmem>>[vector<16xi32>], vector<16xf32>, vector<16xi1>
          %gather3A_449 = tpu.vector_load_idx %arg17[%and3A_434] masked %lt3A_411 : memref<20352xf32, #tpu.memory_space<vmem>>[vector<16xi32>], vector<16xf32>, vector<16xi1>
          %add3A_450 = arith.constant 0 : i32
          %add3A_451 = vector.broadcast %add3A_450 : i32 to vector<16xi32>
          %add3A_452 = arith.addi %add3A_333, %add3A_451 : vector<16xi32>
          tpu.vector_store_idx %arg19[%add3A_452], %gather3A masked %lt3A_397 : memref<16384xf32, #tpu.memory_space<vmem>>[vector<16xi32>], vector<16xf32>, vector<16xi1>
          %add3A_453 = arith.constant 0 : i32
          %add3A_454 = vector.broadcast %add3A_453 : i32 to vector<16xi32>
          %add3A_455 = arith.addi %add3A_333, %add3A_454 : vector<16xi32>
          tpu.vector_store_idx %arg20[%add3A_455], %gather3A_442 masked %lt3A_397 : memref<16384xf32, #tpu.memory_space<vmem>>[vector<16xi32>], vector<16xf32>, vector<16xi1>
          %add3A_456 = arith.constant 16 : i32
          %add3A_457 = vector.broadcast %add3A_456 : i32 to vector<16xi32>
          %add3A_458 = arith.addi %add3A_333, %add3A_457 : vector<16xi32>
          tpu.vector_store_idx %arg19[%add3A_458], %gather3A_435 masked %lt3A_399 : memref<16384xf32, #tpu.memory_space<vmem>>[vector<16xi32>], vector<16xf32>, vector<16xi1>
          %add3A_459 = arith.constant 16 : i32
          %add3A_460 = vector.broadcast %add3A_459 : i32 to vector<16xi32>
          %add3A_461 = arith.addi %add3A_333, %add3A_460 : vector<16xi32>
          tpu.vector_store_idx %arg20[%add3A_461], %gather3A_443 masked %lt3A_399 : memref<16384xf32, #tpu.memory_space<vmem>>[vector<16xi32>], vector<16xf32>, vector<16xi1>
          %add3A_462 = arith.constant 32 : i32
          %add3A_463 = vector.broadcast %add3A_462 : i32 to vector<16xi32>
          %add3A_464 = arith.addi %add3A_333, %add3A_463 : vector<16xi32>
          tpu.vector_store_idx %arg19[%add3A_464], %gather3A_436 masked %lt3A_401 : memref<16384xf32, #tpu.memory_space<vmem>>[vector<16xi32>], vector<16xf32>, vector<16xi1>
          %add3A_465 = arith.constant 32 : i32
          %add3A_466 = vector.broadcast %add3A_465 : i32 to vector<16xi32>
          %add3A_467 = arith.addi %add3A_333, %add3A_466 : vector<16xi32>
          tpu.vector_store_idx %arg20[%add3A_467], %gather3A_444 masked %lt3A_401 : memref<16384xf32, #tpu.memory_space<vmem>>[vector<16xi32>], vector<16xf32>, vector<16xi1>
          %add3A_468 = arith.constant 48 : i32
          %add3A_469 = vector.broadcast %add3A_468 : i32 to vector<16xi32>
          %add3A_470 = arith.addi %add3A_333, %add3A_469 : vector<16xi32>
          tpu.vector_store_idx %arg19[%add3A_470], %gather3A_437 masked %lt3A_403 : memref<16384xf32, #tpu.memory_space<vmem>>[vector<16xi32>], vector<16xf32>, vector<16xi1>
          %add3A_471 = arith.constant 48 : i32
          %add3A_472 = vector.broadcast %add3A_471 : i32 to vector<16xi32>
          %add3A_473 = arith.addi %add3A_333, %add3A_472 : vector<16xi32>
          tpu.vector_store_idx %arg20[%add3A_473], %gather3A_445 masked %lt3A_403 : memref<16384xf32, #tpu.memory_space<vmem>>[vector<16xi32>], vector<16xf32>, vector<16xi1>
          %add3A_474 = arith.constant 64 : i32
          %add3A_475 = vector.broadcast %add3A_474 : i32 to vector<16xi32>
          %add3A_476 = arith.addi %add3A_333, %add3A_475 : vector<16xi32>
          tpu.vector_store_idx %arg19[%add3A_476], %gather3A_438 masked %lt3A_405 : memref<16384xf32, #tpu.memory_space<vmem>>[vector<16xi32>], vector<16xf32>, vector<16xi1>
          %add3A_477 = arith.constant 64 : i32
          %add3A_478 = vector.broadcast %add3A_477 : i32 to vector<16xi32>
          %add3A_479 = arith.addi %add3A_333, %add3A_478 : vector<16xi32>
          tpu.vector_store_idx %arg20[%add3A_479], %gather3A_446 masked %lt3A_405 : memref<16384xf32, #tpu.memory_space<vmem>>[vector<16xi32>], vector<16xf32>, vector<16xi1>
          %add3A_480 = arith.constant 80 : i32
          %add3A_481 = vector.broadcast %add3A_480 : i32 to vector<16xi32>
          %add3A_482 = arith.addi %add3A_333, %add3A_481 : vector<16xi32>
          tpu.vector_store_idx %arg19[%add3A_482], %gather3A_439 masked %lt3A_407 : memref<16384xf32, #tpu.memory_space<vmem>>[vector<16xi32>], vector<16xf32>, vector<16xi1>
          %add3A_483 = arith.constant 80 : i32
          %add3A_484 = vector.broadcast %add3A_483 : i32 to vector<16xi32>
          %add3A_485 = arith.addi %add3A_333, %add3A_484 : vector<16xi32>
          tpu.vector_store_idx %arg20[%add3A_485], %gather3A_447 masked %lt3A_407 : memref<16384xf32, #tpu.memory_space<vmem>>[vector<16xi32>], vector<16xf32>, vector<16xi1>
          %add3A_486 = arith.constant 96 : i32
          %add3A_487 = vector.broadcast %add3A_486 : i32 to vector<16xi32>
          %add3A_488 = arith.addi %add3A_333, %add3A_487 : vector<16xi32>
          tpu.vector_store_idx %arg19[%add3A_488], %gather3A_440 masked %lt3A_409 : memref<16384xf32, #tpu.memory_space<vmem>>[vector<16xi32>], vector<16xf32>, vector<16xi1>
          %add3A_489 = arith.constant 96 : i32
          %add3A_490 = vector.broadcast %add3A_489 : i32 to vector<16xi32>
          %add3A_491 = arith.addi %add3A_333, %add3A_490 : vector<16xi32>
          tpu.vector_store_idx %arg20[%add3A_491], %gather3A_448 masked %lt3A_409 : memref<16384xf32, #tpu.memory_space<vmem>>[vector<16xi32>], vector<16xf32>, vector<16xi1>
          %add3A_492 = arith.constant 112 : i32
          %add3A_493 = vector.broadcast %add3A_492 : i32 to vector<16xi32>
          %add3A_494 = arith.addi %add3A_333, %add3A_493 : vector<16xi32>
          tpu.vector_store_idx %arg19[%add3A_494], %gather3A_441 masked %lt3A_411 : memref<16384xf32, #tpu.memory_space<vmem>>[vector<16xi32>], vector<16xf32>, vector<16xi1>
          %add3A_495 = arith.constant 112 : i32
          %add3A_496 = vector.broadcast %add3A_495 : i32 to vector<16xi32>
          %add3A_497 = arith.addi %add3A_333, %add3A_496 : vector<16xi32>
          tpu.vector_store_idx %arg20[%add3A_497], %gather3A_449 masked %lt3A_411 : memref<16384xf32, #tpu.memory_space<vmem>>[vector<16xi32>], vector<16xf32>, vector<16xi1>
        }
        %scan3A_328 = arith.constant 128 : i32
      } else {
      }
    }
    %scan3A_25 = arith.constant 25 : i32
    %dma_wait3A = arith.constant 0 : i32
    %dma_wait3A_26 = tpu.memref_slice %arg16[%dma_wait3A] : memref<20352xf32, #tpu.memory_space<vmem>> -> memref<8960xf32, #tpu.memory_space<vmem>>
    %dma_wait3A_27 = arith.constant 0 : i32
    %dma_wait3A_28 = tpu.memref_slice %arg5[%mul3A_2, %dma_wait3A_27] : memref<64x1000000xf32, #tpu.memory_space<hbm>> -> memref<1x8960xf32, #tpu.memory_space<hbm>>
    %dma_wait3A_29 = tpu.memref_squeeze %dma_wait3A_28 : memref<1x8960xf32, #tpu.memory_space<hbm>> -> memref<8960xf32, #tpu.memory_space<hbm>>
    %dma_wait3A_30 = arith.constant 0 : i32
    %dma_wait3A_31 = tpu.memref_slice %arg16[%dma_wait3A_30] : memref<20352xf32, #tpu.memory_space<vmem>> -> memref<8960xf32, #tpu.memory_space<vmem>>
    %dma_wait3A_32 = arith.constant 0 : i32
    %dma_wait3A_33 = tpu.memref_slice %arg5[%mul3A_2, %dma_wait3A_32] : memref<64x1000000xf32, #tpu.memory_space<hbm>> -> memref<1x8960xf32, #tpu.memory_space<hbm>>
    %dma_wait3A_34 = tpu.memref_squeeze %dma_wait3A_33 : memref<1x8960xf32, #tpu.memory_space<hbm>> -> memref<8960xf32, #tpu.memory_space<hbm>>
    tpu.wait_dma2 semaphore(%arg22 : memref<!tpu.dma_semaphore, #tpu.memory_space<semaphore_mem>>) src(%dma_wait3A_34 : memref<8960xf32, #tpu.memory_space<hbm>>) dst(%dma_wait3A_31 : memref<8960xf32, #tpu.memory_space<vmem>>)
    %dma_wait3A_35 = arith.constant 0 : i32
    %dma_wait3A_36 = tpu.memref_slice %arg17[%dma_wait3A_35] : memref<20352xf32, #tpu.memory_space<vmem>> -> memref<8960xf32, #tpu.memory_space<vmem>>
    %dma_wait3A_37 = arith.constant 0 : i32
    %dma_wait3A_38 = tpu.memref_slice %arg5[%mul3A_2, %dma_wait3A_37] : memref<64x1000000xf32, #tpu.memory_space<hbm>> -> memref<1x8960xf32, #tpu.memory_space<hbm>>
    %dma_wait3A_39 = tpu.memref_squeeze %dma_wait3A_38 : memref<1x8960xf32, #tpu.memory_space<hbm>> -> memref<8960xf32, #tpu.memory_space<hbm>>
    %dma_wait3A_40 = arith.constant 0 : i32
    %dma_wait3A_41 = tpu.memref_slice %arg17[%dma_wait3A_40] : memref<20352xf32, #tpu.memory_space<vmem>> -> memref<8960xf32, #tpu.memory_space<vmem>>
    %dma_wait3A_42 = arith.constant 0 : i32
    %dma_wait3A_43 = tpu.memref_slice %arg5[%mul3A_2, %dma_wait3A_42] : memref<64x1000000xf32, #tpu.memory_space<hbm>> -> memref<1x8960xf32, #tpu.memory_space<hbm>>
    %dma_wait3A_44 = tpu.memref_squeeze %dma_wait3A_43 : memref<1x8960xf32, #tpu.memory_space<hbm>> -> memref<8960xf32, #tpu.memory_space<hbm>>
    tpu.wait_dma2 semaphore(%arg22 : memref<!tpu.dma_semaphore, #tpu.memory_space<semaphore_mem>>) src(%dma_wait3A_44 : memref<8960xf32, #tpu.memory_space<hbm>>) dst(%dma_wait3A_41 : memref<8960xf32, #tpu.memory_space<vmem>>)
    %dma_wait3A_45 = arith.constant 8960 : i32
    %dma_wait3A_46 = tpu.memref_slice %arg16[%dma_wait3A_45] : memref<20352xf32, #tpu.memory_space<vmem>> -> memref<128xf32, #tpu.memory_space<vmem>>
    %dma_wait3A_47 = arith.constant 0 : i32
    %dma_wait3A_48 = tpu.memref_slice %arg8[%mul3A_2, %dma_wait3A_47] : memref<64x128xf32, #tpu.memory_space<hbm>> -> memref<1x128xf32, #tpu.memory_space<hbm>>
    %dma_wait3A_49 = tpu.memref_squeeze %dma_wait3A_48 : memref<1x128xf32, #tpu.memory_space<hbm>> -> memref<128xf32, #tpu.memory_space<hbm>>
    %dma_wait3A_50 = arith.constant 8960 : i32
    %dma_wait3A_51 = tpu.memref_slice %arg16[%dma_wait3A_50] : memref<20352xf32, #tpu.memory_space<vmem>> -> memref<128xf32, #tpu.memory_space<vmem>>
    %dma_wait3A_52 = arith.constant 0 : i32
    %dma_wait3A_53 = tpu.memref_slice %arg8[%mul3A_2, %dma_wait3A_52] : memref<64x128xf32, #tpu.memory_space<hbm>> -> memref<1x128xf32, #tpu.memory_space<hbm>>
    %dma_wait3A_54 = tpu.memref_squeeze %dma_wait3A_53 : memref<1x128xf32, #tpu.memory_space<hbm>> -> memref<128xf32, #tpu.memory_space<hbm>>
    tpu.wait_dma2 semaphore(%arg22 : memref<!tpu.dma_semaphore, #tpu.memory_space<semaphore_mem>>) src(%dma_wait3A_54 : memref<128xf32, #tpu.memory_space<hbm>>) dst(%dma_wait3A_51 : memref<128xf32, #tpu.memory_space<vmem>>)
    %dma_wait3A_55 = arith.constant 8960 : i32
    %dma_wait3A_56 = tpu.memref_slice %arg17[%dma_wait3A_55] : memref<20352xf32, #tpu.memory_space<vmem>> -> memref<128xf32, #tpu.memory_space<vmem>>
    %dma_wait3A_57 = arith.constant 0 : i32
    %dma_wait3A_58 = tpu.memref_slice %arg8[%mul3A_2, %dma_wait3A_57] : memref<64x128xf32, #tpu.memory_space<hbm>> -> memref<1x128xf32, #tpu.memory_space<hbm>>
    %dma_wait3A_59 = tpu.memref_squeeze %dma_wait3A_58 : memref<1x128xf32, #tpu.memory_space<hbm>> -> memref<128xf32, #tpu.memory_space<hbm>>
    %dma_wait3A_60 = arith.constant 8960 : i32
    %dma_wait3A_61 = tpu.memref_slice %arg17[%dma_wait3A_60] : memref<20352xf32, #tpu.memory_space<vmem>> -> memref<128xf32, #tpu.memory_space<vmem>>
    %dma_wait3A_62 = arith.constant 0 : i32
    %dma_wait3A_63 = tpu.memref_slice %arg8[%mul3A_2, %dma_wait3A_62] : memref<64x128xf32, #tpu.memory_space<hbm>> -> memref<1x128xf32, #tpu.memory_space<hbm>>
    %dma_wait3A_64 = tpu.memref_squeeze %dma_wait3A_63 : memref<1x128xf32, #tpu.memory_space<hbm>> -> memref<128xf32, #tpu.memory_space<hbm>>
    tpu.wait_dma2 semaphore(%arg22 : memref<!tpu.dma_semaphore, #tpu.memory_space<semaphore_mem>>) src(%dma_wait3A_64 : memref<128xf32, #tpu.memory_space<hbm>>) dst(%dma_wait3A_61 : memref<128xf32, #tpu.memory_space<vmem>>)
    %scan3A_65 = arith.constant 0 : i32
    %scan3A_66 = arith.constant 9024 : i32
    %scan3A_67 = arith.constant 0 : i32
    %scan3A_68 = arith.constant 128 : i32
    %scan3A_69 = arith.addi %scan3A_67, %scan3A_68 : i32
    %scan3A_70 = arith.constant 1 : i32
    scf.for %scan3A_242 = %scan3A_67 to %scan3A_69 step %scan3A_70  : i32 {
      %mul3A_243 = arith.constant 128 : i32
      %mul3A_244 = arith.muli %scan3A_242, %mul3A_243 : i32
      %add3A_245 = vector.broadcast %mul3A_244 : i32 to vector<16xi32>
      %add3A_246 = arith.addi %add3A_245, %iota3A : vector<16xi32>
      %mul3A_247 = arith.constant 128 : i32
      %mul3A_248 = arith.muli %scan3A_242, %mul3A_247 : i32
      %add3A_249 = arith.constant 0 : i32
      %add3A_250 = arith.addi %mul3A_248, %add3A_249 : i32
      %get3A = arith.index_cast %add3A_250 : i32 to index
      %get3A_251 = tpu.vector_load %arg18[%get3A] {strides = array<i32>} : memref<16384xi32, #tpu.memory_space<vmem>>, vector<16xi32>,
      %mul3A_252 = arith.constant 128 : i32
      %mul3A_253 = arith.muli %scan3A_242, %mul3A_252 : i32
      %add3A_254 = arith.constant 16 : i32
      %add3A_255 = arith.addi %mul3A_253, %add3A_254 : i32
      %get3A_256 = arith.index_cast %add3A_255 : i32 to index
      %get3A_257 = tpu.vector_load %arg18[%get3A_256] {strides = array<i32>} : memref<16384xi32, #tpu.memory_space<vmem>>, vector<16xi32>,
      %mul3A_258 = arith.constant 128 : i32
      %mul3A_259 = arith.muli %scan3A_242, %mul3A_258 : i32
      %add3A_260 = arith.constant 32 : i32
      %add3A_261 = arith.addi %mul3A_259, %add3A_260 : i32
      %get3A_262 = arith.index_cast %add3A_261 : i32 to index
      %get3A_263 = tpu.vector_load %arg18[%get3A_262] {strides = array<i32>} : memref<16384xi32, #tpu.memory_space<vmem>>, vector<16xi32>,
      %mul3A_264 = arith.constant 128 : i32
      %mul3A_265 = arith.muli %scan3A_242, %mul3A_264 : i32
      %add3A_266 = arith.constant 48 : i32
      %add3A_267 = arith.addi %mul3A_265, %add3A_266 : i32
      %get3A_268 = arith.index_cast %add3A_267 : i32 to index
      %get3A_269 = tpu.vector_load %arg18[%get3A_268] {strides = array<i32>} : memref<16384xi32, #tpu.memory_space<vmem>>, vector<16xi32>,
      %mul3A_270 = arith.constant 128 : i32
      %mul3A_271 = arith.muli %scan3A_242, %mul3A_270 : i32
      %add3A_272 = arith.constant 64 : i32
      %add3A_273 = arith.addi %mul3A_271, %add3A_272 : i32
      %get3A_274 = arith.index_cast %add3A_273 : i32 to index
      %get3A_275 = tpu.vector_load %arg18[%get3A_274] {strides = array<i32>} : memref<16384xi32, #tpu.memory_space<vmem>>, vector<16xi32>,
      %mul3A_276 = arith.constant 128 : i32
      %mul3A_277 = arith.muli %scan3A_242, %mul3A_276 : i32
      %add3A_278 = arith.constant 80 : i32
      %add3A_279 = arith.addi %mul3A_277, %add3A_278 : i32
      %get3A_280 = arith.index_cast %add3A_279 : i32 to index
      %get3A_281 = tpu.vector_load %arg18[%get3A_280] {strides = array<i32>} : memref<16384xi32, #tpu.memory_space<vmem>>, vector<16xi32>,
      %mul3A_282 = arith.constant 128 : i32
      %mul3A_283 = arith.muli %scan3A_242, %mul3A_282 : i32
      %add3A_284 = arith.constant 96 : i32
      %add3A_285 = arith.addi %mul3A_283, %add3A_284 : i32
      %get3A_286 = arith.index_cast %add3A_285 : i32 to index
      %get3A_287 = tpu.vector_load %arg18[%get3A_286] {strides = array<i32>} : memref<16384xi32, #tpu.memory_space<vmem>>, vector<16xi32>,
      %mul3A_288 = arith.constant 128 : i32
      %mul3A_289 = arith.muli %scan3A_242, %mul3A_288 : i32
      %add3A_290 = arith.constant 112 : i32
      %add3A_291 = arith.addi %mul3A_289, %add3A_290 : i32
      %get3A_292 = arith.index_cast %add3A_291 : i32 to index
      %get3A_293 = tpu.vector_load %arg18[%get3A_292] {strides = array<i32>} : memref<16384xi32, #tpu.memory_space<vmem>>, vector<16xi32>,
      %sub3A = arith.constant 990976 : i32
      %sub3A_294 = vector.broadcast %sub3A : i32 to vector<16xi32>
      %sub3A_295 = arith.subi %get3A_251, %sub3A_294 : vector<16xi32>
      %sub3A_296 = arith.constant 990976 : i32
      %sub3A_297 = vector.broadcast %sub3A_296 : i32 to vector<16xi32>
      %sub3A_298 = arith.subi %get3A_257, %sub3A_297 : vector<16xi32>
      %sub3A_299 = arith.constant 990976 : i32
      %sub3A_300 = vector.broadcast %sub3A_299 : i32 to vector<16xi32>
      %sub3A_301 = arith.subi %get3A_263, %sub3A_300 : vector<16xi32>
      %sub3A_302 = arith.constant 990976 : i32
      %sub3A_303 = vector.broadcast %sub3A_302 : i32 to vector<16xi32>
      %sub3A_304 = arith.subi %get3A_269, %sub3A_303 : vector<16xi32>
      %sub3A_305 = arith.constant 990976 : i32
      %sub3A_306 = vector.broadcast %sub3A_305 : i32 to vector<16xi32>
      %sub3A_307 = arith.subi %get3A_275, %sub3A_306 : vector<16xi32>
      %sub3A_308 = arith.constant 990976 : i32
      %sub3A_309 = vector.broadcast %sub3A_308 : i32 to vector<16xi32>
      %sub3A_310 = arith.subi %get3A_281, %sub3A_309 : vector<16xi32>
      %sub3A_311 = arith.constant 990976 : i32
      %sub3A_312 = vector.broadcast %sub3A_311 : i32 to vector<16xi32>
      %sub3A_313 = arith.subi %get3A_287, %sub3A_312 : vector<16xi32>
      %sub3A_314 = arith.constant 990976 : i32
      %sub3A_315 = vector.broadcast %sub3A_314 : i32 to vector<16xi32>
      %sub3A_316 = arith.subi %get3A_293, %sub3A_315 : vector<16xi32>
      %lt3A = vector.broadcast %scan3A_66 : i32 to vector<16xi32>
      %lt3A_317 = arith.cmpi ult, %sub3A_295, %lt3A : vector<16xi32>
      %lt3A_318 = vector.broadcast %scan3A_66 : i32 to vector<16xi32>
      %lt3A_319 = arith.cmpi ult, %sub3A_298, %lt3A_318 : vector<16xi32>
      %lt3A_320 = vector.broadcast %scan3A_66 : i32 to vector<16xi32>
      %lt3A_321 = arith.cmpi ult, %sub3A_301, %lt3A_320 : vector<16xi32>
      %lt3A_322 = vector.broadcast %scan3A_66 : i32 to vector<16xi32>
      %lt3A_323 = arith.cmpi ult, %sub3A_304, %lt3A_322 : vector<16xi32>
      %lt3A_324 = vector.broadcast %scan3A_66 : i32 to vector<16xi32>
      %lt3A_325 = arith.cmpi ult, %sub3A_307, %lt3A_324 : vector<16xi32>
      %lt3A_326 = vector.broadcast %scan3A_66 : i32 to vector<16xi32>
      %lt3A_327 = arith.cmpi ult, %sub3A_310, %lt3A_326 : vector<16xi32>
      %lt3A_328 = vector.broadcast %scan3A_66 : i32 to vector<16xi32>
      %lt3A_329 = arith.cmpi ult, %sub3A_313, %lt3A_328 : vector<16xi32>
      %lt3A_330 = vector.broadcast %scan3A_66 : i32 to vector<16xi32>
      %lt3A_331 = arith.cmpi ult, %sub3A_316, %lt3A_330 : vector<16xi32>
      %and3A = arith.constant 65535 : i32
      %and3A_332 = vector.broadcast %and3A : i32 to vector<16xi32>
      %and3A_333 = arith.andi %sub3A_295, %and3A_332 : vector<16xi32>
      %and3A_334 = arith.constant 65535 : i32
      %and3A_335 = vector.broadcast %and3A_334 : i32 to vector<16xi32>
      %and3A_336 = arith.andi %sub3A_298, %and3A_335 : vector<16xi32>
      %and3A_337 = arith.constant 65535 : i32
      %and3A_338 = vector.broadcast %and3A_337 : i32 to vector<16xi32>
      %and3A_339 = arith.andi %sub3A_301, %and3A_338 : vector<16xi32>
      %and3A_340 = arith.constant 65535 : i32
      %and3A_341 = vector.broadcast %and3A_340 : i32 to vector<16xi32>
      %and3A_342 = arith.andi %sub3A_304, %and3A_341 : vector<16xi32>
      %and3A_343 = arith.constant 65535 : i32
      %and3A_344 = vector.broadcast %and3A_343 : i32 to vector<16xi32>
      %and3A_345 = arith.andi %sub3A_307, %and3A_344 : vector<16xi32>
      %and3A_346 = arith.constant 65535 : i32
      %and3A_347 = vector.broadcast %and3A_346 : i32 to vector<16xi32>
      %and3A_348 = arith.andi %sub3A_310, %and3A_347 : vector<16xi32>
      %and3A_349 = arith.constant 65535 : i32
      %and3A_350 = vector.broadcast %and3A_349 : i32 to vector<16xi32>
      %and3A_351 = arith.andi %sub3A_313, %and3A_350 : vector<16xi32>
      %and3A_352 = arith.constant 65535 : i32
      %and3A_353 = vector.broadcast %and3A_352 : i32 to vector<16xi32>
      %and3A_354 = arith.andi %sub3A_316, %and3A_353 : vector<16xi32>
      %gather3A = tpu.vector_load_idx %arg16[%and3A_333] masked %lt3A_317 : memref<20352xf32, #tpu.memory_space<vmem>>[vector<16xi32>], vector<16xf32>, vector<16xi1>
      %gather3A_355 = tpu.vector_load_idx %arg16[%and3A_336] masked %lt3A_319 : memref<20352xf32, #tpu.memory_space<vmem>>[vector<16xi32>], vector<16xf32>, vector<16xi1>
      %gather3A_356 = tpu.vector_load_idx %arg16[%and3A_339] masked %lt3A_321 : memref<20352xf32, #tpu.memory_space<vmem>>[vector<16xi32>], vector<16xf32>, vector<16xi1>
      %gather3A_357 = tpu.vector_load_idx %arg16[%and3A_342] masked %lt3A_323 : memref<20352xf32, #tpu.memory_space<vmem>>[vector<16xi32>], vector<16xf32>, vector<16xi1>
      %gather3A_358 = tpu.vector_load_idx %arg16[%and3A_345] masked %lt3A_325 : memref<20352xf32, #tpu.memory_space<vmem>>[vector<16xi32>], vector<16xf32>, vector<16xi1>
      %gather3A_359 = tpu.vector_load_idx %arg16[%and3A_348] masked %lt3A_327 : memref<20352xf32, #tpu.memory_space<vmem>>[vector<16xi32>], vector<16xf32>, vector<16xi1>
      %gather3A_360 = tpu.vector_load_idx %arg16[%and3A_351] masked %lt3A_329 : memref<20352xf32, #tpu.memory_space<vmem>>[vector<16xi32>], vector<16xf32>, vector<16xi1>
      %gather3A_361 = tpu.vector_load_idx %arg16[%and3A_354] masked %lt3A_331 : memref<20352xf32, #tpu.memory_space<vmem>>[vector<16xi32>], vector<16xf32>, vector<16xi1>
      %gather3A_362 = tpu.vector_load_idx %arg17[%and3A_333] masked %lt3A_317 : memref<20352xf32, #tpu.memory_space<vmem>>[vector<16xi32>], vector<16xf32>, vector<16xi1>
      %gather3A_363 = tpu.vector_load_idx %arg17[%and3A_336] masked %lt3A_319 : memref<20352xf32, #tpu.memory_space<vmem>>[vector<16xi32>], vector<16xf32>, vector<16xi1>
      %gather3A_364 = tpu.vector_load_idx %arg17[%and3A_339] masked %lt3A_321 : memref<20352xf32, #tpu.memory_space<vmem>>[vector<16xi32>], vector<16xf32>, vector<16xi1>
      %gather3A_365 = tpu.vector_load_idx %arg17[%and3A_342] masked %lt3A_323 : memref<20352xf32, #tpu.memory_space<vmem>>[vector<16xi32>], vector<16xf32>, vector<16xi1>
      %gather3A_366 = tpu.vector_load_idx %arg17[%and3A_345] masked %lt3A_325 : memref<20352xf32, #tpu.memory_space<vmem>>[vector<16xi32>], vector<16xf32>, vector<16xi1>
      %gather3A_367 = tpu.vector_load_idx %arg17[%and3A_348] masked %lt3A_327 : memref<20352xf32, #tpu.memory_space<vmem>>[vector<16xi32>], vector<16xf32>, vector<16xi1>
      %gather3A_368 = tpu.vector_load_idx %arg17[%and3A_351] masked %lt3A_329 : memref<20352xf32, #tpu.memory_space<vmem>>[vector<16xi32>], vector<16xf32>, vector<16xi1>
      %gather3A_369 = tpu.vector_load_idx %arg17[%and3A_354] masked %lt3A_331 : memref<20352xf32, #tpu.memory_space<vmem>>[vector<16xi32>], vector<16xf32>, vector<16xi1>
      %add3A_370 = arith.constant 0 : i32
      %add3A_371 = vector.broadcast %add3A_370 : i32 to vector<16xi32>
      %add3A_372 = arith.addi %add3A_246, %add3A_371 : vector<16xi32>
      tpu.vector_store_idx %arg19[%add3A_372], %gather3A masked %lt3A_317 : memref<16384xf32, #tpu.memory_space<vmem>>[vector<16xi32>], vector<16xf32>, vector<16xi1>
      %add3A_373 = arith.constant 0 : i32
      %add3A_374 = vector.broadcast %add3A_373 : i32 to vector<16xi32>
      %add3A_375 = arith.addi %add3A_246, %add3A_374 : vector<16xi32>
      tpu.vector_store_idx %arg20[%add3A_375], %gather3A_362 masked %lt3A_317 : memref<16384xf32, #tpu.memory_space<vmem>>[vector<16xi32>], vector<16xf32>, vector<16xi1>
      %add3A_376 = arith.constant 16 : i32
      %add3A_377 = vector.broadcast %add3A_376 : i32 to vector<16xi32>
      %add3A_378 = arith.addi %add3A_246, %add3A_377 : vector<16xi32>
      tpu.vector_store_idx %arg19[%add3A_378], %gather3A_355 masked %lt3A_319 : memref<16384xf32, #tpu.memory_space<vmem>>[vector<16xi32>], vector<16xf32>, vector<16xi1>
      %add3A_379 = arith.constant 16 : i32
      %add3A_380 = vector.broadcast %add3A_379 : i32 to vector<16xi32>
      %add3A_381 = arith.addi %add3A_246, %add3A_380 : vector<16xi32>
      tpu.vector_store_idx %arg20[%add3A_381], %gather3A_363 masked %lt3A_319 : memref<16384xf32, #tpu.memory_space<vmem>>[vector<16xi32>], vector<16xf32>, vector<16xi1>
      %add3A_382 = arith.constant 32 : i32
      %add3A_383 = vector.broadcast %add3A_382 : i32 to vector<16xi32>
      %add3A_384 = arith.addi %add3A_246, %add3A_383 : vector<16xi32>
      tpu.vector_store_idx %arg19[%add3A_384], %gather3A_356 masked %lt3A_321 : memref<16384xf32, #tpu.memory_space<vmem>>[vector<16xi32>], vector<16xf32>, vector<16xi1>
      %add3A_385 = arith.constant 32 : i32
      %add3A_386 = vector.broadcast %add3A_385 : i32 to vector<16xi32>
      %add3A_387 = arith.addi %add3A_246, %add3A_386 : vector<16xi32>
      tpu.vector_store_idx %arg20[%add3A_387], %gather3A_364 masked %lt3A_321 : memref<16384xf32, #tpu.memory_space<vmem>>[vector<16xi32>], vector<16xf32>, vector<16xi1>
      %add3A_388 = arith.constant 48 : i32
      %add3A_389 = vector.broadcast %add3A_388 : i32 to vector<16xi32>
      %add3A_390 = arith.addi %add3A_246, %add3A_389 : vector<16xi32>
      tpu.vector_store_idx %arg19[%add3A_390], %gather3A_357 masked %lt3A_323 : memref<16384xf32, #tpu.memory_space<vmem>>[vector<16xi32>], vector<16xf32>, vector<16xi1>
      %add3A_391 = arith.constant 48 : i32
      %add3A_392 = vector.broadcast %add3A_391 : i32 to vector<16xi32>
      %add3A_393 = arith.addi %add3A_246, %add3A_392 : vector<16xi32>
      tpu.vector_store_idx %arg20[%add3A_393], %gather3A_365 masked %lt3A_323 : memref<16384xf32, #tpu.memory_space<vmem>>[vector<16xi32>], vector<16xf32>, vector<16xi1>
      %add3A_394 = arith.constant 64 : i32
      %add3A_395 = vector.broadcast %add3A_394 : i32 to vector<16xi32>
      %add3A_396 = arith.addi %add3A_246, %add3A_395 : vector<16xi32>
      tpu.vector_store_idx %arg19[%add3A_396], %gather3A_358 masked %lt3A_325 : memref<16384xf32, #tpu.memory_space<vmem>>[vector<16xi32>], vector<16xf32>, vector<16xi1>
      %add3A_397 = arith.constant 64 : i32
      %add3A_398 = vector.broadcast %add3A_397 : i32 to vector<16xi32>
      %add3A_399 = arith.addi %add3A_246, %add3A_398 : vector<16xi32>
      tpu.vector_store_idx %arg20[%add3A_399], %gather3A_366 masked %lt3A_325 : memref<16384xf32, #tpu.memory_space<vmem>>[vector<16xi32>], vector<16xf32>, vector<16xi1>
      %add3A_400 = arith.constant 80 : i32
      %add3A_401 = vector.broadcast %add3A_400 : i32 to vector<16xi32>
      %add3A_402 = arith.addi %add3A_246, %add3A_401 : vector<16xi32>
      tpu.vector_store_idx %arg19[%add3A_402], %gather3A_359 masked %lt3A_327 : memref<16384xf32, #tpu.memory_space<vmem>>[vector<16xi32>], vector<16xf32>, vector<16xi1>
      %add3A_403 = arith.constant 80 : i32
      %add3A_404 = vector.broadcast %add3A_403 : i32 to vector<16xi32>
      %add3A_405 = arith.addi %add3A_246, %add3A_404 : vector<16xi32>
      tpu.vector_store_idx %arg20[%add3A_405], %gather3A_367 masked %lt3A_327 : memref<16384xf32, #tpu.memory_space<vmem>>[vector<16xi32>], vector<16xf32>, vector<16xi1>
      %add3A_406 = arith.constant 96 : i32
      %add3A_407 = vector.broadcast %add3A_406 : i32 to vector<16xi32>
      %add3A_408 = arith.addi %add3A_246, %add3A_407 : vector<16xi32>
      tpu.vector_store_idx %arg19[%add3A_408], %gather3A_360 masked %lt3A_329 : memref<16384xf32, #tpu.memory_space<vmem>>[vector<16xi32>], vector<16xf32>, vector<16xi1>
      %add3A_409 = arith.constant 96 : i32
      %add3A_410 = vector.broadcast %add3A_409 : i32 to vector<16xi32>
      %add3A_411 = arith.addi %add3A_246, %add3A_410 : vector<16xi32>
      tpu.vector_store_idx %arg20[%add3A_411], %gather3A_368 masked %lt3A_329 : memref<16384xf32, #tpu.memory_space<vmem>>[vector<16xi32>], vector<16xf32>, vector<16xi1>
      %add3A_412 = arith.constant 112 : i32
      %add3A_413 = vector.broadcast %add3A_412 : i32 to vector<16xi32>
      %add3A_414 = arith.addi %add3A_246, %add3A_413 : vector<16xi32>
      tpu.vector_store_idx %arg19[%add3A_414], %gather3A_361 masked %lt3A_331 : memref<16384xf32, #tpu.memory_space<vmem>>[vector<16xi32>], vector<16xf32>, vector<16xi1>
      %add3A_415 = arith.constant 112 : i32
      %add3A_416 = vector.broadcast %add3A_415 : i32 to vector<16xi32>
      %add3A_417 = arith.addi %add3A_246, %add3A_416 : vector<16xi32>
      tpu.vector_store_idx %arg20[%add3A_417], %gather3A_369 masked %lt3A_331 : memref<16384xf32, #tpu.memory_space<vmem>>[vector<16xi32>], vector<16xf32>, vector<16xi1>
    }
    %scan3A_71 = arith.constant 128 : i32
    "tpu.region"() ({
      %run_scoped3A = tpu.sem_alloc : memref<!tpu.dma_semaphore, #tpu.memory_space<semaphore_mem>>
      %dma_start3A_242 = arith.constant 0 : i32
      %dma_start3A_243 = tpu.memref_slice %arg11[%mul3A_2, %dma_start3A_242] : memref<64x16384xf32, #tpu.memory_space<hbm>> -> memref<1x16384xf32, #tpu.memory_space<hbm>>
      %dma_start3A_244 = tpu.memref_squeeze %dma_start3A_243 : memref<1x16384xf32, #tpu.memory_space<hbm>> -> memref<16384xf32, #tpu.memory_space<hbm>>
      %dma_start3A_245 = arith.constant 0 : i32
      %dma_start3A_246 = tpu.memref_slice %arg11[%mul3A_2, %dma_start3A_245] : memref<64x16384xf32, #tpu.memory_space<hbm>> -> memref<1x16384xf32, #tpu.memory_space<hbm>>
      %dma_start3A_247 = tpu.memref_squeeze %dma_start3A_246 : memref<1x16384xf32, #tpu.memory_space<hbm>> -> memref<16384xf32, #tpu.memory_space<hbm>>
      tpu.enqueue_dma source(%arg19 : memref<16384xf32, #tpu.memory_space<vmem>>) target(%dma_start3A_247 : memref<16384xf32, #tpu.memory_space<hbm>>) target_semaphore(%run_scoped3A : memref<!tpu.dma_semaphore, #tpu.memory_space<semaphore_mem>>)
      %dma_wait3A_248 = arith.constant 0 : i32
      %dma_wait3A_249 = tpu.memref_slice %arg11[%mul3A_2, %dma_wait3A_248] : memref<64x16384xf32, #tpu.memory_space<hbm>> -> memref<1x16384xf32, #tpu.memory_space<hbm>>
      %dma_wait3A_250 = tpu.memref_squeeze %dma_wait3A_249 : memref<1x16384xf32, #tpu.memory_space<hbm>> -> memref<16384xf32, #tpu.memory_space<hbm>>
      %dma_wait3A_251 = arith.constant 0 : i32
      %dma_wait3A_252 = tpu.memref_slice %arg11[%mul3A_2, %dma_wait3A_251] : memref<64x16384xf32, #tpu.memory_space<hbm>> -> memref<1x16384xf32, #tpu.memory_space<hbm>>
      %dma_wait3A_253 = tpu.memref_squeeze %dma_wait3A_252 : memref<1x16384xf32, #tpu.memory_space<hbm>> -> memref<16384xf32, #tpu.memory_space<hbm>>
      tpu.wait_dma2 semaphore(%run_scoped3A : memref<!tpu.dma_semaphore, #tpu.memory_space<semaphore_mem>>) src(%arg19 : memref<16384xf32, #tpu.memory_space<vmem>>) dst(%dma_wait3A_253 : memref<16384xf32, #tpu.memory_space<hbm>>)
      tpu.yield
    }) : () -> ()
    %add3A_72 = arith.constant 1 : i32
    %add3A_73 = arith.addi %mul3A_2, %add3A_72 : i32
    "tpu.region"() ({
      %run_scoped3A = tpu.sem_alloc : memref<!tpu.dma_semaphore, #tpu.memory_space<semaphore_mem>>
      %dma_start3A_242 = arith.constant 0 : i32
      %dma_start3A_243 = tpu.memref_slice %arg11[%add3A_73, %dma_start3A_242] : memref<64x16384xf32, #tpu.memory_space<hbm>> -> memref<1x16384xf32, #tpu.memory_space<hbm>>
      %dma_start3A_244 = tpu.memref_squeeze %dma_start3A_243 : memref<1x16384xf32, #tpu.memory_space<hbm>> -> memref<16384xf32, #tpu.memory_space<hbm>>
      %dma_start3A_245 = arith.constant 0 : i32
      %dma_start3A_246 = tpu.memref_slice %arg11[%add3A_73, %dma_start3A_245] : memref<64x16384xf32, #tpu.memory_space<hbm>> -> memref<1x16384xf32, #tpu.memory_space<hbm>>
      %dma_start3A_247 = tpu.memref_squeeze %dma_start3A_246 : memref<1x16384xf32, #tpu.memory_space<hbm>> -> memref<16384xf32, #tpu.memory_space<hbm>>
      tpu.enqueue_dma source(%arg20 : memref<16384xf32, #tpu.memory_space<vmem>>) target(%dma_start3A_247 : memref<16384xf32, #tpu.memory_space<hbm>>) target_semaphore(%run_scoped3A : memref<!tpu.dma_semaphore, #tpu.memory_space<semaphore_mem>>)
      %dma_wait3A_248 = arith.constant 0 : i32
      %dma_wait3A_249 = tpu.memref_slice %arg11[%add3A_73, %dma_wait3A_248] : memref<64x16384xf32, #tpu.memory_space<hbm>> -> memref<1x16384xf32, #tpu.memory_space<hbm>>
      %dma_wait3A_250 = tpu.memref_squeeze %dma_wait3A_249 : memref<1x16384xf32, #tpu.memory_space<hbm>> -> memref<16384xf32, #tpu.memory_space<hbm>>
      %dma_wait3A_251 = arith.constant 0 : i32
      %dma_wait3A_252 = tpu.memref_slice %arg11[%add3A_73, %dma_wait3A_251] : memref<64x16384xf32, #tpu.memory_space<hbm>> -> memref<1x16384xf32, #tpu.memory_space<hbm>>
      %dma_wait3A_253 = tpu.memref_squeeze %dma_wait3A_252 : memref<1x16384xf32, #tpu.memory_space<hbm>> -> memref<16384xf32, #tpu.memory_space<hbm>>
      tpu.wait_dma2 semaphore(%run_scoped3A : memref<!tpu.dma_semaphore, #tpu.memory_space<semaphore_mem>>) src(%arg20 : memref<16384xf32, #tpu.memory_space<vmem>>) dst(%dma_wait3A_253 : memref<16384xf32, #tpu.memory_space<hbm>>)
      tpu.yield
    }) : () -> ()
    "tpu.region"() ({
      %run_scoped3A = tpu.sem_alloc : memref<!tpu.dma_semaphore, #tpu.memory_space<semaphore_mem>>
      tpu.enqueue_dma source(%arg3 : memref<16384xi32, #tpu.memory_space<hbm>>) target(%arg18 : memref<16384xi32, #tpu.memory_space<vmem>>) target_semaphore(%run_scoped3A : memref<!tpu.dma_semaphore, #tpu.memory_space<semaphore_mem>>)
      tpu.wait_dma2 semaphore(%run_scoped3A : memref<!tpu.dma_semaphore, #tpu.memory_space<semaphore_mem>>) src(%arg3 : memref<16384xi32, #tpu.memory_space<hbm>>) dst(%arg18 : memref<16384xi32, #tpu.memory_space<vmem>>)
      tpu.yield
    }) : () -> ()
    %multiple_of3A_74 = arith.constant 0 : i32
    %multiple_of3A_75 = tpu.assume_multiple %multiple_of3A_74, 20224 : i32
    %dma_start3A_76 = arith.constant 0 : i32
    %dma_start3A_77 = tpu.memref_slice %arg14[%dma_start3A_76] : memref<20352xf32, #tpu.memory_space<vmem>> -> memref<20224xf32, #tpu.memory_space<vmem>>
    %dma_start3A_78 = tpu.memref_slice %arg6[%mul3A_2, %multiple_of3A_75] : memref<64x100000xf32, #tpu.memory_space<hbm>> -> memref<1x20224xf32, #tpu.memory_space<hbm>>
    %dma_start3A_79 = tpu.memref_squeeze %dma_start3A_78 : memref<1x20224xf32, #tpu.memory_space<hbm>> -> memref<20224xf32, #tpu.memory_space<hbm>>
    %dma_start3A_80 = arith.constant 0 : i32
    %dma_start3A_81 = tpu.memref_slice %arg14[%dma_start3A_80] : memref<20352xf32, #tpu.memory_space<vmem>> -> memref<20224xf32, #tpu.memory_space<vmem>>
    %dma_start3A_82 = tpu.memref_slice %arg6[%mul3A_2, %multiple_of3A_75] : memref<64x100000xf32, #tpu.memory_space<hbm>> -> memref<1x20224xf32, #tpu.memory_space<hbm>>
    %dma_start3A_83 = tpu.memref_squeeze %dma_start3A_82 : memref<1x20224xf32, #tpu.memory_space<hbm>> -> memref<20224xf32, #tpu.memory_space<hbm>>
    tpu.enqueue_dma source(%dma_start3A_83 : memref<20224xf32, #tpu.memory_space<hbm>>) target(%dma_start3A_81 : memref<20224xf32, #tpu.memory_space<vmem>>) target_semaphore(%arg21 : memref<!tpu.dma_semaphore, #tpu.memory_space<semaphore_mem>>)
    %add3A_84 = arith.constant 1 : i32
    %add3A_85 = arith.addi %mul3A_2, %add3A_84 : i32
    %dma_start3A_86 = arith.constant 0 : i32
    %dma_start3A_87 = tpu.memref_slice %arg15[%dma_start3A_86] : memref<20352xf32, #tpu.memory_space<vmem>> -> memref<20224xf32, #tpu.memory_space<vmem>>
    %dma_start3A_88 = tpu.memref_slice %arg6[%add3A_85, %multiple_of3A_75] : memref<64x100000xf32, #tpu.memory_space<hbm>> -> memref<1x20224xf32, #tpu.memory_space<hbm>>
    %dma_start3A_89 = tpu.memref_squeeze %dma_start3A_88 : memref<1x20224xf32, #tpu.memory_space<hbm>> -> memref<20224xf32, #tpu.memory_space<hbm>>
    %dma_start3A_90 = arith.constant 0 : i32
    %dma_start3A_91 = tpu.memref_slice %arg15[%dma_start3A_90] : memref<20352xf32, #tpu.memory_space<vmem>> -> memref<20224xf32, #tpu.memory_space<vmem>>
    %dma_start3A_92 = tpu.memref_slice %arg6[%add3A_85, %multiple_of3A_75] : memref<64x100000xf32, #tpu.memory_space<hbm>> -> memref<1x20224xf32, #tpu.memory_space<hbm>>
    %dma_start3A_93 = tpu.memref_squeeze %dma_start3A_92 : memref<1x20224xf32, #tpu.memory_space<hbm>> -> memref<20224xf32, #tpu.memory_space<hbm>>
    tpu.enqueue_dma source(%dma_start3A_93 : memref<20224xf32, #tpu.memory_space<hbm>>) target(%dma_start3A_91 : memref<20224xf32, #tpu.memory_space<vmem>>) target_semaphore(%arg21 : memref<!tpu.dma_semaphore, #tpu.memory_space<semaphore_mem>>)
    %scan3A_94 = arith.constant 0 : i32
    %scan3A_95 = arith.constant 0 : i32
    %scan3A_96 = arith.constant 2 : i32
    %scan3A_97 = arith.addi %scan3A_95, %scan3A_96 : i32
    %scan3A_98 = arith.constant 1 : i32
    scf.for %scan3A_242 = %scan3A_95 to %scan3A_97 step %scan3A_98  : i32 {
      %mul3A_243 = arith.constant 2 : i32
      %mul3A_244 = arith.muli %scan3A_242, %mul3A_243 : i32
      %add3A_245 = arith.constant 1 : i32
      %add3A_246 = arith.addi %mul3A_244, %add3A_245 : i32
      %lt3A = arith.constant 4 : i32
      %lt3A_247 = arith.cmpi slt, %add3A_246, %lt3A : i32
      %convert_element_type3A = arith.extui %lt3A_247 : i1 to i32
      %cond3A = arith.constant 0 : i32
      %cond3A_248 = arith.cmpi ne, %convert_element_type3A, %cond3A : i32
      scf.if %cond3A_248 {
        %add3A_285 = arith.constant 1 : i32
        %add3A_286 = arith.addi %mul3A_244, %add3A_285 : i32
        %mul3A_287 = arith.constant 20224 : i32
        %mul3A_288 = arith.muli %add3A_286, %mul3A_287 : i32
        %multiple_of3A_289 = tpu.assume_multiple %mul3A_288, 20224 : i32
        %dma_start3A_290 = arith.constant 0 : i32
        %dma_start3A_291 = tpu.memref_slice %arg16[%dma_start3A_290] : memref<20352xf32, #tpu.memory_space<vmem>> -> memref<20224xf32, #tpu.memory_space<vmem>>
        %dma_start3A_292 = tpu.memref_slice %arg6[%mul3A_2, %multiple_of3A_289] : memref<64x100000xf32, #tpu.memory_space<hbm>> -> memref<1x20224xf32, #tpu.memory_space<hbm>>
        %dma_start3A_293 = tpu.memref_squeeze %dma_start3A_292 : memref<1x20224xf32, #tpu.memory_space<hbm>> -> memref<20224xf32, #tpu.memory_space<hbm>>
        %dma_start3A_294 = arith.constant 0 : i32
        %dma_start3A_295 = tpu.memref_slice %arg16[%dma_start3A_294] : memref<20352xf32, #tpu.memory_space<vmem>> -> memref<20224xf32, #tpu.memory_space<vmem>>
        %dma_start3A_296 = tpu.memref_slice %arg6[%mul3A_2, %multiple_of3A_289] : memref<64x100000xf32, #tpu.memory_space<hbm>> -> memref<1x20224xf32, #tpu.memory_space<hbm>>
        %dma_start3A_297 = tpu.memref_squeeze %dma_start3A_296 : memref<1x20224xf32, #tpu.memory_space<hbm>> -> memref<20224xf32, #tpu.memory_space<hbm>>
        tpu.enqueue_dma source(%dma_start3A_297 : memref<20224xf32, #tpu.memory_space<hbm>>) target(%dma_start3A_295 : memref<20224xf32, #tpu.memory_space<vmem>>) target_semaphore(%arg22 : memref<!tpu.dma_semaphore, #tpu.memory_space<semaphore_mem>>)
        %add3A_298 = arith.constant 1 : i32
        %add3A_299 = arith.addi %mul3A_2, %add3A_298 : i32
        %dma_start3A_300 = arith.constant 0 : i32
        %dma_start3A_301 = tpu.memref_slice %arg17[%dma_start3A_300] : memref<20352xf32, #tpu.memory_space<vmem>> -> memref<20224xf32, #tpu.memory_space<vmem>>
        %dma_start3A_302 = tpu.memref_slice %arg6[%add3A_299, %multiple_of3A_289] : memref<64x100000xf32, #tpu.memory_space<hbm>> -> memref<1x20224xf32, #tpu.memory_space<hbm>>
        %dma_start3A_303 = tpu.memref_squeeze %dma_start3A_302 : memref<1x20224xf32, #tpu.memory_space<hbm>> -> memref<20224xf32, #tpu.memory_space<hbm>>
        %dma_start3A_304 = arith.constant 0 : i32
        %dma_start3A_305 = tpu.memref_slice %arg17[%dma_start3A_304] : memref<20352xf32, #tpu.memory_space<vmem>> -> memref<20224xf32, #tpu.memory_space<vmem>>
        %dma_start3A_306 = tpu.memref_slice %arg6[%add3A_299, %multiple_of3A_289] : memref<64x100000xf32, #tpu.memory_space<hbm>> -> memref<1x20224xf32, #tpu.memory_space<hbm>>
        %dma_start3A_307 = tpu.memref_squeeze %dma_start3A_306 : memref<1x20224xf32, #tpu.memory_space<hbm>> -> memref<20224xf32, #tpu.memory_space<hbm>>
        tpu.enqueue_dma source(%dma_start3A_307 : memref<20224xf32, #tpu.memory_space<hbm>>) target(%dma_start3A_305 : memref<20224xf32, #tpu.memory_space<vmem>>) target_semaphore(%arg22 : memref<!tpu.dma_semaphore, #tpu.memory_space<semaphore_mem>>)
      } else {
      }
      %dma_wait3A_249 = arith.constant 0 : i32
      %dma_wait3A_250 = tpu.memref_slice %arg14[%dma_wait3A_249] : memref<20352xf32, #tpu.memory_space<vmem>> -> memref<20224xf32, #tpu.memory_space<vmem>>
      %dma_wait3A_251 = arith.constant 0 : i32
      %dma_wait3A_252 = tpu.memref_slice %arg6[%mul3A_2, %dma_wait3A_251] : memref<64x100000xf32, #tpu.memory_space<hbm>> -> memref<1x20224xf32, #tpu.memory_space<hbm>>
      %dma_wait3A_253 = tpu.memref_squeeze %dma_wait3A_252 : memref<1x20224xf32, #tpu.memory_space<hbm>> -> memref<20224xf32, #tpu.memory_space<hbm>>
      %dma_wait3A_254 = arith.constant 0 : i32
      %dma_wait3A_255 = tpu.memref_slice %arg14[%dma_wait3A_254] : memref<20352xf32, #tpu.memory_space<vmem>> -> memref<20224xf32, #tpu.memory_space<vmem>>
      %dma_wait3A_256 = arith.constant 0 : i32
      %dma_wait3A_257 = tpu.memref_slice %arg6[%mul3A_2, %dma_wait3A_256] : memref<64x100000xf32, #tpu.memory_space<hbm>> -> memref<1x20224xf32, #tpu.memory_space<hbm>>
      %dma_wait3A_258 = tpu.memref_squeeze %dma_wait3A_257 : memref<1x20224xf32, #tpu.memory_space<hbm>> -> memref<20224xf32, #tpu.memory_space<hbm>>
      tpu.wait_dma2 semaphore(%arg21 : memref<!tpu.dma_semaphore, #tpu.memory_space<semaphore_mem>>) src(%dma_wait3A_258 : memref<20224xf32, #tpu.memory_space<hbm>>) dst(%dma_wait3A_255 : memref<20224xf32, #tpu.memory_space<vmem>>)
      %dma_wait3A_259 = arith.constant 0 : i32
      %dma_wait3A_260 = tpu.memref_slice %arg15[%dma_wait3A_259] : memref<20352xf32, #tpu.memory_space<vmem>> -> memref<20224xf32, #tpu.memory_space<vmem>>
      %dma_wait3A_261 = arith.constant 0 : i32
      %dma_wait3A_262 = tpu.memref_slice %arg6[%mul3A_2, %dma_wait3A_261] : memref<64x100000xf32, #tpu.memory_space<hbm>> -> memref<1x20224xf32, #tpu.memory_space<hbm>>
      %dma_wait3A_263 = tpu.memref_squeeze %dma_wait3A_262 : memref<1x20224xf32, #tpu.memory_space<hbm>> -> memref<20224xf32, #tpu.memory_space<hbm>>
      %dma_wait3A_264 = arith.constant 0 : i32
      %dma_wait3A_265 = tpu.memref_slice %arg15[%dma_wait3A_264] : memref<20352xf32, #tpu.memory_space<vmem>> -> memref<20224xf32, #tpu.memory_space<vmem>>
      %dma_wait3A_266 = arith.constant 0 : i32
      %dma_wait3A_267 = tpu.memref_slice %arg6[%mul3A_2, %dma_wait3A_266] : memref<64x100000xf32, #tpu.memory_space<hbm>> -> memref<1x20224xf32, #tpu.memory_space<hbm>>
      %dma_wait3A_268 = tpu.memref_squeeze %dma_wait3A_267 : memref<1x20224xf32, #tpu.memory_space<hbm>> -> memref<20224xf32, #tpu.memory_space<hbm>>
      tpu.wait_dma2 semaphore(%arg21 : memref<!tpu.dma_semaphore, #tpu.memory_space<semaphore_mem>>) src(%dma_wait3A_268 : memref<20224xf32, #tpu.memory_space<hbm>>) dst(%dma_wait3A_265 : memref<20224xf32, #tpu.memory_space<vmem>>)
      %mul3A_269 = arith.constant 20224 : i32
      %mul3A_270 = arith.muli %mul3A_244, %mul3A_269 : i32
      %scan3A_271 = arith.constant 0 : i32
      %scan3A_272 = arith.constant 20224 : i32
      %scan3A_273 = arith.constant 0 : i32
      %scan3A_274 = arith.constant 128 : i32
      %scan3A_275 = arith.addi %scan3A_273, %scan3A_274 : i32
      %scan3A_276 = arith.constant 1 : i32
      scf.for %scan3A_285 = %scan3A_273 to %scan3A_275 step %scan3A_276  : i32 {
        %mul3A_286 = arith.constant 128 : i32
        %mul3A_287 = arith.muli %scan3A_285, %mul3A_286 : i32
        %add3A_288 = vector.broadcast %mul3A_287 : i32 to vector<16xi32>
        %add3A_289 = arith.addi %add3A_288, %iota3A : vector<16xi32>
        %mul3A_290 = arith.constant 128 : i32
        %mul3A_291 = arith.muli %scan3A_285, %mul3A_290 : i32
        %add3A_292 = arith.constant 0 : i32
        %add3A_293 = arith.addi %mul3A_291, %add3A_292 : i32
        %get3A = arith.index_cast %add3A_293 : i32 to index
        %get3A_294 = tpu.vector_load %arg18[%get3A] {strides = array<i32>} : memref<16384xi32, #tpu.memory_space<vmem>>, vector<16xi32>,
        %mul3A_295 = arith.constant 128 : i32
        %mul3A_296 = arith.muli %scan3A_285, %mul3A_295 : i32
        %add3A_297 = arith.constant 16 : i32
        %add3A_298 = arith.addi %mul3A_296, %add3A_297 : i32
        %get3A_299 = arith.index_cast %add3A_298 : i32 to index
        %get3A_300 = tpu.vector_load %arg18[%get3A_299] {strides = array<i32>} : memref<16384xi32, #tpu.memory_space<vmem>>, vector<16xi32>,
        %mul3A_301 = arith.constant 128 : i32
        %mul3A_302 = arith.muli %scan3A_285, %mul3A_301 : i32
        %add3A_303 = arith.constant 32 : i32
        %add3A_304 = arith.addi %mul3A_302, %add3A_303 : i32
        %get3A_305 = arith.index_cast %add3A_304 : i32 to index
        %get3A_306 = tpu.vector_load %arg18[%get3A_305] {strides = array<i32>} : memref<16384xi32, #tpu.memory_space<vmem>>, vector<16xi32>,
        %mul3A_307 = arith.constant 128 : i32
        %mul3A_308 = arith.muli %scan3A_285, %mul3A_307 : i32
        %add3A_309 = arith.constant 48 : i32
        %add3A_310 = arith.addi %mul3A_308, %add3A_309 : i32
        %get3A_311 = arith.index_cast %add3A_310 : i32 to index
        %get3A_312 = tpu.vector_load %arg18[%get3A_311] {strides = array<i32>} : memref<16384xi32, #tpu.memory_space<vmem>>, vector<16xi32>,
        %mul3A_313 = arith.constant 128 : i32
        %mul3A_314 = arith.muli %scan3A_285, %mul3A_313 : i32
        %add3A_315 = arith.constant 64 : i32
        %add3A_316 = arith.addi %mul3A_314, %add3A_315 : i32
        %get3A_317 = arith.index_cast %add3A_316 : i32 to index
        %get3A_318 = tpu.vector_load %arg18[%get3A_317] {strides = array<i32>} : memref<16384xi32, #tpu.memory_space<vmem>>, vector<16xi32>,
        %mul3A_319 = arith.constant 128 : i32
        %mul3A_320 = arith.muli %scan3A_285, %mul3A_319 : i32
        %add3A_321 = arith.constant 80 : i32
        %add3A_322 = arith.addi %mul3A_320, %add3A_321 : i32
        %get3A_323 = arith.index_cast %add3A_322 : i32 to index
        %get3A_324 = tpu.vector_load %arg18[%get3A_323] {strides = array<i32>} : memref<16384xi32, #tpu.memory_space<vmem>>, vector<16xi32>,
        %mul3A_325 = arith.constant 128 : i32
        %mul3A_326 = arith.muli %scan3A_285, %mul3A_325 : i32
        %add3A_327 = arith.constant 96 : i32
        %add3A_328 = arith.addi %mul3A_326, %add3A_327 : i32
        %get3A_329 = arith.index_cast %add3A_328 : i32 to index
        %get3A_330 = tpu.vector_load %arg18[%get3A_329] {strides = array<i32>} : memref<16384xi32, #tpu.memory_space<vmem>>, vector<16xi32>,
        %mul3A_331 = arith.constant 128 : i32
        %mul3A_332 = arith.muli %scan3A_285, %mul3A_331 : i32
        %add3A_333 = arith.constant 112 : i32
        %add3A_334 = arith.addi %mul3A_332, %add3A_333 : i32
        %get3A_335 = arith.index_cast %add3A_334 : i32 to index
        %get3A_336 = tpu.vector_load %arg18[%get3A_335] {strides = array<i32>} : memref<16384xi32, #tpu.memory_space<vmem>>, vector<16xi32>,
        %sub3A = vector.broadcast %mul3A_270 : i32 to vector<16xi32>
        %sub3A_337 = arith.subi %get3A_294, %sub3A : vector<16xi32>
        %sub3A_338 = vector.broadcast %mul3A_270 : i32 to vector<16xi32>
        %sub3A_339 = arith.subi %get3A_300, %sub3A_338 : vector<16xi32>
        %sub3A_340 = vector.broadcast %mul3A_270 : i32 to vector<16xi32>
        %sub3A_341 = arith.subi %get3A_306, %sub3A_340 : vector<16xi32>
        %sub3A_342 = vector.broadcast %mul3A_270 : i32 to vector<16xi32>
        %sub3A_343 = arith.subi %get3A_312, %sub3A_342 : vector<16xi32>
        %sub3A_344 = vector.broadcast %mul3A_270 : i32 to vector<16xi32>
        %sub3A_345 = arith.subi %get3A_318, %sub3A_344 : vector<16xi32>
        %sub3A_346 = vector.broadcast %mul3A_270 : i32 to vector<16xi32>
        %sub3A_347 = arith.subi %get3A_324, %sub3A_346 : vector<16xi32>
        %sub3A_348 = vector.broadcast %mul3A_270 : i32 to vector<16xi32>
        %sub3A_349 = arith.subi %get3A_330, %sub3A_348 : vector<16xi32>
        %sub3A_350 = vector.broadcast %mul3A_270 : i32 to vector<16xi32>
        %sub3A_351 = arith.subi %get3A_336, %sub3A_350 : vector<16xi32>
        %lt3A_352 = vector.broadcast %scan3A_272 : i32 to vector<16xi32>
        %lt3A_353 = arith.cmpi ult, %sub3A_337, %lt3A_352 : vector<16xi32>
        %lt3A_354 = vector.broadcast %scan3A_272 : i32 to vector<16xi32>
        %lt3A_355 = arith.cmpi ult, %sub3A_339, %lt3A_354 : vector<16xi32>
        %lt3A_356 = vector.broadcast %scan3A_272 : i32 to vector<16xi32>
        %lt3A_357 = arith.cmpi ult, %sub3A_341, %lt3A_356 : vector<16xi32>
        %lt3A_358 = vector.broadcast %scan3A_272 : i32 to vector<16xi32>
        %lt3A_359 = arith.cmpi ult, %sub3A_343, %lt3A_358 : vector<16xi32>
        %lt3A_360 = vector.broadcast %scan3A_272 : i32 to vector<16xi32>
        %lt3A_361 = arith.cmpi ult, %sub3A_345, %lt3A_360 : vector<16xi32>
        %lt3A_362 = vector.broadcast %scan3A_272 : i32 to vector<16xi32>
        %lt3A_363 = arith.cmpi ult, %sub3A_347, %lt3A_362 : vector<16xi32>
        %lt3A_364 = vector.broadcast %scan3A_272 : i32 to vector<16xi32>
        %lt3A_365 = arith.cmpi ult, %sub3A_349, %lt3A_364 : vector<16xi32>
        %lt3A_366 = vector.broadcast %scan3A_272 : i32 to vector<16xi32>
        %lt3A_367 = arith.cmpi ult, %sub3A_351, %lt3A_366 : vector<16xi32>
        %and3A = arith.constant 65535 : i32
        %and3A_368 = vector.broadcast %and3A : i32 to vector<16xi32>
        %and3A_369 = arith.andi %sub3A_337, %and3A_368 : vector<16xi32>
        %and3A_370 = arith.constant 65535 : i32
        %and3A_371 = vector.broadcast %and3A_370 : i32 to vector<16xi32>
        %and3A_372 = arith.andi %sub3A_339, %and3A_371 : vector<16xi32>
        %and3A_373 = arith.constant 65535 : i32
        %and3A_374 = vector.broadcast %and3A_373 : i32 to vector<16xi32>
        %and3A_375 = arith.andi %sub3A_341, %and3A_374 : vector<16xi32>
        %and3A_376 = arith.constant 65535 : i32
        %and3A_377 = vector.broadcast %and3A_376 : i32 to vector<16xi32>
        %and3A_378 = arith.andi %sub3A_343, %and3A_377 : vector<16xi32>
        %and3A_379 = arith.constant 65535 : i32
        %and3A_380 = vector.broadcast %and3A_379 : i32 to vector<16xi32>
        %and3A_381 = arith.andi %sub3A_345, %and3A_380 : vector<16xi32>
        %and3A_382 = arith.constant 65535 : i32
        %and3A_383 = vector.broadcast %and3A_382 : i32 to vector<16xi32>
        %and3A_384 = arith.andi %sub3A_347, %and3A_383 : vector<16xi32>
        %and3A_385 = arith.constant 65535 : i32
        %and3A_386 = vector.broadcast %and3A_385 : i32 to vector<16xi32>
        %and3A_387 = arith.andi %sub3A_349, %and3A_386 : vector<16xi32>
        %and3A_388 = arith.constant 65535 : i32
        %and3A_389 = vector.broadcast %and3A_388 : i32 to vector<16xi32>
        %and3A_390 = arith.andi %sub3A_351, %and3A_389 : vector<16xi32>
        %gather3A = tpu.vector_load_idx %arg14[%and3A_369] masked %lt3A_353 : memref<20352xf32, #tpu.memory_space<vmem>>[vector<16xi32>], vector<16xf32>, vector<16xi1>
        %gather3A_391 = tpu.vector_load_idx %arg14[%and3A_372] masked %lt3A_355 : memref<20352xf32, #tpu.memory_space<vmem>>[vector<16xi32>], vector<16xf32>, vector<16xi1>
        %gather3A_392 = tpu.vector_load_idx %arg14[%and3A_375] masked %lt3A_357 : memref<20352xf32, #tpu.memory_space<vmem>>[vector<16xi32>], vector<16xf32>, vector<16xi1>
        %gather3A_393 = tpu.vector_load_idx %arg14[%and3A_378] masked %lt3A_359 : memref<20352xf32, #tpu.memory_space<vmem>>[vector<16xi32>], vector<16xf32>, vector<16xi1>
        %gather3A_394 = tpu.vector_load_idx %arg14[%and3A_381] masked %lt3A_361 : memref<20352xf32, #tpu.memory_space<vmem>>[vector<16xi32>], vector<16xf32>, vector<16xi1>
        %gather3A_395 = tpu.vector_load_idx %arg14[%and3A_384] masked %lt3A_363 : memref<20352xf32, #tpu.memory_space<vmem>>[vector<16xi32>], vector<16xf32>, vector<16xi1>
        %gather3A_396 = tpu.vector_load_idx %arg14[%and3A_387] masked %lt3A_365 : memref<20352xf32, #tpu.memory_space<vmem>>[vector<16xi32>], vector<16xf32>, vector<16xi1>
        %gather3A_397 = tpu.vector_load_idx %arg14[%and3A_390] masked %lt3A_367 : memref<20352xf32, #tpu.memory_space<vmem>>[vector<16xi32>], vector<16xf32>, vector<16xi1>
        %gather3A_398 = tpu.vector_load_idx %arg15[%and3A_369] masked %lt3A_353 : memref<20352xf32, #tpu.memory_space<vmem>>[vector<16xi32>], vector<16xf32>, vector<16xi1>
        %gather3A_399 = tpu.vector_load_idx %arg15[%and3A_372] masked %lt3A_355 : memref<20352xf32, #tpu.memory_space<vmem>>[vector<16xi32>], vector<16xf32>, vector<16xi1>
        %gather3A_400 = tpu.vector_load_idx %arg15[%and3A_375] masked %lt3A_357 : memref<20352xf32, #tpu.memory_space<vmem>>[vector<16xi32>], vector<16xf32>, vector<16xi1>
        %gather3A_401 = tpu.vector_load_idx %arg15[%and3A_378] masked %lt3A_359 : memref<20352xf32, #tpu.memory_space<vmem>>[vector<16xi32>], vector<16xf32>, vector<16xi1>
        %gather3A_402 = tpu.vector_load_idx %arg15[%and3A_381] masked %lt3A_361 : memref<20352xf32, #tpu.memory_space<vmem>>[vector<16xi32>], vector<16xf32>, vector<16xi1>
        %gather3A_403 = tpu.vector_load_idx %arg15[%and3A_384] masked %lt3A_363 : memref<20352xf32, #tpu.memory_space<vmem>>[vector<16xi32>], vector<16xf32>, vector<16xi1>
        %gather3A_404 = tpu.vector_load_idx %arg15[%and3A_387] masked %lt3A_365 : memref<20352xf32, #tpu.memory_space<vmem>>[vector<16xi32>], vector<16xf32>, vector<16xi1>
        %gather3A_405 = tpu.vector_load_idx %arg15[%and3A_390] masked %lt3A_367 : memref<20352xf32, #tpu.memory_space<vmem>>[vector<16xi32>], vector<16xf32>, vector<16xi1>
        %add3A_406 = arith.constant 0 : i32
        %add3A_407 = vector.broadcast %add3A_406 : i32 to vector<16xi32>
        %add3A_408 = arith.addi %add3A_289, %add3A_407 : vector<16xi32>
        tpu.vector_store_idx %arg19[%add3A_408], %gather3A masked %lt3A_353 : memref<16384xf32, #tpu.memory_space<vmem>>[vector<16xi32>], vector<16xf32>, vector<16xi1>
        %add3A_409 = arith.constant 0 : i32
        %add3A_410 = vector.broadcast %add3A_409 : i32 to vector<16xi32>
        %add3A_411 = arith.addi %add3A_289, %add3A_410 : vector<16xi32>
        tpu.vector_store_idx %arg20[%add3A_411], %gather3A_398 masked %lt3A_353 : memref<16384xf32, #tpu.memory_space<vmem>>[vector<16xi32>], vector<16xf32>, vector<16xi1>
        %add3A_412 = arith.constant 16 : i32
        %add3A_413 = vector.broadcast %add3A_412 : i32 to vector<16xi32>
        %add3A_414 = arith.addi %add3A_289, %add3A_413 : vector<16xi32>
        tpu.vector_store_idx %arg19[%add3A_414], %gather3A_391 masked %lt3A_355 : memref<16384xf32, #tpu.memory_space<vmem>>[vector<16xi32>], vector<16xf32>, vector<16xi1>
        %add3A_415 = arith.constant 16 : i32
        %add3A_416 = vector.broadcast %add3A_415 : i32 to vector<16xi32>
        %add3A_417 = arith.addi %add3A_289, %add3A_416 : vector<16xi32>
        tpu.vector_store_idx %arg20[%add3A_417], %gather3A_399 masked %lt3A_355 : memref<16384xf32, #tpu.memory_space<vmem>>[vector<16xi32>], vector<16xf32>, vector<16xi1>
        %add3A_418 = arith.constant 32 : i32
        %add3A_419 = vector.broadcast %add3A_418 : i32 to vector<16xi32>
        %add3A_420 = arith.addi %add3A_289, %add3A_419 : vector<16xi32>
        tpu.vector_store_idx %arg19[%add3A_420], %gather3A_392 masked %lt3A_357 : memref<16384xf32, #tpu.memory_space<vmem>>[vector<16xi32>], vector<16xf32>, vector<16xi1>
        %add3A_421 = arith.constant 32 : i32
        %add3A_422 = vector.broadcast %add3A_421 : i32 to vector<16xi32>
        %add3A_423 = arith.addi %add3A_289, %add3A_422 : vector<16xi32>
        tpu.vector_store_idx %arg20[%add3A_423], %gather3A_400 masked %lt3A_357 : memref<16384xf32, #tpu.memory_space<vmem>>[vector<16xi32>], vector<16xf32>, vector<16xi1>
        %add3A_424 = arith.constant 48 : i32
        %add3A_425 = vector.broadcast %add3A_424 : i32 to vector<16xi32>
        %add3A_426 = arith.addi %add3A_289, %add3A_425 : vector<16xi32>
        tpu.vector_store_idx %arg19[%add3A_426], %gather3A_393 masked %lt3A_359 : memref<16384xf32, #tpu.memory_space<vmem>>[vector<16xi32>], vector<16xf32>, vector<16xi1>
        %add3A_427 = arith.constant 48 : i32
        %add3A_428 = vector.broadcast %add3A_427 : i32 to vector<16xi32>
        %add3A_429 = arith.addi %add3A_289, %add3A_428 : vector<16xi32>
        tpu.vector_store_idx %arg20[%add3A_429], %gather3A_401 masked %lt3A_359 : memref<16384xf32, #tpu.memory_space<vmem>>[vector<16xi32>], vector<16xf32>, vector<16xi1>
        %add3A_430 = arith.constant 64 : i32
        %add3A_431 = vector.broadcast %add3A_430 : i32 to vector<16xi32>
        %add3A_432 = arith.addi %add3A_289, %add3A_431 : vector<16xi32>
        tpu.vector_store_idx %arg19[%add3A_432], %gather3A_394 masked %lt3A_361 : memref<16384xf32, #tpu.memory_space<vmem>>[vector<16xi32>], vector<16xf32>, vector<16xi1>
        %add3A_433 = arith.constant 64 : i32
        %add3A_434 = vector.broadcast %add3A_433 : i32 to vector<16xi32>
        %add3A_435 = arith.addi %add3A_289, %add3A_434 : vector<16xi32>
        tpu.vector_store_idx %arg20[%add3A_435], %gather3A_402 masked %lt3A_361 : memref<16384xf32, #tpu.memory_space<vmem>>[vector<16xi32>], vector<16xf32>, vector<16xi1>
        %add3A_436 = arith.constant 80 : i32
        %add3A_437 = vector.broadcast %add3A_436 : i32 to vector<16xi32>
        %add3A_438 = arith.addi %add3A_289, %add3A_437 : vector<16xi32>
        tpu.vector_store_idx %arg19[%add3A_438], %gather3A_395 masked %lt3A_363 : memref<16384xf32, #tpu.memory_space<vmem>>[vector<16xi32>], vector<16xf32>, vector<16xi1>
        %add3A_439 = arith.constant 80 : i32
        %add3A_440 = vector.broadcast %add3A_439 : i32 to vector<16xi32>
        %add3A_441 = arith.addi %add3A_289, %add3A_440 : vector<16xi32>
        tpu.vector_store_idx %arg20[%add3A_441], %gather3A_403 masked %lt3A_363 : memref<16384xf32, #tpu.memory_space<vmem>>[vector<16xi32>], vector<16xf32>, vector<16xi1>
        %add3A_442 = arith.constant 96 : i32
        %add3A_443 = vector.broadcast %add3A_442 : i32 to vector<16xi32>
        %add3A_444 = arith.addi %add3A_289, %add3A_443 : vector<16xi32>
        tpu.vector_store_idx %arg19[%add3A_444], %gather3A_396 masked %lt3A_365 : memref<16384xf32, #tpu.memory_space<vmem>>[vector<16xi32>], vector<16xf32>, vector<16xi1>
        %add3A_445 = arith.constant 96 : i32
        %add3A_446 = vector.broadcast %add3A_445 : i32 to vector<16xi32>
        %add3A_447 = arith.addi %add3A_289, %add3A_446 : vector<16xi32>
        tpu.vector_store_idx %arg20[%add3A_447], %gather3A_404 masked %lt3A_365 : memref<16384xf32, #tpu.memory_space<vmem>>[vector<16xi32>], vector<16xf32>, vector<16xi1>
        %add3A_448 = arith.constant 112 : i32
        %add3A_449 = vector.broadcast %add3A_448 : i32 to vector<16xi32>
        %add3A_450 = arith.addi %add3A_289, %add3A_449 : vector<16xi32>
        tpu.vector_store_idx %arg19[%add3A_450], %gather3A_397 masked %lt3A_367 : memref<16384xf32, #tpu.memory_space<vmem>>[vector<16xi32>], vector<16xf32>, vector<16xi1>
        %add3A_451 = arith.constant 112 : i32
        %add3A_452 = vector.broadcast %add3A_451 : i32 to vector<16xi32>
        %add3A_453 = arith.addi %add3A_289, %add3A_452 : vector<16xi32>
        tpu.vector_store_idx %arg20[%add3A_453], %gather3A_405 masked %lt3A_367 : memref<16384xf32, #tpu.memory_space<vmem>>[vector<16xi32>], vector<16xf32>, vector<16xi1>
      }
      %scan3A_277 = arith.constant 128 : i32
      %add3A_278 = arith.constant 1 : i32
      %add3A_279 = arith.addi %mul3A_244, %add3A_278 : i32
      %lt3A_280 = arith.constant 4 : i32
      %lt3A_281 = arith.cmpi slt, %add3A_279, %lt3A_280 : i32
      %convert_element_type3A_282 = arith.extui %lt3A_281 : i1 to i32
      %cond3A_283 = arith.constant 0 : i32
      %cond3A_284 = arith.cmpi ne, %convert_element_type3A_282, %cond3A_283 : i32
      scf.if %cond3A_284 {
        %add3A_285 = arith.constant 1 : i32
        %add3A_286 = arith.addi %mul3A_244, %add3A_285 : i32
        %add3A_287 = arith.constant 1 : i32
        %add3A_288 = arith.addi %add3A_286, %add3A_287 : i32
        %lt3A_289 = arith.constant 4 : i32
        %lt3A_290 = arith.cmpi slt, %add3A_288, %lt3A_289 : i32
        %convert_element_type3A_291 = arith.extui %lt3A_290 : i1 to i32
        %cond3A_292 = arith.constant 0 : i32
        %cond3A_293 = arith.cmpi ne, %convert_element_type3A_291, %cond3A_292 : i32
        scf.if %cond3A_293 {
          %add3A_329 = arith.constant 1 : i32
          %add3A_330 = arith.addi %add3A_286, %add3A_329 : i32
          %mul3A_331 = arith.constant 20224 : i32
          %mul3A_332 = arith.muli %add3A_330, %mul3A_331 : i32
          %multiple_of3A_333 = tpu.assume_multiple %mul3A_332, 20224 : i32
          %dma_start3A_334 = arith.constant 0 : i32
          %dma_start3A_335 = tpu.memref_slice %arg14[%dma_start3A_334] : memref<20352xf32, #tpu.memory_space<vmem>> -> memref<20224xf32, #tpu.memory_space<vmem>>
          %dma_start3A_336 = tpu.memref_slice %arg6[%mul3A_2, %multiple_of3A_333] : memref<64x100000xf32, #tpu.memory_space<hbm>> -> memref<1x20224xf32, #tpu.memory_space<hbm>>
          %dma_start3A_337 = tpu.memref_squeeze %dma_start3A_336 : memref<1x20224xf32, #tpu.memory_space<hbm>> -> memref<20224xf32, #tpu.memory_space<hbm>>
          %dma_start3A_338 = arith.constant 0 : i32
          %dma_start3A_339 = tpu.memref_slice %arg14[%dma_start3A_338] : memref<20352xf32, #tpu.memory_space<vmem>> -> memref<20224xf32, #tpu.memory_space<vmem>>
          %dma_start3A_340 = tpu.memref_slice %arg6[%mul3A_2, %multiple_of3A_333] : memref<64x100000xf32, #tpu.memory_space<hbm>> -> memref<1x20224xf32, #tpu.memory_space<hbm>>
          %dma_start3A_341 = tpu.memref_squeeze %dma_start3A_340 : memref<1x20224xf32, #tpu.memory_space<hbm>> -> memref<20224xf32, #tpu.memory_space<hbm>>
          tpu.enqueue_dma source(%dma_start3A_341 : memref<20224xf32, #tpu.memory_space<hbm>>) target(%dma_start3A_339 : memref<20224xf32, #tpu.memory_space<vmem>>) target_semaphore(%arg21 : memref<!tpu.dma_semaphore, #tpu.memory_space<semaphore_mem>>)
          %add3A_342 = arith.constant 1 : i32
          %add3A_343 = arith.addi %mul3A_2, %add3A_342 : i32
          %dma_start3A_344 = arith.constant 0 : i32
          %dma_start3A_345 = tpu.memref_slice %arg15[%dma_start3A_344] : memref<20352xf32, #tpu.memory_space<vmem>> -> memref<20224xf32, #tpu.memory_space<vmem>>
          %dma_start3A_346 = tpu.memref_slice %arg6[%add3A_343, %multiple_of3A_333] : memref<64x100000xf32, #tpu.memory_space<hbm>> -> memref<1x20224xf32, #tpu.memory_space<hbm>>
          %dma_start3A_347 = tpu.memref_squeeze %dma_start3A_346 : memref<1x20224xf32, #tpu.memory_space<hbm>> -> memref<20224xf32, #tpu.memory_space<hbm>>
          %dma_start3A_348 = arith.constant 0 : i32
          %dma_start3A_349 = tpu.memref_slice %arg15[%dma_start3A_348] : memref<20352xf32, #tpu.memory_space<vmem>> -> memref<20224xf32, #tpu.memory_space<vmem>>
          %dma_start3A_350 = tpu.memref_slice %arg6[%add3A_343, %multiple_of3A_333] : memref<64x100000xf32, #tpu.memory_space<hbm>> -> memref<1x20224xf32, #tpu.memory_space<hbm>>
          %dma_start3A_351 = tpu.memref_squeeze %dma_start3A_350 : memref<1x20224xf32, #tpu.memory_space<hbm>> -> memref<20224xf32, #tpu.memory_space<hbm>>
          tpu.enqueue_dma source(%dma_start3A_351 : memref<20224xf32, #tpu.memory_space<hbm>>) target(%dma_start3A_349 : memref<20224xf32, #tpu.memory_space<vmem>>) target_semaphore(%arg21 : memref<!tpu.dma_semaphore, #tpu.memory_space<semaphore_mem>>)
        } else {
        }
        %add3A_294 = arith.constant 1 : i32
        %add3A_295 = arith.addi %add3A_286, %add3A_294 : i32
        %eq3A = arith.constant 4 : i32
        %eq3A_296 = arith.cmpi eq, %add3A_295, %eq3A : i32
        %convert_element_type3A_297 = arith.extui %eq3A_296 : i1 to i32
        %cond3A_298 = arith.constant 0 : i32
        %cond3A_299 = arith.cmpi ne, %convert_element_type3A_297, %cond3A_298 : i32
        scf.if %cond3A_299 {
          %dma_start3A_329 = arith.constant 0 : i32
          %dma_start3A_330 = tpu.memref_slice %arg14[%dma_start3A_329] : memref<20352xf32, #tpu.memory_space<vmem>> -> memref<19072xf32, #tpu.memory_space<vmem>>
          %dma_start3A_331 = arith.constant 80896 : i32
          %dma_start3A_332 = tpu.memref_slice %arg6[%mul3A_2, %dma_start3A_331] : memref<64x100000xf32, #tpu.memory_space<hbm>> -> memref<1x19072xf32, #tpu.memory_space<hbm>>
          %dma_start3A_333 = tpu.memref_squeeze %dma_start3A_332 : memref<1x19072xf32, #tpu.memory_space<hbm>> -> memref<19072xf32, #tpu.memory_space<hbm>>
          %dma_start3A_334 = arith.constant 0 : i32
          %dma_start3A_335 = tpu.memref_slice %arg14[%dma_start3A_334] : memref<20352xf32, #tpu.memory_space<vmem>> -> memref<19072xf32, #tpu.memory_space<vmem>>
          %dma_start3A_336 = arith.constant 80896 : i32
          %dma_start3A_337 = tpu.memref_slice %arg6[%mul3A_2, %dma_start3A_336] : memref<64x100000xf32, #tpu.memory_space<hbm>> -> memref<1x19072xf32, #tpu.memory_space<hbm>>
          %dma_start3A_338 = tpu.memref_squeeze %dma_start3A_337 : memref<1x19072xf32, #tpu.memory_space<hbm>> -> memref<19072xf32, #tpu.memory_space<hbm>>
          tpu.enqueue_dma source(%dma_start3A_338 : memref<19072xf32, #tpu.memory_space<hbm>>) target(%dma_start3A_335 : memref<19072xf32, #tpu.memory_space<vmem>>) target_semaphore(%arg21 : memref<!tpu.dma_semaphore, #tpu.memory_space<semaphore_mem>>)
          %add3A_339 = arith.constant 1 : i32
          %add3A_340 = arith.addi %mul3A_2, %add3A_339 : i32
          %dma_start3A_341 = arith.constant 0 : i32
          %dma_start3A_342 = tpu.memref_slice %arg15[%dma_start3A_341] : memref<20352xf32, #tpu.memory_space<vmem>> -> memref<19072xf32, #tpu.memory_space<vmem>>
          %dma_start3A_343 = arith.constant 80896 : i32
          %dma_start3A_344 = tpu.memref_slice %arg6[%add3A_340, %dma_start3A_343] : memref<64x100000xf32, #tpu.memory_space<hbm>> -> memref<1x19072xf32, #tpu.memory_space<hbm>>
          %dma_start3A_345 = tpu.memref_squeeze %dma_start3A_344 : memref<1x19072xf32, #tpu.memory_space<hbm>> -> memref<19072xf32, #tpu.memory_space<hbm>>
          %dma_start3A_346 = arith.constant 0 : i32
          %dma_start3A_347 = tpu.memref_slice %arg15[%dma_start3A_346] : memref<20352xf32, #tpu.memory_space<vmem>> -> memref<19072xf32, #tpu.memory_space<vmem>>
          %dma_start3A_348 = arith.constant 80896 : i32
          %dma_start3A_349 = tpu.memref_slice %arg6[%add3A_340, %dma_start3A_348] : memref<64x100000xf32, #tpu.memory_space<hbm>> -> memref<1x19072xf32, #tpu.memory_space<hbm>>
          %dma_start3A_350 = tpu.memref_squeeze %dma_start3A_349 : memref<1x19072xf32, #tpu.memory_space<hbm>> -> memref<19072xf32, #tpu.memory_space<hbm>>
          tpu.enqueue_dma source(%dma_start3A_350 : memref<19072xf32, #tpu.memory_space<hbm>>) target(%dma_start3A_347 : memref<19072xf32, #tpu.memory_space<vmem>>) target_semaphore(%arg21 : memref<!tpu.dma_semaphore, #tpu.memory_space<semaphore_mem>>)
          %dma_start3A_351 = arith.constant 19072 : i32
          %dma_start3A_352 = tpu.memref_slice %arg14[%dma_start3A_351] : memref<20352xf32, #tpu.memory_space<vmem>> -> memref<128xf32, #tpu.memory_space<vmem>>
          %dma_start3A_353 = arith.constant 0 : i32
          %dma_start3A_354 = tpu.memref_slice %arg9[%mul3A_2, %dma_start3A_353] : memref<64x128xf32, #tpu.memory_space<hbm>> -> memref<1x128xf32, #tpu.memory_space<hbm>>
          %dma_start3A_355 = tpu.memref_squeeze %dma_start3A_354 : memref<1x128xf32, #tpu.memory_space<hbm>> -> memref<128xf32, #tpu.memory_space<hbm>>
          %dma_start3A_356 = arith.constant 19072 : i32
          %dma_start3A_357 = tpu.memref_slice %arg14[%dma_start3A_356] : memref<20352xf32, #tpu.memory_space<vmem>> -> memref<128xf32, #tpu.memory_space<vmem>>
          %dma_start3A_358 = arith.constant 0 : i32
          %dma_start3A_359 = tpu.memref_slice %arg9[%mul3A_2, %dma_start3A_358] : memref<64x128xf32, #tpu.memory_space<hbm>> -> memref<1x128xf32, #tpu.memory_space<hbm>>
          %dma_start3A_360 = tpu.memref_squeeze %dma_start3A_359 : memref<1x128xf32, #tpu.memory_space<hbm>> -> memref<128xf32, #tpu.memory_space<hbm>>
          tpu.enqueue_dma source(%dma_start3A_360 : memref<128xf32, #tpu.memory_space<hbm>>) target(%dma_start3A_357 : memref<128xf32, #tpu.memory_space<vmem>>) target_semaphore(%arg21 : memref<!tpu.dma_semaphore, #tpu.memory_space<semaphore_mem>>)
          %add3A_361 = arith.constant 1 : i32
          %add3A_362 = arith.addi %mul3A_2, %add3A_361 : i32
          %dma_start3A_363 = arith.constant 19072 : i32
          %dma_start3A_364 = tpu.memref_slice %arg15[%dma_start3A_363] : memref<20352xf32, #tpu.memory_space<vmem>> -> memref<128xf32, #tpu.memory_space<vmem>>
          %dma_start3A_365 = arith.constant 0 : i32
          %dma_start3A_366 = tpu.memref_slice %arg9[%add3A_362, %dma_start3A_365] : memref<64x128xf32, #tpu.memory_space<hbm>> -> memref<1x128xf32, #tpu.memory_space<hbm>>
          %dma_start3A_367 = tpu.memref_squeeze %dma_start3A_366 : memref<1x128xf32, #tpu.memory_space<hbm>> -> memref<128xf32, #tpu.memory_space<hbm>>
          %dma_start3A_368 = arith.constant 19072 : i32
          %dma_start3A_369 = tpu.memref_slice %arg15[%dma_start3A_368] : memref<20352xf32, #tpu.memory_space<vmem>> -> memref<128xf32, #tpu.memory_space<vmem>>
          %dma_start3A_370 = arith.constant 0 : i32
          %dma_start3A_371 = tpu.memref_slice %arg9[%add3A_362, %dma_start3A_370] : memref<64x128xf32, #tpu.memory_space<hbm>> -> memref<1x128xf32, #tpu.memory_space<hbm>>
          %dma_start3A_372 = tpu.memref_squeeze %dma_start3A_371 : memref<1x128xf32, #tpu.memory_space<hbm>> -> memref<128xf32, #tpu.memory_space<hbm>>
          tpu.enqueue_dma source(%dma_start3A_372 : memref<128xf32, #tpu.memory_space<hbm>>) target(%dma_start3A_369 : memref<128xf32, #tpu.memory_space<vmem>>) target_semaphore(%arg21 : memref<!tpu.dma_semaphore, #tpu.memory_space<semaphore_mem>>)
        } else {
        }
        %dma_wait3A_300 = arith.constant 0 : i32
        %dma_wait3A_301 = tpu.memref_slice %arg16[%dma_wait3A_300] : memref<20352xf32, #tpu.memory_space<vmem>> -> memref<20224xf32, #tpu.memory_space<vmem>>
        %dma_wait3A_302 = arith.constant 0 : i32
        %dma_wait3A_303 = tpu.memref_slice %arg6[%mul3A_2, %dma_wait3A_302] : memref<64x100000xf32, #tpu.memory_space<hbm>> -> memref<1x20224xf32, #tpu.memory_space<hbm>>
        %dma_wait3A_304 = tpu.memref_squeeze %dma_wait3A_303 : memref<1x20224xf32, #tpu.memory_space<hbm>> -> memref<20224xf32, #tpu.memory_space<hbm>>
        %dma_wait3A_305 = arith.constant 0 : i32
        %dma_wait3A_306 = tpu.memref_slice %arg16[%dma_wait3A_305] : memref<20352xf32, #tpu.memory_space<vmem>> -> memref<20224xf32, #tpu.memory_space<vmem>>
        %dma_wait3A_307 = arith.constant 0 : i32
        %dma_wait3A_308 = tpu.memref_slice %arg6[%mul3A_2, %dma_wait3A_307] : memref<64x100000xf32, #tpu.memory_space<hbm>> -> memref<1x20224xf32, #tpu.memory_space<hbm>>
        %dma_wait3A_309 = tpu.memref_squeeze %dma_wait3A_308 : memref<1x20224xf32, #tpu.memory_space<hbm>> -> memref<20224xf32, #tpu.memory_space<hbm>>
        tpu.wait_dma2 semaphore(%arg22 : memref<!tpu.dma_semaphore, #tpu.memory_space<semaphore_mem>>) src(%dma_wait3A_309 : memref<20224xf32, #tpu.memory_space<hbm>>) dst(%dma_wait3A_306 : memref<20224xf32, #tpu.memory_space<vmem>>)
        %dma_wait3A_310 = arith.constant 0 : i32
        %dma_wait3A_311 = tpu.memref_slice %arg17[%dma_wait3A_310] : memref<20352xf32, #tpu.memory_space<vmem>> -> memref<20224xf32, #tpu.memory_space<vmem>>
        %dma_wait3A_312 = arith.constant 0 : i32
        %dma_wait3A_313 = tpu.memref_slice %arg6[%mul3A_2, %dma_wait3A_312] : memref<64x100000xf32, #tpu.memory_space<hbm>> -> memref<1x20224xf32, #tpu.memory_space<hbm>>
        %dma_wait3A_314 = tpu.memref_squeeze %dma_wait3A_313 : memref<1x20224xf32, #tpu.memory_space<hbm>> -> memref<20224xf32, #tpu.memory_space<hbm>>
        %dma_wait3A_315 = arith.constant 0 : i32
        %dma_wait3A_316 = tpu.memref_slice %arg17[%dma_wait3A_315] : memref<20352xf32, #tpu.memory_space<vmem>> -> memref<20224xf32, #tpu.memory_space<vmem>>
        %dma_wait3A_317 = arith.constant 0 : i32
        %dma_wait3A_318 = tpu.memref_slice %arg6[%mul3A_2, %dma_wait3A_317] : memref<64x100000xf32, #tpu.memory_space<hbm>> -> memref<1x20224xf32, #tpu.memory_space<hbm>>
        %dma_wait3A_319 = tpu.memref_squeeze %dma_wait3A_318 : memref<1x20224xf32, #tpu.memory_space<hbm>> -> memref<20224xf32, #tpu.memory_space<hbm>>
        tpu.wait_dma2 semaphore(%arg22 : memref<!tpu.dma_semaphore, #tpu.memory_space<semaphore_mem>>) src(%dma_wait3A_319 : memref<20224xf32, #tpu.memory_space<hbm>>) dst(%dma_wait3A_316 : memref<20224xf32, #tpu.memory_space<vmem>>)
        %mul3A_320 = arith.constant 20224 : i32
        %mul3A_321 = arith.muli %add3A_286, %mul3A_320 : i32
        %scan3A_322 = arith.constant 0 : i32
        %scan3A_323 = arith.constant 20224 : i32
        %scan3A_324 = arith.constant 0 : i32
        %scan3A_325 = arith.constant 128 : i32
        %scan3A_326 = arith.addi %scan3A_324, %scan3A_325 : i32
        %scan3A_327 = arith.constant 1 : i32
        scf.for %scan3A_329 = %scan3A_324 to %scan3A_326 step %scan3A_327  : i32 {
          %mul3A_330 = arith.constant 128 : i32
          %mul3A_331 = arith.muli %scan3A_329, %mul3A_330 : i32
          %add3A_332 = vector.broadcast %mul3A_331 : i32 to vector<16xi32>
          %add3A_333 = arith.addi %add3A_332, %iota3A : vector<16xi32>
          %mul3A_334 = arith.constant 128 : i32
          %mul3A_335 = arith.muli %scan3A_329, %mul3A_334 : i32
          %add3A_336 = arith.constant 0 : i32
          %add3A_337 = arith.addi %mul3A_335, %add3A_336 : i32
          %get3A = arith.index_cast %add3A_337 : i32 to index
          %get3A_338 = tpu.vector_load %arg18[%get3A] {strides = array<i32>} : memref<16384xi32, #tpu.memory_space<vmem>>, vector<16xi32>,
          %mul3A_339 = arith.constant 128 : i32
          %mul3A_340 = arith.muli %scan3A_329, %mul3A_339 : i32
          %add3A_341 = arith.constant 16 : i32
          %add3A_342 = arith.addi %mul3A_340, %add3A_341 : i32
          %get3A_343 = arith.index_cast %add3A_342 : i32 to index
          %get3A_344 = tpu.vector_load %arg18[%get3A_343] {strides = array<i32>} : memref<16384xi32, #tpu.memory_space<vmem>>, vector<16xi32>,
          %mul3A_345 = arith.constant 128 : i32
          %mul3A_346 = arith.muli %scan3A_329, %mul3A_345 : i32
          %add3A_347 = arith.constant 32 : i32
          %add3A_348 = arith.addi %mul3A_346, %add3A_347 : i32
          %get3A_349 = arith.index_cast %add3A_348 : i32 to index
          %get3A_350 = tpu.vector_load %arg18[%get3A_349] {strides = array<i32>} : memref<16384xi32, #tpu.memory_space<vmem>>, vector<16xi32>,
          %mul3A_351 = arith.constant 128 : i32
          %mul3A_352 = arith.muli %scan3A_329, %mul3A_351 : i32
          %add3A_353 = arith.constant 48 : i32
          %add3A_354 = arith.addi %mul3A_352, %add3A_353 : i32
          %get3A_355 = arith.index_cast %add3A_354 : i32 to index
          %get3A_356 = tpu.vector_load %arg18[%get3A_355] {strides = array<i32>} : memref<16384xi32, #tpu.memory_space<vmem>>, vector<16xi32>,
          %mul3A_357 = arith.constant 128 : i32
          %mul3A_358 = arith.muli %scan3A_329, %mul3A_357 : i32
          %add3A_359 = arith.constant 64 : i32
          %add3A_360 = arith.addi %mul3A_358, %add3A_359 : i32
          %get3A_361 = arith.index_cast %add3A_360 : i32 to index
          %get3A_362 = tpu.vector_load %arg18[%get3A_361] {strides = array<i32>} : memref<16384xi32, #tpu.memory_space<vmem>>, vector<16xi32>,
          %mul3A_363 = arith.constant 128 : i32
          %mul3A_364 = arith.muli %scan3A_329, %mul3A_363 : i32
          %add3A_365 = arith.constant 80 : i32
          %add3A_366 = arith.addi %mul3A_364, %add3A_365 : i32
          %get3A_367 = arith.index_cast %add3A_366 : i32 to index
          %get3A_368 = tpu.vector_load %arg18[%get3A_367] {strides = array<i32>} : memref<16384xi32, #tpu.memory_space<vmem>>, vector<16xi32>,
          %mul3A_369 = arith.constant 128 : i32
          %mul3A_370 = arith.muli %scan3A_329, %mul3A_369 : i32
          %add3A_371 = arith.constant 96 : i32
          %add3A_372 = arith.addi %mul3A_370, %add3A_371 : i32
          %get3A_373 = arith.index_cast %add3A_372 : i32 to index
          %get3A_374 = tpu.vector_load %arg18[%get3A_373] {strides = array<i32>} : memref<16384xi32, #tpu.memory_space<vmem>>, vector<16xi32>,
          %mul3A_375 = arith.constant 128 : i32
          %mul3A_376 = arith.muli %scan3A_329, %mul3A_375 : i32
          %add3A_377 = arith.constant 112 : i32
          %add3A_378 = arith.addi %mul3A_376, %add3A_377 : i32
          %get3A_379 = arith.index_cast %add3A_378 : i32 to index
          %get3A_380 = tpu.vector_load %arg18[%get3A_379] {strides = array<i32>} : memref<16384xi32, #tpu.memory_space<vmem>>, vector<16xi32>,
          %sub3A = vector.broadcast %mul3A_321 : i32 to vector<16xi32>
          %sub3A_381 = arith.subi %get3A_338, %sub3A : vector<16xi32>
          %sub3A_382 = vector.broadcast %mul3A_321 : i32 to vector<16xi32>
          %sub3A_383 = arith.subi %get3A_344, %sub3A_382 : vector<16xi32>
          %sub3A_384 = vector.broadcast %mul3A_321 : i32 to vector<16xi32>
          %sub3A_385 = arith.subi %get3A_350, %sub3A_384 : vector<16xi32>
          %sub3A_386 = vector.broadcast %mul3A_321 : i32 to vector<16xi32>
          %sub3A_387 = arith.subi %get3A_356, %sub3A_386 : vector<16xi32>
          %sub3A_388 = vector.broadcast %mul3A_321 : i32 to vector<16xi32>
          %sub3A_389 = arith.subi %get3A_362, %sub3A_388 : vector<16xi32>
          %sub3A_390 = vector.broadcast %mul3A_321 : i32 to vector<16xi32>
          %sub3A_391 = arith.subi %get3A_368, %sub3A_390 : vector<16xi32>
          %sub3A_392 = vector.broadcast %mul3A_321 : i32 to vector<16xi32>
          %sub3A_393 = arith.subi %get3A_374, %sub3A_392 : vector<16xi32>
          %sub3A_394 = vector.broadcast %mul3A_321 : i32 to vector<16xi32>
          %sub3A_395 = arith.subi %get3A_380, %sub3A_394 : vector<16xi32>
          %lt3A_396 = vector.broadcast %scan3A_323 : i32 to vector<16xi32>
          %lt3A_397 = arith.cmpi ult, %sub3A_381, %lt3A_396 : vector<16xi32>
          %lt3A_398 = vector.broadcast %scan3A_323 : i32 to vector<16xi32>
          %lt3A_399 = arith.cmpi ult, %sub3A_383, %lt3A_398 : vector<16xi32>
          %lt3A_400 = vector.broadcast %scan3A_323 : i32 to vector<16xi32>
          %lt3A_401 = arith.cmpi ult, %sub3A_385, %lt3A_400 : vector<16xi32>
          %lt3A_402 = vector.broadcast %scan3A_323 : i32 to vector<16xi32>
          %lt3A_403 = arith.cmpi ult, %sub3A_387, %lt3A_402 : vector<16xi32>
          %lt3A_404 = vector.broadcast %scan3A_323 : i32 to vector<16xi32>
          %lt3A_405 = arith.cmpi ult, %sub3A_389, %lt3A_404 : vector<16xi32>
          %lt3A_406 = vector.broadcast %scan3A_323 : i32 to vector<16xi32>
          %lt3A_407 = arith.cmpi ult, %sub3A_391, %lt3A_406 : vector<16xi32>
          %lt3A_408 = vector.broadcast %scan3A_323 : i32 to vector<16xi32>
          %lt3A_409 = arith.cmpi ult, %sub3A_393, %lt3A_408 : vector<16xi32>
          %lt3A_410 = vector.broadcast %scan3A_323 : i32 to vector<16xi32>
          %lt3A_411 = arith.cmpi ult, %sub3A_395, %lt3A_410 : vector<16xi32>
          %and3A = arith.constant 65535 : i32
          %and3A_412 = vector.broadcast %and3A : i32 to vector<16xi32>
          %and3A_413 = arith.andi %sub3A_381, %and3A_412 : vector<16xi32>
          %and3A_414 = arith.constant 65535 : i32
          %and3A_415 = vector.broadcast %and3A_414 : i32 to vector<16xi32>
          %and3A_416 = arith.andi %sub3A_383, %and3A_415 : vector<16xi32>
          %and3A_417 = arith.constant 65535 : i32
          %and3A_418 = vector.broadcast %and3A_417 : i32 to vector<16xi32>
          %and3A_419 = arith.andi %sub3A_385, %and3A_418 : vector<16xi32>
          %and3A_420 = arith.constant 65535 : i32
          %and3A_421 = vector.broadcast %and3A_420 : i32 to vector<16xi32>
          %and3A_422 = arith.andi %sub3A_387, %and3A_421 : vector<16xi32>
          %and3A_423 = arith.constant 65535 : i32
          %and3A_424 = vector.broadcast %and3A_423 : i32 to vector<16xi32>
          %and3A_425 = arith.andi %sub3A_389, %and3A_424 : vector<16xi32>
          %and3A_426 = arith.constant 65535 : i32
          %and3A_427 = vector.broadcast %and3A_426 : i32 to vector<16xi32>
          %and3A_428 = arith.andi %sub3A_391, %and3A_427 : vector<16xi32>
          %and3A_429 = arith.constant 65535 : i32
          %and3A_430 = vector.broadcast %and3A_429 : i32 to vector<16xi32>
          %and3A_431 = arith.andi %sub3A_393, %and3A_430 : vector<16xi32>
          %and3A_432 = arith.constant 65535 : i32
          %and3A_433 = vector.broadcast %and3A_432 : i32 to vector<16xi32>
          %and3A_434 = arith.andi %sub3A_395, %and3A_433 : vector<16xi32>
          %gather3A = tpu.vector_load_idx %arg16[%and3A_413] masked %lt3A_397 : memref<20352xf32, #tpu.memory_space<vmem>>[vector<16xi32>], vector<16xf32>, vector<16xi1>
          %gather3A_435 = tpu.vector_load_idx %arg16[%and3A_416] masked %lt3A_399 : memref<20352xf32, #tpu.memory_space<vmem>>[vector<16xi32>], vector<16xf32>, vector<16xi1>
          %gather3A_436 = tpu.vector_load_idx %arg16[%and3A_419] masked %lt3A_401 : memref<20352xf32, #tpu.memory_space<vmem>>[vector<16xi32>], vector<16xf32>, vector<16xi1>
          %gather3A_437 = tpu.vector_load_idx %arg16[%and3A_422] masked %lt3A_403 : memref<20352xf32, #tpu.memory_space<vmem>>[vector<16xi32>], vector<16xf32>, vector<16xi1>
          %gather3A_438 = tpu.vector_load_idx %arg16[%and3A_425] masked %lt3A_405 : memref<20352xf32, #tpu.memory_space<vmem>>[vector<16xi32>], vector<16xf32>, vector<16xi1>
          %gather3A_439 = tpu.vector_load_idx %arg16[%and3A_428] masked %lt3A_407 : memref<20352xf32, #tpu.memory_space<vmem>>[vector<16xi32>], vector<16xf32>, vector<16xi1>
          %gather3A_440 = tpu.vector_load_idx %arg16[%and3A_431] masked %lt3A_409 : memref<20352xf32, #tpu.memory_space<vmem>>[vector<16xi32>], vector<16xf32>, vector<16xi1>
          %gather3A_441 = tpu.vector_load_idx %arg16[%and3A_434] masked %lt3A_411 : memref<20352xf32, #tpu.memory_space<vmem>>[vector<16xi32>], vector<16xf32>, vector<16xi1>
          %gather3A_442 = tpu.vector_load_idx %arg17[%and3A_413] masked %lt3A_397 : memref<20352xf32, #tpu.memory_space<vmem>>[vector<16xi32>], vector<16xf32>, vector<16xi1>
          %gather3A_443 = tpu.vector_load_idx %arg17[%and3A_416] masked %lt3A_399 : memref<20352xf32, #tpu.memory_space<vmem>>[vector<16xi32>], vector<16xf32>, vector<16xi1>
          %gather3A_444 = tpu.vector_load_idx %arg17[%and3A_419] masked %lt3A_401 : memref<20352xf32, #tpu.memory_space<vmem>>[vector<16xi32>], vector<16xf32>, vector<16xi1>
          %gather3A_445 = tpu.vector_load_idx %arg17[%and3A_422] masked %lt3A_403 : memref<20352xf32, #tpu.memory_space<vmem>>[vector<16xi32>], vector<16xf32>, vector<16xi1>
          %gather3A_446 = tpu.vector_load_idx %arg17[%and3A_425] masked %lt3A_405 : memref<20352xf32, #tpu.memory_space<vmem>>[vector<16xi32>], vector<16xf32>, vector<16xi1>
          %gather3A_447 = tpu.vector_load_idx %arg17[%and3A_428] masked %lt3A_407 : memref<20352xf32, #tpu.memory_space<vmem>>[vector<16xi32>], vector<16xf32>, vector<16xi1>
          %gather3A_448 = tpu.vector_load_idx %arg17[%and3A_431] masked %lt3A_409 : memref<20352xf32, #tpu.memory_space<vmem>>[vector<16xi32>], vector<16xf32>, vector<16xi1>
          %gather3A_449 = tpu.vector_load_idx %arg17[%and3A_434] masked %lt3A_411 : memref<20352xf32, #tpu.memory_space<vmem>>[vector<16xi32>], vector<16xf32>, vector<16xi1>
          %add3A_450 = arith.constant 0 : i32
          %add3A_451 = vector.broadcast %add3A_450 : i32 to vector<16xi32>
          %add3A_452 = arith.addi %add3A_333, %add3A_451 : vector<16xi32>
          tpu.vector_store_idx %arg19[%add3A_452], %gather3A masked %lt3A_397 : memref<16384xf32, #tpu.memory_space<vmem>>[vector<16xi32>], vector<16xf32>, vector<16xi1>
          %add3A_453 = arith.constant 0 : i32
          %add3A_454 = vector.broadcast %add3A_453 : i32 to vector<16xi32>
          %add3A_455 = arith.addi %add3A_333, %add3A_454 : vector<16xi32>
          tpu.vector_store_idx %arg20[%add3A_455], %gather3A_442 masked %lt3A_397 : memref<16384xf32, #tpu.memory_space<vmem>>[vector<16xi32>], vector<16xf32>, vector<16xi1>
          %add3A_456 = arith.constant 16 : i32
          %add3A_457 = vector.broadcast %add3A_456 : i32 to vector<16xi32>
          %add3A_458 = arith.addi %add3A_333, %add3A_457 : vector<16xi32>
          tpu.vector_store_idx %arg19[%add3A_458], %gather3A_435 masked %lt3A_399 : memref<16384xf32, #tpu.memory_space<vmem>>[vector<16xi32>], vector<16xf32>, vector<16xi1>
          %add3A_459 = arith.constant 16 : i32
          %add3A_460 = vector.broadcast %add3A_459 : i32 to vector<16xi32>
          %add3A_461 = arith.addi %add3A_333, %add3A_460 : vector<16xi32>
          tpu.vector_store_idx %arg20[%add3A_461], %gather3A_443 masked %lt3A_399 : memref<16384xf32, #tpu.memory_space<vmem>>[vector<16xi32>], vector<16xf32>, vector<16xi1>
          %add3A_462 = arith.constant 32 : i32
          %add3A_463 = vector.broadcast %add3A_462 : i32 to vector<16xi32>
          %add3A_464 = arith.addi %add3A_333, %add3A_463 : vector<16xi32>
          tpu.vector_store_idx %arg19[%add3A_464], %gather3A_436 masked %lt3A_401 : memref<16384xf32, #tpu.memory_space<vmem>>[vector<16xi32>], vector<16xf32>, vector<16xi1>
          %add3A_465 = arith.constant 32 : i32
          %add3A_466 = vector.broadcast %add3A_465 : i32 to vector<16xi32>
          %add3A_467 = arith.addi %add3A_333, %add3A_466 : vector<16xi32>
          tpu.vector_store_idx %arg20[%add3A_467], %gather3A_444 masked %lt3A_401 : memref<16384xf32, #tpu.memory_space<vmem>>[vector<16xi32>], vector<16xf32>, vector<16xi1>
          %add3A_468 = arith.constant 48 : i32
          %add3A_469 = vector.broadcast %add3A_468 : i32 to vector<16xi32>
          %add3A_470 = arith.addi %add3A_333, %add3A_469 : vector<16xi32>
          tpu.vector_store_idx %arg19[%add3A_470], %gather3A_437 masked %lt3A_403 : memref<16384xf32, #tpu.memory_space<vmem>>[vector<16xi32>], vector<16xf32>, vector<16xi1>
          %add3A_471 = arith.constant 48 : i32
          %add3A_472 = vector.broadcast %add3A_471 : i32 to vector<16xi32>
          %add3A_473 = arith.addi %add3A_333, %add3A_472 : vector<16xi32>
          tpu.vector_store_idx %arg20[%add3A_473], %gather3A_445 masked %lt3A_403 : memref<16384xf32, #tpu.memory_space<vmem>>[vector<16xi32>], vector<16xf32>, vector<16xi1>
          %add3A_474 = arith.constant 64 : i32
          %add3A_475 = vector.broadcast %add3A_474 : i32 to vector<16xi32>
          %add3A_476 = arith.addi %add3A_333, %add3A_475 : vector<16xi32>
          tpu.vector_store_idx %arg19[%add3A_476], %gather3A_438 masked %lt3A_405 : memref<16384xf32, #tpu.memory_space<vmem>>[vector<16xi32>], vector<16xf32>, vector<16xi1>
          %add3A_477 = arith.constant 64 : i32
          %add3A_478 = vector.broadcast %add3A_477 : i32 to vector<16xi32>
          %add3A_479 = arith.addi %add3A_333, %add3A_478 : vector<16xi32>
          tpu.vector_store_idx %arg20[%add3A_479], %gather3A_446 masked %lt3A_405 : memref<16384xf32, #tpu.memory_space<vmem>>[vector<16xi32>], vector<16xf32>, vector<16xi1>
          %add3A_480 = arith.constant 80 : i32
          %add3A_481 = vector.broadcast %add3A_480 : i32 to vector<16xi32>
          %add3A_482 = arith.addi %add3A_333, %add3A_481 : vector<16xi32>
          tpu.vector_store_idx %arg19[%add3A_482], %gather3A_439 masked %lt3A_407 : memref<16384xf32, #tpu.memory_space<vmem>>[vector<16xi32>], vector<16xf32>, vector<16xi1>
          %add3A_483 = arith.constant 80 : i32
          %add3A_484 = vector.broadcast %add3A_483 : i32 to vector<16xi32>
          %add3A_485 = arith.addi %add3A_333, %add3A_484 : vector<16xi32>
          tpu.vector_store_idx %arg20[%add3A_485], %gather3A_447 masked %lt3A_407 : memref<16384xf32, #tpu.memory_space<vmem>>[vector<16xi32>], vector<16xf32>, vector<16xi1>
          %add3A_486 = arith.constant 96 : i32
          %add3A_487 = vector.broadcast %add3A_486 : i32 to vector<16xi32>
          %add3A_488 = arith.addi %add3A_333, %add3A_487 : vector<16xi32>
          tpu.vector_store_idx %arg19[%add3A_488], %gather3A_440 masked %lt3A_409 : memref<16384xf32, #tpu.memory_space<vmem>>[vector<16xi32>], vector<16xf32>, vector<16xi1>
          %add3A_489 = arith.constant 96 : i32
          %add3A_490 = vector.broadcast %add3A_489 : i32 to vector<16xi32>
          %add3A_491 = arith.addi %add3A_333, %add3A_490 : vector<16xi32>
          tpu.vector_store_idx %arg20[%add3A_491], %gather3A_448 masked %lt3A_409 : memref<16384xf32, #tpu.memory_space<vmem>>[vector<16xi32>], vector<16xf32>, vector<16xi1>
          %add3A_492 = arith.constant 112 : i32
          %add3A_493 = vector.broadcast %add3A_492 : i32 to vector<16xi32>
          %add3A_494 = arith.addi %add3A_333, %add3A_493 : vector<16xi32>
          tpu.vector_store_idx %arg19[%add3A_494], %gather3A_441 masked %lt3A_411 : memref<16384xf32, #tpu.memory_space<vmem>>[vector<16xi32>], vector<16xf32>, vector<16xi1>
          %add3A_495 = arith.constant 112 : i32
          %add3A_496 = vector.broadcast %add3A_495 : i32 to vector<16xi32>
          %add3A_497 = arith.addi %add3A_333, %add3A_496 : vector<16xi32>
          tpu.vector_store_idx %arg20[%add3A_497], %gather3A_449 masked %lt3A_411 : memref<16384xf32, #tpu.memory_space<vmem>>[vector<16xi32>], vector<16xf32>, vector<16xi1>
        }
        %scan3A_328 = arith.constant 128 : i32
      } else {
      }
    }
    %scan3A_99 = arith.constant 2 : i32
    %dma_wait3A_100 = arith.constant 0 : i32
    %dma_wait3A_101 = tpu.memref_slice %arg14[%dma_wait3A_100] : memref<20352xf32, #tpu.memory_space<vmem>> -> memref<19072xf32, #tpu.memory_space<vmem>>
    %dma_wait3A_102 = arith.constant 0 : i32
    %dma_wait3A_103 = tpu.memref_slice %arg6[%mul3A_2, %dma_wait3A_102] : memref<64x100000xf32, #tpu.memory_space<hbm>> -> memref<1x19072xf32, #tpu.memory_space<hbm>>
    %dma_wait3A_104 = tpu.memref_squeeze %dma_wait3A_103 : memref<1x19072xf32, #tpu.memory_space<hbm>> -> memref<19072xf32, #tpu.memory_space<hbm>>
    %dma_wait3A_105 = arith.constant 0 : i32
    %dma_wait3A_106 = tpu.memref_slice %arg14[%dma_wait3A_105] : memref<20352xf32, #tpu.memory_space<vmem>> -> memref<19072xf32, #tpu.memory_space<vmem>>
    %dma_wait3A_107 = arith.constant 0 : i32
    %dma_wait3A_108 = tpu.memref_slice %arg6[%mul3A_2, %dma_wait3A_107] : memref<64x100000xf32, #tpu.memory_space<hbm>> -> memref<1x19072xf32, #tpu.memory_space<hbm>>
    %dma_wait3A_109 = tpu.memref_squeeze %dma_wait3A_108 : memref<1x19072xf32, #tpu.memory_space<hbm>> -> memref<19072xf32, #tpu.memory_space<hbm>>
    tpu.wait_dma2 semaphore(%arg21 : memref<!tpu.dma_semaphore, #tpu.memory_space<semaphore_mem>>) src(%dma_wait3A_109 : memref<19072xf32, #tpu.memory_space<hbm>>) dst(%dma_wait3A_106 : memref<19072xf32, #tpu.memory_space<vmem>>)
    %dma_wait3A_110 = arith.constant 0 : i32
    %dma_wait3A_111 = tpu.memref_slice %arg15[%dma_wait3A_110] : memref<20352xf32, #tpu.memory_space<vmem>> -> memref<19072xf32, #tpu.memory_space<vmem>>
    %dma_wait3A_112 = arith.constant 0 : i32
    %dma_wait3A_113 = tpu.memref_slice %arg6[%mul3A_2, %dma_wait3A_112] : memref<64x100000xf32, #tpu.memory_space<hbm>> -> memref<1x19072xf32, #tpu.memory_space<hbm>>
    %dma_wait3A_114 = tpu.memref_squeeze %dma_wait3A_113 : memref<1x19072xf32, #tpu.memory_space<hbm>> -> memref<19072xf32, #tpu.memory_space<hbm>>
    %dma_wait3A_115 = arith.constant 0 : i32
    %dma_wait3A_116 = tpu.memref_slice %arg15[%dma_wait3A_115] : memref<20352xf32, #tpu.memory_space<vmem>> -> memref<19072xf32, #tpu.memory_space<vmem>>
    %dma_wait3A_117 = arith.constant 0 : i32
    %dma_wait3A_118 = tpu.memref_slice %arg6[%mul3A_2, %dma_wait3A_117] : memref<64x100000xf32, #tpu.memory_space<hbm>> -> memref<1x19072xf32, #tpu.memory_space<hbm>>
    %dma_wait3A_119 = tpu.memref_squeeze %dma_wait3A_118 : memref<1x19072xf32, #tpu.memory_space<hbm>> -> memref<19072xf32, #tpu.memory_space<hbm>>
    tpu.wait_dma2 semaphore(%arg21 : memref<!tpu.dma_semaphore, #tpu.memory_space<semaphore_mem>>) src(%dma_wait3A_119 : memref<19072xf32, #tpu.memory_space<hbm>>) dst(%dma_wait3A_116 : memref<19072xf32, #tpu.memory_space<vmem>>)
    %dma_wait3A_120 = arith.constant 19072 : i32
    %dma_wait3A_121 = tpu.memref_slice %arg14[%dma_wait3A_120] : memref<20352xf32, #tpu.memory_space<vmem>> -> memref<128xf32, #tpu.memory_space<vmem>>
    %dma_wait3A_122 = arith.constant 0 : i32
    %dma_wait3A_123 = tpu.memref_slice %arg9[%mul3A_2, %dma_wait3A_122] : memref<64x128xf32, #tpu.memory_space<hbm>> -> memref<1x128xf32, #tpu.memory_space<hbm>>
    %dma_wait3A_124 = tpu.memref_squeeze %dma_wait3A_123 : memref<1x128xf32, #tpu.memory_space<hbm>> -> memref<128xf32, #tpu.memory_space<hbm>>
    %dma_wait3A_125 = arith.constant 19072 : i32
    %dma_wait3A_126 = tpu.memref_slice %arg14[%dma_wait3A_125] : memref<20352xf32, #tpu.memory_space<vmem>> -> memref<128xf32, #tpu.memory_space<vmem>>
    %dma_wait3A_127 = arith.constant 0 : i32
    %dma_wait3A_128 = tpu.memref_slice %arg9[%mul3A_2, %dma_wait3A_127] : memref<64x128xf32, #tpu.memory_space<hbm>> -> memref<1x128xf32, #tpu.memory_space<hbm>>
    %dma_wait3A_129 = tpu.memref_squeeze %dma_wait3A_128 : memref<1x128xf32, #tpu.memory_space<hbm>> -> memref<128xf32, #tpu.memory_space<hbm>>
    tpu.wait_dma2 semaphore(%arg21 : memref<!tpu.dma_semaphore, #tpu.memory_space<semaphore_mem>>) src(%dma_wait3A_129 : memref<128xf32, #tpu.memory_space<hbm>>) dst(%dma_wait3A_126 : memref<128xf32, #tpu.memory_space<vmem>>)
    %dma_wait3A_130 = arith.constant 19072 : i32
    %dma_wait3A_131 = tpu.memref_slice %arg15[%dma_wait3A_130] : memref<20352xf32, #tpu.memory_space<vmem>> -> memref<128xf32, #tpu.memory_space<vmem>>
    %dma_wait3A_132 = arith.constant 0 : i32
    %dma_wait3A_133 = tpu.memref_slice %arg9[%mul3A_2, %dma_wait3A_132] : memref<64x128xf32, #tpu.memory_space<hbm>> -> memref<1x128xf32, #tpu.memory_space<hbm>>
    %dma_wait3A_134 = tpu.memref_squeeze %dma_wait3A_133 : memref<1x128xf32, #tpu.memory_space<hbm>> -> memref<128xf32, #tpu.memory_space<hbm>>
    %dma_wait3A_135 = arith.constant 19072 : i32
    %dma_wait3A_136 = tpu.memref_slice %arg15[%dma_wait3A_135] : memref<20352xf32, #tpu.memory_space<vmem>> -> memref<128xf32, #tpu.memory_space<vmem>>
    %dma_wait3A_137 = arith.constant 0 : i32
    %dma_wait3A_138 = tpu.memref_slice %arg9[%mul3A_2, %dma_wait3A_137] : memref<64x128xf32, #tpu.memory_space<hbm>> -> memref<1x128xf32, #tpu.memory_space<hbm>>
    %dma_wait3A_139 = tpu.memref_squeeze %dma_wait3A_138 : memref<1x128xf32, #tpu.memory_space<hbm>> -> memref<128xf32, #tpu.memory_space<hbm>>
    tpu.wait_dma2 semaphore(%arg21 : memref<!tpu.dma_semaphore, #tpu.memory_space<semaphore_mem>>) src(%dma_wait3A_139 : memref<128xf32, #tpu.memory_space<hbm>>) dst(%dma_wait3A_136 : memref<128xf32, #tpu.memory_space<vmem>>)
    %scan3A_140 = arith.constant 0 : i32
    %scan3A_141 = arith.constant 19104 : i32
    %scan3A_142 = arith.constant 0 : i32
    %scan3A_143 = arith.constant 128 : i32
    %scan3A_144 = arith.addi %scan3A_142, %scan3A_143 : i32
    %scan3A_145 = arith.constant 1 : i32
    scf.for %scan3A_242 = %scan3A_142 to %scan3A_144 step %scan3A_145  : i32 {
      %mul3A_243 = arith.constant 128 : i32
      %mul3A_244 = arith.muli %scan3A_242, %mul3A_243 : i32
      %add3A_245 = vector.broadcast %mul3A_244 : i32 to vector<16xi32>
      %add3A_246 = arith.addi %add3A_245, %iota3A : vector<16xi32>
      %mul3A_247 = arith.constant 128 : i32
      %mul3A_248 = arith.muli %scan3A_242, %mul3A_247 : i32
      %add3A_249 = arith.constant 0 : i32
      %add3A_250 = arith.addi %mul3A_248, %add3A_249 : i32
      %get3A = arith.index_cast %add3A_250 : i32 to index
      %get3A_251 = tpu.vector_load %arg18[%get3A] {strides = array<i32>} : memref<16384xi32, #tpu.memory_space<vmem>>, vector<16xi32>,
      %mul3A_252 = arith.constant 128 : i32
      %mul3A_253 = arith.muli %scan3A_242, %mul3A_252 : i32
      %add3A_254 = arith.constant 16 : i32
      %add3A_255 = arith.addi %mul3A_253, %add3A_254 : i32
      %get3A_256 = arith.index_cast %add3A_255 : i32 to index
      %get3A_257 = tpu.vector_load %arg18[%get3A_256] {strides = array<i32>} : memref<16384xi32, #tpu.memory_space<vmem>>, vector<16xi32>,
      %mul3A_258 = arith.constant 128 : i32
      %mul3A_259 = arith.muli %scan3A_242, %mul3A_258 : i32
      %add3A_260 = arith.constant 32 : i32
      %add3A_261 = arith.addi %mul3A_259, %add3A_260 : i32
      %get3A_262 = arith.index_cast %add3A_261 : i32 to index
      %get3A_263 = tpu.vector_load %arg18[%get3A_262] {strides = array<i32>} : memref<16384xi32, #tpu.memory_space<vmem>>, vector<16xi32>,
      %mul3A_264 = arith.constant 128 : i32
      %mul3A_265 = arith.muli %scan3A_242, %mul3A_264 : i32
      %add3A_266 = arith.constant 48 : i32
      %add3A_267 = arith.addi %mul3A_265, %add3A_266 : i32
      %get3A_268 = arith.index_cast %add3A_267 : i32 to index
      %get3A_269 = tpu.vector_load %arg18[%get3A_268] {strides = array<i32>} : memref<16384xi32, #tpu.memory_space<vmem>>, vector<16xi32>,
      %mul3A_270 = arith.constant 128 : i32
      %mul3A_271 = arith.muli %scan3A_242, %mul3A_270 : i32
      %add3A_272 = arith.constant 64 : i32
      %add3A_273 = arith.addi %mul3A_271, %add3A_272 : i32
      %get3A_274 = arith.index_cast %add3A_273 : i32 to index
      %get3A_275 = tpu.vector_load %arg18[%get3A_274] {strides = array<i32>} : memref<16384xi32, #tpu.memory_space<vmem>>, vector<16xi32>,
      %mul3A_276 = arith.constant 128 : i32
      %mul3A_277 = arith.muli %scan3A_242, %mul3A_276 : i32
      %add3A_278 = arith.constant 80 : i32
      %add3A_279 = arith.addi %mul3A_277, %add3A_278 : i32
      %get3A_280 = arith.index_cast %add3A_279 : i32 to index
      %get3A_281 = tpu.vector_load %arg18[%get3A_280] {strides = array<i32>} : memref<16384xi32, #tpu.memory_space<vmem>>, vector<16xi32>,
      %mul3A_282 = arith.constant 128 : i32
      %mul3A_283 = arith.muli %scan3A_242, %mul3A_282 : i32
      %add3A_284 = arith.constant 96 : i32
      %add3A_285 = arith.addi %mul3A_283, %add3A_284 : i32
      %get3A_286 = arith.index_cast %add3A_285 : i32 to index
      %get3A_287 = tpu.vector_load %arg18[%get3A_286] {strides = array<i32>} : memref<16384xi32, #tpu.memory_space<vmem>>, vector<16xi32>,
      %mul3A_288 = arith.constant 128 : i32
      %mul3A_289 = arith.muli %scan3A_242, %mul3A_288 : i32
      %add3A_290 = arith.constant 112 : i32
      %add3A_291 = arith.addi %mul3A_289, %add3A_290 : i32
      %get3A_292 = arith.index_cast %add3A_291 : i32 to index
      %get3A_293 = tpu.vector_load %arg18[%get3A_292] {strides = array<i32>} : memref<16384xi32, #tpu.memory_space<vmem>>, vector<16xi32>,
      %sub3A = arith.constant 80896 : i32
      %sub3A_294 = vector.broadcast %sub3A : i32 to vector<16xi32>
      %sub3A_295 = arith.subi %get3A_251, %sub3A_294 : vector<16xi32>
      %sub3A_296 = arith.constant 80896 : i32
      %sub3A_297 = vector.broadcast %sub3A_296 : i32 to vector<16xi32>
      %sub3A_298 = arith.subi %get3A_257, %sub3A_297 : vector<16xi32>
      %sub3A_299 = arith.constant 80896 : i32
      %sub3A_300 = vector.broadcast %sub3A_299 : i32 to vector<16xi32>
      %sub3A_301 = arith.subi %get3A_263, %sub3A_300 : vector<16xi32>
      %sub3A_302 = arith.constant 80896 : i32
      %sub3A_303 = vector.broadcast %sub3A_302 : i32 to vector<16xi32>
      %sub3A_304 = arith.subi %get3A_269, %sub3A_303 : vector<16xi32>
      %sub3A_305 = arith.constant 80896 : i32
      %sub3A_306 = vector.broadcast %sub3A_305 : i32 to vector<16xi32>
      %sub3A_307 = arith.subi %get3A_275, %sub3A_306 : vector<16xi32>
      %sub3A_308 = arith.constant 80896 : i32
      %sub3A_309 = vector.broadcast %sub3A_308 : i32 to vector<16xi32>
      %sub3A_310 = arith.subi %get3A_281, %sub3A_309 : vector<16xi32>
      %sub3A_311 = arith.constant 80896 : i32
      %sub3A_312 = vector.broadcast %sub3A_311 : i32 to vector<16xi32>
      %sub3A_313 = arith.subi %get3A_287, %sub3A_312 : vector<16xi32>
      %sub3A_314 = arith.constant 80896 : i32
      %sub3A_315 = vector.broadcast %sub3A_314 : i32 to vector<16xi32>
      %sub3A_316 = arith.subi %get3A_293, %sub3A_315 : vector<16xi32>
      %lt3A = vector.broadcast %scan3A_141 : i32 to vector<16xi32>
      %lt3A_317 = arith.cmpi ult, %sub3A_295, %lt3A : vector<16xi32>
      %lt3A_318 = vector.broadcast %scan3A_141 : i32 to vector<16xi32>
      %lt3A_319 = arith.cmpi ult, %sub3A_298, %lt3A_318 : vector<16xi32>
      %lt3A_320 = vector.broadcast %scan3A_141 : i32 to vector<16xi32>
      %lt3A_321 = arith.cmpi ult, %sub3A_301, %lt3A_320 : vector<16xi32>
      %lt3A_322 = vector.broadcast %scan3A_141 : i32 to vector<16xi32>
      %lt3A_323 = arith.cmpi ult, %sub3A_304, %lt3A_322 : vector<16xi32>
      %lt3A_324 = vector.broadcast %scan3A_141 : i32 to vector<16xi32>
      %lt3A_325 = arith.cmpi ult, %sub3A_307, %lt3A_324 : vector<16xi32>
      %lt3A_326 = vector.broadcast %scan3A_141 : i32 to vector<16xi32>
      %lt3A_327 = arith.cmpi ult, %sub3A_310, %lt3A_326 : vector<16xi32>
      %lt3A_328 = vector.broadcast %scan3A_141 : i32 to vector<16xi32>
      %lt3A_329 = arith.cmpi ult, %sub3A_313, %lt3A_328 : vector<16xi32>
      %lt3A_330 = vector.broadcast %scan3A_141 : i32 to vector<16xi32>
      %lt3A_331 = arith.cmpi ult, %sub3A_316, %lt3A_330 : vector<16xi32>
      %and3A = arith.constant 65535 : i32
      %and3A_332 = vector.broadcast %and3A : i32 to vector<16xi32>
      %and3A_333 = arith.andi %sub3A_295, %and3A_332 : vector<16xi32>
      %and3A_334 = arith.constant 65535 : i32
      %and3A_335 = vector.broadcast %and3A_334 : i32 to vector<16xi32>
      %and3A_336 = arith.andi %sub3A_298, %and3A_335 : vector<16xi32>
      %and3A_337 = arith.constant 65535 : i32
      %and3A_338 = vector.broadcast %and3A_337 : i32 to vector<16xi32>
      %and3A_339 = arith.andi %sub3A_301, %and3A_338 : vector<16xi32>
      %and3A_340 = arith.constant 65535 : i32
      %and3A_341 = vector.broadcast %and3A_340 : i32 to vector<16xi32>
      %and3A_342 = arith.andi %sub3A_304, %and3A_341 : vector<16xi32>
      %and3A_343 = arith.constant 65535 : i32
      %and3A_344 = vector.broadcast %and3A_343 : i32 to vector<16xi32>
      %and3A_345 = arith.andi %sub3A_307, %and3A_344 : vector<16xi32>
      %and3A_346 = arith.constant 65535 : i32
      %and3A_347 = vector.broadcast %and3A_346 : i32 to vector<16xi32>
      %and3A_348 = arith.andi %sub3A_310, %and3A_347 : vector<16xi32>
      %and3A_349 = arith.constant 65535 : i32
      %and3A_350 = vector.broadcast %and3A_349 : i32 to vector<16xi32>
      %and3A_351 = arith.andi %sub3A_313, %and3A_350 : vector<16xi32>
      %and3A_352 = arith.constant 65535 : i32
      %and3A_353 = vector.broadcast %and3A_352 : i32 to vector<16xi32>
      %and3A_354 = arith.andi %sub3A_316, %and3A_353 : vector<16xi32>
      %gather3A = tpu.vector_load_idx %arg14[%and3A_333] masked %lt3A_317 : memref<20352xf32, #tpu.memory_space<vmem>>[vector<16xi32>], vector<16xf32>, vector<16xi1>
      %gather3A_355 = tpu.vector_load_idx %arg14[%and3A_336] masked %lt3A_319 : memref<20352xf32, #tpu.memory_space<vmem>>[vector<16xi32>], vector<16xf32>, vector<16xi1>
      %gather3A_356 = tpu.vector_load_idx %arg14[%and3A_339] masked %lt3A_321 : memref<20352xf32, #tpu.memory_space<vmem>>[vector<16xi32>], vector<16xf32>, vector<16xi1>
      %gather3A_357 = tpu.vector_load_idx %arg14[%and3A_342] masked %lt3A_323 : memref<20352xf32, #tpu.memory_space<vmem>>[vector<16xi32>], vector<16xf32>, vector<16xi1>
      %gather3A_358 = tpu.vector_load_idx %arg14[%and3A_345] masked %lt3A_325 : memref<20352xf32, #tpu.memory_space<vmem>>[vector<16xi32>], vector<16xf32>, vector<16xi1>
      %gather3A_359 = tpu.vector_load_idx %arg14[%and3A_348] masked %lt3A_327 : memref<20352xf32, #tpu.memory_space<vmem>>[vector<16xi32>], vector<16xf32>, vector<16xi1>
      %gather3A_360 = tpu.vector_load_idx %arg14[%and3A_351] masked %lt3A_329 : memref<20352xf32, #tpu.memory_space<vmem>>[vector<16xi32>], vector<16xf32>, vector<16xi1>
      %gather3A_361 = tpu.vector_load_idx %arg14[%and3A_354] masked %lt3A_331 : memref<20352xf32, #tpu.memory_space<vmem>>[vector<16xi32>], vector<16xf32>, vector<16xi1>
      %gather3A_362 = tpu.vector_load_idx %arg15[%and3A_333] masked %lt3A_317 : memref<20352xf32, #tpu.memory_space<vmem>>[vector<16xi32>], vector<16xf32>, vector<16xi1>
      %gather3A_363 = tpu.vector_load_idx %arg15[%and3A_336] masked %lt3A_319 : memref<20352xf32, #tpu.memory_space<vmem>>[vector<16xi32>], vector<16xf32>, vector<16xi1>
      %gather3A_364 = tpu.vector_load_idx %arg15[%and3A_339] masked %lt3A_321 : memref<20352xf32, #tpu.memory_space<vmem>>[vector<16xi32>], vector<16xf32>, vector<16xi1>
      %gather3A_365 = tpu.vector_load_idx %arg15[%and3A_342] masked %lt3A_323 : memref<20352xf32, #tpu.memory_space<vmem>>[vector<16xi32>], vector<16xf32>, vector<16xi1>
      %gather3A_366 = tpu.vector_load_idx %arg15[%and3A_345] masked %lt3A_325 : memref<20352xf32, #tpu.memory_space<vmem>>[vector<16xi32>], vector<16xf32>, vector<16xi1>
      %gather3A_367 = tpu.vector_load_idx %arg15[%and3A_348] masked %lt3A_327 : memref<20352xf32, #tpu.memory_space<vmem>>[vector<16xi32>], vector<16xf32>, vector<16xi1>
      %gather3A_368 = tpu.vector_load_idx %arg15[%and3A_351] masked %lt3A_329 : memref<20352xf32, #tpu.memory_space<vmem>>[vector<16xi32>], vector<16xf32>, vector<16xi1>
      %gather3A_369 = tpu.vector_load_idx %arg15[%and3A_354] masked %lt3A_331 : memref<20352xf32, #tpu.memory_space<vmem>>[vector<16xi32>], vector<16xf32>, vector<16xi1>
      %add3A_370 = arith.constant 0 : i32
      %add3A_371 = vector.broadcast %add3A_370 : i32 to vector<16xi32>
      %add3A_372 = arith.addi %add3A_246, %add3A_371 : vector<16xi32>
      tpu.vector_store_idx %arg19[%add3A_372], %gather3A masked %lt3A_317 : memref<16384xf32, #tpu.memory_space<vmem>>[vector<16xi32>], vector<16xf32>, vector<16xi1>
      %add3A_373 = arith.constant 0 : i32
      %add3A_374 = vector.broadcast %add3A_373 : i32 to vector<16xi32>
      %add3A_375 = arith.addi %add3A_246, %add3A_374 : vector<16xi32>
      tpu.vector_store_idx %arg20[%add3A_375], %gather3A_362 masked %lt3A_317 : memref<16384xf32, #tpu.memory_space<vmem>>[vector<16xi32>], vector<16xf32>, vector<16xi1>
      %add3A_376 = arith.constant 16 : i32
      %add3A_377 = vector.broadcast %add3A_376 : i32 to vector<16xi32>
      %add3A_378 = arith.addi %add3A_246, %add3A_377 : vector<16xi32>
      tpu.vector_store_idx %arg19[%add3A_378], %gather3A_355 masked %lt3A_319 : memref<16384xf32, #tpu.memory_space<vmem>>[vector<16xi32>], vector<16xf32>, vector<16xi1>
      %add3A_379 = arith.constant 16 : i32
      %add3A_380 = vector.broadcast %add3A_379 : i32 to vector<16xi32>
      %add3A_381 = arith.addi %add3A_246, %add3A_380 : vector<16xi32>
      tpu.vector_store_idx %arg20[%add3A_381], %gather3A_363 masked %lt3A_319 : memref<16384xf32, #tpu.memory_space<vmem>>[vector<16xi32>], vector<16xf32>, vector<16xi1>
      %add3A_382 = arith.constant 32 : i32
      %add3A_383 = vector.broadcast %add3A_382 : i32 to vector<16xi32>
      %add3A_384 = arith.addi %add3A_246, %add3A_383 : vector<16xi32>
      tpu.vector_store_idx %arg19[%add3A_384], %gather3A_356 masked %lt3A_321 : memref<16384xf32, #tpu.memory_space<vmem>>[vector<16xi32>], vector<16xf32>, vector<16xi1>
      %add3A_385 = arith.constant 32 : i32
      %add3A_386 = vector.broadcast %add3A_385 : i32 to vector<16xi32>
      %add3A_387 = arith.addi %add3A_246, %add3A_386 : vector<16xi32>
      tpu.vector_store_idx %arg20[%add3A_387], %gather3A_364 masked %lt3A_321 : memref<16384xf32, #tpu.memory_space<vmem>>[vector<16xi32>], vector<16xf32>, vector<16xi1>
      %add3A_388 = arith.constant 48 : i32
      %add3A_389 = vector.broadcast %add3A_388 : i32 to vector<16xi32>
      %add3A_390 = arith.addi %add3A_246, %add3A_389 : vector<16xi32>
      tpu.vector_store_idx %arg19[%add3A_390], %gather3A_357 masked %lt3A_323 : memref<16384xf32, #tpu.memory_space<vmem>>[vector<16xi32>], vector<16xf32>, vector<16xi1>
      %add3A_391 = arith.constant 48 : i32
      %add3A_392 = vector.broadcast %add3A_391 : i32 to vector<16xi32>
      %add3A_393 = arith.addi %add3A_246, %add3A_392 : vector<16xi32>
      tpu.vector_store_idx %arg20[%add3A_393], %gather3A_365 masked %lt3A_323 : memref<16384xf32, #tpu.memory_space<vmem>>[vector<16xi32>], vector<16xf32>, vector<16xi1>
      %add3A_394 = arith.constant 64 : i32
      %add3A_395 = vector.broadcast %add3A_394 : i32 to vector<16xi32>
      %add3A_396 = arith.addi %add3A_246, %add3A_395 : vector<16xi32>
      tpu.vector_store_idx %arg19[%add3A_396], %gather3A_358 masked %lt3A_325 : memref<16384xf32, #tpu.memory_space<vmem>>[vector<16xi32>], vector<16xf32>, vector<16xi1>
      %add3A_397 = arith.constant 64 : i32
      %add3A_398 = vector.broadcast %add3A_397 : i32 to vector<16xi32>
      %add3A_399 = arith.addi %add3A_246, %add3A_398 : vector<16xi32>
      tpu.vector_store_idx %arg20[%add3A_399], %gather3A_366 masked %lt3A_325 : memref<16384xf32, #tpu.memory_space<vmem>>[vector<16xi32>], vector<16xf32>, vector<16xi1>
      %add3A_400 = arith.constant 80 : i32
      %add3A_401 = vector.broadcast %add3A_400 : i32 to vector<16xi32>
      %add3A_402 = arith.addi %add3A_246, %add3A_401 : vector<16xi32>
      tpu.vector_store_idx %arg19[%add3A_402], %gather3A_359 masked %lt3A_327 : memref<16384xf32, #tpu.memory_space<vmem>>[vector<16xi32>], vector<16xf32>, vector<16xi1>
      %add3A_403 = arith.constant 80 : i32
      %add3A_404 = vector.broadcast %add3A_403 : i32 to vector<16xi32>
      %add3A_405 = arith.addi %add3A_246, %add3A_404 : vector<16xi32>
      tpu.vector_store_idx %arg20[%add3A_405], %gather3A_367 masked %lt3A_327 : memref<16384xf32, #tpu.memory_space<vmem>>[vector<16xi32>], vector<16xf32>, vector<16xi1>
      %add3A_406 = arith.constant 96 : i32
      %add3A_407 = vector.broadcast %add3A_406 : i32 to vector<16xi32>
      %add3A_408 = arith.addi %add3A_246, %add3A_407 : vector<16xi32>
      tpu.vector_store_idx %arg19[%add3A_408], %gather3A_360 masked %lt3A_329 : memref<16384xf32, #tpu.memory_space<vmem>>[vector<16xi32>], vector<16xf32>, vector<16xi1>
      %add3A_409 = arith.constant 96 : i32
      %add3A_410 = vector.broadcast %add3A_409 : i32 to vector<16xi32>
      %add3A_411 = arith.addi %add3A_246, %add3A_410 : vector<16xi32>
      tpu.vector_store_idx %arg20[%add3A_411], %gather3A_368 masked %lt3A_329 : memref<16384xf32, #tpu.memory_space<vmem>>[vector<16xi32>], vector<16xf32>, vector<16xi1>
      %add3A_412 = arith.constant 112 : i32
      %add3A_413 = vector.broadcast %add3A_412 : i32 to vector<16xi32>
      %add3A_414 = arith.addi %add3A_246, %add3A_413 : vector<16xi32>
      tpu.vector_store_idx %arg19[%add3A_414], %gather3A_361 masked %lt3A_331 : memref<16384xf32, #tpu.memory_space<vmem>>[vector<16xi32>], vector<16xf32>, vector<16xi1>
      %add3A_415 = arith.constant 112 : i32
      %add3A_416 = vector.broadcast %add3A_415 : i32 to vector<16xi32>
      %add3A_417 = arith.addi %add3A_246, %add3A_416 : vector<16xi32>
      tpu.vector_store_idx %arg20[%add3A_417], %gather3A_369 masked %lt3A_331 : memref<16384xf32, #tpu.memory_space<vmem>>[vector<16xi32>], vector<16xf32>, vector<16xi1>
    }
    %scan3A_146 = arith.constant 128 : i32
    "tpu.region"() ({
      %run_scoped3A = tpu.sem_alloc : memref<!tpu.dma_semaphore, #tpu.memory_space<semaphore_mem>>
      %dma_start3A_242 = arith.constant 0 : i32
      %dma_start3A_243 = tpu.memref_slice %arg12[%mul3A_2, %dma_start3A_242] : memref<64x16384xf32, #tpu.memory_space<hbm>> -> memref<1x16384xf32, #tpu.memory_space<hbm>>
      %dma_start3A_244 = tpu.memref_squeeze %dma_start3A_243 : memref<1x16384xf32, #tpu.memory_space<hbm>> -> memref<16384xf32, #tpu.memory_space<hbm>>
      %dma_start3A_245 = arith.constant 0 : i32
      %dma_start3A_246 = tpu.memref_slice %arg12[%mul3A_2, %dma_start3A_245] : memref<64x16384xf32, #tpu.memory_space<hbm>> -> memref<1x16384xf32, #tpu.memory_space<hbm>>
      %dma_start3A_247 = tpu.memref_squeeze %dma_start3A_246 : memref<1x16384xf32, #tpu.memory_space<hbm>> -> memref<16384xf32, #tpu.memory_space<hbm>>
      tpu.enqueue_dma source(%arg19 : memref<16384xf32, #tpu.memory_space<vmem>>) target(%dma_start3A_247 : memref<16384xf32, #tpu.memory_space<hbm>>) target_semaphore(%run_scoped3A : memref<!tpu.dma_semaphore, #tpu.memory_space<semaphore_mem>>)
      %dma_wait3A_248 = arith.constant 0 : i32
      %dma_wait3A_249 = tpu.memref_slice %arg12[%mul3A_2, %dma_wait3A_248] : memref<64x16384xf32, #tpu.memory_space<hbm>> -> memref<1x16384xf32, #tpu.memory_space<hbm>>
      %dma_wait3A_250 = tpu.memref_squeeze %dma_wait3A_249 : memref<1x16384xf32, #tpu.memory_space<hbm>> -> memref<16384xf32, #tpu.memory_space<hbm>>
      %dma_wait3A_251 = arith.constant 0 : i32
      %dma_wait3A_252 = tpu.memref_slice %arg12[%mul3A_2, %dma_wait3A_251] : memref<64x16384xf32, #tpu.memory_space<hbm>> -> memref<1x16384xf32, #tpu.memory_space<hbm>>
      %dma_wait3A_253 = tpu.memref_squeeze %dma_wait3A_252 : memref<1x16384xf32, #tpu.memory_space<hbm>> -> memref<16384xf32, #tpu.memory_space<hbm>>
      tpu.wait_dma2 semaphore(%run_scoped3A : memref<!tpu.dma_semaphore, #tpu.memory_space<semaphore_mem>>) src(%arg19 : memref<16384xf32, #tpu.memory_space<vmem>>) dst(%dma_wait3A_253 : memref<16384xf32, #tpu.memory_space<hbm>>)
      tpu.yield
    }) : () -> ()
    %add3A_147 = arith.constant 1 : i32
    %add3A_148 = arith.addi %mul3A_2, %add3A_147 : i32
    "tpu.region"() ({
      %run_scoped3A = tpu.sem_alloc : memref<!tpu.dma_semaphore, #tpu.memory_space<semaphore_mem>>
      %dma_start3A_242 = arith.constant 0 : i32
      %dma_start3A_243 = tpu.memref_slice %arg12[%add3A_148, %dma_start3A_242] : memref<64x16384xf32, #tpu.memory_space<hbm>> -> memref<1x16384xf32, #tpu.memory_space<hbm>>
      %dma_start3A_244 = tpu.memref_squeeze %dma_start3A_243 : memref<1x16384xf32, #tpu.memory_space<hbm>> -> memref<16384xf32, #tpu.memory_space<hbm>>
      %dma_start3A_245 = arith.constant 0 : i32
      %dma_start3A_246 = tpu.memref_slice %arg12[%add3A_148, %dma_start3A_245] : memref<64x16384xf32, #tpu.memory_space<hbm>> -> memref<1x16384xf32, #tpu.memory_space<hbm>>
      %dma_start3A_247 = tpu.memref_squeeze %dma_start3A_246 : memref<1x16384xf32, #tpu.memory_space<hbm>> -> memref<16384xf32, #tpu.memory_space<hbm>>
      tpu.enqueue_dma source(%arg20 : memref<16384xf32, #tpu.memory_space<vmem>>) target(%dma_start3A_247 : memref<16384xf32, #tpu.memory_space<hbm>>) target_semaphore(%run_scoped3A : memref<!tpu.dma_semaphore, #tpu.memory_space<semaphore_mem>>)
      %dma_wait3A_248 = arith.constant 0 : i32
      %dma_wait3A_249 = tpu.memref_slice %arg12[%add3A_148, %dma_wait3A_248] : memref<64x16384xf32, #tpu.memory_space<hbm>> -> memref<1x16384xf32, #tpu.memory_space<hbm>>
      %dma_wait3A_250 = tpu.memref_squeeze %dma_wait3A_249 : memref<1x16384xf32, #tpu.memory_space<hbm>> -> memref<16384xf32, #tpu.memory_space<hbm>>
      %dma_wait3A_251 = arith.constant 0 : i32
      %dma_wait3A_252 = tpu.memref_slice %arg12[%add3A_148, %dma_wait3A_251] : memref<64x16384xf32, #tpu.memory_space<hbm>> -> memref<1x16384xf32, #tpu.memory_space<hbm>>
      %dma_wait3A_253 = tpu.memref_squeeze %dma_wait3A_252 : memref<1x16384xf32, #tpu.memory_space<hbm>> -> memref<16384xf32, #tpu.memory_space<hbm>>
      tpu.wait_dma2 semaphore(%run_scoped3A : memref<!tpu.dma_semaphore, #tpu.memory_space<semaphore_mem>>) src(%arg20 : memref<16384xf32, #tpu.memory_space<vmem>>) dst(%dma_wait3A_253 : memref<16384xf32, #tpu.memory_space<hbm>>)
      tpu.yield
    }) : () -> ()
    "tpu.region"() ({
      %run_scoped3A = tpu.sem_alloc : memref<!tpu.dma_semaphore, #tpu.memory_space<semaphore_mem>>
      tpu.enqueue_dma source(%arg4 : memref<16384xi32, #tpu.memory_space<hbm>>) target(%arg18 : memref<16384xi32, #tpu.memory_space<vmem>>) target_semaphore(%run_scoped3A : memref<!tpu.dma_semaphore, #tpu.memory_space<semaphore_mem>>)
      tpu.wait_dma2 semaphore(%run_scoped3A : memref<!tpu.dma_semaphore, #tpu.memory_space<semaphore_mem>>) src(%arg4 : memref<16384xi32, #tpu.memory_space<hbm>>) dst(%arg18 : memref<16384xi32, #tpu.memory_space<vmem>>)
      tpu.yield
    }) : () -> ()
    %dma_start3A_149 = arith.constant 0 : i32
    %dma_start3A_150 = tpu.memref_slice %arg14[%dma_start3A_149] : memref<20352xf32, #tpu.memory_space<vmem>> -> memref<896xf32, #tpu.memory_space<vmem>>
    %dma_start3A_151 = arith.constant 0 : i32
    %dma_start3A_152 = tpu.memref_slice %arg7[%mul3A_2, %dma_start3A_151] : memref<64x1000xf32, #tpu.memory_space<hbm>> -> memref<1x896xf32, #tpu.memory_space<hbm>>
    %dma_start3A_153 = tpu.memref_squeeze %dma_start3A_152 : memref<1x896xf32, #tpu.memory_space<hbm>> -> memref<896xf32, #tpu.memory_space<hbm>>
    %dma_start3A_154 = arith.constant 0 : i32
    %dma_start3A_155 = tpu.memref_slice %arg14[%dma_start3A_154] : memref<20352xf32, #tpu.memory_space<vmem>> -> memref<896xf32, #tpu.memory_space<vmem>>
    %dma_start3A_156 = arith.constant 0 : i32
    %dma_start3A_157 = tpu.memref_slice %arg7[%mul3A_2, %dma_start3A_156] : memref<64x1000xf32, #tpu.memory_space<hbm>> -> memref<1x896xf32, #tpu.memory_space<hbm>>
    %dma_start3A_158 = tpu.memref_squeeze %dma_start3A_157 : memref<1x896xf32, #tpu.memory_space<hbm>> -> memref<896xf32, #tpu.memory_space<hbm>>
    tpu.enqueue_dma source(%dma_start3A_158 : memref<896xf32, #tpu.memory_space<hbm>>) target(%dma_start3A_155 : memref<896xf32, #tpu.memory_space<vmem>>) target_semaphore(%arg21 : memref<!tpu.dma_semaphore, #tpu.memory_space<semaphore_mem>>)
    %add3A_159 = arith.constant 1 : i32
    %add3A_160 = arith.addi %mul3A_2, %add3A_159 : i32
    %dma_start3A_161 = arith.constant 0 : i32
    %dma_start3A_162 = tpu.memref_slice %arg15[%dma_start3A_161] : memref<20352xf32, #tpu.memory_space<vmem>> -> memref<896xf32, #tpu.memory_space<vmem>>
    %dma_start3A_163 = arith.constant 0 : i32
    %dma_start3A_164 = tpu.memref_slice %arg7[%add3A_160, %dma_start3A_163] : memref<64x1000xf32, #tpu.memory_space<hbm>> -> memref<1x896xf32, #tpu.memory_space<hbm>>
    %dma_start3A_165 = tpu.memref_squeeze %dma_start3A_164 : memref<1x896xf32, #tpu.memory_space<hbm>> -> memref<896xf32, #tpu.memory_space<hbm>>
    %dma_start3A_166 = arith.constant 0 : i32
    %dma_start3A_167 = tpu.memref_slice %arg15[%dma_start3A_166] : memref<20352xf32, #tpu.memory_space<vmem>> -> memref<896xf32, #tpu.memory_space<vmem>>
    %dma_start3A_168 = arith.constant 0 : i32
    %dma_start3A_169 = tpu.memref_slice %arg7[%add3A_160, %dma_start3A_168] : memref<64x1000xf32, #tpu.memory_space<hbm>> -> memref<1x896xf32, #tpu.memory_space<hbm>>
    %dma_start3A_170 = tpu.memref_squeeze %dma_start3A_169 : memref<1x896xf32, #tpu.memory_space<hbm>> -> memref<896xf32, #tpu.memory_space<hbm>>
    tpu.enqueue_dma source(%dma_start3A_170 : memref<896xf32, #tpu.memory_space<hbm>>) target(%dma_start3A_167 : memref<896xf32, #tpu.memory_space<vmem>>) target_semaphore(%arg21 : memref<!tpu.dma_semaphore, #tpu.memory_space<semaphore_mem>>)
    %dma_start3A_171 = arith.constant 896 : i32
    %dma_start3A_172 = tpu.memref_slice %arg14[%dma_start3A_171] : memref<20352xf32, #tpu.memory_space<vmem>> -> memref<128xf32, #tpu.memory_space<vmem>>
    %dma_start3A_173 = arith.constant 0 : i32
    %dma_start3A_174 = tpu.memref_slice %arg10[%mul3A_2, %dma_start3A_173] : memref<64x128xf32, #tpu.memory_space<hbm>> -> memref<1x128xf32, #tpu.memory_space<hbm>>
    %dma_start3A_175 = tpu.memref_squeeze %dma_start3A_174 : memref<1x128xf32, #tpu.memory_space<hbm>> -> memref<128xf32, #tpu.memory_space<hbm>>
    %dma_start3A_176 = arith.constant 896 : i32
    %dma_start3A_177 = tpu.memref_slice %arg14[%dma_start3A_176] : memref<20352xf32, #tpu.memory_space<vmem>> -> memref<128xf32, #tpu.memory_space<vmem>>
    %dma_start3A_178 = arith.constant 0 : i32
    %dma_start3A_179 = tpu.memref_slice %arg10[%mul3A_2, %dma_start3A_178] : memref<64x128xf32, #tpu.memory_space<hbm>> -> memref<1x128xf32, #tpu.memory_space<hbm>>
    %dma_start3A_180 = tpu.memref_squeeze %dma_start3A_179 : memref<1x128xf32, #tpu.memory_space<hbm>> -> memref<128xf32, #tpu.memory_space<hbm>>
    tpu.enqueue_dma source(%dma_start3A_180 : memref<128xf32, #tpu.memory_space<hbm>>) target(%dma_start3A_177 : memref<128xf32, #tpu.memory_space<vmem>>) target_semaphore(%arg21 : memref<!tpu.dma_semaphore, #tpu.memory_space<semaphore_mem>>)
    %add3A_181 = arith.constant 1 : i32
    %add3A_182 = arith.addi %mul3A_2, %add3A_181 : i32
    %dma_start3A_183 = arith.constant 896 : i32
    %dma_start3A_184 = tpu.memref_slice %arg15[%dma_start3A_183] : memref<20352xf32, #tpu.memory_space<vmem>> -> memref<128xf32, #tpu.memory_space<vmem>>
    %dma_start3A_185 = arith.constant 0 : i32
    %dma_start3A_186 = tpu.memref_slice %arg10[%add3A_182, %dma_start3A_185] : memref<64x128xf32, #tpu.memory_space<hbm>> -> memref<1x128xf32, #tpu.memory_space<hbm>>
    %dma_start3A_187 = tpu.memref_squeeze %dma_start3A_186 : memref<1x128xf32, #tpu.memory_space<hbm>> -> memref<128xf32, #tpu.memory_space<hbm>>
    %dma_start3A_188 = arith.constant 896 : i32
    %dma_start3A_189 = tpu.memref_slice %arg15[%dma_start3A_188] : memref<20352xf32, #tpu.memory_space<vmem>> -> memref<128xf32, #tpu.memory_space<vmem>>
    %dma_start3A_190 = arith.constant 0 : i32
    %dma_start3A_191 = tpu.memref_slice %arg10[%add3A_182, %dma_start3A_190] : memref<64x128xf32, #tpu.memory_space<hbm>> -> memref<1x128xf32, #tpu.memory_space<hbm>>
    %dma_start3A_192 = tpu.memref_squeeze %dma_start3A_191 : memref<1x128xf32, #tpu.memory_space<hbm>> -> memref<128xf32, #tpu.memory_space<hbm>>
    tpu.enqueue_dma source(%dma_start3A_192 : memref<128xf32, #tpu.memory_space<hbm>>) target(%dma_start3A_189 : memref<128xf32, #tpu.memory_space<vmem>>) target_semaphore(%arg21 : memref<!tpu.dma_semaphore, #tpu.memory_space<semaphore_mem>>)
    %dma_wait3A_193 = arith.constant 0 : i32
    %dma_wait3A_194 = tpu.memref_slice %arg14[%dma_wait3A_193] : memref<20352xf32, #tpu.memory_space<vmem>> -> memref<896xf32, #tpu.memory_space<vmem>>
    %dma_wait3A_195 = arith.constant 0 : i32
    %dma_wait3A_196 = tpu.memref_slice %arg7[%mul3A_2, %dma_wait3A_195] : memref<64x1000xf32, #tpu.memory_space<hbm>> -> memref<1x896xf32, #tpu.memory_space<hbm>>
    %dma_wait3A_197 = tpu.memref_squeeze %dma_wait3A_196 : memref<1x896xf32, #tpu.memory_space<hbm>> -> memref<896xf32, #tpu.memory_space<hbm>>
    %dma_wait3A_198 = arith.constant 0 : i32
    %dma_wait3A_199 = tpu.memref_slice %arg14[%dma_wait3A_198] : memref<20352xf32, #tpu.memory_space<vmem>> -> memref<896xf32, #tpu.memory_space<vmem>>
    %dma_wait3A_200 = arith.constant 0 : i32
    %dma_wait3A_201 = tpu.memref_slice %arg7[%mul3A_2, %dma_wait3A_200] : memref<64x1000xf32, #tpu.memory_space<hbm>> -> memref<1x896xf32, #tpu.memory_space<hbm>>
    %dma_wait3A_202 = tpu.memref_squeeze %dma_wait3A_201 : memref<1x896xf32, #tpu.memory_space<hbm>> -> memref<896xf32, #tpu.memory_space<hbm>>
    tpu.wait_dma2 semaphore(%arg21 : memref<!tpu.dma_semaphore, #tpu.memory_space<semaphore_mem>>) src(%dma_wait3A_202 : memref<896xf32, #tpu.memory_space<hbm>>) dst(%dma_wait3A_199 : memref<896xf32, #tpu.memory_space<vmem>>)
    %dma_wait3A_203 = arith.constant 0 : i32
    %dma_wait3A_204 = tpu.memref_slice %arg15[%dma_wait3A_203] : memref<20352xf32, #tpu.memory_space<vmem>> -> memref<896xf32, #tpu.memory_space<vmem>>
    %dma_wait3A_205 = arith.constant 0 : i32
    %dma_wait3A_206 = tpu.memref_slice %arg7[%mul3A_2, %dma_wait3A_205] : memref<64x1000xf32, #tpu.memory_space<hbm>> -> memref<1x896xf32, #tpu.memory_space<hbm>>
    %dma_wait3A_207 = tpu.memref_squeeze %dma_wait3A_206 : memref<1x896xf32, #tpu.memory_space<hbm>> -> memref<896xf32, #tpu.memory_space<hbm>>
    %dma_wait3A_208 = arith.constant 0 : i32
    %dma_wait3A_209 = tpu.memref_slice %arg15[%dma_wait3A_208] : memref<20352xf32, #tpu.memory_space<vmem>> -> memref<896xf32, #tpu.memory_space<vmem>>
    %dma_wait3A_210 = arith.constant 0 : i32
    %dma_wait3A_211 = tpu.memref_slice %arg7[%mul3A_2, %dma_wait3A_210] : memref<64x1000xf32, #tpu.memory_space<hbm>> -> memref<1x896xf32, #tpu.memory_space<hbm>>
    %dma_wait3A_212 = tpu.memref_squeeze %dma_wait3A_211 : memref<1x896xf32, #tpu.memory_space<hbm>> -> memref<896xf32, #tpu.memory_space<hbm>>
    tpu.wait_dma2 semaphore(%arg21 : memref<!tpu.dma_semaphore, #tpu.memory_space<semaphore_mem>>) src(%dma_wait3A_212 : memref<896xf32, #tpu.memory_space<hbm>>) dst(%dma_wait3A_209 : memref<896xf32, #tpu.memory_space<vmem>>)
    %dma_wait3A_213 = arith.constant 896 : i32
    %dma_wait3A_214 = tpu.memref_slice %arg14[%dma_wait3A_213] : memref<20352xf32, #tpu.memory_space<vmem>> -> memref<128xf32, #tpu.memory_space<vmem>>
    %dma_wait3A_215 = arith.constant 0 : i32
    %dma_wait3A_216 = tpu.memref_slice %arg10[%mul3A_2, %dma_wait3A_215] : memref<64x128xf32, #tpu.memory_space<hbm>> -> memref<1x128xf32, #tpu.memory_space<hbm>>
    %dma_wait3A_217 = tpu.memref_squeeze %dma_wait3A_216 : memref<1x128xf32, #tpu.memory_space<hbm>> -> memref<128xf32, #tpu.memory_space<hbm>>
    %dma_wait3A_218 = arith.constant 896 : i32
    %dma_wait3A_219 = tpu.memref_slice %arg14[%dma_wait3A_218] : memref<20352xf32, #tpu.memory_space<vmem>> -> memref<128xf32, #tpu.memory_space<vmem>>
    %dma_wait3A_220 = arith.constant 0 : i32
    %dma_wait3A_221 = tpu.memref_slice %arg10[%mul3A_2, %dma_wait3A_220] : memref<64x128xf32, #tpu.memory_space<hbm>> -> memref<1x128xf32, #tpu.memory_space<hbm>>
    %dma_wait3A_222 = tpu.memref_squeeze %dma_wait3A_221 : memref<1x128xf32, #tpu.memory_space<hbm>> -> memref<128xf32, #tpu.memory_space<hbm>>
    tpu.wait_dma2 semaphore(%arg21 : memref<!tpu.dma_semaphore, #tpu.memory_space<semaphore_mem>>) src(%dma_wait3A_222 : memref<128xf32, #tpu.memory_space<hbm>>) dst(%dma_wait3A_219 : memref<128xf32, #tpu.memory_space<vmem>>)
    %dma_wait3A_223 = arith.constant 896 : i32
    %dma_wait3A_224 = tpu.memref_slice %arg15[%dma_wait3A_223] : memref<20352xf32, #tpu.memory_space<vmem>> -> memref<128xf32, #tpu.memory_space<vmem>>
    %dma_wait3A_225 = arith.constant 0 : i32
    %dma_wait3A_226 = tpu.memref_slice %arg10[%mul3A_2, %dma_wait3A_225] : memref<64x128xf32, #tpu.memory_space<hbm>> -> memref<1x128xf32, #tpu.memory_space<hbm>>
    %dma_wait3A_227 = tpu.memref_squeeze %dma_wait3A_226 : memref<1x128xf32, #tpu.memory_space<hbm>> -> memref<128xf32, #tpu.memory_space<hbm>>
    %dma_wait3A_228 = arith.constant 896 : i32
    %dma_wait3A_229 = tpu.memref_slice %arg15[%dma_wait3A_228] : memref<20352xf32, #tpu.memory_space<vmem>> -> memref<128xf32, #tpu.memory_space<vmem>>
    %dma_wait3A_230 = arith.constant 0 : i32
    %dma_wait3A_231 = tpu.memref_slice %arg10[%mul3A_2, %dma_wait3A_230] : memref<64x128xf32, #tpu.memory_space<hbm>> -> memref<1x128xf32, #tpu.memory_space<hbm>>
    %dma_wait3A_232 = tpu.memref_squeeze %dma_wait3A_231 : memref<1x128xf32, #tpu.memory_space<hbm>> -> memref<128xf32, #tpu.memory_space<hbm>>
    tpu.wait_dma2 semaphore(%arg21 : memref<!tpu.dma_semaphore, #tpu.memory_space<semaphore_mem>>) src(%dma_wait3A_232 : memref<128xf32, #tpu.memory_space<hbm>>) dst(%dma_wait3A_229 : memref<128xf32, #tpu.memory_space<vmem>>)
    %scan3A_233 = arith.constant 0 : i32
    %scan3A_234 = arith.constant 1000 : i32
    %scan3A_235 = arith.constant 0 : i32
    %scan3A_236 = arith.constant 128 : i32
    %scan3A_237 = arith.addi %scan3A_235, %scan3A_236 : i32
    %scan3A_238 = arith.constant 1 : i32
    scf.for %scan3A_242 = %scan3A_235 to %scan3A_237 step %scan3A_238  : i32 {
      %mul3A_243 = arith.constant 128 : i32
      %mul3A_244 = arith.muli %scan3A_242, %mul3A_243 : i32
      %add3A_245 = vector.broadcast %mul3A_244 : i32 to vector<16xi32>
      %add3A_246 = arith.addi %add3A_245, %iota3A : vector<16xi32>
      %mul3A_247 = arith.constant 128 : i32
      %mul3A_248 = arith.muli %scan3A_242, %mul3A_247 : i32
      %add3A_249 = arith.constant 0 : i32
      %add3A_250 = arith.addi %mul3A_248, %add3A_249 : i32
      %get3A = arith.index_cast %add3A_250 : i32 to index
      %get3A_251 = tpu.vector_load %arg18[%get3A] {strides = array<i32>} : memref<16384xi32, #tpu.memory_space<vmem>>, vector<16xi32>,
      %mul3A_252 = arith.constant 128 : i32
      %mul3A_253 = arith.muli %scan3A_242, %mul3A_252 : i32
      %add3A_254 = arith.constant 16 : i32
      %add3A_255 = arith.addi %mul3A_253, %add3A_254 : i32
      %get3A_256 = arith.index_cast %add3A_255 : i32 to index
      %get3A_257 = tpu.vector_load %arg18[%get3A_256] {strides = array<i32>} : memref<16384xi32, #tpu.memory_space<vmem>>, vector<16xi32>,
      %mul3A_258 = arith.constant 128 : i32
      %mul3A_259 = arith.muli %scan3A_242, %mul3A_258 : i32
      %add3A_260 = arith.constant 32 : i32
      %add3A_261 = arith.addi %mul3A_259, %add3A_260 : i32
      %get3A_262 = arith.index_cast %add3A_261 : i32 to index
      %get3A_263 = tpu.vector_load %arg18[%get3A_262] {strides = array<i32>} : memref<16384xi32, #tpu.memory_space<vmem>>, vector<16xi32>,
      %mul3A_264 = arith.constant 128 : i32
      %mul3A_265 = arith.muli %scan3A_242, %mul3A_264 : i32
      %add3A_266 = arith.constant 48 : i32
      %add3A_267 = arith.addi %mul3A_265, %add3A_266 : i32
      %get3A_268 = arith.index_cast %add3A_267 : i32 to index
      %get3A_269 = tpu.vector_load %arg18[%get3A_268] {strides = array<i32>} : memref<16384xi32, #tpu.memory_space<vmem>>, vector<16xi32>,
      %mul3A_270 = arith.constant 128 : i32
      %mul3A_271 = arith.muli %scan3A_242, %mul3A_270 : i32
      %add3A_272 = arith.constant 64 : i32
      %add3A_273 = arith.addi %mul3A_271, %add3A_272 : i32
      %get3A_274 = arith.index_cast %add3A_273 : i32 to index
      %get3A_275 = tpu.vector_load %arg18[%get3A_274] {strides = array<i32>} : memref<16384xi32, #tpu.memory_space<vmem>>, vector<16xi32>,
      %mul3A_276 = arith.constant 128 : i32
      %mul3A_277 = arith.muli %scan3A_242, %mul3A_276 : i32
      %add3A_278 = arith.constant 80 : i32
      %add3A_279 = arith.addi %mul3A_277, %add3A_278 : i32
      %get3A_280 = arith.index_cast %add3A_279 : i32 to index
      %get3A_281 = tpu.vector_load %arg18[%get3A_280] {strides = array<i32>} : memref<16384xi32, #tpu.memory_space<vmem>>, vector<16xi32>,
      %mul3A_282 = arith.constant 128 : i32
      %mul3A_283 = arith.muli %scan3A_242, %mul3A_282 : i32
      %add3A_284 = arith.constant 96 : i32
      %add3A_285 = arith.addi %mul3A_283, %add3A_284 : i32
      %get3A_286 = arith.index_cast %add3A_285 : i32 to index
      %get3A_287 = tpu.vector_load %arg18[%get3A_286] {strides = array<i32>} : memref<16384xi32, #tpu.memory_space<vmem>>, vector<16xi32>,
      %mul3A_288 = arith.constant 128 : i32
      %mul3A_289 = arith.muli %scan3A_242, %mul3A_288 : i32
      %add3A_290 = arith.constant 112 : i32
      %add3A_291 = arith.addi %mul3A_289, %add3A_290 : i32
      %get3A_292 = arith.index_cast %add3A_291 : i32 to index
      %get3A_293 = tpu.vector_load %arg18[%get3A_292] {strides = array<i32>} : memref<16384xi32, #tpu.memory_space<vmem>>, vector<16xi32>,
      %sub3A = arith.constant 0 : i32
      %sub3A_294 = vector.broadcast %sub3A : i32 to vector<16xi32>
      %sub3A_295 = arith.subi %get3A_251, %sub3A_294 : vector<16xi32>
      %sub3A_296 = arith.constant 0 : i32
      %sub3A_297 = vector.broadcast %sub3A_296 : i32 to vector<16xi32>
      %sub3A_298 = arith.subi %get3A_257, %sub3A_297 : vector<16xi32>
      %sub3A_299 = arith.constant 0 : i32
      %sub3A_300 = vector.broadcast %sub3A_299 : i32 to vector<16xi32>
      %sub3A_301 = arith.subi %get3A_263, %sub3A_300 : vector<16xi32>
      %sub3A_302 = arith.constant 0 : i32
      %sub3A_303 = vector.broadcast %sub3A_302 : i32 to vector<16xi32>
      %sub3A_304 = arith.subi %get3A_269, %sub3A_303 : vector<16xi32>
      %sub3A_305 = arith.constant 0 : i32
      %sub3A_306 = vector.broadcast %sub3A_305 : i32 to vector<16xi32>
      %sub3A_307 = arith.subi %get3A_275, %sub3A_306 : vector<16xi32>
      %sub3A_308 = arith.constant 0 : i32
      %sub3A_309 = vector.broadcast %sub3A_308 : i32 to vector<16xi32>
      %sub3A_310 = arith.subi %get3A_281, %sub3A_309 : vector<16xi32>
      %sub3A_311 = arith.constant 0 : i32
      %sub3A_312 = vector.broadcast %sub3A_311 : i32 to vector<16xi32>
      %sub3A_313 = arith.subi %get3A_287, %sub3A_312 : vector<16xi32>
      %sub3A_314 = arith.constant 0 : i32
      %sub3A_315 = vector.broadcast %sub3A_314 : i32 to vector<16xi32>
      %sub3A_316 = arith.subi %get3A_293, %sub3A_315 : vector<16xi32>
      %lt3A = vector.broadcast %scan3A_234 : i32 to vector<16xi32>
      %lt3A_317 = arith.cmpi ult, %sub3A_295, %lt3A : vector<16xi32>
      %lt3A_318 = vector.broadcast %scan3A_234 : i32 to vector<16xi32>
      %lt3A_319 = arith.cmpi ult, %sub3A_298, %lt3A_318 : vector<16xi32>
      %lt3A_320 = vector.broadcast %scan3A_234 : i32 to vector<16xi32>
      %lt3A_321 = arith.cmpi ult, %sub3A_301, %lt3A_320 : vector<16xi32>
      %lt3A_322 = vector.broadcast %scan3A_234 : i32 to vector<16xi32>
      %lt3A_323 = arith.cmpi ult, %sub3A_304, %lt3A_322 : vector<16xi32>
      %lt3A_324 = vector.broadcast %scan3A_234 : i32 to vector<16xi32>
      %lt3A_325 = arith.cmpi ult, %sub3A_307, %lt3A_324 : vector<16xi32>
      %lt3A_326 = vector.broadcast %scan3A_234 : i32 to vector<16xi32>
      %lt3A_327 = arith.cmpi ult, %sub3A_310, %lt3A_326 : vector<16xi32>
      %lt3A_328 = vector.broadcast %scan3A_234 : i32 to vector<16xi32>
      %lt3A_329 = arith.cmpi ult, %sub3A_313, %lt3A_328 : vector<16xi32>
      %lt3A_330 = vector.broadcast %scan3A_234 : i32 to vector<16xi32>
      %lt3A_331 = arith.cmpi ult, %sub3A_316, %lt3A_330 : vector<16xi32>
      %and3A = arith.constant 65535 : i32
      %and3A_332 = vector.broadcast %and3A : i32 to vector<16xi32>
      %and3A_333 = arith.andi %sub3A_295, %and3A_332 : vector<16xi32>
      %and3A_334 = arith.constant 65535 : i32
      %and3A_335 = vector.broadcast %and3A_334 : i32 to vector<16xi32>
      %and3A_336 = arith.andi %sub3A_298, %and3A_335 : vector<16xi32>
      %and3A_337 = arith.constant 65535 : i32
      %and3A_338 = vector.broadcast %and3A_337 : i32 to vector<16xi32>
      %and3A_339 = arith.andi %sub3A_301, %and3A_338 : vector<16xi32>
      %and3A_340 = arith.constant 65535 : i32
      %and3A_341 = vector.broadcast %and3A_340 : i32 to vector<16xi32>
      %and3A_342 = arith.andi %sub3A_304, %and3A_341 : vector<16xi32>
      %and3A_343 = arith.constant 65535 : i32
      %and3A_344 = vector.broadcast %and3A_343 : i32 to vector<16xi32>
      %and3A_345 = arith.andi %sub3A_307, %and3A_344 : vector<16xi32>
      %and3A_346 = arith.constant 65535 : i32
      %and3A_347 = vector.broadcast %and3A_346 : i32 to vector<16xi32>
      %and3A_348 = arith.andi %sub3A_310, %and3A_347 : vector<16xi32>
      %and3A_349 = arith.constant 65535 : i32
      %and3A_350 = vector.broadcast %and3A_349 : i32 to vector<16xi32>
      %and3A_351 = arith.andi %sub3A_313, %and3A_350 : vector<16xi32>
      %and3A_352 = arith.constant 65535 : i32
      %and3A_353 = vector.broadcast %and3A_352 : i32 to vector<16xi32>
      %and3A_354 = arith.andi %sub3A_316, %and3A_353 : vector<16xi32>
      %gather3A = tpu.vector_load_idx %arg14[%and3A_333] masked %lt3A_317 : memref<20352xf32, #tpu.memory_space<vmem>>[vector<16xi32>], vector<16xf32>, vector<16xi1>
      %gather3A_355 = tpu.vector_load_idx %arg14[%and3A_336] masked %lt3A_319 : memref<20352xf32, #tpu.memory_space<vmem>>[vector<16xi32>], vector<16xf32>, vector<16xi1>
      %gather3A_356 = tpu.vector_load_idx %arg14[%and3A_339] masked %lt3A_321 : memref<20352xf32, #tpu.memory_space<vmem>>[vector<16xi32>], vector<16xf32>, vector<16xi1>
      %gather3A_357 = tpu.vector_load_idx %arg14[%and3A_342] masked %lt3A_323 : memref<20352xf32, #tpu.memory_space<vmem>>[vector<16xi32>], vector<16xf32>, vector<16xi1>
      %gather3A_358 = tpu.vector_load_idx %arg14[%and3A_345] masked %lt3A_325 : memref<20352xf32, #tpu.memory_space<vmem>>[vector<16xi32>], vector<16xf32>, vector<16xi1>
      %gather3A_359 = tpu.vector_load_idx %arg14[%and3A_348] masked %lt3A_327 : memref<20352xf32, #tpu.memory_space<vmem>>[vector<16xi32>], vector<16xf32>, vector<16xi1>
      %gather3A_360 = tpu.vector_load_idx %arg14[%and3A_351] masked %lt3A_329 : memref<20352xf32, #tpu.memory_space<vmem>>[vector<16xi32>], vector<16xf32>, vector<16xi1>
      %gather3A_361 = tpu.vector_load_idx %arg14[%and3A_354] masked %lt3A_331 : memref<20352xf32, #tpu.memory_space<vmem>>[vector<16xi32>], vector<16xf32>, vector<16xi1>
      %gather3A_362 = tpu.vector_load_idx %arg15[%and3A_333] masked %lt3A_317 : memref<20352xf32, #tpu.memory_space<vmem>>[vector<16xi32>], vector<16xf32>, vector<16xi1>
      %gather3A_363 = tpu.vector_load_idx %arg15[%and3A_336] masked %lt3A_319 : memref<20352xf32, #tpu.memory_space<vmem>>[vector<16xi32>], vector<16xf32>, vector<16xi1>
      %gather3A_364 = tpu.vector_load_idx %arg15[%and3A_339] masked %lt3A_321 : memref<20352xf32, #tpu.memory_space<vmem>>[vector<16xi32>], vector<16xf32>, vector<16xi1>
      %gather3A_365 = tpu.vector_load_idx %arg15[%and3A_342] masked %lt3A_323 : memref<20352xf32, #tpu.memory_space<vmem>>[vector<16xi32>], vector<16xf32>, vector<16xi1>
      %gather3A_366 = tpu.vector_load_idx %arg15[%and3A_345] masked %lt3A_325 : memref<20352xf32, #tpu.memory_space<vmem>>[vector<16xi32>], vector<16xf32>, vector<16xi1>
      %gather3A_367 = tpu.vector_load_idx %arg15[%and3A_348] masked %lt3A_327 : memref<20352xf32, #tpu.memory_space<vmem>>[vector<16xi32>], vector<16xf32>, vector<16xi1>
      %gather3A_368 = tpu.vector_load_idx %arg15[%and3A_351] masked %lt3A_329 : memref<20352xf32, #tpu.memory_space<vmem>>[vector<16xi32>], vector<16xf32>, vector<16xi1>
      %gather3A_369 = tpu.vector_load_idx %arg15[%and3A_354] masked %lt3A_331 : memref<20352xf32, #tpu.memory_space<vmem>>[vector<16xi32>], vector<16xf32>, vector<16xi1>
      %add3A_370 = arith.constant 0 : i32
      %add3A_371 = vector.broadcast %add3A_370 : i32 to vector<16xi32>
      %add3A_372 = arith.addi %add3A_246, %add3A_371 : vector<16xi32>
      tpu.vector_store_idx %arg19[%add3A_372], %gather3A masked %lt3A_317 : memref<16384xf32, #tpu.memory_space<vmem>>[vector<16xi32>], vector<16xf32>, vector<16xi1>
      %add3A_373 = arith.constant 0 : i32
      %add3A_374 = vector.broadcast %add3A_373 : i32 to vector<16xi32>
      %add3A_375 = arith.addi %add3A_246, %add3A_374 : vector<16xi32>
      tpu.vector_store_idx %arg20[%add3A_375], %gather3A_362 masked %lt3A_317 : memref<16384xf32, #tpu.memory_space<vmem>>[vector<16xi32>], vector<16xf32>, vector<16xi1>
      %add3A_376 = arith.constant 16 : i32
      %add3A_377 = vector.broadcast %add3A_376 : i32 to vector<16xi32>
      %add3A_378 = arith.addi %add3A_246, %add3A_377 : vector<16xi32>
      tpu.vector_store_idx %arg19[%add3A_378], %gather3A_355 masked %lt3A_319 : memref<16384xf32, #tpu.memory_space<vmem>>[vector<16xi32>], vector<16xf32>, vector<16xi1>
      %add3A_379 = arith.constant 16 : i32
      %add3A_380 = vector.broadcast %add3A_379 : i32 to vector<16xi32>
      %add3A_381 = arith.addi %add3A_246, %add3A_380 : vector<16xi32>
      tpu.vector_store_idx %arg20[%add3A_381], %gather3A_363 masked %lt3A_319 : memref<16384xf32, #tpu.memory_space<vmem>>[vector<16xi32>], vector<16xf32>, vector<16xi1>
      %add3A_382 = arith.constant 32 : i32
      %add3A_383 = vector.broadcast %add3A_382 : i32 to vector<16xi32>
      %add3A_384 = arith.addi %add3A_246, %add3A_383 : vector<16xi32>
      tpu.vector_store_idx %arg19[%add3A_384], %gather3A_356 masked %lt3A_321 : memref<16384xf32, #tpu.memory_space<vmem>>[vector<16xi32>], vector<16xf32>, vector<16xi1>
      %add3A_385 = arith.constant 32 : i32
      %add3A_386 = vector.broadcast %add3A_385 : i32 to vector<16xi32>
      %add3A_387 = arith.addi %add3A_246, %add3A_386 : vector<16xi32>
      tpu.vector_store_idx %arg20[%add3A_387], %gather3A_364 masked %lt3A_321 : memref<16384xf32, #tpu.memory_space<vmem>>[vector<16xi32>], vector<16xf32>, vector<16xi1>
      %add3A_388 = arith.constant 48 : i32
      %add3A_389 = vector.broadcast %add3A_388 : i32 to vector<16xi32>
      %add3A_390 = arith.addi %add3A_246, %add3A_389 : vector<16xi32>
      tpu.vector_store_idx %arg19[%add3A_390], %gather3A_357 masked %lt3A_323 : memref<16384xf32, #tpu.memory_space<vmem>>[vector<16xi32>], vector<16xf32>, vector<16xi1>
      %add3A_391 = arith.constant 48 : i32
      %add3A_392 = vector.broadcast %add3A_391 : i32 to vector<16xi32>
      %add3A_393 = arith.addi %add3A_246, %add3A_392 : vector<16xi32>
      tpu.vector_store_idx %arg20[%add3A_393], %gather3A_365 masked %lt3A_323 : memref<16384xf32, #tpu.memory_space<vmem>>[vector<16xi32>], vector<16xf32>, vector<16xi1>
      %add3A_394 = arith.constant 64 : i32
      %add3A_395 = vector.broadcast %add3A_394 : i32 to vector<16xi32>
      %add3A_396 = arith.addi %add3A_246, %add3A_395 : vector<16xi32>
      tpu.vector_store_idx %arg19[%add3A_396], %gather3A_358 masked %lt3A_325 : memref<16384xf32, #tpu.memory_space<vmem>>[vector<16xi32>], vector<16xf32>, vector<16xi1>
      %add3A_397 = arith.constant 64 : i32
      %add3A_398 = vector.broadcast %add3A_397 : i32 to vector<16xi32>
      %add3A_399 = arith.addi %add3A_246, %add3A_398 : vector<16xi32>
      tpu.vector_store_idx %arg20[%add3A_399], %gather3A_366 masked %lt3A_325 : memref<16384xf32, #tpu.memory_space<vmem>>[vector<16xi32>], vector<16xf32>, vector<16xi1>
      %add3A_400 = arith.constant 80 : i32
      %add3A_401 = vector.broadcast %add3A_400 : i32 to vector<16xi32>
      %add3A_402 = arith.addi %add3A_246, %add3A_401 : vector<16xi32>
      tpu.vector_store_idx %arg19[%add3A_402], %gather3A_359 masked %lt3A_327 : memref<16384xf32, #tpu.memory_space<vmem>>[vector<16xi32>], vector<16xf32>, vector<16xi1>
      %add3A_403 = arith.constant 80 : i32
      %add3A_404 = vector.broadcast %add3A_403 : i32 to vector<16xi32>
      %add3A_405 = arith.addi %add3A_246, %add3A_404 : vector<16xi32>
      tpu.vector_store_idx %arg20[%add3A_405], %gather3A_367 masked %lt3A_327 : memref<16384xf32, #tpu.memory_space<vmem>>[vector<16xi32>], vector<16xf32>, vector<16xi1>
      %add3A_406 = arith.constant 96 : i32
      %add3A_407 = vector.broadcast %add3A_406 : i32 to vector<16xi32>
      %add3A_408 = arith.addi %add3A_246, %add3A_407 : vector<16xi32>
      tpu.vector_store_idx %arg19[%add3A_408], %gather3A_360 masked %lt3A_329 : memref<16384xf32, #tpu.memory_space<vmem>>[vector<16xi32>], vector<16xf32>, vector<16xi1>
      %add3A_409 = arith.constant 96 : i32
      %add3A_410 = vector.broadcast %add3A_409 : i32 to vector<16xi32>
      %add3A_411 = arith.addi %add3A_246, %add3A_410 : vector<16xi32>
      tpu.vector_store_idx %arg20[%add3A_411], %gather3A_368 masked %lt3A_329 : memref<16384xf32, #tpu.memory_space<vmem>>[vector<16xi32>], vector<16xf32>, vector<16xi1>
      %add3A_412 = arith.constant 112 : i32
      %add3A_413 = vector.broadcast %add3A_412 : i32 to vector<16xi32>
      %add3A_414 = arith.addi %add3A_246, %add3A_413 : vector<16xi32>
      tpu.vector_store_idx %arg19[%add3A_414], %gather3A_361 masked %lt3A_331 : memref<16384xf32, #tpu.memory_space<vmem>>[vector<16xi32>], vector<16xf32>, vector<16xi1>
      %add3A_415 = arith.constant 112 : i32
      %add3A_416 = vector.broadcast %add3A_415 : i32 to vector<16xi32>
      %add3A_417 = arith.addi %add3A_246, %add3A_416 : vector<16xi32>
      tpu.vector_store_idx %arg20[%add3A_417], %gather3A_369 masked %lt3A_331 : memref<16384xf32, #tpu.memory_space<vmem>>[vector<16xi32>], vector<16xf32>, vector<16xi1>
    }
    %scan3A_239 = arith.constant 128 : i32
    "tpu.region"() ({
      %run_scoped3A = tpu.sem_alloc : memref<!tpu.dma_semaphore, #tpu.memory_space<semaphore_mem>>
      %dma_start3A_242 = arith.constant 0 : i32
      %dma_start3A_243 = tpu.memref_slice %arg13[%mul3A_2, %dma_start3A_242] : memref<64x16384xf32, #tpu.memory_space<hbm>> -> memref<1x16384xf32, #tpu.memory_space<hbm>>
      %dma_start3A_244 = tpu.memref_squeeze %dma_start3A_243 : memref<1x16384xf32, #tpu.memory_space<hbm>> -> memref<16384xf32, #tpu.memory_space<hbm>>
      %dma_start3A_245 = arith.constant 0 : i32
      %dma_start3A_246 = tpu.memref_slice %arg13[%mul3A_2, %dma_start3A_245] : memref<64x16384xf32, #tpu.memory_space<hbm>> -> memref<1x16384xf32, #tpu.memory_space<hbm>>
      %dma_start3A_247 = tpu.memref_squeeze %dma_start3A_246 : memref<1x16384xf32, #tpu.memory_space<hbm>> -> memref<16384xf32, #tpu.memory_space<hbm>>
      tpu.enqueue_dma source(%arg19 : memref<16384xf32, #tpu.memory_space<vmem>>) target(%dma_start3A_247 : memref<16384xf32, #tpu.memory_space<hbm>>) target_semaphore(%run_scoped3A : memref<!tpu.dma_semaphore, #tpu.memory_space<semaphore_mem>>)
      %dma_wait3A_248 = arith.constant 0 : i32
      %dma_wait3A_249 = tpu.memref_slice %arg13[%mul3A_2, %dma_wait3A_248] : memref<64x16384xf32, #tpu.memory_space<hbm>> -> memref<1x16384xf32, #tpu.memory_space<hbm>>
      %dma_wait3A_250 = tpu.memref_squeeze %dma_wait3A_249 : memref<1x16384xf32, #tpu.memory_space<hbm>> -> memref<16384xf32, #tpu.memory_space<hbm>>
      %dma_wait3A_251 = arith.constant 0 : i32
      %dma_wait3A_252 = tpu.memref_slice %arg13[%mul3A_2, %dma_wait3A_251] : memref<64x16384xf32, #tpu.memory_space<hbm>> -> memref<1x16384xf32, #tpu.memory_space<hbm>>
      %dma_wait3A_253 = tpu.memref_squeeze %dma_wait3A_252 : memref<1x16384xf32, #tpu.memory_space<hbm>> -> memref<16384xf32, #tpu.memory_space<hbm>>
      tpu.wait_dma2 semaphore(%run_scoped3A : memref<!tpu.dma_semaphore, #tpu.memory_space<semaphore_mem>>) src(%arg19 : memref<16384xf32, #tpu.memory_space<vmem>>) dst(%dma_wait3A_253 : memref<16384xf32, #tpu.memory_space<hbm>>)
      tpu.yield
    }) : () -> ()
    %add3A_240 = arith.constant 1 : i32
    %add3A_241 = arith.addi %mul3A_2, %add3A_240 : i32
    "tpu.region"() ({
      %run_scoped3A = tpu.sem_alloc : memref<!tpu.dma_semaphore, #tpu.memory_space<semaphore_mem>>
      %dma_start3A_242 = arith.constant 0 : i32
      %dma_start3A_243 = tpu.memref_slice %arg13[%add3A_241, %dma_start3A_242] : memref<64x16384xf32, #tpu.memory_space<hbm>> -> memref<1x16384xf32, #tpu.memory_space<hbm>>
      %dma_start3A_244 = tpu.memref_squeeze %dma_start3A_243 : memref<1x16384xf32, #tpu.memory_space<hbm>> -> memref<16384xf32, #tpu.memory_space<hbm>>
      %dma_start3A_245 = arith.constant 0 : i32
      %dma_start3A_246 = tpu.memref_slice %arg13[%add3A_241, %dma_start3A_245] : memref<64x16384xf32, #tpu.memory_space<hbm>> -> memref<1x16384xf32, #tpu.memory_space<hbm>>
      %dma_start3A_247 = tpu.memref_squeeze %dma_start3A_246 : memref<1x16384xf32, #tpu.memory_space<hbm>> -> memref<16384xf32, #tpu.memory_space<hbm>>
      tpu.enqueue_dma source(%arg20 : memref<16384xf32, #tpu.memory_space<vmem>>) target(%dma_start3A_247 : memref<16384xf32, #tpu.memory_space<hbm>>) target_semaphore(%run_scoped3A : memref<!tpu.dma_semaphore, #tpu.memory_space<semaphore_mem>>)
      %dma_wait3A_248 = arith.constant 0 : i32
      %dma_wait3A_249 = tpu.memref_slice %arg13[%add3A_241, %dma_wait3A_248] : memref<64x16384xf32, #tpu.memory_space<hbm>> -> memref<1x16384xf32, #tpu.memory_space<hbm>>
      %dma_wait3A_250 = tpu.memref_squeeze %dma_wait3A_249 : memref<1x16384xf32, #tpu.memory_space<hbm>> -> memref<16384xf32, #tpu.memory_space<hbm>>
      %dma_wait3A_251 = arith.constant 0 : i32
      %dma_wait3A_252 = tpu.memref_slice %arg13[%add3A_241, %dma_wait3A_251] : memref<64x16384xf32, #tpu.memory_space<hbm>> -> memref<1x16384xf32, #tpu.memory_space<hbm>>
      %dma_wait3A_253 = tpu.memref_squeeze %dma_wait3A_252 : memref<1x16384xf32, #tpu.memory_space<hbm>> -> memref<16384xf32, #tpu.memory_space<hbm>>
      tpu.wait_dma2 semaphore(%run_scoped3A : memref<!tpu.dma_semaphore, #tpu.memory_space<semaphore_mem>>) src(%arg20 : memref<16384xf32, #tpu.memory_space<vmem>>) dst(%dma_wait3A_253 : memref<16384xf32, #tpu.memory_space<hbm>>)
      tpu.yield
    }) : () -> ()
    return
  }
}

</mosaic_0001>

<sc_bundles>
// kernel: kernel.3.cloned.1.call-start
scs
__scs_entry_jumppad:
0x0: {  	(pc) =	sbr.rel $0x88, $3  }
0x1: {  	(tag) =	ssettag $0x0;
	lr =	simm.s32 $0x1  }
0x2: {  	[smem:$0x3F9B] =	sst lr;
	_ =	strace $0xD0000000  }
0x3: {  	_ = 	snop  }
0x4: {  	_ = 	snop  }
0x5: {  	_ = 	snop  }
0x6: {  	_ = 	snop  }
0x7: {  	_ = 	snop  }
__scs_overlays_trampoline_lowered:
0x8: {  	[smem:$0x3FAA] =	sst s0  }
0x9: {  	[smem:$0x3FAB] =	sst s1  }
0xa: {  	[smem:$0x3FAC] =	sst s2  }
0xb: {  	[smem:$0x3FAD] =	sst s3  }
0xc: {  	[smem:$0x3FAE] =	sst s4  }
0xd: {  	[smem:$0x3FAF] =	sst s5  }
0xe: {  	[smem:$0x3FB0] =	sst s6  }
0xf: {  	[smem:$0x3FB1] =	sst s7  }
0x10: {  	[smem:$0x3FB2] =	sst s8  }
0x11: {  	[smem:$0x3FB3] =	sst s9;
	s0 =	simm.s32 @!p0 $0x0  }
0x12: {  	s1 =	sld [smem:$0x3F99];
	s0 =	simm.s32 @p0 $0x1  }
0x13: {  	[smem:$0x3FB4] =	sst s0;
	s0 =	simm.s32 @!p1 $0x0  }
0x14: {  	s2 =	sld [smem:$0x3F98];
	s0 =	simm.s32 @p1 $0x1  }
0x15: {  	[smem:$0x3FB5] =	sst s0;
	s0 =	simm.s32 @!p2 $0x0  }
0x16: {  	s3 =	sld [smem:$0x3FDB];
	s0 =	simm.s32 @p2 $0x1  }
0x17: {  	s4 =	simm.s32 $0x1BF5;
	[smem:$0x3FB7] =	sst s0  }
0x18: {  	s0 =	sld [smem:$0x3F9A];
	_ =	swait.ge [sflag:s4], $0x0  }
0x19: {  	s7 =	sld [smem:$0x3F9B]  }
0x1a: {  	s8 =	sadd.s32 $0xFFFFE003, lr  }
0x1b: {  	s9 =	sadd.s32 $0xFFFFFEF7, lr;
	s5 =	simm.s32 $0xFFFFFFFF;
	p2 =	slt.u32 s8, $0xFFFFF086  }
0x1c: {  	p1 =	slt.u32 s9, $0xF7A;
	s5 =	simm.s32 @!p2 $0x0  }
0x1d: {  	s5 =	simm.s32 @p1 $0x1;
	p0 =	seq.s32 s7, s2  }
0x1e: {  	s7 =	smul.u32 @!p0 $0xF7A, s2;
	p2 =	seq.s32 @!p0 s5, $0x0  }
0x1f: {  	s9 =	smul.u32 $0xF7A, s1;
	s8 =	simm.s32 @!p0 $0x1BF5;
	p2 =	por !p2, p0  }
0x20: {  	[sflag:s8] =	ssyncset.s32 @!p0 $0xFFFFF086;
	s6 =	sadd.s32 @!p0 s3, s7;
	s7 =	simm.s32 @!p0 $0x108  }
0x21: {  	s3 =	sadd.s32 s3, s9;
	s6 =	sadd.s32 @!p0 $0x88, s6;
	s7 =	simm.s32 @p2 $0x1082  }
0x22: {  	[simem:s7], [sflag:s8] =	dma.local @!p0 [hbm:s6], $0xF7A  }
0x23: {  	s9 =	sor.u32 $0xD0000000, s2;
	s6 =	simm.s32 $0x108;
	_ =	swait.ge @!p0 [sflag:s8], $0x0  }
0x24: {  	s3 =	sadd.s32 $0x88, s3;
	s6 =	simm.s32 @!p1 $0x1082;
	[sflag:s4] =	ssyncset.s32 $0xFFFFF086  }
0x25: {  	[simem:s6], [sflag:s4] =	dma.local [hbm:s3], $0xF7A  }
0x26: {  	[smem:$0x3F9B] =	sst s1;
	(tag) =	ssettag s2;
	_ =	strace s9  }
0x27: {  	s1 =	sld [smem:$0x3FAB]  }
0x28: {  	s2 =	sld [smem:$0x3FAC]  }
0x29: {  	s4 =	sld [smem:$0x3FAE]  }
0x2a: {  	p0 =	seq.s32 s5, $0x0;
	s5 =	sld [smem:$0x3FAF]  }
0x2b: {  	s6 =	sld [smem:$0x3FB0]  }
0x2c: {  	s7 =	sld [smem:$0x3FB1]  }
0x2d: {  	s3 =	simm.s32 $0x108;
	s8 =	sld [smem:$0x3FB2]  }
0x2e: {  	s3 =	simm.s32 @!p0 $0x1082;
	s9 =	sld [smem:$0x3FB3]  }
0x2f: {  	lr =	sadd.s32 s0, s3;
	s0 =	sld [smem:$0x3FAA]  }
0x30: {  	s3 =	sld [smem:$0x3FAD]  }
0x31: {  	[smem:$0x3FB6] =	sst s10  }
0x32: {  	s10 =	sld [smem:$0x3FB4];
	_ =	sdelay $0x3  }
0x33: {  	p0 =	seq.s32 s10, $0x1;
	s10 =	sld [smem:$0x3FB6];
	_ =	sdelay $0x3  }
0x34: {  	[smem:$0x3FB6] =	sst s10  }
0x35: {  	s10 =	sld [smem:$0x3FB5];
	_ =	sdelay $0x3  }
0x36: {  	p1 =	seq.s32 s10, $0x1;
	s10 =	sld [smem:$0x3FB6];
	_ =	sdelay $0x3  }
0x37: {  	[smem:$0x3FB6] =	sst s10  }
0x38: {  	s10 =	sld [smem:$0x3FB7]  }
0x39: {  	_ = 	snop;
	(pc) =	sbr.ind lr, $3  }
0x3a: {  	_ = 	snop  }
0x3b: {  	_ = 	snop  }
0x3c: {  	p2 =	seq.s32 s10, $0x1;
	s10 =	sld [smem:$0x3FB6]  }
0x3d: {  	_ =	shalt  }
0x3e: {  	_ =	shalt  }
0x3f: {  	_ =	shalt  }
0x40: {  	_ =	shalt  }
0x41: {  	_ =	shalt  }
0x42: {  	_ =	shalt  }
0x43: {  	_ =	shalt  }
0x44: {  	_ =	shalt  }
0x45: {  	_ =	shalt  }
0x46: {  	_ =	shalt  }
0x47: {  	_ =	shalt  }
0x48: {  	_ =	shalt  }
0x49: {  	_ =	shalt  }
0x4a: {  	_ =	shalt  }
0x4b: {  	_ =	shalt  }
0x4c: {  	_ =	shalt  }
0x4d: {  	_ =	shalt  }
0x4e: {  	_ =	shalt  }
0x4f: {  	_ =	shalt  }
0x50: {  	_ =	shalt  }
0x51: {  	_ =	shalt  }
0x52: {  	_ =	shalt  }
0x53: {  	_ =	shalt  }
0x54: {  	_ =	shalt  }
0x55: {  	_ =	shalt  }
0x56: {  	_ =	shalt  }
0x57: {  	_ =	shalt  }
0x58: {  	_ =	shalt  }
0x59: {  	_ =	shalt  }
0x5a: {  	_ =	shalt  }
0x5b: {  	_ =	shalt  }
0x5c: {  	_ =	shalt  }
0x5d: {  	_ =	shalt  }
0x5e: {  	_ =	shalt  }
0x5f: {  	_ =	shalt  }
0x60: {  	_ =	shalt  }
0x61: {  	_ =	shalt  }
0x62: {  	_ =	shalt  }
0x63: {  	_ =	shalt  }
0x64: {  	_ =	shalt  }
0x65: {  	_ =	shalt  }
0x66: {  	_ =	shalt  }
0x67: {  	_ =	shalt  }
0x68: {  	_ =	shalt  }
0x69: {  	_ =	shalt  }
0x6a: {  	_ =	shalt  }
0x6b: {  	_ =	shalt  }
0x6c: {  	_ =	shalt  }
0x6d: {  	_ =	shalt  }
0x6e: {  	_ =	shalt  }
0x6f: {  	_ =	shalt  }
0x70: {  	_ =	shalt  }
0x71: {  	_ =	shalt  }
0x72: {  	_ =	shalt  }
0x73: {  	_ =	shalt  }
0x74: {  	_ =	shalt  }
0x75: {  	_ =	shalt  }
0x76: {  	_ =	shalt  }
0x77: {  	_ =	shalt  }
0x78: {  	_ =	shalt  }
0x79: {  	_ =	shalt  }
0x7a: {  	_ =	shalt  }
0x7b: {  	_ =	shalt  }
0x7c: {  	_ =	shalt  }
0x7d: {  	_ =	shalt  }
0x7e: {  	_ =	shalt  }
0x7f: {  	_ =	shalt  }
0x80: {  	_ =	shalt  }
0x81: {  	_ =	shalt  }
0x82: {  	_ =	shalt  }
0x83: {  	_ =	shalt  }
0x84: {  	_ =	shalt  }
0x85: {  	_ =	shalt  }
0x86: {  	_ =	shalt  }
0x87: {  	_ =	shalt  }
.Lfunc_end0:
.L_simem_size_0:
called_computation_lowered:
.L_overlay_start_0:
0x88: {  	s2 =	sld [smem:$0x3FD9]  }
0x89: {  	s3 =	sld [smem:$0x3FFE];
	_ =	sdelay $0x1  }
0x8a: {  	s1 =	srdreg.scid  }
0x8b: {  	s0 =	sand.u32 $0x1, s1  }
0x8c: {  	s30 =	sshll.u32 s0, $0xA;
	s2 =	sadd.s32 s3, s2  }
0x8d: {  	s2 =	sadd.s32 s2, s30  }
0x8e: {  	[smem:$0x3FC2] =	sst s2  }
0x8f: {  	_ = 	snop  }
0x90: {  	s2 =	sld [smem:$0x3FC9]  }
0x91: {  	s31 =	sld [smem:$0x3FC8]  }
0x92: {  	s4 =	sld [smem:$0x3FC7]  }
0x93: {  	s5 =	sld [smem:$0x3FD0]  }
0x94: {  	s6 =	sld [smem:$0x3FC6]  }
0x95: {  	s7 =	sld [smem:$0x3FC5]  }
0x96: {  	s9 =	simm.s32 $0xA;
	s10 =	simm.s32 $0x10;
	s8 =	sld [smem:$0x3FC4]  }
0x97: {  	[smem:s10], [sflag:s9] =	dma.local [hbm:s5], $0x1  }
0x98: {  	_ =	swait.eq [sflag:s9], $0x1  }
0x99: {  	s16 =	sld [smem:$0x10];
	[sflag:s9] =	ssyncset.done $0x0  }
0x9a: {  	s17 =	sld [smem:$0x11];
	[sflag:s9] =	ssyncadd.s32 $0xFFFFFFFF  }
0x9b: {  	s18 =	sld [smem:$0x12];
	(tm) =	ssettm $0x1  }
0x9c: {  	s11 =	sld [smem:$0x3FFB];
	_ =	sdelay $0x3  }
0x9d: {  	_ =	strace s11  }
0x9e: {  	s11 =	sld [smem:$0x3FFC];
	_ =	sdelay $0x3  }
0x9f: {  	_ =	strace s11  }
0xa0: {  	s11 =	sld [smem:$0x3FFD];
	_ =	sdelay $0x3  }
0xa1: {  	_ =	strace s11  }
0xa2: {  	_ =	strace $0x8FFFFFFF  }
0xa3: {  	s19 =	sld [smem:$0x3FDB];
	_ =	sdelay $0x1  }
0xa4: {  	s12 =	simm.s32 $_scs_section_size  }
0xa5: {  	s13 =	simm.s32 $_size__tile_overlayer_lowered;
	s14 =	simm.s32 $_tile_overlayer_lowered  }
0xa6: {  	s22 =	simm.s32 $0x1BFF;
	s21 =	sshll.u32 s14, $0x1;
	s11 =	sadd.s32 s12, s19  }
0xa7: {  	s15 =	simm.s32 $0x0;
	s20 =	sshll.u32 s13, $0x1;
	s13 =	sadd.s32 s21, s11  }
0xa8: {  	[timem:s15], [sflag:s22] =	dma.local [hbm:s13], s20  }
0xa9: {  	_ =	swait.ge [sflag:s22], s20  }
0xaa: {  	s12 =	ssub.s32 $0x0, s20;
	[sflag:s22] =	ssyncset.done $0x0  }
0xab: {  	[sflag:s22] =	ssyncadd.s32 s12;
	_ =	sdelay $0x1  }
0xac: {  	s23 =	simm.s32 $0x1B8B  }
0xad: {  	_ =	swait.ge [sflag:s23], $0x1  }
0xae: {  	[sflag:s23] =	ssyncset.done $0x0  }
0xaf: {  	s25 =	simm.s32 $0x1B8E;
	s24 =	sld [smem:$0x3FFE];
	[sflag:s23] =	ssyncadd.s32 $0xFFFFFFFF  }
0xb0: {  	s26 =	simm.s32 $execute0_lowered;
	[smem:$0x3FD2] =	sst s25  }
0xb1: {  	s13 =	sshll.u32 s26, $0x1;
	_ =	strace $0x80000046;
	[dreg:$0x1] =	wrdreg $0xFFFFFFFF  }
0xb2: {  	s28 =	simm.s32 $_size_execute0_lowered;
	s11 =	sadd.s32 s11, s13;
	[dreg:$0x0] =	wrdreg $0x0  }
0xb3: {  	s13 =	sshll.u32 s28, $0x1;
	[dreg:$0x2] =	wrdreg s11  }
0xb4: {  	[dreg:$0x3] =	wrdreg s13  }
0xb5: {  	[dreg:$0x4] =	wrdreg $0xC0  }
0xb6: {  	_ =	task [dreg:s15], $0x5FFFF  }
0xb7: {  	[dreg:$0x1] =	wrdreg $0xFFFFFFFF  }
0xb8: {  	[dreg:$0x0] =	wrdreg $0x60  }
0xb9: {  	[dreg:$0x2] =	wrdreg s2  }
0xba: {  	[dreg:$0x3] =	wrdreg s31  }
0xbb: {  	[dreg:$0x4] =	wrdreg s4  }
0xbc: {  	[dreg:$0x5] =	wrdreg s6  }
0xbd: {  	[dreg:$0x6] =	wrdreg s7  }
0xbe: {  	[dreg:$0x7] =	wrdreg s8  }
0xbf: {  	[dreg:$0x8] =	wrdreg s24  }
0xc0: {  	[dreg:$0x9] =	wrdreg s16  }
0xc1: {  	[dreg:$0xa] =	wrdreg s17  }
0xc2: {  	[dreg:$0xb] =	wrdreg s18  }
0xc3: {  	[dreg:$0xc] =	wrdreg $0x9  }
0xc4: {  	_ =	task.clear_ibuf [dreg:s15], $0xDFFFF;
	_ =	strace $0x90000046  }
0xc5: {  	s29 =	simm.s32 $0x9;
	_ =	strace $0x80000048  }
0xc6: {  	_ =	swait.ge [sflag:s29], $0x1  }
0xc7: {  	[sflag:s29] =	ssyncadd.s32 $0xFFFFFFFF  }
0xc8: {  	_ =	strace $0x90000048  }
0xc9: {  	_ =	sfence  }
0xca: {  	s30 =	sld [smem:$0x0];
	_ =	sdelay $0x2  }
0xcb: {  	s31 =	sshll.u32 s1, $0xD;
	s1 =	sshrl.u32 s1, $0x2  }
0xcc: {  	s3 =	sand.u32 $0x4000, s31;
	s1 =	sadd.s32 s1, s30  }
0xcd: {  	s0 =	sor.u32 s3, s0;
	s1 =	sshll.u32 s1, $0x11  }
0xce: {  	s0 =	sor.u32 s1, s0  }
0xcf: {  	s0 =	sadd.s32 $0x8F2B, s0  }
0xd0: {  	[sflag:s0] =	ssyncadd.remote.s32 $0x1  }
0xd1: {  	_ =	sfence.sel $0xFFFF  }
0xd2: {  	[dreg:$0x0] =	wrdreg $0xFFFFFFFF;
	(pc) =	sbr.abs _section_cstart, $3  }
0xd3: {  	[dreg:$0x1] =	wrdreg $0xFFFFFFFF  }
0xd4: {  	_ =	task.clear_ibuf [dreg:s15], $0x2FFFF;
	_ =	strace $0x9FFFFFFF  }
0xd5: {  	(tm) =	ssettm $0x7FFFFFFF  }
tec
execute0_lowered:
.L_overlay_start_1:
0x0: {  	(tag) =	ssettag $0x1  }
0x1: {  	s3 =	rddreg [dreg:$0x3]  }
0x2: {  	s17 =	rddreg [dreg:$0x4]  }
0x3: {  	s0 =	rddreg [dreg:$0x5]  }
0x4: {  	s1 =	rddreg [dreg:$0x6]  }
0x5: {  	s2 =	rddreg [dreg:$0x7]  }
0x6: {  	s6 =	rddreg [dreg:$0x8];
	s5 =	simm.s32 $0x0  }
0x7: {  	s4 =	srdreg.scid;
	s13 =	stileid.u32;
	s28 =	simm.s32 $0x9F00  }
0x8: {  	s31 =	simm.s32 $0xEE80;
	[smem:$0x7FF] =	sst s5;
	s4 =	sand.u32 $0x1, s4  }
0x9: {  	s8 =	sadd.s32 $0x800, s1;
	s10 =	sadd.s32 $0xC00, s1;
	s7 =	ssub.s32 $0x2, s4  }
0xa: {  	s9 =	sshll.u32 s13, $0x9;
	s12 =	sshll.u32 s4, $0x8;
	s11 =	sshrl.u32 s7, $0x1  }
0xb: {  	s9 =	sand.u32 $0x200, s9;
	s4 =	ssub.s32 s7, s11;
	s11 =	sshrl.u32 s13, $0x1  }
0xc: {  	s1 =	sadd.s32 $0x1000, s1;
	s7 =	sor.u32 s12, s9;
	s23 =	sshll.u32 s11, $0xA  }
0xd: {  	s18 =	smul.u32 $0x7A1400, s11;
	s9 =	sor.u32 $0x80, s7;
	s24 =	sor.u32 s23, s7  }
0xe: {  	s14 =	sshll.u32 s11, $0x11;
	s12 =	sor.u32 s23, s9;
	s13 =	sshrl.u32 s24, $0x3  }
0xf: {  	s25 =	sshll.u32 s11, $0xD;
	s12 =	sshrl.u32 s12, $0x3;
	s16 =	sadd.s32 s8, s13  }
0x10: {  	s4 =	smax.u32 s4, $0x1;
	s8 =	sadd.s32 s8, s12;
	[dreg:$0xc] =	wrdreg s16  }
0x11: {  	s15 =	sor.u32 s14, s7;
	s19 =	sadd.s32 s10, s13;
	[dreg:$0xd] =	wrdreg s8  }
0x12: {  	s14 =	sor.u32 s14, s9;
	s20 =	sadd.s32 s10, s12;
	[dreg:$0x12] =	wrdreg s19  }
0x13: {  	s26 =	sor.u32 s25, s7;
	s21 =	sadd.s32 s1, s13;
	[dreg:$0x13] =	wrdreg s20  }
0x14: {  	s14 =	sshrl.u32 s14, $0x3;
	s22 =	sadd.s32 s1, s12;
	[dreg:$0x14] =	wrdreg s21  }
0x15: {  	s24 =	sadd.s32 s6, s14;
	s8 =	sshrl.u32 s15, $0x3;
	[dreg:$0x15] =	wrdreg s22  }
0x16: {  	s10 =	sadd.s32 $0x78F800, s18;
	[dreg:$0x17] =	wrdreg s24;
	s15 =	sadd.s32 s2, s8  }
0x17: {  	s16 =	sshrl.u32 s26, $0x3;
	s2 =	sadd.s32 s2, s14;
	[dreg:$0xe] =	wrdreg s15  }
0x18: {  	s1 =	sor.u32 s10, s9;
	s23 =	sadd.s32 s6, s8;
	[dreg:$0xf] =	wrdreg s2  }
0x19: {  	s12 =	sor.u32 s7, s10;
	s1 =	sshrl.u32 s1, $0x3;
	[dreg:$0x16] =	wrdreg s23  }
0x1a: {  	s15 =	sor.u32 s25, s9;
	s2 =	sadd.s32 s0, s16;
	s25 =	rddreg [dreg:$0x9]  }
0x1b: {  	s30 =	sadd.s32 s3, s1;
	s15 =	sshrl.u32 s15, $0x3;
	[dreg:$0x10] =	wrdreg s2  }
0x1c: {  	s26 =	sadd.s32 s25, s8;
	s2 =	sor.u32 s18, s7;
	s8 =	sor.u32 s18, s9  }
0x1d: {  	s0 =	sadd.s32 s0, s15;
	[dreg:$0x18] =	wrdreg s26;
	s6 =	sshrl.u32 s2, $0x3  }
0x1e: {  	s2 =	sshrl.u32 s12, $0x3;
	s26 =	smul.u32 $0xC3800, s11;
	s12 =	simm.s32 $0x3  }
0x1f: {  	[dreg:$0x11] =	wrdreg s0;
	s0 =	sadd.s32 s25, s14;
	s29 =	sadd.s32 s3, s2  }
0x20: {  	s25 =	sadd.s32 $0x4F000, s18;
	[dreg:$0x19] =	wrdreg s0;
	s0 =	sadd.s32 s3, s6  }
0x21: {  	s13 =	sor.u32 s26, s7;
	s14 =	sor.u32 s26, s9;
	s15 =	sadd.s32 $0x9E000, s26  }
0x22: {  	s22 =	sadd.s32 $0x4F000, s26;
	_ =	strace $0x80000047;
	[dreg:$0x1a] =	wrdreg s0  }
0x23: {  	s0 =	sshrl.u32 s8, $0x3;
	s1 =	sshrl.u32 s14, $0x3;
	s16 =	sor.u32 s7, s15  }
0x24: {  	s21 =	sor.u32 s15, s9;
	s23 =	sor.u32 s7, s22;
	[dreg:$0x1e] =	wrdreg s4  }
0x25: {  	[dreg:$0x1f] =	wrdreg s25;
	s25 =	simm.s32 $0x2;
	s8 =	simm.s32 $0x0  }
0x26: {  	s0 =	sadd.s32 s3, s0;
	s19 =	sadd.s32 s17, s1;
	s20 =	sshrl.u32 s16, $0x3  }
0x27: {  	s1 =	sor.u32 s22, s9;
	s2 =	sshrl.u32 s23, $0x3;
	s22 =	simm.s32 $0x1  }
0x28: {  	s23 =	simm.s32 $0x17E00;
	[dreg:$0x1b] =	wrdreg s0;
	s0 =	sshrl.u32 s13, $0x3  }
0x29: {  	[dreg:$0x1d] =	wrdreg s19;
	s6 =	sadd.s32 s17, s20;
	s24 =	sshrl.u32 s1, $0x3  }
0x2a: {  	v0 =	vlaneseq.u32;
	s1 =	sadd.s32 s17, s2;
	s19 =	simm.s32 $0x80;
	s0 =	sadd.s32 s17, s0  }
0x2b: {  	v1 =	vor.u32 $0x10, v0;
	s20 =	simm.s32 $0x400;
	[dreg:$0x1c] =	wrdreg s0;
	s0 =	sshrl.u32 s21, $0x3  }
0x2c: {  	v2 =	vor.u32 $0x20, v0;
	v3 =	vor.u32 $0x30, v0;
	v4 =	vor.u32 $0x40, v0;
	s2 =	sadd.s32 s17, s24;
	s0 =	sadd.s32 s17, s0;
	s17 =	smov.u32 s18  }
0x2d: {  	v5 =	vor.u32 $0x50, v0;
	v6 =	vor.u32 $0x60, v0;
	v7 =	vor.u32 $0x70, v0;
	s24 =	simm.s32 $0x1BE00;
	s21 =	simm.s32 $0x4F80;
	[dreg:$0xb] =	wrdreg s17  }
.LBB2_1:
0x2e: {  	[smem:$0x7FD] =	sst s8  }
0x2f: {  	s4 =	rddreg [dreg:$0x0];
	s15 =	simm.s32 $0x13E00  }
0x30: {  	[tilespmem:s15], [sflag:$0x3] =	stream.linear.gather [hbm4b:s4+s5], $0x4000, $0x38;
	[tilespmem:$0x1FE00] =	vst v63  }
0x31: {  	_ =	swait.ge [sflag:s12], $0x4000  }
.Ltmp0:
0x32: {  	[sflag:s12] =	ssyncset.done $0x0;
	(pc) =	sbr.rel .LBB2_2-.Ltmp0, $4  }
0x33: {  	s16 =	rddreg [dreg:$0x1a];
	[sflag:s12] =	ssyncadd.s32 $0xFFFFC000  }
0x34: {  	[tilespmem:s5], [sflag:$0x1] =	stream.strided.gather [hbm4b:s16+s19], $0x4F00, s20, s19, $0x38;
	[tilespmem:$0x1FE00] =	vst v63  }
0x35: {  	s18 =	rddreg [dreg:$0x1b];
	s12 =	simm.s32 $0x0  }
0x36: {  	[tilespmem:s21], [sflag:$0x1] =	stream.strided.gather [hbm4b:s18+s19], $0x4F00, s20, s19, $0x38;
	[tilespmem:$0x1FE00] =	vst v63  }
.LBB2_8:
0x37: {  	s12 =	sadd.s32 $0x1, s12  }
0x38: {  	p0 =	sne.s32 s12, $0x19  }
.Ltmp1:
0x39: {  	_ = 	snop;
	(pc) =	sbr.rel @!p0 .LBB2_9-.Ltmp1, $1  }
0x3a: {  	_ =	sdelay $0x3  }
.LBB2_2:
0x3b: {  	s14 =	sshllo.u32 s12, $0x1  }
0x3c: {  	p0 =	sgt.u32 s14, $0x30  }
0x3d: {  	s4 =	smul.u32 @!p0 $0x27800, s14;
	_ =	sdelay $0x1  }
0x3e: {  	s4 =	sadd.s32 @!p0 s17, s4  }
0x3f: {  	s10 =	simm.s32 @!p0 $0x80;
	s8 =	sor.u32 @!p0 s7, s4  }
0x40: {  	s11 =	simm.s32 @!p0 $0x400;
	s4 =	sor.u32 @!p0 s9, s4;
	s8 =	sshrl.u32 @!p0 s8, $0x3  }
0x41: {  	s13 =	simm.s32 @!p0 $0x9F00;
	s4 =	sshrl.u32 @!p0 s4, $0x3;
	s8 =	sadd.s32 @!p0 s3, s8  }
0x42: {  	[tilespmem:s13], [sflag:$0x2] =	stream.strided.gather @!p0 [hbm4b:s8+s10], $0x4F00, s11, s10, $0x38;
	[tilespmem:$0x1FE00] =	vst v63  }
0x43: {  	p1 =	sne.s32 s12, $0x18;
	s4 =	sadd.s32 @!p0 s3, s4;
	s8 =	simm.s32 @!p0 $0xEE80  }
0x44: {  	[tilespmem:s8], [sflag:$0x2] =	stream.strided.gather @!p0 [hbm4b:s4+s10], $0x4F00, s11, s10, $0x38;
	[tilespmem:$0x1FE00] =	vst v63  }
0x45: {  	s4 =	simm.s32 @!p1 $0x80;
	s8 =	simm.s32 @!p1 $0x400;
	s10 =	simm.s32 @!p1 $0x9F00  }
0x46: {  	[tilespmem:s10], [sflag:$0x2] =	stream.strided.gather @!p1 [hbm4b:s29+s4], $0x2300, s8, s4, $0x38;
	[tilespmem:$0x1FE00] =	vst v63  }
0x47: {  	s10 =	simm.s32 @!p1 $0xEE80  }
0x48: {  	[tilespmem:s10], [sflag:$0x2] =	stream.strided.gather @!p1 [hbm4b:s30+s4], $0x2300, s8, s4, $0x38;
	[tilespmem:$0x1FE00] =	vst v63  }
0x49: {  	s4 =	simm.s32 @!p1 $0x0;
	s8 =	simm.s32 @!p1 $0xC200;
	s10 =	rddreg [dreg:$0xc]  }
0x4a: {  	[tilespmem:s8], [sflag:$0x2] =	stream.linear.gather @!p1 [hbm4b:s10+s4], $0x80, $0x38;
	[tilespmem:$0x1FE00] =	vst v63  }
0x4b: {  	s8 =	simm.s32 @!p1 $0x11180;
	s10 =	rddreg [dreg:$0xd]  }
0x4c: {  	[tilespmem:s8], [sflag:$0x2] =	stream.linear.gather @!p1 [hbm4b:s10+s4], $0x80, $0x38;
	[tilespmem:$0x1FE00] =	vst v63  }
0x4d: {  	_ =	swait.ge [sflag:s22], $0x4F00  }
0x4e: {  	[sflag:s22] =	ssyncset.done $0x0  }
0x4f: {  	[sflag:s22] =	ssyncadd.s32 $0xFFFFB100  }
0x50: {  	_ =	swait.ge [sflag:s22], $0x4F00  }
0x51: {  	[sflag:s22] =	ssyncset.done $0x0  }
0x52: {  	s16 =	simm.s32 $0x13E40;
	[sflag:s22] =	ssyncadd.s32 $0xFFFFB100  }
0x53: {  	v9 =	vld [tilespmem:s16+$0x20];
	_ =	sdelay $0x1  }
0x54: {  	s18 =	smul.u32 $0x9E00, s12;
	v10 =	vld [tilespmem:s16+$0x0]  }
0x55: {  	v11 =	vld [tilespmem:s16+$0xFFFFFFE0]  }
0x56: {  	v8 =	vmov s18  }
0x57: {  	v13 =	vld [tilespmem:s16+$0xFFFFFFD0];
	v12 =	vsub.s32 v9, v8  }
0x58: {  	v9 =	vand.u32 $0x7F, v9;
	vm0 =	vlt.u32 v12, $0x4F00;
	v12 =	vand.u32 $0xFF80, v12  }
0x59: {  	v15 =	vld [tilespmem:s16+$0xFFFFFFC0];
	v14 =	vsub.s32 v10, v8;
	v10 =	vand.u32 $0x7F, v10;
	v12 =	vor.u32 v9, v12  }
0x5a: {  	vm1 =	vlt.u32 v14, $0x4F00;
	v9 =	vand.u32 $0xFF80, v14;
	v14 =	vsub.s32 v11, v8  }
0x5b: {  	v17 =	vld [tilespmem:s16+$0xFFFFFFF0];
	v16 =	vor.u32 v10, v9;
	v9 =	vand.u32 $0xFF80, v14;
	v10 =	vand.u32 $0x7F, v11  }
0x5c: {  	vm2 =	vlt.u32 v14, $0x4F00;
	v11 =	vsub.s32 v13, v8;
	v14 =	vor.u32 v10, v9  }
0x5d: {  	v19 =	vld [tilespmem:s16+$0x10];
	v10 =	vand.u32 $0x7F, v13;
	vm3 =	vlt.u32 v11, $0x4F00;
	v11 =	vand.u32 $0xFF80, v11  }
0x5e: {  	v13 =	vsub.s32 v15, v8;
	v20 =	vor.u32 v10, v11;
	v9 =	vld.idx.msk [tilespmem:v12+s21+$0x0], vm0  }
0x5f: {  	vm7 =	vlt.u32 v13, $0x4F00;
	v10 =	vld.idx.msk [tilespmem:v12+s5+$0x0], vm0;
	v12 =	vand.u32 $0x7F, v15;
	v15 =	vand.u32 $0xFF80, v13  }
0x60: {  	v13 =	vsub.s32 v17, v8;
	v11 =	vld.idx.msk [tilespmem:v16+s21+$0x0], vm1;
	v15 =	vor.u32 v12, v15  }
0x61: {  	v17 =	vand.u32 $0x7F, v17;
	v12 =	vld.idx.msk [tilespmem:v16+s5+$0x0], vm1;
	vm5 =	vlt.u32 v13, $0x4F00;
	v16 =	vand.u32 $0xFF80, v13  }
0x62: {  	v18 =	vld [tilespmem:s16+$0x30];
	v21 =	vsub.s32 v19, v8;
	v23 =	vor.u32 v17, v16  }
0x63: {  	v19 =	vand.u32 $0x7F, v19;
	v17 =	vand.u32 $0xFF80, v21;
	v16 =	vld.idx.msk [tilespmem:v20+s21+$0x0], vm3  }
0x64: {  	v26 =	vor.u32 v19, v17;
	v19 =	vld.idx.msk [tilespmem:v20+s5+$0x0], vm3  }
0x65: {  	vm4 =	vlt.u32 v21, $0x4F00;
	v21 =	vld.idx.msk [tilespmem:v15+s21+$0x0], vm7  }
0x66: {  	v22 =	vld.idx.msk [tilespmem:v15+s5+$0x0], vm7  }
0x67: {  	v15 =	vsub.s32 v18, v8;
	v17 =	vld.idx.msk [tilespmem:v23+s21+$0x0], vm5  }
0x68: {  	v18 =	vand.u32 $0x7F, v18;
	v20 =	vld.idx.msk [tilespmem:v23+s5+$0x0], vm5;
	v23 =	vand.u32 $0xFF80, v15;
	vm6 =	vlt.u32 v15, $0x4F00  }
0x69: {  	v13 =	vld.idx.msk [tilespmem:v14+s5+$0x0], vm2;
	v25 =	vor.u32 v18, v23  }
0x6a: {  	s13 =	simm.s32 $0x0;
	v14 =	vld.idx.msk [tilespmem:v14+s21+$0x0], vm2  }
0x6b: {  	s15 =	simm.s32 $0x100;
	s18 =	simm.s32 $0x13F40;
	v24 =	vor.u32 s13, v0;
	s11 =	simm.s32 $0x13F40;
	v15 =	vld.idx.msk [tilespmem:v26+s21+$0x0], vm4  }
0x6c: {  	s4 =	simm.s32 $0x80;
	s10 =	simm.s32 $0x13EC0;
	s8 =	simm.s32 $0x180;
	v18 =	vld.idx.msk [tilespmem:v26+s5+$0x0], vm4;
	v23 =	vor.u32 s13, v1  }
.LBB2_3:
0x6d: {  	p1 =	sne.s32 s8, $0x3F80  }
0x6e: {  	s11 =	sadd.s32 $0x80, s11;
	v26 =	vld.idx.msk [tilespmem:v25+s21+$0x0], vm6;
	s16 =	smov.u32 s8;
	s8 =	sadd.s32 $0x80, s8  }
0x6f: {  	v27 =	vor.u32 s13, v2;
	v25 =	vld.idx.msk [tilespmem:v25+s5+$0x0], vm6  }
0x70: {  	[tilespmem:v24+s23+$0x0] =	vst.idx.msk vm7, v22  }
0x71: {  	[tilespmem:v24+s24+$0x0] =	vst.idx.msk vm7, v21;
	v21 =	vor.u32 s13, v3  }
0x72: {  	[tilespmem:v23+s23+$0x0] =	vst.idx.msk vm3, v19  }
0x73: {  	[tilespmem:v23+s24+$0x0] =	vst.idx.msk vm3, v16;
	v16 =	vor.u32 s13, v4  }
0x74: {  	[tilespmem:v27+s23+$0x0] =	vst.idx.msk vm2, v13  }
0x75: {  	v13 =	vor.u32 s13, v5;
	[tilespmem:v27+s24+$0x0] =	vst.idx.msk vm2, v14  }
0x76: {  	[tilespmem:v21+s23+$0x0] =	vst.idx.msk vm5, v20  }
0x77: {  	v14 =	vor.u32 s13, v6;
	[tilespmem:v21+s24+$0x0] =	vst.idx.msk vm5, v17  }
0x78: {  	[tilespmem:v16+s23+$0x0] =	vst.idx.msk vm1, v12  }
0x79: {  	[tilespmem:v16+s24+$0x0] =	vst.idx.msk vm1, v11;
	v11 =	vor.u32 s13, v7;
	s13 =	smov.u32 s4;
	s4 =	smov.u32 s15;
	s15 =	smov.u32 s16  }
0x7a: {  	[tilespmem:v13+s23+$0x0] =	vst.idx.msk vm4, v18  }
0x7b: {  	[tilespmem:v13+s24+$0x0] =	vst.idx.msk vm4, v15  }
0x7c: {  	[tilespmem:v14+s23+$0x0] =	vst.idx.msk vm0, v10  }
0x7d: {  	[tilespmem:v14+s24+$0x0] =	vst.idx.msk vm0, v9  }
0x7e: {  	[tilespmem:v11+s23+$0x0] =	vst.idx.msk vm6, v25  }
0x7f: {  	[tilespmem:v11+s24+$0x0] =	vst.idx.msk vm6, v26  }
0x80: {  	v9 =	vld [tilespmem:s10+$0x20]  }
0x81: {  	v10 =	vld [tilespmem:s10+$0xFFFFFFC0]  }
0x82: {  	v11 =	vld [tilespmem:s10+$0x0]  }
0x83: {  	v15 =	vld [tilespmem:s10+$0x30]  }
0x84: {  	v12 =	vld [tilespmem:s10+$0xFFFFFFE0]  }
0x85: {  	v13 =	vld [tilespmem:s10+$0xFFFFFFD0];
	v14 =	vsub.s32 v9, v8;
	v9 =	vand.u32 $0x7F, v9  }
0x86: {  	v16 =	vsub.s32 v10, v8;
	vm0 =	vlt.u32 v14, $0x4F00;
	v14 =	vand.u32 $0xFF80, v14  }
0x87: {  	v10 =	vand.u32 $0x7F, v10;
	v17 =	vsub.s32 v11, v8;
	v14 =	vor.u32 v9, v14  }
0x88: {  	v19 =	vand.u32 $0xFF80, v16;
	v18 =	vsub.s32 v15, v8;
	v9 =	vand.u32 $0xFF80, v17  }
0x89: {  	v11 =	vand.u32 $0x7F, v11;
	vm1 =	vlt.u32 v17, $0x4F00;
	v20 =	vld [tilespmem:s10+$0x10];
	v21 =	vsub.s32 v12, v8  }
0x8a: {  	v23 =	vor.u32 v11, v9;
	v17 =	vld [tilespmem:s10+$0xFFFFFFF0];
	vm2 =	vlt.u32 v21, $0x4F00;
	v22 =	vand.u32 $0x7F, v13;
	s10 =	smov.u32 s18;
	s18 =	smov.u32 s11  }
0x8b: {  	v12 =	vand.u32 $0x7F, v12;
	v9 =	vsub.s32 v13, v8;
	v11 =	vand.u32 $0xFF80, v21  }
0x8c: {  	vm3 =	vlt.u32 v9, $0x4F00;
	v9 =	vand.u32 $0xFF80, v9;
	v21 =	vor.u32 v12, v11  }
0x8d: {  	v24 =	vand.u32 $0xFF80, v18;
	v22 =	vor.u32 v22, v9;
	v9 =	vld.idx.msk [tilespmem:v14+s21+$0x0], vm0  }
0x8e: {  	v25 =	vor.u32 v10, v19;
	v13 =	vsub.s32 v20, v8;
	v10 =	vld.idx.msk [tilespmem:v14+s5+$0x0], vm0  }
0x8f: {  	vm7 =	vlt.u32 v16, $0x4F00;
	v12 =	vsub.s32 v17, v8;
	v14 =	vand.u32 $0xFF80, v13;
	v11 =	vld.idx.msk [tilespmem:v23+s21+$0x0], vm1  }
0x90: {  	v17 =	vand.u32 $0x7F, v17;
	vm5 =	vlt.u32 v12, $0x4F00;
	v16 =	vand.u32 $0xFF80, v12;
	v12 =	vld.idx.msk [tilespmem:v23+s5+$0x0], vm1  }
0x91: {  	vm4 =	vlt.u32 v13, $0x4F00;
	v13 =	vld.idx.msk [tilespmem:v21+s5+$0x0], vm2;
	v23 =	vor.u32 v17, v16;
	v16 =	vand.u32 $0x7F, v20  }
0x92: {  	v26 =	vor.u32 v16, v14;
	v14 =	vld.idx.msk [tilespmem:v21+s21+$0x0], vm2  }
0x93: {  	v16 =	vld.idx.msk [tilespmem:v22+s21+$0x0], vm3  }
0x94: {  	v19 =	vld.idx.msk [tilespmem:v22+s5+$0x0], vm3  }
0x95: {  	v15 =	vand.u32 $0x7F, v15;
	vm6 =	vlt.u32 v18, $0x4F00;
	v21 =	vld.idx.msk [tilespmem:v25+s21+$0x0], vm7  }
.Ltmp2:
0x96: {  	v22 =	vld.idx.msk [tilespmem:v25+s5+$0x0], vm7;
	v25 =	vor.u32 v15, v24;
	(pc) =	sbr.rel @p1 .LBB2_3-.Ltmp2, $4  }
0x97: {  	v17 =	vld.idx.msk [tilespmem:v23+s21+$0x0], vm5  }
0x98: {  	v24 =	vor.u32 s13, v0;
	v20 =	vld.idx.msk [tilespmem:v23+s5+$0x0], vm5  }
0x99: {  	v15 =	vld.idx.msk [tilespmem:v26+s21+$0x0], vm4  }
0x9a: {  	v23 =	vor.u32 s13, v1;
	v18 =	vld.idx.msk [tilespmem:v26+s5+$0x0], vm4  }
0x9b: {  	_ =	sdelay $0x4  }
0x9c: {  	v26 =	vld.idx.msk [tilespmem:v25+s21+$0x0], vm6;
	v27 =	vor.u32 s13, v2  }
0x9d: {  	v35 =	vld.idx.msk [tilespmem:v25+s5+$0x0], vm6;
	[tilespmem:v24+s23+$0x0] =	vst.idx.msk vm7, v22  }
0x9e: {  	v36 =	vor.u32 s13, v3;
	[tilespmem:v24+s24+$0x0] =	vst.idx.msk vm7, v21  }
0x9f: {  	[tilespmem:v23+s23+$0x0] =	vst.idx.msk vm3, v19  }
0xa0: {  	v37 =	vor.u32 s13, v4;
	[tilespmem:v23+s24+$0x0] =	vst.idx.msk vm3, v16  }
0xa1: {  	[tilespmem:v27+s23+$0x0] =	vst.idx.msk vm2, v13  }
0xa2: {  	v38 =	vor.u32 s13, v5;
	[tilespmem:v27+s24+$0x0] =	vst.idx.msk vm2, v14  }
0xa3: {  	[tilespmem:v36+s23+$0x0] =	vst.idx.msk vm5, v20  }
0xa4: {  	v39 =	vor.u32 s13, v6;
	[tilespmem:v36+s24+$0x0] =	vst.idx.msk vm5, v17  }
0xa5: {  	[tilespmem:v37+s23+$0x0] =	vst.idx.msk vm1, v12  }
0xa6: {  	v40 =	vor.u32 s13, v7;
	[tilespmem:v37+s24+$0x0] =	vst.idx.msk vm1, v11  }
0xa7: {  	[tilespmem:v38+s23+$0x0] =	vst.idx.msk vm4, v18  }
0xa8: {  	[tilespmem:v38+s24+$0x0] =	vst.idx.msk vm4, v15  }
0xa9: {  	[tilespmem:v39+s23+$0x0] =	vst.idx.msk vm0, v10  }
0xaa: {  	[tilespmem:v39+s24+$0x0] =	vst.idx.msk vm0, v9  }
0xab: {  	[tilespmem:v40+s23+$0x0] =	vst.idx.msk vm6, v35  }
0xac: {  	[tilespmem:v40+s24+$0x0] =	vst.idx.msk vm6, v26  }
0xad: {  	v9 =	vld [tilespmem:s10+$0x20];
	_ =	sdelay $0x1  }
0xae: {  	v10 =	vld [tilespmem:s10+$0x0];
	_ =	sdelay $0x1  }
0xaf: {  	v11 =	vld [tilespmem:s10+$0xFFFFFFE0]  }
0xb0: {  	v41 =	vsub.s32 v9, v8  }
0xb1: {  	v13 =	vld [tilespmem:s10+$0xFFFFFFD0];
	v9 =	vand.u32 $0x7F, v9;
	vm0 =	vlt.u32 v41, $0x4F00;
	v12 =	vand.u32 $0xFF80, v41  }
0xb2: {  	v43 =	vld [tilespmem:s10+$0xFFFFFFC0];
	v42 =	vsub.s32 v10, v8;
	v9 =	vor.u32 v9, v12  }
0xb3: {  	v45 =	vld [tilespmem:s10+$0x30];
	v10 =	vand.u32 $0x7F, v10;
	v44 =	vand.u32 $0xFF80, v42;
	vm9 =	vlt.u32 v42, $0x4F00  }
0xb4: {  	v46 =	vsub.s32 v11, v8;
	v10 =	vor.u32 v10, v44  }
0xb5: {  	v47 =	vld [tilespmem:s10+$0xFFFFFFF0];
	v11 =	vand.u32 $0x7F, v11;
	vm10 =	vlt.u32 v46, $0x4F00;
	v16 =	vand.u32 $0xFF80, v46  }
0xb6: {  	v17 =	vld [tilespmem:s10+$0x10];
	v48 =	vsub.s32 v13, v8;
	v13 =	vand.u32 $0x7F, v13;
	v11 =	vor.u32 v11, v16  }
0xb7: {  	v51 =	vsub.s32 v43, v8;
	vm11 =	vlt.u32 v48, $0x4F00;
	v49 =	vand.u32 $0xFF80, v48;
	v50 =	vld.idx.msk [tilespmem:v9+s21+$0x0], vm0  }
0xb8: {  	v58 =	vsub.s32 v45, v8;
	v14 =	vand.u32 $0x7F, v45;
	v13 =	vor.u32 v13, v49;
	v9 =	vld.idx.msk [tilespmem:v9+s5+$0x0], vm0  }
0xb9: {  	v52 =	vand.u32 $0xFF80, v51;
	v59 =	vand.u32 $0xFF80, v58;
	vm15 =	vlt.u32 v58, $0x4F00;
	v53 =	vld.idx.msk [tilespmem:v10+s21+$0x0], vm9  }
0xba: {  	vm12 =	vlt.u32 v51, $0x4F00;
	v12 =	vand.u32 $0x7F, v43;
	v14 =	vor.u32 v14, v59;
	v10 =	vld.idx.msk [tilespmem:v10+s5+$0x0], vm9  }
0xbb: {  	v12 =	vor.u32 v12, v52;
	v20 =	vld.idx.msk [tilespmem:v11+s5+$0x0], vm10  }
0xbc: {  	v54 =	vsub.s32 v47, v8;
	v11 =	vld.idx.msk [tilespmem:v11+s21+$0x0], vm10  }
0xbd: {  	v15 =	vand.u32 $0x7F, v47;
	vm13 =	vlt.u32 v54, $0x4F00;
	v16 =	vand.u32 $0xFF80, v54;
	v57 =	vld.idx.msk [tilespmem:v13+s21+$0x0], vm11  }
0xbe: {  	v55 =	vsub.s32 v17, v8;
	v15 =	vor.u32 v15, v16;
	v13 =	vld.idx.msk [tilespmem:v13+s5+$0x0], vm11  }
0xbf: {  	v17 =	vand.u32 $0x7F, v17;
	v56 =	vand.u32 $0xFF80, v55;
	vm14 =	vlt.u32 v55, $0x4F00;
	v26 =	vld.idx.msk [tilespmem:v14+s21+$0x0], vm15  }
0xc0: {  	v16 =	vor.u32 v17, v56;
	v60 =	vld.idx.msk [tilespmem:v12+s21+$0x0], vm12  }
0xc1: {  	v62 =	vor.u32 s4, v0;
	v12 =	vld.idx.msk [tilespmem:v12+s5+$0x0], vm12  }
0xc2: {  	v14 =	vld.idx.msk [tilespmem:v14+s5+$0x0], vm15  }
0xc3: {  	v63 =	vor.u32 s4, v1;
	v61 =	vld.idx.msk [tilespmem:v15+s21+$0x0], vm13  }
0xc4: {  	v15 =	vld.idx.msk [tilespmem:v15+s5+$0x0], vm13  }
0xc5: {  	v30 =	vor.u32 s4, v2;
	v24 =	vld.idx.msk [tilespmem:v16+s21+$0x0], vm14  }
0xc6: {  	v16 =	vld.idx.msk [tilespmem:v16+s5+$0x0], vm14;
	[tilespmem:v62+s23+$0x0] =	vst.idx.msk vm12, v12  }
0xc7: {  	v31 =	vor.u32 s4, v3;
	[tilespmem:v62+s24+$0x0] =	vst.idx.msk vm12, v60  }
0xc8: {  	[tilespmem:v63+s23+$0x0] =	vst.idx.msk vm11, v13  }
0xc9: {  	v32 =	vor.u32 s4, v4;
	[tilespmem:v63+s24+$0x0] =	vst.idx.msk vm11, v57  }
0xca: {  	[tilespmem:v30+s23+$0x0] =	vst.idx.msk vm10, v20  }
0xcb: {  	v33 =	vor.u32 s4, v5;
	[tilespmem:v30+s24+$0x0] =	vst.idx.msk vm10, v11  }
0xcc: {  	[tilespmem:v31+s23+$0x0] =	vst.idx.msk vm13, v15  }
0xcd: {  	v34 =	vor.u32 s4, v6;
	[tilespmem:v31+s24+$0x0] =	vst.idx.msk vm13, v61  }
0xce: {  	[tilespmem:v32+s23+$0x0] =	vst.idx.msk vm9, v10  }
0xcf: {  	v35 =	vor.u32 s4, v7;
	[tilespmem:v32+s24+$0x0] =	vst.idx.msk vm9, v53  }
0xd0: {  	[tilespmem:v33+s23+$0x0] =	vst.idx.msk vm14, v16  }
0xd1: {  	[tilespmem:v33+s24+$0x0] =	vst.idx.msk vm14, v24  }
0xd2: {  	[tilespmem:v34+s23+$0x0] =	vst.idx.msk vm0, v9  }
0xd3: {  	[tilespmem:v34+s24+$0x0] =	vst.idx.msk vm0, v50  }
0xd4: {  	[tilespmem:v35+s23+$0x0] =	vst.idx.msk vm15, v14  }
0xd5: {  	[tilespmem:v35+s24+$0x0] =	vst.idx.msk vm15, v26  }
0xd6: {  	v9 =	vld [tilespmem:s18+$0x20];
	_ =	sdelay $0x1  }
0xd7: {  	v10 =	vld [tilespmem:s18+$0x0]  }
0xd8: {  	v11 =	vld [tilespmem:s18+$0xFFFFFFE0]  }
0xd9: {  	v13 =	vld [tilespmem:s18+$0xFFFFFFD0]  }
0xda: {  	v38 =	vld [tilespmem:s18+$0xFFFFFFC0];
	v36 =	vsub.s32 v9, v8  }
0xdb: {  	v42 =	vld [tilespmem:s18+$0xFFFFFFF0];
	v9 =	vand.u32 $0x7F, v9;
	vm0 =	vlt.u32 v36, $0x4F00;
	v12 =	vand.u32 $0xFF80, v36  }
0xdc: {  	v17 =	vld [tilespmem:s18+$0x10];
	v37 =	vsub.s32 v10, v8;
	v10 =	vand.u32 $0x7F, v10;
	v9 =	vor.u32 v9, v12  }
0xdd: {  	v40 =	vld [tilespmem:s18+$0x30];
	v41 =	vsub.s32 v11, v8;
	v39 =	vand.u32 $0xFF80, v37;
	vm9 =	vlt.u32 v37, $0x4F00  }
0xde: {  	v11 =	vand.u32 $0x7F, v11;
	v43 =	vsub.s32 v13, v8;
	v10 =	vor.u32 v10, v39  }
0xdf: {  	v13 =	vand.u32 $0x7F, v13;
	vm10 =	vlt.u32 v41, $0x4F00;
	v16 =	vand.u32 $0xFF80, v41  }
0xe0: {  	v46 =	vsub.s32 v38, v8;
	v49 =	vsub.s32 v42, v8;
	v11 =	vor.u32 v11, v16  }
0xe1: {  	v50 =	vsub.s32 v17, v8;
	vm11 =	vlt.u32 v43, $0x4F00;
	v44 =	vand.u32 $0xFF80, v43;
	v45 =	vld.idx.msk [tilespmem:v9+s21+$0x0], vm0  }
0xe2: {  	v8 =	vsub.s32 v40, v8;
	v47 =	vand.u32 $0xFF80, v46;
	v13 =	vor.u32 v13, v44;
	v9 =	vld.idx.msk [tilespmem:v9+s5+$0x0], vm0  }
0xe3: {  	v53 =	vand.u32 $0xFF80, v8;
	vm15 =	vlt.u32 v8, $0x4F00;
	v8 =	vand.u32 $0x7F, v40;
	v48 =	vld.idx.msk [tilespmem:v10+s21+$0x0], vm9  }
0xe4: {  	vm12 =	vlt.u32 v46, $0x4F00;
	v12 =	vand.u32 $0x7F, v38;
	v8 =	vor.u32 v8, v53;
	v10 =	vld.idx.msk [tilespmem:v10+s5+$0x0], vm9  }
0xe5: {  	v12 =	vor.u32 v12, v47;
	v20 =	vld.idx.msk [tilespmem:v11+s5+$0x0], vm10  }
0xe6: {  	v11 =	vld.idx.msk [tilespmem:v11+s21+$0x0], vm10  }
0xe7: {  	v15 =	vand.u32 $0x7F, v42;
	vm13 =	vlt.u32 v49, $0x4F00;
	v16 =	vand.u32 $0xFF80, v49;
	v52 =	vld.idx.msk [tilespmem:v13+s21+$0x0], vm11  }
0xe8: {  	v15 =	vor.u32 v15, v16;
	v13 =	vld.idx.msk [tilespmem:v13+s5+$0x0], vm11  }
0xe9: {  	v17 =	vand.u32 $0x7F, v17;
	v51 =	vand.u32 $0xFF80, v50;
	vm14 =	vlt.u32 v50, $0x4F00;
	v25 =	vld.idx.msk [tilespmem:v8+s21+$0x0], vm15  }
0xea: {  	v16 =	vor.u32 v17, v51;
	v54 =	vld.idx.msk [tilespmem:v12+s21+$0x0], vm12  }
0xeb: {  	v56 =	vor.u32 s15, v0;
	v12 =	vld.idx.msk [tilespmem:v12+s5+$0x0], vm12  }
0xec: {  	v8 =	vld.idx.msk [tilespmem:v8+s5+$0x0], vm15  }
0xed: {  	v57 =	vor.u32 s15, v1;
	v55 =	vld.idx.msk [tilespmem:v15+s21+$0x0], vm13  }
0xee: {  	v15 =	vld.idx.msk [tilespmem:v15+s5+$0x0], vm13  }
0xef: {  	v58 =	vor.u32 s15, v2;
	v23 =	vld.idx.msk [tilespmem:v16+s21+$0x0], vm14  }
0xf0: {  	v16 =	vld.idx.msk [tilespmem:v16+s5+$0x0], vm14;
	[tilespmem:v56+s23+$0x0] =	vst.idx.msk vm12, v12  }
0xf1: {  	v59 =	vor.u32 s15, v3;
	[tilespmem:v56+s24+$0x0] =	vst.idx.msk vm12, v54  }
0xf2: {  	[tilespmem:v57+s23+$0x0] =	vst.idx.msk vm11, v13  }
0xf3: {  	v60 =	vor.u32 s15, v4;
	[tilespmem:v57+s24+$0x0] =	vst.idx.msk vm11, v52  }
0xf4: {  	[tilespmem:v58+s23+$0x0] =	vst.idx.msk vm10, v20  }
0xf5: {  	v61 =	vor.u32 s15, v5;
	[tilespmem:v58+s24+$0x0] =	vst.idx.msk vm10, v11  }
0xf6: {  	[tilespmem:v59+s23+$0x0] =	vst.idx.msk vm13, v15  }
0xf7: {  	v62 =	vor.u32 s15, v6;
	[tilespmem:v59+s24+$0x0] =	vst.idx.msk vm13, v55  }
0xf8: {  	[tilespmem:v60+s23+$0x0] =	vst.idx.msk vm9, v10  }
0xf9: {  	v63 =	vor.u32 s15, v7;
	[tilespmem:v60+s24+$0x0] =	vst.idx.msk vm9, v48  }
0xfa: {  	[tilespmem:v61+s23+$0x0] =	vst.idx.msk vm14, v16  }
.Ltmp3:
0xfb: {  	[tilespmem:v61+s24+$0x0] =	vst.idx.msk vm14, v23;
	(pc) =	sbr.rel @p0 .LBB2_8-.Ltmp3, $4  }
0xfc: {  	[tilespmem:v62+s23+$0x0] =	vst.idx.msk vm0, v9  }
0xfd: {  	[tilespmem:v62+s24+$0x0] =	vst.idx.msk vm0, v45  }
0xfe: {  	[tilespmem:v63+s23+$0x0] =	vst.idx.msk vm15, v8  }
0xff: {  	[tilespmem:v63+s24+$0x0] =	vst.idx.msk vm15, v25  }
0x100: {  	s4 =	smul.u32 $0x4F000, s12  }
0x101: {  	s8 =	rddreg [dreg:$0x1f]  }
0x102: {  	s4 =	sadd.s32 s4, s8  }
0x103: {  	s8 =	sor.u32 s7, s4  }
0x104: {  	s4 =	sor.u32 s9, s4;
	s8 =	sshrl.u32 s8, $0x3  }
0x105: {  	s13 =	simm.s32 $0x0;
	s4 =	sshrl.u32 s4, $0x3;
	s8 =	sadd.s32 s3, s8  }
0x106: {  	[tilespmem:s13], [sflag:$0x1] =	stream.strided.gather [hbm4b:s8+s19], $0x4F00, s20, s19, $0x38;
	[tilespmem:$0x1FE00] =	vst v63  }
0x107: {  	s4 =	sadd.s32 s3, s4  }
0x108: {  	[tilespmem:s21], [sflag:$0x1] =	stream.strided.gather [hbm4b:s4+s19], $0x4F00, s20, s19, $0x38;
	[tilespmem:$0x1FE00] =	vst v63  }
0x109: {  	_ =	swait.ge [sflag:s25], $0x4F00  }
0x10a: {  	[sflag:s25] =	ssyncset.done $0x0  }
0x10b: {  	[sflag:s25] =	ssyncadd.s32 $0xFFFFB100  }
0x10c: {  	_ =	swait.ge [sflag:s25], $0x4F00  }
0x10d: {  	[sflag:s25] =	ssyncset.done $0x0  }
0x10e: {  	s16 =	simm.s32 $0x13E40;
	[sflag:s25] =	ssyncadd.s32 $0xFFFFB100  }
0x10f: {  	v9 =	vld [tilespmem:s16+$0x20];
	_ =	sdelay $0x1  }
0x110: {  	s18 =	smul.u32 $0x4F00, s14;
	v10 =	vld [tilespmem:s16+$0x0]  }
0x111: {  	v11 =	vld [tilespmem:s16+$0xFFFFFFE0]  }
0x112: {  	v8 =	vmov s18  }
0x113: {  	v13 =	vld [tilespmem:s16+$0xFFFFFFD0];
	v12 =	vsub.s32 v9, v8  }
0x114: {  	v9 =	vand.u32 $0x7F, v9;
	vm0 =	vlt.u32 v12, $0x4F00;
	v12 =	vand.u32 $0xFF80, v12  }
0x115: {  	v15 =	vld [tilespmem:s16+$0xFFFFFFC0];
	v14 =	vsub.s32 v10, v8;
	v10 =	vand.u32 $0x7F, v10;
	v12 =	vor.u32 v9, v12  }
0x116: {  	vm1 =	vlt.u32 v14, $0x4F00;
	v9 =	vand.u32 $0xFF80, v14;
	v14 =	vsub.s32 v11, v8  }
0x117: {  	v17 =	vld [tilespmem:s16+$0xFFFFFFF0];
	v16 =	vor.u32 v10, v9;
	v9 =	vand.u32 $0xFF80, v14;
	v10 =	vand.u32 $0x7F, v11  }
0x118: {  	vm2 =	vlt.u32 v14, $0x4F00;
	v11 =	vsub.s32 v13, v8;
	v14 =	vor.u32 v10, v9  }
0x119: {  	v19 =	vld [tilespmem:s16+$0x10];
	v10 =	vand.u32 $0x7F, v13;
	vm3 =	vlt.u32 v11, $0x4F00;
	v11 =	vand.u32 $0xFF80, v11  }
0x11a: {  	v13 =	vsub.s32 v15, v8;
	v20 =	vor.u32 v10, v11;
	v9 =	vld.idx.msk [tilespmem:v12+s31+$0x0], vm0  }
0x11b: {  	vm7 =	vlt.u32 v13, $0x4F00;
	v10 =	vld.idx.msk [tilespmem:v12+s28+$0x0], vm0;
	v12 =	vand.u32 $0x7F, v15;
	v15 =	vand.u32 $0xFF80, v13  }
0x11c: {  	v13 =	vsub.s32 v17, v8;
	v11 =	vld.idx.msk [tilespmem:v16+s31+$0x0], vm1;
	v15 =	vor.u32 v12, v15  }
0x11d: {  	v17 =	vand.u32 $0x7F, v17;
	v12 =	vld.idx.msk [tilespmem:v16+s28+$0x0], vm1;
	vm5 =	vlt.u32 v13, $0x4F00;
	v16 =	vand.u32 $0xFF80, v13  }
0x11e: {  	v18 =	vld [tilespmem:s16+$0x30];
	v21 =	vsub.s32 v19, v8;
	v23 =	vor.u32 v17, v16  }
0x11f: {  	v19 =	vand.u32 $0x7F, v19;
	v17 =	vand.u32 $0xFF80, v21;
	v16 =	vld.idx.msk [tilespmem:v20+s31+$0x0], vm3  }
0x120: {  	v26 =	vor.u32 v19, v17;
	v19 =	vld.idx.msk [tilespmem:v20+s28+$0x0], vm3  }
0x121: {  	vm4 =	vlt.u32 v21, $0x4F00;
	v21 =	vld.idx.msk [tilespmem:v15+s31+$0x0], vm7  }
0x122: {  	v22 =	vld.idx.msk [tilespmem:v15+s28+$0x0], vm7  }
0x123: {  	v15 =	vsub.s32 v18, v8;
	v17 =	vld.idx.msk [tilespmem:v23+s31+$0x0], vm5  }
0x124: {  	v18 =	vand.u32 $0x7F, v18;
	v20 =	vld.idx.msk [tilespmem:v23+s28+$0x0], vm5;
	v23 =	vand.u32 $0xFF80, v15;
	vm6 =	vlt.u32 v15, $0x4F00  }
0x125: {  	v13 =	vld.idx.msk [tilespmem:v14+s28+$0x0], vm2;
	v25 =	vor.u32 v18, v23  }
0x126: {  	v14 =	vld.idx.msk [tilespmem:v14+s31+$0x0], vm2  }
0x127: {  	s14 =	simm.s32 $0x100;
	s10 =	simm.s32 $0x13EC0;
	s11 =	simm.s32 $0x13F40;
	v24 =	vor.u32 s13, v0;
	v15 =	vld.idx.msk [tilespmem:v26+s31+$0x0], vm4  }
0x128: {  	s15 =	simm.s32 $0x13F40;
	s8 =	simm.s32 $0x180;
	s4 =	simm.s32 $0x80;
	v18 =	vld.idx.msk [tilespmem:v26+s28+$0x0], vm4;
	v23 =	vor.u32 s13, v1  }
.LBB2_6:
0x129: {  	p0 =	sne.s32 s8, $0x3F80  }
0x12a: {  	s11 =	sadd.s32 $0x80, s11;
	v26 =	vld.idx.msk [tilespmem:v25+s31+$0x0], vm6;
	s16 =	smov.u32 s8;
	s8 =	sadd.s32 $0x80, s8  }
0x12b: {  	v27 =	vor.u32 s13, v2;
	v25 =	vld.idx.msk [tilespmem:v25+s28+$0x0], vm6  }
0x12c: {  	[tilespmem:v24+s23+$0x0] =	vst.idx.msk vm7, v22  }
0x12d: {  	[tilespmem:v24+s24+$0x0] =	vst.idx.msk vm7, v21;
	v21 =	vor.u32 s13, v3  }
0x12e: {  	[tilespmem:v23+s23+$0x0] =	vst.idx.msk vm3, v19  }
0x12f: {  	[tilespmem:v23+s24+$0x0] =	vst.idx.msk vm3, v16;
	v16 =	vor.u32 s13, v4  }
0x130: {  	[tilespmem:v27+s23+$0x0] =	vst.idx.msk vm2, v13  }
0x131: {  	v13 =	vor.u32 s13, v5;
	[tilespmem:v27+s24+$0x0] =	vst.idx.msk vm2, v14  }
0x132: {  	[tilespmem:v21+s23+$0x0] =	vst.idx.msk vm5, v20  }
0x133: {  	v14 =	vor.u32 s13, v6;
	[tilespmem:v21+s24+$0x0] =	vst.idx.msk vm5, v17  }
0x134: {  	[tilespmem:v16+s23+$0x0] =	vst.idx.msk vm1, v12  }
0x135: {  	[tilespmem:v16+s24+$0x0] =	vst.idx.msk vm1, v11;
	v11 =	vor.u32 s13, v7;
	s13 =	smov.u32 s4;
	s4 =	smov.u32 s14;
	s14 =	smov.u32 s16  }
0x136: {  	[tilespmem:v13+s23+$0x0] =	vst.idx.msk vm4, v18  }
0x137: {  	[tilespmem:v13+s24+$0x0] =	vst.idx.msk vm4, v15  }
0x138: {  	[tilespmem:v14+s23+$0x0] =	vst.idx.msk vm0, v10  }
0x139: {  	[tilespmem:v14+s24+$0x0] =	vst.idx.msk vm0, v9  }
0x13a: {  	[tilespmem:v11+s23+$0x0] =	vst.idx.msk vm6, v25  }
0x13b: {  	[tilespmem:v11+s24+$0x0] =	vst.idx.msk vm6, v26  }
0x13c: {  	v9 =	vld [tilespmem:s10+$0x20]  }
0x13d: {  	v10 =	vld [tilespmem:s10+$0xFFFFFFC0]  }
0x13e: {  	v11 =	vld [tilespmem:s10+$0x0]  }
0x13f: {  	v15 =	vld [tilespmem:s10+$0x30]  }
0x140: {  	v12 =	vld [tilespmem:s10+$0xFFFFFFE0]  }
0x141: {  	v13 =	vld [tilespmem:s10+$0xFFFFFFD0];
	v14 =	vsub.s32 v9, v8;
	v9 =	vand.u32 $0x7F, v9  }
0x142: {  	v16 =	vsub.s32 v10, v8;
	vm0 =	vlt.u32 v14, $0x4F00;
	v14 =	vand.u32 $0xFF80, v14  }
0x143: {  	v10 =	vand.u32 $0x7F, v10;
	v17 =	vsub.s32 v11, v8;
	v14 =	vor.u32 v9, v14  }
0x144: {  	v19 =	vand.u32 $0xFF80, v16;
	v18 =	vsub.s32 v15, v8;
	v9 =	vand.u32 $0xFF80, v17  }
0x145: {  	v11 =	vand.u32 $0x7F, v11;
	vm1 =	vlt.u32 v17, $0x4F00;
	v20 =	vld [tilespmem:s10+$0x10];
	v21 =	vsub.s32 v12, v8  }
0x146: {  	v23 =	vor.u32 v11, v9;
	v17 =	vld [tilespmem:s10+$0xFFFFFFF0];
	vm2 =	vlt.u32 v21, $0x4F00;
	v22 =	vand.u32 $0x7F, v13;
	s10 =	smov.u32 s15;
	s15 =	smov.u32 s11  }
0x147: {  	v12 =	vand.u32 $0x7F, v12;
	v9 =	vsub.s32 v13, v8;
	v11 =	vand.u32 $0xFF80, v21  }
0x148: {  	vm3 =	vlt.u32 v9, $0x4F00;
	v9 =	vand.u32 $0xFF80, v9;
	v21 =	vor.u32 v12, v11  }
0x149: {  	v24 =	vand.u32 $0xFF80, v18;
	v22 =	vor.u32 v22, v9;
	v9 =	vld.idx.msk [tilespmem:v14+s31+$0x0], vm0  }
0x14a: {  	v25 =	vor.u32 v10, v19;
	v13 =	vsub.s32 v20, v8;
	v10 =	vld.idx.msk [tilespmem:v14+s28+$0x0], vm0  }
0x14b: {  	vm7 =	vlt.u32 v16, $0x4F00;
	v12 =	vsub.s32 v17, v8;
	v14 =	vand.u32 $0xFF80, v13;
	v11 =	vld.idx.msk [tilespmem:v23+s31+$0x0], vm1  }
0x14c: {  	v17 =	vand.u32 $0x7F, v17;
	vm5 =	vlt.u32 v12, $0x4F00;
	v16 =	vand.u32 $0xFF80, v12;
	v12 =	vld.idx.msk [tilespmem:v23+s28+$0x0], vm1  }
0x14d: {  	vm4 =	vlt.u32 v13, $0x4F00;
	v13 =	vld.idx.msk [tilespmem:v21+s28+$0x0], vm2;
	v23 =	vor.u32 v17, v16;
	v16 =	vand.u32 $0x7F, v20  }
0x14e: {  	v26 =	vor.u32 v16, v14;
	v14 =	vld.idx.msk [tilespmem:v21+s31+$0x0], vm2  }
0x14f: {  	v16 =	vld.idx.msk [tilespmem:v22+s31+$0x0], vm3  }
0x150: {  	v19 =	vld.idx.msk [tilespmem:v22+s28+$0x0], vm3  }
0x151: {  	v15 =	vand.u32 $0x7F, v15;
	vm6 =	vlt.u32 v18, $0x4F00;
	v21 =	vld.idx.msk [tilespmem:v25+s31+$0x0], vm7  }
.Ltmp4:
0x152: {  	v22 =	vld.idx.msk [tilespmem:v25+s28+$0x0], vm7;
	v25 =	vor.u32 v15, v24;
	(pc) =	sbr.rel @p0 .LBB2_6-.Ltmp4, $4  }
0x153: {  	v17 =	vld.idx.msk [tilespmem:v23+s31+$0x0], vm5  }
0x154: {  	v24 =	vor.u32 s13, v0;
	v20 =	vld.idx.msk [tilespmem:v23+s28+$0x0], vm5  }
0x155: {  	v15 =	vld.idx.msk [tilespmem:v26+s31+$0x0], vm4  }
0x156: {  	v23 =	vor.u32 s13, v1;
	v18 =	vld.idx.msk [tilespmem:v26+s28+$0x0], vm4  }
0x157: {  	_ =	sdelay $0x4  }
0x158: {  	v26 =	vld.idx.msk [tilespmem:v25+s31+$0x0], vm6;
	v27 =	vor.u32 s13, v2  }
0x159: {  	v35 =	vld.idx.msk [tilespmem:v25+s28+$0x0], vm6;
	[tilespmem:v24+s23+$0x0] =	vst.idx.msk vm7, v22  }
0x15a: {  	v36 =	vor.u32 s13, v3;
	[tilespmem:v24+s24+$0x0] =	vst.idx.msk vm7, v21  }
0x15b: {  	[tilespmem:v23+s23+$0x0] =	vst.idx.msk vm3, v19  }
0x15c: {  	v37 =	vor.u32 s13, v4;
	[tilespmem:v23+s24+$0x0] =	vst.idx.msk vm3, v16  }
0x15d: {  	[tilespmem:v27+s23+$0x0] =	vst.idx.msk vm2, v13  }
0x15e: {  	v38 =	vor.u32 s13, v5;
	[tilespmem:v27+s24+$0x0] =	vst.idx.msk vm2, v14  }
0x15f: {  	[tilespmem:v36+s23+$0x0] =	vst.idx.msk vm5, v20  }
0x160: {  	v39 =	vor.u32 s13, v6;
	[tilespmem:v36+s24+$0x0] =	vst.idx.msk vm5, v17  }
0x161: {  	[tilespmem:v37+s23+$0x0] =	vst.idx.msk vm1, v12  }
0x162: {  	v40 =	vor.u32 s13, v7;
	[tilespmem:v37+s24+$0x0] =	vst.idx.msk vm1, v11  }
0x163: {  	[tilespmem:v38+s23+$0x0] =	vst.idx.msk vm4, v18  }
0x164: {  	[tilespmem:v38+s24+$0x0] =	vst.idx.msk vm4, v15  }
0x165: {  	[tilespmem:v39+s23+$0x0] =	vst.idx.msk vm0, v10  }
0x166: {  	[tilespmem:v39+s24+$0x0] =	vst.idx.msk vm0, v9  }
0x167: {  	[tilespmem:v40+s23+$0x0] =	vst.idx.msk vm6, v35  }
0x168: {  	[tilespmem:v40+s24+$0x0] =	vst.idx.msk vm6, v26  }
0x169: {  	v9 =	vld [tilespmem:s10+$0x20];
	_ =	sdelay $0x1  }
0x16a: {  	v10 =	vld [tilespmem:s10+$0x0];
	_ =	sdelay $0x1  }
0x16b: {  	v11 =	vld [tilespmem:s10+$0xFFFFFFE0]  }
0x16c: {  	v41 =	vsub.s32 v9, v8  }
0x16d: {  	v13 =	vld [tilespmem:s10+$0xFFFFFFD0];
	v9 =	vand.u32 $0x7F, v9;
	vm0 =	vlt.u32 v41, $0x4F00;
	v12 =	vand.u32 $0xFF80, v41  }
0x16e: {  	v43 =	vld [tilespmem:s10+$0xFFFFFFC0];
	v42 =	vsub.s32 v10, v8;
	v9 =	vor.u32 v9, v12  }
0x16f: {  	v45 =	vld [tilespmem:s10+$0x30];
	v10 =	vand.u32 $0x7F, v10;
	v44 =	vand.u32 $0xFF80, v42;
	vm9 =	vlt.u32 v42, $0x4F00  }
0x170: {  	v46 =	vsub.s32 v11, v8;
	v10 =	vor.u32 v10, v44  }
0x171: {  	v47 =	vld [tilespmem:s10+$0xFFFFFFF0];
	v11 =	vand.u32 $0x7F, v11;
	vm10 =	vlt.u32 v46, $0x4F00;
	v16 =	vand.u32 $0xFF80, v46  }
0x172: {  	v17 =	vld [tilespmem:s10+$0x10];
	v48 =	vsub.s32 v13, v8;
	v13 =	vand.u32 $0x7F, v13;
	v11 =	vor.u32 v11, v16  }
0x173: {  	v51 =	vsub.s32 v43, v8;
	vm11 =	vlt.u32 v48, $0x4F00;
	v49 =	vand.u32 $0xFF80, v48;
	v50 =	vld.idx.msk [tilespmem:v9+s31+$0x0], vm0  }
0x174: {  	v58 =	vsub.s32 v45, v8;
	v14 =	vand.u32 $0x7F, v45;
	v13 =	vor.u32 v13, v49;
	v9 =	vld.idx.msk [tilespmem:v9+s28+$0x0], vm0  }
0x175: {  	v52 =	vand.u32 $0xFF80, v51;
	v59 =	vand.u32 $0xFF80, v58;
	vm15 =	vlt.u32 v58, $0x4F00;
	v53 =	vld.idx.msk [tilespmem:v10+s31+$0x0], vm9  }
0x176: {  	vm12 =	vlt.u32 v51, $0x4F00;
	v12 =	vand.u32 $0x7F, v43;
	v14 =	vor.u32 v14, v59;
	v10 =	vld.idx.msk [tilespmem:v10+s28+$0x0], vm9  }
0x177: {  	v12 =	vor.u32 v12, v52;
	v20 =	vld.idx.msk [tilespmem:v11+s28+$0x0], vm10  }
0x178: {  	v54 =	vsub.s32 v47, v8;
	v11 =	vld.idx.msk [tilespmem:v11+s31+$0x0], vm10  }
0x179: {  	v15 =	vand.u32 $0x7F, v47;
	vm13 =	vlt.u32 v54, $0x4F00;
	v16 =	vand.u32 $0xFF80, v54;
	v57 =	vld.idx.msk [tilespmem:v13+s31+$0x0], vm11  }
0x17a: {  	v55 =	vsub.s32 v17, v8;
	v15 =	vor.u32 v15, v16;
	v13 =	vld.idx.msk [tilespmem:v13+s28+$0x0], vm11  }
0x17b: {  	v17 =	vand.u32 $0x7F, v17;
	v56 =	vand.u32 $0xFF80, v55;
	vm14 =	vlt.u32 v55, $0x4F00;
	v26 =	vld.idx.msk [tilespmem:v14+s31+$0x0], vm15  }
0x17c: {  	v16 =	vor.u32 v17, v56;
	v60 =	vld.idx.msk [tilespmem:v12+s31+$0x0], vm12  }
0x17d: {  	v62 =	vor.u32 s4, v0;
	v12 =	vld.idx.msk [tilespmem:v12+s28+$0x0], vm12  }
0x17e: {  	v14 =	vld.idx.msk [tilespmem:v14+s28+$0x0], vm15  }
0x17f: {  	v63 =	vor.u32 s4, v1;
	v61 =	vld.idx.msk [tilespmem:v15+s31+$0x0], vm13  }
0x180: {  	v15 =	vld.idx.msk [tilespmem:v15+s28+$0x0], vm13  }
0x181: {  	v30 =	vor.u32 s4, v2;
	v24 =	vld.idx.msk [tilespmem:v16+s31+$0x0], vm14  }
0x182: {  	v16 =	vld.idx.msk [tilespmem:v16+s28+$0x0], vm14;
	[tilespmem:v62+s23+$0x0] =	vst.idx.msk vm12, v12  }
0x183: {  	v31 =	vor.u32 s4, v3;
	[tilespmem:v62+s24+$0x0] =	vst.idx.msk vm12, v60  }
0x184: {  	[tilespmem:v63+s23+$0x0] =	vst.idx.msk vm11, v13  }
0x185: {  	v32 =	vor.u32 s4, v4;
	[tilespmem:v63+s24+$0x0] =	vst.idx.msk vm11, v57  }
0x186: {  	[tilespmem:v30+s23+$0x0] =	vst.idx.msk vm10, v20  }
0x187: {  	v33 =	vor.u32 s4, v5;
	[tilespmem:v30+s24+$0x0] =	vst.idx.msk vm10, v11  }
0x188: {  	[tilespmem:v31+s23+$0x0] =	vst.idx.msk vm13, v15  }
0x189: {  	v34 =	vor.u32 s4, v6;
	[tilespmem:v31+s24+$0x0] =	vst.idx.msk vm13, v61  }
0x18a: {  	[tilespmem:v32+s23+$0x0] =	vst.idx.msk vm9, v10  }
0x18b: {  	v35 =	vor.u32 s4, v7;
	[tilespmem:v32+s24+$0x0] =	vst.idx.msk vm9, v53  }
0x18c: {  	[tilespmem:v33+s23+$0x0] =	vst.idx.msk vm14, v16  }
0x18d: {  	[tilespmem:v33+s24+$0x0] =	vst.idx.msk vm14, v24  }
0x18e: {  	[tilespmem:v34+s23+$0x0] =	vst.idx.msk vm0, v9  }
0x18f: {  	[tilespmem:v34+s24+$0x0] =	vst.idx.msk vm0, v50  }
0x190: {  	[tilespmem:v35+s23+$0x0] =	vst.idx.msk vm15, v14  }
0x191: {  	[tilespmem:v35+s24+$0x0] =	vst.idx.msk vm15, v26  }
0x192: {  	v9 =	vld [tilespmem:s15+$0x20];
	_ =	sdelay $0x1  }
0x193: {  	v10 =	vld [tilespmem:s15+$0x0]  }
0x194: {  	v11 =	vld [tilespmem:s15+$0xFFFFFFE0]  }
0x195: {  	v13 =	vld [tilespmem:s15+$0xFFFFFFD0]  }
0x196: {  	v38 =	vld [tilespmem:s15+$0xFFFFFFC0];
	v36 =	vsub.s32 v9, v8  }
0x197: {  	v42 =	vld [tilespmem:s15+$0xFFFFFFF0];
	v9 =	vand.u32 $0x7F, v9;
	vm0 =	vlt.u32 v36, $0x4F00;
	v12 =	vand.u32 $0xFF80, v36  }
0x198: {  	v17 =	vld [tilespmem:s15+$0x10];
	v37 =	vsub.s32 v10, v8;
	v10 =	vand.u32 $0x7F, v10;
	v9 =	vor.u32 v9, v12  }
0x199: {  	v40 =	vld [tilespmem:s15+$0x30];
	v41 =	vsub.s32 v11, v8;
	v39 =	vand.u32 $0xFF80, v37;
	vm9 =	vlt.u32 v37, $0x4F00  }
0x19a: {  	v11 =	vand.u32 $0x7F, v11;
	v43 =	vsub.s32 v13, v8;
	v10 =	vor.u32 v10, v39  }
0x19b: {  	v13 =	vand.u32 $0x7F, v13;
	vm10 =	vlt.u32 v41, $0x4F00;
	v16 =	vand.u32 $0xFF80, v41  }
0x19c: {  	v46 =	vsub.s32 v38, v8;
	v49 =	vsub.s32 v42, v8;
	v11 =	vor.u32 v11, v16  }
0x19d: {  	v50 =	vsub.s32 v17, v8;
	vm11 =	vlt.u32 v43, $0x4F00;
	v44 =	vand.u32 $0xFF80, v43;
	v45 =	vld.idx.msk [tilespmem:v9+s31+$0x0], vm0  }
0x19e: {  	v8 =	vsub.s32 v40, v8;
	v47 =	vand.u32 $0xFF80, v46;
	v13 =	vor.u32 v13, v44;
	v9 =	vld.idx.msk [tilespmem:v9+s28+$0x0], vm0  }
0x19f: {  	v53 =	vand.u32 $0xFF80, v8;
	vm15 =	vlt.u32 v8, $0x4F00;
	v8 =	vand.u32 $0x7F, v40;
	v48 =	vld.idx.msk [tilespmem:v10+s31+$0x0], vm9  }
0x1a0: {  	vm12 =	vlt.u32 v46, $0x4F00;
	v12 =	vand.u32 $0x7F, v38;
	v8 =	vor.u32 v8, v53;
	v10 =	vld.idx.msk [tilespmem:v10+s28+$0x0], vm9  }
0x1a1: {  	v12 =	vor.u32 v12, v47;
	v20 =	vld.idx.msk [tilespmem:v11+s28+$0x0], vm10  }
0x1a2: {  	v11 =	vld.idx.msk [tilespmem:v11+s31+$0x0], vm10  }
0x1a3: {  	v15 =	vand.u32 $0x7F, v42;
	vm13 =	vlt.u32 v49, $0x4F00;
	v16 =	vand.u32 $0xFF80, v49;
	v52 =	vld.idx.msk [tilespmem:v13+s31+$0x0], vm11  }
0x1a4: {  	v15 =	vor.u32 v15, v16;
	v13 =	vld.idx.msk [tilespmem:v13+s28+$0x0], vm11  }
0x1a5: {  	v17 =	vand.u32 $0x7F, v17;
	v51 =	vand.u32 $0xFF80, v50;
	vm14 =	vlt.u32 v50, $0x4F00;
	v25 =	vld.idx.msk [tilespmem:v8+s31+$0x0], vm15  }
0x1a6: {  	v16 =	vor.u32 v17, v51;
	v54 =	vld.idx.msk [tilespmem:v12+s31+$0x0], vm12  }
0x1a7: {  	v56 =	vor.u32 s14, v0;
	v12 =	vld.idx.msk [tilespmem:v12+s28+$0x0], vm12  }
0x1a8: {  	v8 =	vld.idx.msk [tilespmem:v8+s28+$0x0], vm15  }
0x1a9: {  	v57 =	vor.u32 s14, v1;
	v55 =	vld.idx.msk [tilespmem:v15+s31+$0x0], vm13  }
0x1aa: {  	v15 =	vld.idx.msk [tilespmem:v15+s28+$0x0], vm13  }
0x1ab: {  	v58 =	vor.u32 s14, v2;
	v23 =	vld.idx.msk [tilespmem:v16+s31+$0x0], vm14  }
0x1ac: {  	v16 =	vld.idx.msk [tilespmem:v16+s28+$0x0], vm14;
	[tilespmem:v56+s23+$0x0] =	vst.idx.msk vm12, v12  }
0x1ad: {  	v59 =	vor.u32 s14, v3;
	[tilespmem:v56+s24+$0x0] =	vst.idx.msk vm12, v54  }
0x1ae: {  	[tilespmem:v57+s23+$0x0] =	vst.idx.msk vm11, v13  }
0x1af: {  	v60 =	vor.u32 s14, v4;
	[tilespmem:v57+s24+$0x0] =	vst.idx.msk vm11, v52  }
0x1b0: {  	[tilespmem:v58+s23+$0x0] =	vst.idx.msk vm10, v20  }
0x1b1: {  	v61 =	vor.u32 s14, v5;
	[tilespmem:v58+s24+$0x0] =	vst.idx.msk vm10, v11  }
0x1b2: {  	[tilespmem:v59+s23+$0x0] =	vst.idx.msk vm13, v15  }
0x1b3: {  	v62 =	vor.u32 s14, v6;
	[tilespmem:v59+s24+$0x0] =	vst.idx.msk vm13, v55  }
0x1b4: {  	[tilespmem:v60+s23+$0x0] =	vst.idx.msk vm9, v10  }
0x1b5: {  	v63 =	vor.u32 s14, v7;
	[tilespmem:v60+s24+$0x0] =	vst.idx.msk vm9, v48  }
0x1b6: {  	[tilespmem:v61+s23+$0x0] =	vst.idx.msk vm14, v16  }
.Ltmp5:
0x1b7: {  	[tilespmem:v61+s24+$0x0] =	vst.idx.msk vm14, v23;
	(pc) =	sbr.rel .LBB2_8-.Ltmp5, $4  }
0x1b8: {  	[tilespmem:v62+s23+$0x0] =	vst.idx.msk vm0, v9  }
0x1b9: {  	[tilespmem:v62+s24+$0x0] =	vst.idx.msk vm0, v45  }
0x1ba: {  	[tilespmem:v63+s23+$0x0] =	vst.idx.msk vm15, v8  }
0x1bb: {  	[tilespmem:v63+s24+$0x0] =	vst.idx.msk vm15, v25  }
.LBB2_9:
0x1bc: {  	_ =	swait.ge [sflag:s25], $0x2300  }
0x1bd: {  	[sflag:s25] =	ssyncset.done $0x0  }
0x1be: {  	[sflag:s25] =	ssyncadd.s32 $0xFFFFDD00  }
0x1bf: {  	_ =	swait.ge [sflag:s25], $0x2300  }
0x1c0: {  	[sflag:s25] =	ssyncset.done $0x0  }
0x1c1: {  	[sflag:s25] =	ssyncadd.s32 $0xFFFFDD00  }
0x1c2: {  	_ =	swait.ge [sflag:s25], $0x80  }
0x1c3: {  	[sflag:s25] =	ssyncset.done $0x0  }
0x1c4: {  	[sflag:s25] =	ssyncadd.s32 $0xFFFFFF80  }
0x1c5: {  	_ =	swait.ge [sflag:s25], $0x80  }
0x1c6: {  	[sflag:s25] =	ssyncset.done $0x0  }
0x1c7: {  	s4 =	simm.s32 $0x13E40;
	[sflag:s25] =	ssyncadd.s32 $0xFFFFFF80  }
0x1c8: {  	v8 =	vld [tilespmem:s4+$0x20];
	_ =	sdelay $0x1  }
0x1c9: {  	v9 =	vld [tilespmem:s4+$0x0]  }
0x1ca: {  	v10 =	vld [tilespmem:s4+$0xFFFFFFE0];
	_ =	sdelay $0x1  }
0x1cb: {  	v12 =	vld [tilespmem:s4+$0xFFFFFFD0];
	v11 =	vadd.s32 $0xFFF0E100, v8  }
0x1cc: {  	v8 =	vand.u32 $0x7F, v8;
	vm0 =	vlt.u32 v11, $0x2340;
	v11 =	vand.u32 $0xFF80, v11  }
0x1cd: {  	v14 =	vld [tilespmem:s4+$0xFFFFFFC0];
	v13 =	vadd.s32 $0xFFF0E100, v9;
	v9 =	vand.u32 $0x7F, v9;
	v11 =	vor.u32 v8, v11  }
0x1ce: {  	vm1 =	vlt.u32 v13, $0x2340;
	v8 =	vand.u32 $0xFF80, v13;
	v13 =	vadd.s32 $0xFFF0E100, v10  }
0x1cf: {  	v16 =	vld [tilespmem:s4+$0xFFFFFFF0];
	v15 =	vor.u32 v9, v8;
	v8 =	vand.u32 $0xFF80, v13;
	v9 =	vand.u32 $0x7F, v10  }
0x1d0: {  	vm2 =	vlt.u32 v13, $0x2340;
	v10 =	vadd.s32 $0xFFF0E100, v12;
	v13 =	vor.u32 v9, v8  }
0x1d1: {  	v18 =	vld [tilespmem:s4+$0x10];
	v9 =	vand.u32 $0x7F, v12;
	vm3 =	vlt.u32 v10, $0x2340;
	v10 =	vand.u32 $0xFF80, v10  }
0x1d2: {  	v12 =	vadd.s32 $0xFFF0E100, v14;
	v19 =	vor.u32 v9, v10;
	v8 =	vld.idx.msk [tilespmem:v11+s31+$0x0], vm0  }
0x1d3: {  	vm7 =	vlt.u32 v12, $0x2340;
	v9 =	vld.idx.msk [tilespmem:v11+s28+$0x0], vm0;
	v11 =	vand.u32 $0x7F, v14;
	v14 =	vand.u32 $0xFF80, v12  }
0x1d4: {  	v12 =	vadd.s32 $0xFFF0E100, v16;
	v10 =	vld.idx.msk [tilespmem:v15+s31+$0x0], vm1;
	v14 =	vor.u32 v11, v14  }
0x1d5: {  	v16 =	vand.u32 $0x7F, v16;
	v11 =	vld.idx.msk [tilespmem:v15+s28+$0x0], vm1;
	vm5 =	vlt.u32 v12, $0x2340;
	v15 =	vand.u32 $0xFF80, v12  }
0x1d6: {  	v17 =	vld [tilespmem:s4+$0x30];
	v20 =	vadd.s32 $0xFFF0E100, v18;
	v22 =	vor.u32 v16, v15  }
0x1d7: {  	v18 =	vand.u32 $0x7F, v18;
	v16 =	vand.u32 $0xFF80, v20;
	v15 =	vld.idx.msk [tilespmem:v19+s31+$0x0], vm3  }
0x1d8: {  	v25 =	vor.u32 v18, v16;
	v18 =	vld.idx.msk [tilespmem:v19+s28+$0x0], vm3  }
0x1d9: {  	vm4 =	vlt.u32 v20, $0x2340;
	v20 =	vld.idx.msk [tilespmem:v14+s31+$0x0], vm7  }
0x1da: {  	v21 =	vld.idx.msk [tilespmem:v14+s28+$0x0], vm7  }
0x1db: {  	v14 =	vadd.s32 $0xFFF0E100, v17;
	v16 =	vld.idx.msk [tilespmem:v22+s31+$0x0], vm5  }
0x1dc: {  	v17 =	vand.u32 $0x7F, v17;
	v19 =	vld.idx.msk [tilespmem:v22+s28+$0x0], vm5;
	v22 =	vand.u32 $0xFF80, v14;
	vm6 =	vlt.u32 v14, $0x2340  }
0x1dd: {  	v12 =	vld.idx.msk [tilespmem:v13+s28+$0x0], vm2;
	v24 =	vor.u32 v17, v22  }
0x1de: {  	s13 =	simm.s32 $0x0;
	v13 =	vld.idx.msk [tilespmem:v13+s31+$0x0], vm2  }
0x1df: {  	s12 =	simm.s32 $0x100;
	s10 =	simm.s32 $0x13EC0;
	s8 =	simm.s32 $0x180;
	v23 =	vor.u32 s13, v0;
	v14 =	vld.idx.msk [tilespmem:v25+s31+$0x0], vm4  }
0x1e0: {  	s11 =	simm.s32 $0x13F40;
	s14 =	simm.s32 $0x13F40;
	s4 =	simm.s32 $0x80;
	v17 =	vld.idx.msk [tilespmem:v25+s28+$0x0], vm4;
	v22 =	vor.u32 s13, v1  }
.LBB2_10:
0x1e1: {  	p0 =	sne.s32 s8, $0x3F80  }
0x1e2: {  	s11 =	sadd.s32 $0x80, s11;
	v25 =	vld.idx.msk [tilespmem:v24+s31+$0x0], vm6;
	s15 =	smov.u32 s8;
	s8 =	sadd.s32 $0x80, s8  }
0x1e3: {  	v26 =	vor.u32 s13, v2;
	v24 =	vld.idx.msk [tilespmem:v24+s28+$0x0], vm6  }
0x1e4: {  	[tilespmem:v23+s23+$0x0] =	vst.idx.msk vm7, v21  }
0x1e5: {  	[tilespmem:v23+s24+$0x0] =	vst.idx.msk vm7, v20;
	v20 =	vor.u32 s13, v3  }
0x1e6: {  	[tilespmem:v22+s23+$0x0] =	vst.idx.msk vm3, v18  }
0x1e7: {  	[tilespmem:v22+s24+$0x0] =	vst.idx.msk vm3, v15;
	v15 =	vor.u32 s13, v4  }
0x1e8: {  	[tilespmem:v26+s23+$0x0] =	vst.idx.msk vm2, v12  }
0x1e9: {  	v12 =	vor.u32 s13, v5;
	[tilespmem:v26+s24+$0x0] =	vst.idx.msk vm2, v13  }
0x1ea: {  	[tilespmem:v20+s23+$0x0] =	vst.idx.msk vm5, v19  }
0x1eb: {  	v13 =	vor.u32 s13, v6;
	[tilespmem:v20+s24+$0x0] =	vst.idx.msk vm5, v16  }
0x1ec: {  	[tilespmem:v15+s23+$0x0] =	vst.idx.msk vm1, v11  }
0x1ed: {  	[tilespmem:v15+s24+$0x0] =	vst.idx.msk vm1, v10;
	v10 =	vor.u32 s13, v7;
	s13 =	smov.u32 s4;
	s4 =	smov.u32 s12;
	s12 =	smov.u32 s15  }
0x1ee: {  	[tilespmem:v12+s23+$0x0] =	vst.idx.msk vm4, v17  }
0x1ef: {  	[tilespmem:v12+s24+$0x0] =	vst.idx.msk vm4, v14  }
0x1f0: {  	[tilespmem:v13+s23+$0x0] =	vst.idx.msk vm0, v9  }
0x1f1: {  	[tilespmem:v13+s24+$0x0] =	vst.idx.msk vm0, v8  }
0x1f2: {  	[tilespmem:v10+s23+$0x0] =	vst.idx.msk vm6, v24  }
0x1f3: {  	[tilespmem:v10+s24+$0x0] =	vst.idx.msk vm6, v25  }
0x1f4: {  	v8 =	vld [tilespmem:s10+$0x20]  }
0x1f5: {  	v9 =	vld [tilespmem:s10+$0xFFFFFFC0]  }
0x1f6: {  	v10 =	vld [tilespmem:s10+$0x0]  }
0x1f7: {  	v14 =	vld [tilespmem:s10+$0x30]  }
0x1f8: {  	v11 =	vld [tilespmem:s10+$0xFFFFFFE0]  }
0x1f9: {  	v12 =	vld [tilespmem:s10+$0xFFFFFFD0];
	v13 =	vadd.s32 $0xFFF0E100, v8;
	v8 =	vand.u32 $0x7F, v8  }
0x1fa: {  	v15 =	vadd.s32 $0xFFF0E100, v9;
	vm0 =	vlt.u32 v13, $0x2340;
	v13 =	vand.u32 $0xFF80, v13  }
0x1fb: {  	v9 =	vand.u32 $0x7F, v9;
	v16 =	vadd.s32 $0xFFF0E100, v10;
	v13 =	vor.u32 v8, v13  }
0x1fc: {  	v18 =	vand.u32 $0xFF80, v15;
	v17 =	vadd.s32 $0xFFF0E100, v14;
	v8 =	vand.u32 $0xFF80, v16  }
0x1fd: {  	v10 =	vand.u32 $0x7F, v10;
	vm1 =	vlt.u32 v16, $0x2340;
	v19 =	vld [tilespmem:s10+$0x10];
	v20 =	vadd.s32 $0xFFF0E100, v11  }
0x1fe: {  	v22 =	vor.u32 v10, v8;
	v16 =	vld [tilespmem:s10+$0xFFFFFFF0];
	vm2 =	vlt.u32 v20, $0x2340;
	v21 =	vand.u32 $0x7F, v12;
	s10 =	smov.u32 s14;
	s14 =	smov.u32 s11  }
0x1ff: {  	v11 =	vand.u32 $0x7F, v11;
	v8 =	vadd.s32 $0xFFF0E100, v12;
	v10 =	vand.u32 $0xFF80, v20  }
0x200: {  	vm3 =	vlt.u32 v8, $0x2340;
	v8 =	vand.u32 $0xFF80, v8;
	v20 =	vor.u32 v11, v10  }
0x201: {  	v23 =	vand.u32 $0xFF80, v17;
	v21 =	vor.u32 v21, v8;
	v8 =	vld.idx.msk [tilespmem:v13+s31+$0x0], vm0  }
0x202: {  	v24 =	vor.u32 v9, v18;
	v12 =	vadd.s32 $0xFFF0E100, v19;
	v9 =	vld.idx.msk [tilespmem:v13+s28+$0x0], vm0  }
0x203: {  	vm7 =	vlt.u32 v15, $0x2340;
	v11 =	vadd.s32 $0xFFF0E100, v16;
	v13 =	vand.u32 $0xFF80, v12;
	v10 =	vld.idx.msk [tilespmem:v22+s31+$0x0], vm1  }
0x204: {  	v16 =	vand.u32 $0x7F, v16;
	vm5 =	vlt.u32 v11, $0x2340;
	v15 =	vand.u32 $0xFF80, v11;
	v11 =	vld.idx.msk [tilespmem:v22+s28+$0x0], vm1  }
0x205: {  	vm4 =	vlt.u32 v12, $0x2340;
	v12 =	vld.idx.msk [tilespmem:v20+s28+$0x0], vm2;
	v22 =	vor.u32 v16, v15;
	v15 =	vand.u32 $0x7F, v19  }
0x206: {  	v25 =	vor.u32 v15, v13;
	v13 =	vld.idx.msk [tilespmem:v20+s31+$0x0], vm2  }
0x207: {  	v15 =	vld.idx.msk [tilespmem:v21+s31+$0x0], vm3  }
0x208: {  	v18 =	vld.idx.msk [tilespmem:v21+s28+$0x0], vm3  }
0x209: {  	v14 =	vand.u32 $0x7F, v14;
	vm6 =	vlt.u32 v17, $0x2340;
	v20 =	vld.idx.msk [tilespmem:v24+s31+$0x0], vm7  }
.Ltmp6:
0x20a: {  	v21 =	vld.idx.msk [tilespmem:v24+s28+$0x0], vm7;
	v24 =	vor.u32 v14, v23;
	(pc) =	sbr.rel @p0 .LBB2_10-.Ltmp6, $4  }
0x20b: {  	v16 =	vld.idx.msk [tilespmem:v22+s31+$0x0], vm5  }
0x20c: {  	v23 =	vor.u32 s13, v0;
	v19 =	vld.idx.msk [tilespmem:v22+s28+$0x0], vm5  }
0x20d: {  	v14 =	vld.idx.msk [tilespmem:v25+s31+$0x0], vm4  }
0x20e: {  	v22 =	vor.u32 s13, v1;
	v17 =	vld.idx.msk [tilespmem:v25+s28+$0x0], vm4  }
0x20f: {  	_ =	sdelay $0x4  }
0x210: {  	v25 =	vld.idx.msk [tilespmem:v24+s31+$0x0], vm6;
	v26 =	vor.u32 s13, v2  }
0x211: {  	v36 =	vld.idx.msk [tilespmem:v24+s28+$0x0], vm6;
	[tilespmem:v23+s23+$0x0] =	vst.idx.msk vm7, v21  }
0x212: {  	v37 =	vor.u32 s13, v3;
	[tilespmem:v23+s24+$0x0] =	vst.idx.msk vm7, v20  }
0x213: {  	[tilespmem:v22+s23+$0x0] =	vst.idx.msk vm3, v18  }
0x214: {  	v38 =	vor.u32 s13, v4;
	[tilespmem:v22+s24+$0x0] =	vst.idx.msk vm3, v15  }
0x215: {  	[tilespmem:v26+s23+$0x0] =	vst.idx.msk vm2, v12  }
0x216: {  	v39 =	vor.u32 s13, v5;
	[tilespmem:v26+s24+$0x0] =	vst.idx.msk vm2, v13  }
0x217: {  	[tilespmem:v37+s23+$0x0] =	vst.idx.msk vm5, v19  }
0x218: {  	v40 =	vor.u32 s13, v6;
	[tilespmem:v37+s24+$0x0] =	vst.idx.msk vm5, v16  }
0x219: {  	[tilespmem:v38+s23+$0x0] =	vst.idx.msk vm1, v11  }
0x21a: {  	v41 =	vor.u32 s13, v7;
	[tilespmem:v38+s24+$0x0] =	vst.idx.msk vm1, v10  }
0x21b: {  	[tilespmem:v39+s23+$0x0] =	vst.idx.msk vm4, v17  }
0x21c: {  	[tilespmem:v39+s24+$0x0] =	vst.idx.msk vm4, v14  }
0x21d: {  	[tilespmem:v40+s23+$0x0] =	vst.idx.msk vm0, v9  }
0x21e: {  	[tilespmem:v40+s24+$0x0] =	vst.idx.msk vm0, v8  }
0x21f: {  	[tilespmem:v41+s23+$0x0] =	vst.idx.msk vm6, v36  }
0x220: {  	[tilespmem:v41+s24+$0x0] =	vst.idx.msk vm6, v25  }
0x221: {  	v8 =	vld [tilespmem:s10+$0x20];
	_ =	sdelay $0x1  }
0x222: {  	v9 =	vld [tilespmem:s10+$0x0];
	_ =	sdelay $0x1  }
0x223: {  	v10 =	vld [tilespmem:s10+$0xFFFFFFE0]  }
0x224: {  	v42 =	vadd.s32 $0xFFF0E100, v8  }
0x225: {  	v12 =	vld [tilespmem:s10+$0xFFFFFFD0];
	v8 =	vand.u32 $0x7F, v8;
	vm0 =	vlt.u32 v42, $0x2340;
	v11 =	vand.u32 $0xFF80, v42  }
0x226: {  	v44 =	vld [tilespmem:s10+$0xFFFFFFC0];
	v43 =	vadd.s32 $0xFFF0E100, v9;
	v8 =	vor.u32 v8, v11  }
0x227: {  	v46 =	vld [tilespmem:s10+$0x30];
	v9 =	vand.u32 $0x7F, v9;
	v45 =	vand.u32 $0xFF80, v43;
	vm9 =	vlt.u32 v43, $0x2340  }
0x228: {  	v47 =	vadd.s32 $0xFFF0E100, v10;
	v9 =	vor.u32 v9, v45  }
0x229: {  	v48 =	vld [tilespmem:s10+$0xFFFFFFF0];
	v10 =	vand.u32 $0x7F, v10;
	vm10 =	vlt.u32 v47, $0x2340;
	v15 =	vand.u32 $0xFF80, v47  }
0x22a: {  	v16 =	vld [tilespmem:s10+$0x10];
	v49 =	vadd.s32 $0xFFF0E100, v12;
	v12 =	vand.u32 $0x7F, v12;
	v10 =	vor.u32 v10, v15  }
0x22b: {  	v52 =	vadd.s32 $0xFFF0E100, v44;
	vm11 =	vlt.u32 v49, $0x2340;
	v50 =	vand.u32 $0xFF80, v49;
	v51 =	vld.idx.msk [tilespmem:v8+s31+$0x0], vm0  }
0x22c: {  	v59 =	vadd.s32 $0xFFF0E100, v46;
	v13 =	vand.u32 $0x7F, v46;
	v12 =	vor.u32 v12, v50;
	v8 =	vld.idx.msk [tilespmem:v8+s28+$0x0], vm0  }
0x22d: {  	v53 =	vand.u32 $0xFF80, v52;
	v60 =	vand.u32 $0xFF80, v59;
	vm15 =	vlt.u32 v59, $0x2340;
	v54 =	vld.idx.msk [tilespmem:v9+s31+$0x0], vm9  }
0x22e: {  	vm12 =	vlt.u32 v52, $0x2340;
	v11 =	vand.u32 $0x7F, v44;
	v13 =	vor.u32 v13, v60;
	v9 =	vld.idx.msk [tilespmem:v9+s28+$0x0], vm9  }
0x22f: {  	v11 =	vor.u32 v11, v53;
	v19 =	vld.idx.msk [tilespmem:v10+s28+$0x0], vm10  }
0x230: {  	v55 =	vadd.s32 $0xFFF0E100, v48;
	v10 =	vld.idx.msk [tilespmem:v10+s31+$0x0], vm10  }
0x231: {  	v14 =	vand.u32 $0x7F, v48;
	vm13 =	vlt.u32 v55, $0x2340;
	v15 =	vand.u32 $0xFF80, v55;
	v58 =	vld.idx.msk [tilespmem:v12+s31+$0x0], vm11  }
0x232: {  	v56 =	vadd.s32 $0xFFF0E100, v16;
	v14 =	vor.u32 v14, v15;
	v12 =	vld.idx.msk [tilespmem:v12+s28+$0x0], vm11  }
0x233: {  	v16 =	vand.u32 $0x7F, v16;
	v57 =	vand.u32 $0xFF80, v56;
	vm14 =	vlt.u32 v56, $0x2340;
	v25 =	vld.idx.msk [tilespmem:v13+s31+$0x0], vm15  }
0x234: {  	v15 =	vor.u32 v16, v57;
	v61 =	vld.idx.msk [tilespmem:v11+s31+$0x0], vm12  }
0x235: {  	v63 =	vor.u32 s4, v0;
	v11 =	vld.idx.msk [tilespmem:v11+s28+$0x0], vm12  }
0x236: {  	v13 =	vld.idx.msk [tilespmem:v13+s28+$0x0], vm15  }
0x237: {  	v28 =	vor.u32 s4, v1;
	v62 =	vld.idx.msk [tilespmem:v14+s31+$0x0], vm13  }
0x238: {  	v14 =	vld.idx.msk [tilespmem:v14+s28+$0x0], vm13  }
0x239: {  	v29 =	vor.u32 s4, v2;
	v23 =	vld.idx.msk [tilespmem:v15+s31+$0x0], vm14  }
0x23a: {  	v15 =	vld.idx.msk [tilespmem:v15+s28+$0x0], vm14;
	[tilespmem:v63+s23+$0x0] =	vst.idx.msk vm12, v11  }
0x23b: {  	v30 =	vor.u32 s4, v3;
	[tilespmem:v63+s24+$0x0] =	vst.idx.msk vm12, v61  }
0x23c: {  	[tilespmem:v28+s23+$0x0] =	vst.idx.msk vm11, v12  }
0x23d: {  	v31 =	vor.u32 s4, v4;
	[tilespmem:v28+s24+$0x0] =	vst.idx.msk vm11, v58  }
0x23e: {  	[tilespmem:v29+s23+$0x0] =	vst.idx.msk vm10, v19  }
0x23f: {  	v32 =	vor.u32 s4, v5;
	[tilespmem:v29+s24+$0x0] =	vst.idx.msk vm10, v10  }
0x240: {  	[tilespmem:v30+s23+$0x0] =	vst.idx.msk vm13, v14  }
0x241: {  	v33 =	vor.u32 s4, v6;
	[tilespmem:v30+s24+$0x0] =	vst.idx.msk vm13, v62  }
0x242: {  	[tilespmem:v31+s23+$0x0] =	vst.idx.msk vm9, v9  }
0x243: {  	v34 =	vor.u32 s4, v7;
	[tilespmem:v31+s24+$0x0] =	vst.idx.msk vm9, v54  }
0x244: {  	[tilespmem:v32+s23+$0x0] =	vst.idx.msk vm14, v15  }
0x245: {  	[tilespmem:v32+s24+$0x0] =	vst.idx.msk vm14, v23  }
0x246: {  	[tilespmem:v33+s23+$0x0] =	vst.idx.msk vm0, v8  }
0x247: {  	[tilespmem:v33+s24+$0x0] =	vst.idx.msk vm0, v51  }
0x248: {  	[tilespmem:v34+s23+$0x0] =	vst.idx.msk vm15, v13  }
0x249: {  	[tilespmem:v34+s24+$0x0] =	vst.idx.msk vm15, v25  }
0x24a: {  	v8 =	vld [tilespmem:s14+$0x20];
	_ =	sdelay $0x1  }
0x24b: {  	v9 =	vld [tilespmem:s14+$0x0];
	_ =	sdelay $0x1  }
0x24c: {  	v10 =	vld [tilespmem:s14+$0xFFFFFFE0]  }
0x24d: {  	v35 =	vadd.s32 $0xFFF0E100, v8  }
0x24e: {  	v12 =	vld [tilespmem:s14+$0xFFFFFFD0];
	v8 =	vand.u32 $0x7F, v8;
	vm0 =	vlt.u32 v35, $0x2340;
	v11 =	vand.u32 $0xFF80, v35  }
0x24f: {  	v37 =	vld [tilespmem:s14+$0xFFFFFFC0];
	v36 =	vadd.s32 $0xFFF0E100, v9;
	v8 =	vor.u32 v8, v11  }
0x250: {  	v39 =	vld [tilespmem:s14+$0x30];
	v9 =	vand.u32 $0x7F, v9;
	v38 =	vand.u32 $0xFF80, v36;
	vm9 =	vlt.u32 v36, $0x2340  }
0x251: {  	v40 =	vadd.s32 $0xFFF0E100, v10;
	v9 =	vor.u32 v9, v38  }
0x252: {  	v41 =	vld [tilespmem:s14+$0xFFFFFFF0];
	v10 =	vand.u32 $0x7F, v10;
	vm10 =	vlt.u32 v40, $0x2340;
	v15 =	vand.u32 $0xFF80, v40  }
0x253: {  	v16 =	vld [tilespmem:s14+$0x10];
	v42 =	vadd.s32 $0xFFF0E100, v12;
	v12 =	vand.u32 $0x7F, v12;
	v10 =	vor.u32 v10, v15  }
0x254: {  	v45 =	vadd.s32 $0xFFF0E100, v37;
	vm11 =	vlt.u32 v42, $0x2340;
	v43 =	vand.u32 $0xFF80, v42;
	v44 =	vld.idx.msk [tilespmem:v8+s31+$0x0], vm0  }
0x255: {  	v52 =	vadd.s32 $0xFFF0E100, v39;
	v13 =	vand.u32 $0x7F, v39;
	v12 =	vor.u32 v12, v43;
	v8 =	vld.idx.msk [tilespmem:v8+s28+$0x0], vm0  }
0x256: {  	v46 =	vand.u32 $0xFF80, v45;
	v53 =	vand.u32 $0xFF80, v52;
	vm15 =	vlt.u32 v52, $0x2340;
	v47 =	vld.idx.msk [tilespmem:v9+s31+$0x0], vm9  }
0x257: {  	vm12 =	vlt.u32 v45, $0x2340;
	v11 =	vand.u32 $0x7F, v37;
	v13 =	vor.u32 v13, v53;
	v9 =	vld.idx.msk [tilespmem:v9+s28+$0x0], vm9  }
0x258: {  	v11 =	vor.u32 v11, v46;
	v19 =	vld.idx.msk [tilespmem:v10+s28+$0x0], vm10  }
0x259: {  	v48 =	vadd.s32 $0xFFF0E100, v41;
	v10 =	vld.idx.msk [tilespmem:v10+s31+$0x0], vm10  }
0x25a: {  	v14 =	vand.u32 $0x7F, v41;
	vm13 =	vlt.u32 v48, $0x2340;
	v15 =	vand.u32 $0xFF80, v48;
	v51 =	vld.idx.msk [tilespmem:v12+s31+$0x0], vm11  }
0x25b: {  	v49 =	vadd.s32 $0xFFF0E100, v16;
	v14 =	vor.u32 v14, v15;
	v12 =	vld.idx.msk [tilespmem:v12+s28+$0x0], vm11  }
0x25c: {  	v16 =	vand.u32 $0x7F, v16;
	v50 =	vand.u32 $0xFF80, v49;
	vm14 =	vlt.u32 v49, $0x2340;
	v25 =	vld.idx.msk [tilespmem:v13+s31+$0x0], vm15  }
0x25d: {  	v15 =	vor.u32 v16, v50;
	v54 =	vld.idx.msk [tilespmem:v11+s31+$0x0], vm12  }
0x25e: {  	v56 =	vor.u32 s12, v0;
	v11 =	vld.idx.msk [tilespmem:v11+s28+$0x0], vm12  }
0x25f: {  	v13 =	vld.idx.msk [tilespmem:v13+s28+$0x0], vm15  }
0x260: {  	v57 =	vor.u32 s12, v1;
	v55 =	vld.idx.msk [tilespmem:v14+s31+$0x0], vm13  }
0x261: {  	v14 =	vld.idx.msk [tilespmem:v14+s28+$0x0], vm13  }
0x262: {  	v58 =	vor.u32 s12, v2;
	v23 =	vld.idx.msk [tilespmem:v15+s31+$0x0], vm14  }
0x263: {  	v15 =	vld.idx.msk [tilespmem:v15+s28+$0x0], vm14;
	[tilespmem:v56+s23+$0x0] =	vst.idx.msk vm12, v11  }
0x264: {  	v59 =	vor.u32 s12, v3;
	[tilespmem:v56+s24+$0x0] =	vst.idx.msk vm12, v54  }
0x265: {  	[tilespmem:v57+s23+$0x0] =	vst.idx.msk vm11, v12  }
0x266: {  	v60 =	vor.u32 s12, v4;
	[tilespmem:v57+s24+$0x0] =	vst.idx.msk vm11, v51  }
0x267: {  	[tilespmem:v58+s23+$0x0] =	vst.idx.msk vm10, v19  }
0x268: {  	v61 =	vor.u32 s12, v5;
	[tilespmem:v58+s24+$0x0] =	vst.idx.msk vm10, v10  }
0x269: {  	[tilespmem:v59+s23+$0x0] =	vst.idx.msk vm13, v14  }
0x26a: {  	v62 =	vor.u32 s12, v6;
	[tilespmem:v59+s24+$0x0] =	vst.idx.msk vm13, v55  }
0x26b: {  	[tilespmem:v60+s23+$0x0] =	vst.idx.msk vm9, v9  }
0x26c: {  	v63 =	vor.u32 s12, v7;
	[tilespmem:v60+s24+$0x0] =	vst.idx.msk vm9, v47  }
0x26d: {  	[tilespmem:v61+s23+$0x0] =	vst.idx.msk vm14, v15  }
0x26e: {  	[tilespmem:v61+s24+$0x0] =	vst.idx.msk vm14, v23  }
0x26f: {  	[tilespmem:v62+s23+$0x0] =	vst.idx.msk vm0, v8  }
0x270: {  	[tilespmem:v62+s24+$0x0] =	vst.idx.msk vm0, v44  }
0x271: {  	[tilespmem:v63+s23+$0x0] =	vst.idx.msk vm15, v13  }
0x272: {  	s13 =	rddreg [dreg:$0xe];
	s14 =	simm.s32 $0x3;
	[tilespmem:v63+s24+$0x0] =	vst.idx.msk vm15, v25  }
0x273: {  	[hbm4b:s13+s19] =	stream.strided.scatter [tilespmem:s23], [sflag:$0x3], $0x4000, s20, s19, $0x38;
	[tilespmem:$0x1FE00] =	vst v63  }
0x274: {  	_ =	swait.ge [sflag:s14], $0x4000  }
0x275: {  	[sflag:s14] =	ssyncset.done $0x0  }
0x276: {  	s15 =	rddreg [dreg:$0xf];
	[sflag:s14] =	ssyncadd.s32 $0xFFFFC000  }
0x277: {  	[hbm4b:s15+s19] =	stream.strided.scatter [tilespmem:s24], [sflag:$0x3], $0x4000, s20, s19, $0x38;
	[tilespmem:$0x1FE00] =	vst v63  }
0x278: {  	_ =	swait.ge [sflag:s14], $0x4000  }
0x279: {  	[sflag:s14] =	ssyncset.done $0x0  }
0x27a: {  	[sflag:s14] =	ssyncadd.s32 $0xFFFFC000  }
0x27b: {  	s8 =	simm.s32 $0x13E00;
	s12 =	simm.s32 $0x0;
	s16 =	rddreg [dreg:$0x1]  }
0x27c: {  	[tilespmem:s8], [sflag:$0x3] =	stream.linear.gather [hbm4b:s16+s12], $0x4000, $0x38;
	[tilespmem:$0x1FE00] =	vst v63  }
0x27d: {  	_ =	swait.ge [sflag:s14], $0x4000  }
0x27e: {  	[sflag:s14] =	ssyncset.done $0x0  }
0x27f: {  	s17 =	rddreg [dreg:$0x1c];
	[sflag:s14] =	ssyncadd.s32 $0xFFFFC000  }
0x280: {  	[tilespmem:s12], [sflag:$0x1] =	stream.strided.gather [hbm4b:s17+s19], $0x4F00, s20, s19, $0x38;
	[tilespmem:$0x1FE00] =	vst v63  }
0x281: {  	s18 =	rddreg [dreg:$0x1d]  }
0x282: {  	[tilespmem:s21], [sflag:$0x1] =	stream.strided.gather [hbm4b:s18+s19], $0x4F00, s20, s19, $0x38;
	[tilespmem:$0x1FE00] =	vst v63  }
0x283: {  	p1 =	por $0x1, $0x1;
	s18 =	simm.s32 $0x0  }
.LBB2_12:
0x284: {  	s14 =	sshllo.u32 s18, $0x1  }
0x285: {  	s4 =	smul.u32 $0x27800, s14;
	_ =	sdelay $0x1  }
0x286: {  	s4 =	sadd.s32 s26, s4  }
0x287: {  	s8 =	sor.u32 s7, s4  }
0x288: {  	s10 =	rddreg [dreg:$0x4];
	s4 =	sor.u32 s9, s4;
	s8 =	sshrl.u32 s8, $0x3  }
0x289: {  	s4 =	sshrl.u32 s4, $0x3;
	s8 =	sadd.s32 s10, s8  }
0x28a: {  	[tilespmem:s28], [sflag:$0x2] =	stream.strided.gather [hbm4b:s8+s19], $0x4F00, s20, s19, $0x38;
	[tilespmem:$0x1FE00] =	vst v63  }
0x28b: {  	s4 =	sadd.s32 s10, s4  }
0x28c: {  	[tilespmem:s31], [sflag:$0x2] =	stream.strided.gather [hbm4b:s4+s19], $0x4F00, s20, s19, $0x38;
	[tilespmem:$0x1FE00] =	vst v63  }
0x28d: {  	_ =	swait.ge [sflag:s22], $0x4F00  }
0x28e: {  	[sflag:s22] =	ssyncset.done $0x0  }
0x28f: {  	[sflag:s22] =	ssyncadd.s32 $0xFFFFB100  }
0x290: {  	_ =	swait.ge [sflag:s22], $0x4F00  }
0x291: {  	[sflag:s22] =	ssyncset.done $0x0  }
0x292: {  	s16 =	simm.s32 $0x13E40;
	[sflag:s22] =	ssyncadd.s32 $0xFFFFB100  }
0x293: {  	v9 =	vld [tilespmem:s16+$0x20];
	_ =	sdelay $0x1  }
0x294: {  	s17 =	smul.u32 $0x9E00, s18;
	v10 =	vld [tilespmem:s16+$0x0]  }
0x295: {  	v11 =	vld [tilespmem:s16+$0xFFFFFFE0]  }
0x296: {  	v8 =	vmov s17  }
0x297: {  	v13 =	vld [tilespmem:s16+$0xFFFFFFD0];
	v12 =	vsub.s32 v9, v8  }
0x298: {  	v9 =	vand.u32 $0x7F, v9;
	vm0 =	vlt.u32 v12, $0x4F00;
	v12 =	vand.u32 $0xFF80, v12  }
0x299: {  	v15 =	vld [tilespmem:s16+$0xFFFFFFC0];
	v14 =	vsub.s32 v10, v8;
	v10 =	vand.u32 $0x7F, v10;
	v12 =	vor.u32 v9, v12  }
0x29a: {  	vm1 =	vlt.u32 v14, $0x4F00;
	v9 =	vand.u32 $0xFF80, v14;
	v14 =	vsub.s32 v11, v8  }
0x29b: {  	v17 =	vld [tilespmem:s16+$0xFFFFFFF0];
	v16 =	vor.u32 v10, v9;
	v9 =	vand.u32 $0xFF80, v14;
	v10 =	vand.u32 $0x7F, v11  }
0x29c: {  	vm2 =	vlt.u32 v14, $0x4F00;
	v11 =	vsub.s32 v13, v8;
	v14 =	vor.u32 v10, v9  }
0x29d: {  	v19 =	vld [tilespmem:s16+$0x10];
	v10 =	vand.u32 $0x7F, v13;
	vm3 =	vlt.u32 v11, $0x4F00;
	v11 =	vand.u32 $0xFF80, v11  }
0x29e: {  	v13 =	vsub.s32 v15, v8;
	v20 =	vor.u32 v10, v11;
	v9 =	vld.idx.msk [tilespmem:v12+s21+$0x0], vm0  }
0x29f: {  	vm7 =	vlt.u32 v13, $0x4F00;
	v10 =	vld.idx.msk [tilespmem:v12+s5+$0x0], vm0;
	v12 =	vand.u32 $0x7F, v15;
	v15 =	vand.u32 $0xFF80, v13  }
0x2a0: {  	v13 =	vsub.s32 v17, v8;
	v11 =	vld.idx.msk [tilespmem:v16+s21+$0x0], vm1;
	v15 =	vor.u32 v12, v15  }
0x2a1: {  	v17 =	vand.u32 $0x7F, v17;
	v12 =	vld.idx.msk [tilespmem:v16+s5+$0x0], vm1;
	vm5 =	vlt.u32 v13, $0x4F00;
	v16 =	vand.u32 $0xFF80, v13  }
0x2a2: {  	v18 =	vld [tilespmem:s16+$0x30];
	v21 =	vsub.s32 v19, v8;
	v23 =	vor.u32 v17, v16  }
0x2a3: {  	v19 =	vand.u32 $0x7F, v19;
	v17 =	vand.u32 $0xFF80, v21;
	v16 =	vld.idx.msk [tilespmem:v20+s21+$0x0], vm3  }
0x2a4: {  	v26 =	vor.u32 v19, v17;
	v19 =	vld.idx.msk [tilespmem:v20+s5+$0x0], vm3  }
0x2a5: {  	vm4 =	vlt.u32 v21, $0x4F00;
	v21 =	vld.idx.msk [tilespmem:v15+s21+$0x0], vm7  }
0x2a6: {  	v22 =	vld.idx.msk [tilespmem:v15+s5+$0x0], vm7  }
0x2a7: {  	v15 =	vsub.s32 v18, v8;
	v17 =	vld.idx.msk [tilespmem:v23+s21+$0x0], vm5  }
0x2a8: {  	v18 =	vand.u32 $0x7F, v18;
	v20 =	vld.idx.msk [tilespmem:v23+s5+$0x0], vm5;
	v23 =	vand.u32 $0xFF80, v15;
	vm6 =	vlt.u32 v15, $0x4F00  }
0x2a9: {  	v13 =	vld.idx.msk [tilespmem:v14+s5+$0x0], vm2;
	v25 =	vor.u32 v18, v23  }
0x2aa: {  	s15 =	simm.s32 $0x100;
	p0 =	por p1, p1;
	v14 =	vld.idx.msk [tilespmem:v14+s21+$0x0], vm2  }
0x2ab: {  	v24 =	vor.u32 s12, v0;
	s11 =	simm.s32 $0x0;
	s13 =	simm.s32 $0x13F40;
	s10 =	simm.s32 $0x13EC0;
	v15 =	vld.idx.msk [tilespmem:v26+s21+$0x0], vm4  }
0x2ac: {  	s8 =	simm.s32 $0x180;
	s4 =	simm.s32 $0x80;
	s16 =	simm.s32 $0x13F40;
	v18 =	vld.idx.msk [tilespmem:v26+s5+$0x0], vm4;
	v23 =	vor.u32 s12, v1  }
.LBB2_13:
0x2ad: {  	p1 =	sne.s32 s8, $0x3F80  }
0x2ae: {  	s16 =	sadd.s32 $0x80, s16;
	v26 =	vld.idx.msk [tilespmem:v25+s21+$0x0], vm6;
	s17 =	smov.u32 s8;
	s8 =	sadd.s32 $0x80, s8  }
0x2af: {  	v27 =	vor.u32 s11, v2;
	v25 =	vld.idx.msk [tilespmem:v25+s5+$0x0], vm6  }
0x2b0: {  	[tilespmem:v24+s23+$0x0] =	vst.idx.msk vm7, v22  }
0x2b1: {  	[tilespmem:v24+s24+$0x0] =	vst.idx.msk vm7, v21;
	v21 =	vor.u32 s11, v3  }
0x2b2: {  	[tilespmem:v23+s23+$0x0] =	vst.idx.msk vm3, v19  }
0x2b3: {  	[tilespmem:v23+s24+$0x0] =	vst.idx.msk vm3, v16;
	v16 =	vor.u32 s11, v4  }
0x2b4: {  	[tilespmem:v27+s23+$0x0] =	vst.idx.msk vm2, v13  }
0x2b5: {  	v13 =	vor.u32 s11, v5;
	[tilespmem:v27+s24+$0x0] =	vst.idx.msk vm2, v14  }
0x2b6: {  	[tilespmem:v21+s23+$0x0] =	vst.idx.msk vm5, v20  }
0x2b7: {  	v14 =	vor.u32 s11, v6;
	[tilespmem:v21+s24+$0x0] =	vst.idx.msk vm5, v17  }
0x2b8: {  	[tilespmem:v16+s23+$0x0] =	vst.idx.msk vm1, v12  }
0x2b9: {  	[tilespmem:v16+s24+$0x0] =	vst.idx.msk vm1, v11;
	v11 =	vor.u32 s11, v7;
	s11 =	smov.u32 s4;
	s4 =	smov.u32 s15;
	s15 =	smov.u32 s17  }
0x2ba: {  	[tilespmem:v13+s23+$0x0] =	vst.idx.msk vm4, v18  }
0x2bb: {  	[tilespmem:v13+s24+$0x0] =	vst.idx.msk vm4, v15  }
0x2bc: {  	[tilespmem:v14+s23+$0x0] =	vst.idx.msk vm0, v10  }
0x2bd: {  	[tilespmem:v14+s24+$0x0] =	vst.idx.msk vm0, v9  }
0x2be: {  	[tilespmem:v11+s23+$0x0] =	vst.idx.msk vm6, v25  }
0x2bf: {  	[tilespmem:v11+s24+$0x0] =	vst.idx.msk vm6, v26  }
0x2c0: {  	v9 =	vld [tilespmem:s10+$0x20]  }
0x2c1: {  	v10 =	vld [tilespmem:s10+$0xFFFFFFC0]  }
0x2c2: {  	v11 =	vld [tilespmem:s10+$0x0]  }
0x2c3: {  	v15 =	vld [tilespmem:s10+$0x30]  }
0x2c4: {  	v12 =	vld [tilespmem:s10+$0xFFFFFFE0]  }
0x2c5: {  	v13 =	vld [tilespmem:s10+$0xFFFFFFD0];
	v14 =	vsub.s32 v9, v8;
	v9 =	vand.u32 $0x7F, v9  }
0x2c6: {  	v16 =	vsub.s32 v10, v8;
	vm0 =	vlt.u32 v14, $0x4F00;
	v14 =	vand.u32 $0xFF80, v14  }
0x2c7: {  	v10 =	vand.u32 $0x7F, v10;
	v17 =	vsub.s32 v11, v8;
	v14 =	vor.u32 v9, v14  }
0x2c8: {  	v19 =	vand.u32 $0xFF80, v16;
	v18 =	vsub.s32 v15, v8;
	v9 =	vand.u32 $0xFF80, v17  }
0x2c9: {  	v11 =	vand.u32 $0x7F, v11;
	vm1 =	vlt.u32 v17, $0x4F00;
	v20 =	vld [tilespmem:s10+$0x10];
	v21 =	vsub.s32 v12, v8  }
0x2ca: {  	v23 =	vor.u32 v11, v9;
	v17 =	vld [tilespmem:s10+$0xFFFFFFF0];
	vm2 =	vlt.u32 v21, $0x4F00;
	v22 =	vand.u32 $0x7F, v13;
	s10 =	smov.u32 s13;
	s13 =	smov.u32 s16  }
0x2cb: {  	v12 =	vand.u32 $0x7F, v12;
	v9 =	vsub.s32 v13, v8;
	v11 =	vand.u32 $0xFF80, v21  }
0x2cc: {  	vm3 =	vlt.u32 v9, $0x4F00;
	v9 =	vand.u32 $0xFF80, v9;
	v21 =	vor.u32 v12, v11  }
0x2cd: {  	v24 =	vand.u32 $0xFF80, v18;
	v22 =	vor.u32 v22, v9;
	v9 =	vld.idx.msk [tilespmem:v14+s21+$0x0], vm0  }
0x2ce: {  	v25 =	vor.u32 v10, v19;
	v13 =	vsub.s32 v20, v8;
	v10 =	vld.idx.msk [tilespmem:v14+s5+$0x0], vm0  }
0x2cf: {  	vm7 =	vlt.u32 v16, $0x4F00;
	v12 =	vsub.s32 v17, v8;
	v14 =	vand.u32 $0xFF80, v13;
	v11 =	vld.idx.msk [tilespmem:v23+s21+$0x0], vm1  }
0x2d0: {  	v17 =	vand.u32 $0x7F, v17;
	vm5 =	vlt.u32 v12, $0x4F00;
	v16 =	vand.u32 $0xFF80, v12;
	v12 =	vld.idx.msk [tilespmem:v23+s5+$0x0], vm1  }
0x2d1: {  	vm4 =	vlt.u32 v13, $0x4F00;
	v13 =	vld.idx.msk [tilespmem:v21+s5+$0x0], vm2;
	v23 =	vor.u32 v17, v16;
	v16 =	vand.u32 $0x7F, v20  }
0x2d2: {  	v26 =	vor.u32 v16, v14;
	v14 =	vld.idx.msk [tilespmem:v21+s21+$0x0], vm2  }
0x2d3: {  	v16 =	vld.idx.msk [tilespmem:v22+s21+$0x0], vm3  }
0x2d4: {  	v19 =	vld.idx.msk [tilespmem:v22+s5+$0x0], vm3  }
0x2d5: {  	v15 =	vand.u32 $0x7F, v15;
	vm6 =	vlt.u32 v18, $0x4F00;
	v21 =	vld.idx.msk [tilespmem:v25+s21+$0x0], vm7  }
.Ltmp7:
0x2d6: {  	v22 =	vld.idx.msk [tilespmem:v25+s5+$0x0], vm7;
	v25 =	vor.u32 v15, v24;
	(pc) =	sbr.rel @p1 .LBB2_13-.Ltmp7, $4  }
0x2d7: {  	v17 =	vld.idx.msk [tilespmem:v23+s21+$0x0], vm5  }
0x2d8: {  	v24 =	vor.u32 s11, v0;
	v20 =	vld.idx.msk [tilespmem:v23+s5+$0x0], vm5  }
0x2d9: {  	v15 =	vld.idx.msk [tilespmem:v26+s21+$0x0], vm4  }
0x2da: {  	v23 =	vor.u32 s11, v1;
	v18 =	vld.idx.msk [tilespmem:v26+s5+$0x0], vm4  }
0x2db: {  	_ =	sdelay $0x4  }
0x2dc: {  	v26 =	vld.idx.msk [tilespmem:v25+s21+$0x0], vm6;
	v27 =	vor.u32 s11, v2  }
0x2dd: {  	v25 =	vld.idx.msk [tilespmem:v25+s5+$0x0], vm6;
	[tilespmem:v24+s23+$0x0] =	vst.idx.msk vm7, v22  }
0x2de: {  	[tilespmem:v24+s24+$0x0] =	vst.idx.msk vm7, v21;
	v21 =	vor.u32 s11, v3  }
0x2df: {  	[tilespmem:v23+s23+$0x0] =	vst.idx.msk vm3, v19  }
0x2e0: {  	[tilespmem:v23+s24+$0x0] =	vst.idx.msk vm3, v16;
	v16 =	vor.u32 s11, v4  }
0x2e1: {  	[tilespmem:v27+s23+$0x0] =	vst.idx.msk vm2, v13  }
0x2e2: {  	v13 =	vor.u32 s11, v5;
	[tilespmem:v27+s24+$0x0] =	vst.idx.msk vm2, v14  }
0x2e3: {  	[tilespmem:v21+s23+$0x0] =	vst.idx.msk vm5, v20  }
0x2e4: {  	v14 =	vor.u32 s11, v6;
	[tilespmem:v21+s24+$0x0] =	vst.idx.msk vm5, v17  }
0x2e5: {  	[tilespmem:v16+s23+$0x0] =	vst.idx.msk vm1, v12  }
0x2e6: {  	[tilespmem:v16+s24+$0x0] =	vst.idx.msk vm1, v11;
	v11 =	vor.u32 s11, v7  }
0x2e7: {  	[tilespmem:v13+s23+$0x0] =	vst.idx.msk vm4, v18  }
0x2e8: {  	[tilespmem:v13+s24+$0x0] =	vst.idx.msk vm4, v15  }
0x2e9: {  	[tilespmem:v14+s23+$0x0] =	vst.idx.msk vm0, v10  }
0x2ea: {  	[tilespmem:v14+s24+$0x0] =	vst.idx.msk vm0, v9  }
0x2eb: {  	[tilespmem:v11+s23+$0x0] =	vst.idx.msk vm6, v25  }
0x2ec: {  	[tilespmem:v11+s24+$0x0] =	vst.idx.msk vm6, v26  }
0x2ed: {  	v9 =	vld [tilespmem:s10+$0x20]  }
0x2ee: {  	v10 =	vld [tilespmem:s10+$0x0]  }
0x2ef: {  	v11 =	vld [tilespmem:s10+$0xFFFFFFE0];
	_ =	sdelay $0x2  }
0x2f0: {  	v12 =	vsub.s32 v9, v8  }
0x2f1: {  	v13 =	vld [tilespmem:s10+$0xFFFFFFD0];
	v9 =	vand.u32 $0x7F, v9;
	vm0 =	vlt.u32 v12, $0x4F00;
	v12 =	vand.u32 $0xFF80, v12  }
0x2f2: {  	v14 =	vsub.s32 v10, v8;
	v16 =	vsub.s32 v11, v8;
	v9 =	vor.u32 v9, v12  }
0x2f3: {  	v11 =	vand.u32 $0x7F, v11;
	vm2 =	vlt.u32 v16, $0x4F00;
	v16 =	vand.u32 $0xFF80, v16;
	v12 =	vld [tilespmem:s10+$0xFFFFFFC0]  }
0x2f4: {  	v17 =	vld [tilespmem:s10+$0x10];
	v10 =	vand.u32 $0x7F, v10;
	v15 =	vand.u32 $0xFF80, v14;
	v11 =	vor.u32 v11, v16  }
0x2f5: {  	vm1 =	vlt.u32 v14, $0x4F00;
	v10 =	vor.u32 v10, v15;
	v15 =	vld [tilespmem:s10+$0xFFFFFFF0]  }
0x2f6: {  	v18 =	vsub.s32 v13, v8;
	v14 =	vld [tilespmem:s10+$0x30]  }
0x2f7: {  	v13 =	vand.u32 $0x7F, v13;
	vm3 =	vlt.u32 v18, $0x4F00;
	v16 =	vand.u32 $0xFF80, v18;
	v18 =	vld.idx.msk [tilespmem:v9+s21+$0x0], vm0  }
0x2f8: {  	v13 =	vor.u32 v13, v16;
	v19 =	vsub.s32 v12, v8;
	v9 =	vld.idx.msk [tilespmem:v9+s5+$0x0], vm0  }
0x2f9: {  	v12 =	vand.u32 $0x7F, v12;
	v20 =	vld.idx.msk [tilespmem:v11+s5+$0x0], vm2;
	v16 =	vand.u32 $0xFF80, v19;
	vm6 =	vlt.u32 v19, $0x4F00  }
0x2fa: {  	v11 =	vld.idx.msk [tilespmem:v11+s21+$0x0], vm2;
	v12 =	vor.u32 v12, v16;
	v16 =	vsub.s32 v15, v8  }
0x2fb: {  	v19 =	vld.idx.msk [tilespmem:v10+s21+$0x0], vm1;
	v15 =	vand.u32 $0x7F, v15;
	vm4 =	vlt.u32 v16, $0x4F00;
	v16 =	vand.u32 $0xFF80, v16  }
0x2fc: {  	v21 =	vsub.s32 v17, v8;
	v10 =	vld.idx.msk [tilespmem:v10+s5+$0x0], vm1;
	v15 =	vor.u32 v15, v16  }
0x2fd: {  	v17 =	vand.u32 $0x7F, v17;
	vm5 =	vlt.u32 v21, $0x4F00;
	v16 =	vand.u32 $0xFF80, v21;
	v21 =	vld.idx.msk [tilespmem:v13+s21+$0x0], vm3  }
0x2fe: {  	v22 =	vsub.s32 v14, v8;
	v13 =	vld.idx.msk [tilespmem:v13+s5+$0x0], vm3;
	v16 =	vor.u32 v17, v16  }
0x2ff: {  	v14 =	vand.u32 $0x7F, v14;
	vm7 =	vlt.u32 v22, $0x4F00;
	v17 =	vand.u32 $0xFF80, v22;
	v22 =	vld.idx.msk [tilespmem:v12+s21+$0x0], vm6  }
0x300: {  	v14 =	vor.u32 v14, v17;
	v12 =	vld.idx.msk [tilespmem:v12+s5+$0x0], vm6  }
0x301: {  	v23 =	vor.u32 s4, v0;
	v17 =	vld.idx.msk [tilespmem:v15+s21+$0x0], vm4  }
0x302: {  	v15 =	vld.idx.msk [tilespmem:v15+s5+$0x0], vm4  }
0x303: {  	v25 =	vor.u32 s4, v1;
	v24 =	vld.idx.msk [tilespmem:v16+s21+$0x0], vm5  }
0x304: {  	v16 =	vld.idx.msk [tilespmem:v16+s5+$0x0], vm5  }
0x305: {  	v27 =	vor.u32 s4, v2;
	v26 =	vld.idx.msk [tilespmem:v14+s21+$0x0], vm7  }
0x306: {  	v14 =	vld.idx.msk [tilespmem:v14+s5+$0x0], vm7;
	[tilespmem:v23+s23+$0x0] =	vst.idx.msk vm6, v12  }
0x307: {  	v12 =	vor.u32 s4, v3;
	[tilespmem:v23+s24+$0x0] =	vst.idx.msk vm6, v22  }
0x308: {  	[tilespmem:v25+s23+$0x0] =	vst.idx.msk vm3, v13  }
0x309: {  	v13 =	vor.u32 s4, v4;
	[tilespmem:v25+s24+$0x0] =	vst.idx.msk vm3, v21  }
0x30a: {  	[tilespmem:v27+s23+$0x0] =	vst.idx.msk vm2, v20  }
0x30b: {  	[tilespmem:v27+s24+$0x0] =	vst.idx.msk vm2, v11;
	v11 =	vor.u32 s4, v5  }
0x30c: {  	[tilespmem:v12+s23+$0x0] =	vst.idx.msk vm4, v15  }
0x30d: {  	[tilespmem:v12+s24+$0x0] =	vst.idx.msk vm4, v17;
	v12 =	vor.u32 s4, v6  }
0x30e: {  	[tilespmem:v13+s23+$0x0] =	vst.idx.msk vm1, v10  }
0x30f: {  	v10 =	vor.u32 s4, v7;
	[tilespmem:v13+s24+$0x0] =	vst.idx.msk vm1, v19  }
0x310: {  	[tilespmem:v11+s23+$0x0] =	vst.idx.msk vm5, v16  }
0x311: {  	[tilespmem:v11+s24+$0x0] =	vst.idx.msk vm5, v24  }
0x312: {  	[tilespmem:v12+s23+$0x0] =	vst.idx.msk vm0, v9  }
0x313: {  	[tilespmem:v12+s24+$0x0] =	vst.idx.msk vm0, v18  }
0x314: {  	[tilespmem:v10+s23+$0x0] =	vst.idx.msk vm7, v14  }
0x315: {  	[tilespmem:v10+s24+$0x0] =	vst.idx.msk vm7, v26  }
0x316: {  	v9 =	vld [tilespmem:s13+$0x20]  }
0x317: {  	v10 =	vld [tilespmem:s13+$0x0]  }
0x318: {  	v11 =	vld [tilespmem:s13+$0xFFFFFFE0];
	_ =	sdelay $0x2  }
0x319: {  	v12 =	vsub.s32 v9, v8  }
0x31a: {  	v13 =	vld [tilespmem:s13+$0xFFFFFFD0];
	v9 =	vand.u32 $0x7F, v9;
	vm0 =	vlt.u32 v12, $0x4F00;
	v12 =	vand.u32 $0xFF80, v12  }
0x31b: {  	v14 =	vsub.s32 v10, v8;
	v16 =	vsub.s32 v11, v8;
	v9 =	vor.u32 v9, v12  }
0x31c: {  	v11 =	vand.u32 $0x7F, v11;
	vm2 =	vlt.u32 v16, $0x4F00;
	v16 =	vand.u32 $0xFF80, v16;
	v12 =	vld [tilespmem:s13+$0xFFFFFFC0]  }
0x31d: {  	v17 =	vld [tilespmem:s13+$0x10];
	v10 =	vand.u32 $0x7F, v10;
	v15 =	vand.u32 $0xFF80, v14;
	v11 =	vor.u32 v11, v16  }
0x31e: {  	vm1 =	vlt.u32 v14, $0x4F00;
	v10 =	vor.u32 v10, v15;
	v15 =	vld [tilespmem:s13+$0xFFFFFFF0]  }
0x31f: {  	v18 =	vsub.s32 v13, v8;
	v14 =	vld [tilespmem:s13+$0x30]  }
0x320: {  	v13 =	vand.u32 $0x7F, v13;
	vm3 =	vlt.u32 v18, $0x4F00;
	v16 =	vand.u32 $0xFF80, v18;
	v18 =	vld.idx.msk [tilespmem:v9+s21+$0x0], vm0  }
0x321: {  	v13 =	vor.u32 v13, v16;
	v19 =	vsub.s32 v12, v8;
	v9 =	vld.idx.msk [tilespmem:v9+s5+$0x0], vm0  }
0x322: {  	v12 =	vand.u32 $0x7F, v12;
	v20 =	vld.idx.msk [tilespmem:v11+s5+$0x0], vm2;
	v16 =	vand.u32 $0xFF80, v19;
	vm7 =	vlt.u32 v19, $0x4F00  }
0x323: {  	v11 =	vld.idx.msk [tilespmem:v11+s21+$0x0], vm2;
	v12 =	vor.u32 v12, v16;
	v16 =	vsub.s32 v15, v8  }
0x324: {  	v19 =	vld.idx.msk [tilespmem:v10+s21+$0x0], vm1;
	v15 =	vand.u32 $0x7F, v15;
	vm4 =	vlt.u32 v16, $0x4F00;
	v16 =	vand.u32 $0xFF80, v16  }
0x325: {  	v21 =	vsub.s32 v17, v8;
	v10 =	vld.idx.msk [tilespmem:v10+s5+$0x0], vm1;
	v15 =	vor.u32 v15, v16  }
0x326: {  	v17 =	vand.u32 $0x7F, v17;
	vm5 =	vlt.u32 v21, $0x4F00;
	v16 =	vand.u32 $0xFF80, v21;
	v21 =	vld.idx.msk [tilespmem:v13+s21+$0x0], vm3  }
0x327: {  	v8 =	vsub.s32 v14, v8;
	v13 =	vld.idx.msk [tilespmem:v13+s5+$0x0], vm3;
	v16 =	vor.u32 v17, v16  }
0x328: {  	vm6 =	vlt.u32 v8, $0x4F00;
	v17 =	vand.u32 $0xFF80, v8;
	v8 =	vand.u32 $0x7F, v14;
	v14 =	vld.idx.msk [tilespmem:v12+s21+$0x0], vm7  }
0x329: {  	v8 =	vor.u32 v8, v17;
	v12 =	vld.idx.msk [tilespmem:v12+s5+$0x0], vm7  }
0x32a: {  	v22 =	vor.u32 s15, v0;
	v17 =	vld.idx.msk [tilespmem:v15+s21+$0x0], vm4  }
0x32b: {  	v15 =	vld.idx.msk [tilespmem:v15+s5+$0x0], vm4  }
0x32c: {  	v24 =	vor.u32 s15, v1;
	v23 =	vld.idx.msk [tilespmem:v16+s21+$0x0], vm5  }
0x32d: {  	v16 =	vld.idx.msk [tilespmem:v16+s5+$0x0], vm5  }
0x32e: {  	v26 =	vor.u32 s15, v2;
	v25 =	vld.idx.msk [tilespmem:v8+s21+$0x0], vm6  }
0x32f: {  	v8 =	vld.idx.msk [tilespmem:v8+s5+$0x0], vm6;
	[tilespmem:v22+s23+$0x0] =	vst.idx.msk vm7, v12  }
0x330: {  	v12 =	vor.u32 s15, v3;
	[tilespmem:v22+s24+$0x0] =	vst.idx.msk vm7, v14  }
0x331: {  	[tilespmem:v24+s23+$0x0] =	vst.idx.msk vm3, v13  }
0x332: {  	v13 =	vor.u32 s15, v4;
	[tilespmem:v24+s24+$0x0] =	vst.idx.msk vm3, v21  }
0x333: {  	[tilespmem:v26+s23+$0x0] =	vst.idx.msk vm2, v20  }
0x334: {  	[tilespmem:v26+s24+$0x0] =	vst.idx.msk vm2, v11;
	v11 =	vor.u32 s15, v5  }
0x335: {  	[tilespmem:v12+s23+$0x0] =	vst.idx.msk vm4, v15  }
0x336: {  	[tilespmem:v12+s24+$0x0] =	vst.idx.msk vm4, v17;
	v12 =	vor.u32 s15, v6  }
0x337: {  	[tilespmem:v13+s23+$0x0] =	vst.idx.msk vm1, v10  }
0x338: {  	v10 =	vor.u32 s15, v7;
	[tilespmem:v13+s24+$0x0] =	vst.idx.msk vm1, v19  }
0x339: {  	[tilespmem:v11+s23+$0x0] =	vst.idx.msk vm5, v16  }
0x33a: {  	[tilespmem:v11+s24+$0x0] =	vst.idx.msk vm5, v23  }
0x33b: {  	[tilespmem:v12+s23+$0x0] =	vst.idx.msk vm0, v9  }
0x33c: {  	s16 =	sand.u32 $0x1, s18;
	[tilespmem:v12+s24+$0x0] =	vst.idx.msk vm0, v18  }
0x33d: {  	p1 =	seq.s32 s16, $0x1;
	[tilespmem:v10+s23+$0x0] =	vst.idx.msk vm6, v8  }
0x33e: {  	s8 =	simm.s32 @p1 $0x400;
	s10 =	simm.s32 @p1 $0x0;
	s4 =	simm.s32 @p1 $0x80;
	[tilespmem:v10+s24+$0x0] =	vst.idx.msk vm6, v25  }
0x33f: {  	[tilespmem:s10], [sflag:$0x1] =	stream.strided.gather @p1 [hbm4b:s6+s4], $0x4A80, s8, s4, $0x38;
	[tilespmem:$0x1FE00] =	vst v63  }
0x340: {  	s11 =	simm.s32 @p1 $0x4F80  }
0x341: {  	[tilespmem:s11], [sflag:$0x1] =	stream.strided.gather @p1 [hbm4b:s0+s4], $0x4A80, s8, s4, $0x38;
	[tilespmem:$0x1FE00] =	vst v63  }
0x342: {  	s4 =	simm.s32 @p1 $0x4A80;
	s8 =	rddreg [dreg:$0x12]  }
0x343: {  	[tilespmem:s4], [sflag:$0x1] =	stream.linear.gather @p1 [hbm4b:s8+s10], $0x80, $0x38;
	[tilespmem:$0x1FE00] =	vst v63  }
0x344: {  	s4 =	simm.s32 @p1 $0x9A00;
	s8 =	rddreg [dreg:$0x13]  }
0x345: {  	[tilespmem:s4], [sflag:$0x1] =	stream.linear.gather @p1 [hbm4b:s8+s10], $0x80, $0x38;
	[tilespmem:$0x1FE00] =	vst v63  }
0x346: {  	s4 =	simm.s32 @!p1 $0x80;
	s8 =	simm.s32 @!p1 $0x400;
	s10 =	simm.s32 @!p1 $0x0  }
0x347: {  	[tilespmem:s10], [sflag:$0x1] =	stream.strided.gather @!p1 [hbm4b:s1+s4], $0x4F00, s8, s4, $0x38;
	[tilespmem:$0x1FE00] =	vst v63  }
0x348: {  	s10 =	simm.s32 @!p1 $0x4F80  }
0x349: {  	[tilespmem:s10], [sflag:$0x1] =	stream.strided.gather @!p1 [hbm4b:s2+s4], $0x4F00, s8, s4, $0x38;
	[tilespmem:$0x1FE00] =	vst v63  }
0x34a: {  	_ =	swait.ge [sflag:s25], $0x4F00  }
0x34b: {  	[sflag:s25] =	ssyncset.done $0x0  }
0x34c: {  	[sflag:s25] =	ssyncadd.s32 $0xFFFFB100  }
0x34d: {  	_ =	swait.ge [sflag:s25], $0x4F00  }
0x34e: {  	[sflag:s25] =	ssyncset.done $0x0  }
0x34f: {  	s17 =	simm.s32 $0x13E40;
	[sflag:s25] =	ssyncadd.s32 $0xFFFFB100  }
0x350: {  	v9 =	vld [tilespmem:s17+$0x20];
	_ =	sdelay $0x1  }
0x351: {  	s18 =	smul.u32 $0x4F00, s14;
	v10 =	vld [tilespmem:s17+$0x0]  }
0x352: {  	v11 =	vld [tilespmem:s17+$0xFFFFFFE0]  }
0x353: {  	v8 =	vmov s18  }
0x354: {  	v13 =	vld [tilespmem:s17+$0xFFFFFFD0];
	v12 =	vsub.s32 v9, v8  }
0x355: {  	v9 =	vand.u32 $0x7F, v9;
	vm0 =	vlt.u32 v12, $0x4F00;
	v12 =	vand.u32 $0xFF80, v12  }
0x356: {  	v15 =	vld [tilespmem:s17+$0xFFFFFFC0];
	v14 =	vsub.s32 v10, v8;
	v10 =	vand.u32 $0x7F, v10;
	v12 =	vor.u32 v9, v12  }
0x357: {  	vm1 =	vlt.u32 v14, $0x4F00;
	v9 =	vand.u32 $0xFF80, v14;
	v14 =	vsub.s32 v11, v8  }
0x358: {  	v17 =	vld [tilespmem:s17+$0xFFFFFFF0];
	v16 =	vor.u32 v10, v9;
	v9 =	vand.u32 $0xFF80, v14;
	v10 =	vand.u32 $0x7F, v11  }
0x359: {  	vm2 =	vlt.u32 v14, $0x4F00;
	v11 =	vsub.s32 v13, v8;
	v14 =	vor.u32 v10, v9  }
0x35a: {  	v19 =	vld [tilespmem:s17+$0x10];
	v10 =	vand.u32 $0x7F, v13;
	vm3 =	vlt.u32 v11, $0x4F00;
	v11 =	vand.u32 $0xFF80, v11  }
0x35b: {  	v13 =	vsub.s32 v15, v8;
	v20 =	vor.u32 v10, v11;
	v9 =	vld.idx.msk [tilespmem:v12+s31+$0x0], vm0  }
0x35c: {  	vm7 =	vlt.u32 v13, $0x4F00;
	v10 =	vld.idx.msk [tilespmem:v12+s28+$0x0], vm0;
	v12 =	vand.u32 $0x7F, v15;
	v15 =	vand.u32 $0xFF80, v13  }
0x35d: {  	v13 =	vsub.s32 v17, v8;
	v11 =	vld.idx.msk [tilespmem:v16+s31+$0x0], vm1;
	v15 =	vor.u32 v12, v15  }
0x35e: {  	v17 =	vand.u32 $0x7F, v17;
	v12 =	vld.idx.msk [tilespmem:v16+s28+$0x0], vm1;
	vm5 =	vlt.u32 v13, $0x4F00;
	v16 =	vand.u32 $0xFF80, v13  }
0x35f: {  	v18 =	vld [tilespmem:s17+$0x30];
	v21 =	vsub.s32 v19, v8;
	v23 =	vor.u32 v17, v16  }
0x360: {  	v19 =	vand.u32 $0x7F, v19;
	v17 =	vand.u32 $0xFF80, v21;
	v16 =	vld.idx.msk [tilespmem:v20+s31+$0x0], vm3  }
0x361: {  	v26 =	vor.u32 v19, v17;
	v19 =	vld.idx.msk [tilespmem:v20+s28+$0x0], vm3  }
0x362: {  	vm4 =	vlt.u32 v21, $0x4F00;
	v21 =	vld.idx.msk [tilespmem:v15+s31+$0x0], vm7  }
0x363: {  	v22 =	vld.idx.msk [tilespmem:v15+s28+$0x0], vm7  }
0x364: {  	v15 =	vsub.s32 v18, v8;
	v17 =	vld.idx.msk [tilespmem:v23+s31+$0x0], vm5  }
0x365: {  	v18 =	vand.u32 $0x7F, v18;
	v20 =	vld.idx.msk [tilespmem:v23+s28+$0x0], vm5;
	v23 =	vand.u32 $0xFF80, v15;
	vm6 =	vlt.u32 v15, $0x4F00  }
0x366: {  	v13 =	vld.idx.msk [tilespmem:v14+s28+$0x0], vm2;
	v25 =	vor.u32 v18, v23  }
0x367: {  	s15 =	simm.s32 $0x0;
	v14 =	vld.idx.msk [tilespmem:v14+s31+$0x0], vm2  }
0x368: {  	s14 =	simm.s32 $0x100;
	s13 =	simm.s32 $0x13F40;
	v24 =	vor.u32 s15, v0;
	s11 =	simm.s32 $0x13F40;
	v15 =	vld.idx.msk [tilespmem:v26+s31+$0x0], vm4  }
0x369: {  	s4 =	simm.s32 $0x80;
	s10 =	simm.s32 $0x13EC0;
	s8 =	simm.s32 $0x180;
	v18 =	vld.idx.msk [tilespmem:v26+s28+$0x0], vm4;
	v23 =	vor.u32 s15, v1  }
.LBB2_15:
0x36a: {  	p1 =	sne.s32 s8, $0x3F80  }
0x36b: {  	s11 =	sadd.s32 $0x80, s11;
	v26 =	vld.idx.msk [tilespmem:v25+s31+$0x0], vm6;
	s16 =	smov.u32 s8;
	s8 =	sadd.s32 $0x80, s8  }
0x36c: {  	v27 =	vor.u32 s15, v2;
	v25 =	vld.idx.msk [tilespmem:v25+s28+$0x0], vm6  }
0x36d: {  	[tilespmem:v24+s23+$0x0] =	vst.idx.msk vm7, v22  }
0x36e: {  	[tilespmem:v24+s24+$0x0] =	vst.idx.msk vm7, v21;
	v21 =	vor.u32 s15, v3  }
0x36f: {  	[tilespmem:v23+s23+$0x0] =	vst.idx.msk vm3, v19  }
0x370: {  	[tilespmem:v23+s24+$0x0] =	vst.idx.msk vm3, v16;
	v16 =	vor.u32 s15, v4  }
0x371: {  	[tilespmem:v27+s23+$0x0] =	vst.idx.msk vm2, v13  }
0x372: {  	v13 =	vor.u32 s15, v5;
	[tilespmem:v27+s24+$0x0] =	vst.idx.msk vm2, v14  }
0x373: {  	[tilespmem:v21+s23+$0x0] =	vst.idx.msk vm5, v20  }
0x374: {  	v14 =	vor.u32 s15, v6;
	[tilespmem:v21+s24+$0x0] =	vst.idx.msk vm5, v17  }
0x375: {  	[tilespmem:v16+s23+$0x0] =	vst.idx.msk vm1, v12  }
0x376: {  	[tilespmem:v16+s24+$0x0] =	vst.idx.msk vm1, v11;
	v11 =	vor.u32 s15, v7;
	s15 =	smov.u32 s4;
	s4 =	smov.u32 s14;
	s14 =	smov.u32 s16  }
0x377: {  	[tilespmem:v13+s23+$0x0] =	vst.idx.msk vm4, v18  }
0x378: {  	[tilespmem:v13+s24+$0x0] =	vst.idx.msk vm4, v15  }
0x379: {  	[tilespmem:v14+s23+$0x0] =	vst.idx.msk vm0, v10  }
0x37a: {  	[tilespmem:v14+s24+$0x0] =	vst.idx.msk vm0, v9  }
0x37b: {  	[tilespmem:v11+s23+$0x0] =	vst.idx.msk vm6, v25  }
0x37c: {  	[tilespmem:v11+s24+$0x0] =	vst.idx.msk vm6, v26  }
0x37d: {  	v9 =	vld [tilespmem:s10+$0x20]  }
0x37e: {  	v10 =	vld [tilespmem:s10+$0xFFFFFFC0]  }
0x37f: {  	v11 =	vld [tilespmem:s10+$0x0]  }
0x380: {  	v15 =	vld [tilespmem:s10+$0x30]  }
0x381: {  	v12 =	vld [tilespmem:s10+$0xFFFFFFE0]  }
0x382: {  	v13 =	vld [tilespmem:s10+$0xFFFFFFD0];
	v14 =	vsub.s32 v9, v8;
	v9 =	vand.u32 $0x7F, v9  }
0x383: {  	v16 =	vsub.s32 v10, v8;
	vm0 =	vlt.u32 v14, $0x4F00;
	v14 =	vand.u32 $0xFF80, v14  }
0x384: {  	v10 =	vand.u32 $0x7F, v10;
	v17 =	vsub.s32 v11, v8;
	v14 =	vor.u32 v9, v14  }
0x385: {  	v19 =	vand.u32 $0xFF80, v16;
	v18 =	vsub.s32 v15, v8;
	v9 =	vand.u32 $0xFF80, v17  }
0x386: {  	v11 =	vand.u32 $0x7F, v11;
	vm1 =	vlt.u32 v17, $0x4F00;
	v20 =	vld [tilespmem:s10+$0x10];
	v21 =	vsub.s32 v12, v8  }
0x387: {  	v23 =	vor.u32 v11, v9;
	v17 =	vld [tilespmem:s10+$0xFFFFFFF0];
	vm2 =	vlt.u32 v21, $0x4F00;
	v22 =	vand.u32 $0x7F, v13;
	s10 =	smov.u32 s13;
	s13 =	smov.u32 s11  }
0x388: {  	v12 =	vand.u32 $0x7F, v12;
	v9 =	vsub.s32 v13, v8;
	v11 =	vand.u32 $0xFF80, v21  }
0x389: {  	vm3 =	vlt.u32 v9, $0x4F00;
	v9 =	vand.u32 $0xFF80, v9;
	v21 =	vor.u32 v12, v11  }
0x38a: {  	v24 =	vand.u32 $0xFF80, v18;
	v22 =	vor.u32 v22, v9;
	v9 =	vld.idx.msk [tilespmem:v14+s31+$0x0], vm0  }
0x38b: {  	v25 =	vor.u32 v10, v19;
	v13 =	vsub.s32 v20, v8;
	v10 =	vld.idx.msk [tilespmem:v14+s28+$0x0], vm0  }
0x38c: {  	vm7 =	vlt.u32 v16, $0x4F00;
	v12 =	vsub.s32 v17, v8;
	v14 =	vand.u32 $0xFF80, v13;
	v11 =	vld.idx.msk [tilespmem:v23+s31+$0x0], vm1  }
0x38d: {  	v17 =	vand.u32 $0x7F, v17;
	vm5 =	vlt.u32 v12, $0x4F00;
	v16 =	vand.u32 $0xFF80, v12;
	v12 =	vld.idx.msk [tilespmem:v23+s28+$0x0], vm1  }
0x38e: {  	vm4 =	vlt.u32 v13, $0x4F00;
	v13 =	vld.idx.msk [tilespmem:v21+s28+$0x0], vm2;
	v23 =	vor.u32 v17, v16;
	v16 =	vand.u32 $0x7F, v20  }
0x38f: {  	v26 =	vor.u32 v16, v14;
	v14 =	vld.idx.msk [tilespmem:v21+s31+$0x0], vm2  }
0x390: {  	v16 =	vld.idx.msk [tilespmem:v22+s31+$0x0], vm3  }
0x391: {  	v19 =	vld.idx.msk [tilespmem:v22+s28+$0x0], vm3  }
0x392: {  	v15 =	vand.u32 $0x7F, v15;
	vm6 =	vlt.u32 v18, $0x4F00;
	v21 =	vld.idx.msk [tilespmem:v25+s31+$0x0], vm7  }
.Ltmp8:
0x393: {  	v22 =	vld.idx.msk [tilespmem:v25+s28+$0x0], vm7;
	v25 =	vor.u32 v15, v24;
	(pc) =	sbr.rel @p1 .LBB2_15-.Ltmp8, $4  }
0x394: {  	v17 =	vld.idx.msk [tilespmem:v23+s31+$0x0], vm5  }
0x395: {  	v24 =	vor.u32 s15, v0;
	v20 =	vld.idx.msk [tilespmem:v23+s28+$0x0], vm5  }
0x396: {  	v15 =	vld.idx.msk [tilespmem:v26+s31+$0x0], vm4  }
0x397: {  	v23 =	vor.u32 s15, v1;
	v18 =	vld.idx.msk [tilespmem:v26+s28+$0x0], vm4  }
0x398: {  	_ =	sdelay $0x4  }
0x399: {  	v26 =	vld.idx.msk [tilespmem:v25+s31+$0x0], vm6;
	v27 =	vor.u32 s15, v2  }
0x39a: {  	v35 =	vld.idx.msk [tilespmem:v25+s28+$0x0], vm6;
	[tilespmem:v24+s23+$0x0] =	vst.idx.msk vm7, v22  }
0x39b: {  	v36 =	vor.u32 s15, v3;
	[tilespmem:v24+s24+$0x0] =	vst.idx.msk vm7, v21  }
0x39c: {  	[tilespmem:v23+s23+$0x0] =	vst.idx.msk vm3, v19  }
0x39d: {  	v37 =	vor.u32 s15, v4;
	[tilespmem:v23+s24+$0x0] =	vst.idx.msk vm3, v16  }
0x39e: {  	[tilespmem:v27+s23+$0x0] =	vst.idx.msk vm2, v13  }
0x39f: {  	v38 =	vor.u32 s15, v5;
	[tilespmem:v27+s24+$0x0] =	vst.idx.msk vm2, v14  }
0x3a0: {  	[tilespmem:v36+s23+$0x0] =	vst.idx.msk vm5, v20  }
0x3a1: {  	v39 =	vor.u32 s15, v6;
	[tilespmem:v36+s24+$0x0] =	vst.idx.msk vm5, v17  }
0x3a2: {  	[tilespmem:v37+s23+$0x0] =	vst.idx.msk vm1, v12  }
0x3a3: {  	v40 =	vor.u32 s15, v7;
	[tilespmem:v37+s24+$0x0] =	vst.idx.msk vm1, v11  }
0x3a4: {  	[tilespmem:v38+s23+$0x0] =	vst.idx.msk vm4, v18  }
0x3a5: {  	[tilespmem:v38+s24+$0x0] =	vst.idx.msk vm4, v15  }
0x3a6: {  	[tilespmem:v39+s23+$0x0] =	vst.idx.msk vm0, v10  }
0x3a7: {  	[tilespmem:v39+s24+$0x0] =	vst.idx.msk vm0, v9  }
0x3a8: {  	[tilespmem:v40+s23+$0x0] =	vst.idx.msk vm6, v35  }
0x3a9: {  	[tilespmem:v40+s24+$0x0] =	vst.idx.msk vm6, v26  }
0x3aa: {  	v9 =	vld [tilespmem:s10+$0x20];
	_ =	sdelay $0x1  }
0x3ab: {  	v10 =	vld [tilespmem:s10+$0x0];
	_ =	sdelay $0x1  }
0x3ac: {  	v11 =	vld [tilespmem:s10+$0xFFFFFFE0]  }
0x3ad: {  	v41 =	vsub.s32 v9, v8  }
0x3ae: {  	v13 =	vld [tilespmem:s10+$0xFFFFFFD0];
	v9 =	vand.u32 $0x7F, v9;
	vm0 =	vlt.u32 v41, $0x4F00;
	v12 =	vand.u32 $0xFF80, v41  }
0x3af: {  	v43 =	vld [tilespmem:s10+$0xFFFFFFC0];
	v42 =	vsub.s32 v10, v8;
	v9 =	vor.u32 v9, v12  }
0x3b0: {  	v45 =	vld [tilespmem:s10+$0x30];
	v10 =	vand.u32 $0x7F, v10;
	v44 =	vand.u32 $0xFF80, v42;
	vm9 =	vlt.u32 v42, $0x4F00  }
0x3b1: {  	v46 =	vsub.s32 v11, v8;
	v10 =	vor.u32 v10, v44  }
0x3b2: {  	v47 =	vld [tilespmem:s10+$0xFFFFFFF0];
	v11 =	vand.u32 $0x7F, v11;
	vm10 =	vlt.u32 v46, $0x4F00;
	v16 =	vand.u32 $0xFF80, v46  }
0x3b3: {  	v17 =	vld [tilespmem:s10+$0x10];
	v48 =	vsub.s32 v13, v8;
	v13 =	vand.u32 $0x7F, v13;
	v11 =	vor.u32 v11, v16  }
0x3b4: {  	v51 =	vsub.s32 v43, v8;
	vm11 =	vlt.u32 v48, $0x4F00;
	v49 =	vand.u32 $0xFF80, v48;
	v50 =	vld.idx.msk [tilespmem:v9+s31+$0x0], vm0  }
0x3b5: {  	v58 =	vsub.s32 v45, v8;
	v14 =	vand.u32 $0x7F, v45;
	v13 =	vor.u32 v13, v49;
	v9 =	vld.idx.msk [tilespmem:v9+s28+$0x0], vm0  }
0x3b6: {  	v52 =	vand.u32 $0xFF80, v51;
	v59 =	vand.u32 $0xFF80, v58;
	vm15 =	vlt.u32 v58, $0x4F00;
	v53 =	vld.idx.msk [tilespmem:v10+s31+$0x0], vm9  }
0x3b7: {  	vm12 =	vlt.u32 v51, $0x4F00;
	v12 =	vand.u32 $0x7F, v43;
	v14 =	vor.u32 v14, v59;
	v10 =	vld.idx.msk [tilespmem:v10+s28+$0x0], vm9  }
0x3b8: {  	v12 =	vor.u32 v12, v52;
	v20 =	vld.idx.msk [tilespmem:v11+s28+$0x0], vm10  }
0x3b9: {  	v54 =	vsub.s32 v47, v8;
	v11 =	vld.idx.msk [tilespmem:v11+s31+$0x0], vm10  }
0x3ba: {  	v15 =	vand.u32 $0x7F, v47;
	vm13 =	vlt.u32 v54, $0x4F00;
	v16 =	vand.u32 $0xFF80, v54;
	v57 =	vld.idx.msk [tilespmem:v13+s31+$0x0], vm11  }
0x3bb: {  	v55 =	vsub.s32 v17, v8;
	v15 =	vor.u32 v15, v16;
	v13 =	vld.idx.msk [tilespmem:v13+s28+$0x0], vm11  }
0x3bc: {  	v17 =	vand.u32 $0x7F, v17;
	v56 =	vand.u32 $0xFF80, v55;
	vm14 =	vlt.u32 v55, $0x4F00;
	v26 =	vld.idx.msk [tilespmem:v14+s31+$0x0], vm15  }
0x3bd: {  	v16 =	vor.u32 v17, v56;
	v60 =	vld.idx.msk [tilespmem:v12+s31+$0x0], vm12  }
0x3be: {  	v62 =	vor.u32 s4, v0;
	v12 =	vld.idx.msk [tilespmem:v12+s28+$0x0], vm12  }
0x3bf: {  	v14 =	vld.idx.msk [tilespmem:v14+s28+$0x0], vm15  }
0x3c0: {  	v63 =	vor.u32 s4, v1;
	v61 =	vld.idx.msk [tilespmem:v15+s31+$0x0], vm13  }
0x3c1: {  	v15 =	vld.idx.msk [tilespmem:v15+s28+$0x0], vm13  }
0x3c2: {  	v30 =	vor.u32 s4, v2;
	v24 =	vld.idx.msk [tilespmem:v16+s31+$0x0], vm14  }
0x3c3: {  	v16 =	vld.idx.msk [tilespmem:v16+s28+$0x0], vm14;
	[tilespmem:v62+s23+$0x0] =	vst.idx.msk vm12, v12  }
0x3c4: {  	v31 =	vor.u32 s4, v3;
	[tilespmem:v62+s24+$0x0] =	vst.idx.msk vm12, v60  }
0x3c5: {  	[tilespmem:v63+s23+$0x0] =	vst.idx.msk vm11, v13  }
0x3c6: {  	v32 =	vor.u32 s4, v4;
	[tilespmem:v63+s24+$0x0] =	vst.idx.msk vm11, v57  }
0x3c7: {  	[tilespmem:v30+s23+$0x0] =	vst.idx.msk vm10, v20  }
0x3c8: {  	v33 =	vor.u32 s4, v5;
	[tilespmem:v30+s24+$0x0] =	vst.idx.msk vm10, v11  }
0x3c9: {  	[tilespmem:v31+s23+$0x0] =	vst.idx.msk vm13, v15  }
0x3ca: {  	v34 =	vor.u32 s4, v6;
	[tilespmem:v31+s24+$0x0] =	vst.idx.msk vm13, v61  }
0x3cb: {  	[tilespmem:v32+s23+$0x0] =	vst.idx.msk vm9, v10  }
0x3cc: {  	v35 =	vor.u32 s4, v7;
	[tilespmem:v32+s24+$0x0] =	vst.idx.msk vm9, v53  }
0x3cd: {  	[tilespmem:v33+s23+$0x0] =	vst.idx.msk vm14, v16  }
0x3ce: {  	[tilespmem:v33+s24+$0x0] =	vst.idx.msk vm14, v24  }
0x3cf: {  	[tilespmem:v34+s23+$0x0] =	vst.idx.msk vm0, v9  }
0x3d0: {  	[tilespmem:v34+s24+$0x0] =	vst.idx.msk vm0, v50  }
0x3d1: {  	[tilespmem:v35+s23+$0x0] =	vst.idx.msk vm15, v14  }
0x3d2: {  	[tilespmem:v35+s24+$0x0] =	vst.idx.msk vm15, v26  }
0x3d3: {  	v9 =	vld [tilespmem:s13+$0x20];
	_ =	sdelay $0x1  }
0x3d4: {  	v10 =	vld [tilespmem:s13+$0x0]  }
0x3d5: {  	v11 =	vld [tilespmem:s13+$0xFFFFFFE0]  }
0x3d6: {  	v13 =	vld [tilespmem:s13+$0xFFFFFFD0]  }
0x3d7: {  	v38 =	vld [tilespmem:s13+$0xFFFFFFC0];
	v36 =	vsub.s32 v9, v8  }
0x3d8: {  	v42 =	vld [tilespmem:s13+$0xFFFFFFF0];
	v9 =	vand.u32 $0x7F, v9;
	vm0 =	vlt.u32 v36, $0x4F00;
	v12 =	vand.u32 $0xFF80, v36  }
0x3d9: {  	v17 =	vld [tilespmem:s13+$0x10];
	v37 =	vsub.s32 v10, v8;
	v10 =	vand.u32 $0x7F, v10;
	v9 =	vor.u32 v9, v12  }
0x3da: {  	v40 =	vld [tilespmem:s13+$0x30];
	v41 =	vsub.s32 v11, v8;
	v39 =	vand.u32 $0xFF80, v37;
	vm9 =	vlt.u32 v37, $0x4F00  }
0x3db: {  	v11 =	vand.u32 $0x7F, v11;
	v43 =	vsub.s32 v13, v8;
	v10 =	vor.u32 v10, v39  }
0x3dc: {  	v13 =	vand.u32 $0x7F, v13;
	vm10 =	vlt.u32 v41, $0x4F00;
	v16 =	vand.u32 $0xFF80, v41  }
0x3dd: {  	v46 =	vsub.s32 v38, v8;
	v49 =	vsub.s32 v42, v8;
	v11 =	vor.u32 v11, v16  }
0x3de: {  	v50 =	vsub.s32 v17, v8;
	vm11 =	vlt.u32 v43, $0x4F00;
	v44 =	vand.u32 $0xFF80, v43;
	v45 =	vld.idx.msk [tilespmem:v9+s31+$0x0], vm0  }
0x3df: {  	v8 =	vsub.s32 v40, v8;
	v47 =	vand.u32 $0xFF80, v46;
	v13 =	vor.u32 v13, v44;
	v9 =	vld.idx.msk [tilespmem:v9+s28+$0x0], vm0  }
0x3e0: {  	v53 =	vand.u32 $0xFF80, v8;
	vm15 =	vlt.u32 v8, $0x4F00;
	v8 =	vand.u32 $0x7F, v40;
	v48 =	vld.idx.msk [tilespmem:v10+s31+$0x0], vm9  }
0x3e1: {  	vm12 =	vlt.u32 v46, $0x4F00;
	v12 =	vand.u32 $0x7F, v38;
	v8 =	vor.u32 v8, v53;
	v10 =	vld.idx.msk [tilespmem:v10+s28+$0x0], vm9  }
0x3e2: {  	v12 =	vor.u32 v12, v47;
	v20 =	vld.idx.msk [tilespmem:v11+s28+$0x0], vm10  }
0x3e3: {  	v11 =	vld.idx.msk [tilespmem:v11+s31+$0x0], vm10  }
0x3e4: {  	v15 =	vand.u32 $0x7F, v42;
	vm13 =	vlt.u32 v49, $0x4F00;
	v16 =	vand.u32 $0xFF80, v49;
	v52 =	vld.idx.msk [tilespmem:v13+s31+$0x0], vm11  }
0x3e5: {  	v15 =	vor.u32 v15, v16;
	v13 =	vld.idx.msk [tilespmem:v13+s28+$0x0], vm11  }
0x3e6: {  	v17 =	vand.u32 $0x7F, v17;
	v51 =	vand.u32 $0xFF80, v50;
	vm14 =	vlt.u32 v50, $0x4F00;
	v25 =	vld.idx.msk [tilespmem:v8+s31+$0x0], vm15  }
0x3e7: {  	v16 =	vor.u32 v17, v51;
	v54 =	vld.idx.msk [tilespmem:v12+s31+$0x0], vm12  }
0x3e8: {  	v56 =	vor.u32 s14, v0;
	v12 =	vld.idx.msk [tilespmem:v12+s28+$0x0], vm12  }
0x3e9: {  	v8 =	vld.idx.msk [tilespmem:v8+s28+$0x0], vm15  }
0x3ea: {  	v57 =	vor.u32 s14, v1;
	v55 =	vld.idx.msk [tilespmem:v15+s31+$0x0], vm13  }
0x3eb: {  	v15 =	vld.idx.msk [tilespmem:v15+s28+$0x0], vm13  }
0x3ec: {  	v58 =	vor.u32 s14, v2;
	v23 =	vld.idx.msk [tilespmem:v16+s31+$0x0], vm14  }
0x3ed: {  	v16 =	vld.idx.msk [tilespmem:v16+s28+$0x0], vm14;
	[tilespmem:v56+s23+$0x0] =	vst.idx.msk vm12, v12  }
0x3ee: {  	v59 =	vor.u32 s14, v3;
	[tilespmem:v56+s24+$0x0] =	vst.idx.msk vm12, v54  }
0x3ef: {  	[tilespmem:v57+s23+$0x0] =	vst.idx.msk vm11, v13  }
0x3f0: {  	v60 =	vor.u32 s14, v4;
	[tilespmem:v57+s24+$0x0] =	vst.idx.msk vm11, v52  }
0x3f1: {  	[tilespmem:v58+s23+$0x0] =	vst.idx.msk vm10, v20  }
0x3f2: {  	v61 =	vor.u32 s14, v5;
	[tilespmem:v58+s24+$0x0] =	vst.idx.msk vm10, v11  }
0x3f3: {  	[tilespmem:v59+s23+$0x0] =	vst.idx.msk vm13, v15  }
0x3f4: {  	v62 =	vor.u32 s14, v6;
	[tilespmem:v59+s24+$0x0] =	vst.idx.msk vm13, v55  }
0x3f5: {  	[tilespmem:v60+s23+$0x0] =	vst.idx.msk vm9, v10  }
0x3f6: {  	v63 =	vor.u32 s14, v7;
	[tilespmem:v60+s24+$0x0] =	vst.idx.msk vm9, v48  }
0x3f7: {  	[tilespmem:v61+s23+$0x0] =	vst.idx.msk vm14, v16  }
.Ltmp9:
0x3f8: {  	[tilespmem:v61+s24+$0x0] =	vst.idx.msk vm14, v23;
	(pc) =	sbr.rel @p0 .LBB2_12-.Ltmp9, $4  }
0x3f9: {  	[tilespmem:v62+s23+$0x0] =	vst.idx.msk vm0, v9  }
0x3fa: {  	[tilespmem:v62+s24+$0x0] =	vst.idx.msk vm0, v45  }
0x3fb: {  	[tilespmem:v63+s23+$0x0] =	vst.idx.msk vm15, v8  }
0x3fc: {  	s18 =	simm.s32 $0x1;
	p1 =	por $0x0, $0x0;
	[tilespmem:v63+s24+$0x0] =	vst.idx.msk vm15, v25  }
0x3fd: {  	_ =	swait.ge [sflag:s22], $0x4A80  }
0x3fe: {  	[sflag:s22] =	ssyncset.done $0x0  }
0x3ff: {  	[sflag:s22] =	ssyncadd.s32 $0xFFFFB580  }
0x400: {  	_ =	swait.ge [sflag:s22], $0x4A80  }
0x401: {  	[sflag:s22] =	ssyncset.done $0x0  }
0x402: {  	[sflag:s22] =	ssyncadd.s32 $0xFFFFB580  }
0x403: {  	_ =	swait.ge [sflag:s22], $0x80  }
0x404: {  	[sflag:s22] =	ssyncset.done $0x0  }
0x405: {  	[sflag:s22] =	ssyncadd.s32 $0xFFFFFF80  }
0x406: {  	_ =	swait.ge [sflag:s22], $0x80  }
0x407: {  	[sflag:s22] =	ssyncset.done $0x0  }
0x408: {  	s4 =	simm.s32 $0x13E40;
	[sflag:s22] =	ssyncadd.s32 $0xFFFFFF80  }
0x409: {  	v8 =	vld [tilespmem:s4+$0x20];
	_ =	sdelay $0x1  }
0x40a: {  	v9 =	vld [tilespmem:s4+$0x0]  }
0x40b: {  	v10 =	vld [tilespmem:s4+$0xFFFFFFE0];
	_ =	sdelay $0x1  }
0x40c: {  	v12 =	vld [tilespmem:s4+$0xFFFFFFD0];
	v11 =	vadd.s32 $0xFFFEC400, v8  }
0x40d: {  	v8 =	vand.u32 $0x7F, v8;
	vm0 =	vlt.u32 v11, $0x4AA0;
	v11 =	vand.u32 $0xFF80, v11  }
0x40e: {  	v14 =	vld [tilespmem:s4+$0xFFFFFFC0];
	v13 =	vadd.s32 $0xFFFEC400, v9;
	v9 =	vand.u32 $0x7F, v9;
	v11 =	vor.u32 v8, v11  }
0x40f: {  	vm1 =	vlt.u32 v13, $0x4AA0;
	v8 =	vand.u32 $0xFF80, v13;
	v13 =	vadd.s32 $0xFFFEC400, v10  }
0x410: {  	v16 =	vld [tilespmem:s4+$0xFFFFFFF0];
	v15 =	vor.u32 v9, v8;
	v8 =	vand.u32 $0xFF80, v13;
	v9 =	vand.u32 $0x7F, v10  }
0x411: {  	vm2 =	vlt.u32 v13, $0x4AA0;
	v10 =	vadd.s32 $0xFFFEC400, v12;
	v13 =	vor.u32 v9, v8  }
0x412: {  	v18 =	vld [tilespmem:s4+$0x10];
	v9 =	vand.u32 $0x7F, v12;
	vm3 =	vlt.u32 v10, $0x4AA0;
	v10 =	vand.u32 $0xFF80, v10  }
0x413: {  	v12 =	vadd.s32 $0xFFFEC400, v14;
	v19 =	vor.u32 v9, v10;
	v8 =	vld.idx.msk [tilespmem:v11+s21+$0x0], vm0  }
0x414: {  	vm7 =	vlt.u32 v12, $0x4AA0;
	v9 =	vld.idx.msk [tilespmem:v11+s5+$0x0], vm0;
	v11 =	vand.u32 $0x7F, v14;
	v14 =	vand.u32 $0xFF80, v12  }
0x415: {  	v12 =	vadd.s32 $0xFFFEC400, v16;
	v10 =	vld.idx.msk [tilespmem:v15+s21+$0x0], vm1;
	v14 =	vor.u32 v11, v14  }
0x416: {  	v16 =	vand.u32 $0x7F, v16;
	v11 =	vld.idx.msk [tilespmem:v15+s5+$0x0], vm1;
	vm5 =	vlt.u32 v12, $0x4AA0;
	v15 =	vand.u32 $0xFF80, v12  }
0x417: {  	v17 =	vld [tilespmem:s4+$0x30];
	v20 =	vadd.s32 $0xFFFEC400, v18;
	v22 =	vor.u32 v16, v15  }
0x418: {  	v18 =	vand.u32 $0x7F, v18;
	v16 =	vand.u32 $0xFF80, v20;
	v15 =	vld.idx.msk [tilespmem:v19+s21+$0x0], vm3  }
0x419: {  	v25 =	vor.u32 v18, v16;
	v18 =	vld.idx.msk [tilespmem:v19+s5+$0x0], vm3  }
0x41a: {  	vm4 =	vlt.u32 v20, $0x4AA0;
	v20 =	vld.idx.msk [tilespmem:v14+s21+$0x0], vm7  }
0x41b: {  	v21 =	vld.idx.msk [tilespmem:v14+s5+$0x0], vm7  }
0x41c: {  	v14 =	vadd.s32 $0xFFFEC400, v17;
	v16 =	vld.idx.msk [tilespmem:v22+s21+$0x0], vm5  }
0x41d: {  	v17 =	vand.u32 $0x7F, v17;
	v19 =	vld.idx.msk [tilespmem:v22+s5+$0x0], vm5;
	v22 =	vand.u32 $0xFF80, v14;
	vm6 =	vlt.u32 v14, $0x4AA0  }
0x41e: {  	v12 =	vld.idx.msk [tilespmem:v13+s5+$0x0], vm2;
	v24 =	vor.u32 v17, v22  }
0x41f: {  	s14 =	simm.s32 $0x0;
	v13 =	vld.idx.msk [tilespmem:v13+s21+$0x0], vm2  }
0x420: {  	s12 =	simm.s32 $0x100;
	s10 =	simm.s32 $0x13EC0;
	s8 =	simm.s32 $0x180;
	v23 =	vor.u32 s14, v0;
	v14 =	vld.idx.msk [tilespmem:v25+s21+$0x0], vm4  }
0x421: {  	s11 =	simm.s32 $0x13F40;
	s13 =	simm.s32 $0x13F40;
	s4 =	simm.s32 $0x80;
	v17 =	vld.idx.msk [tilespmem:v25+s5+$0x0], vm4;
	v22 =	vor.u32 s14, v1  }
.LBB2_18:
0x422: {  	p0 =	sne.s32 s8, $0x3F80  }
0x423: {  	s11 =	sadd.s32 $0x80, s11;
	v25 =	vld.idx.msk [tilespmem:v24+s21+$0x0], vm6;
	s15 =	smov.u32 s8;
	s8 =	sadd.s32 $0x80, s8  }
0x424: {  	v26 =	vor.u32 s14, v2;
	v24 =	vld.idx.msk [tilespmem:v24+s5+$0x0], vm6  }
0x425: {  	[tilespmem:v23+s23+$0x0] =	vst.idx.msk vm7, v21  }
0x426: {  	[tilespmem:v23+s24+$0x0] =	vst.idx.msk vm7, v20;
	v20 =	vor.u32 s14, v3  }
0x427: {  	[tilespmem:v22+s23+$0x0] =	vst.idx.msk vm3, v18  }
0x428: {  	[tilespmem:v22+s24+$0x0] =	vst.idx.msk vm3, v15;
	v15 =	vor.u32 s14, v4  }
0x429: {  	[tilespmem:v26+s23+$0x0] =	vst.idx.msk vm2, v12  }
0x42a: {  	v12 =	vor.u32 s14, v5;
	[tilespmem:v26+s24+$0x0] =	vst.idx.msk vm2, v13  }
0x42b: {  	[tilespmem:v20+s23+$0x0] =	vst.idx.msk vm5, v19  }
0x42c: {  	v13 =	vor.u32 s14, v6;
	[tilespmem:v20+s24+$0x0] =	vst.idx.msk vm5, v16  }
0x42d: {  	[tilespmem:v15+s23+$0x0] =	vst.idx.msk vm1, v11  }
0x42e: {  	[tilespmem:v15+s24+$0x0] =	vst.idx.msk vm1, v10;
	v10 =	vor.u32 s14, v7;
	s14 =	smov.u32 s4;
	s4 =	smov.u32 s12;
	s12 =	smov.u32 s15  }
0x42f: {  	[tilespmem:v12+s23+$0x0] =	vst.idx.msk vm4, v17  }
0x430: {  	[tilespmem:v12+s24+$0x0] =	vst.idx.msk vm4, v14  }
0x431: {  	[tilespmem:v13+s23+$0x0] =	vst.idx.msk vm0, v9  }
0x432: {  	[tilespmem:v13+s24+$0x0] =	vst.idx.msk vm0, v8  }
0x433: {  	[tilespmem:v10+s23+$0x0] =	vst.idx.msk vm6, v24  }
0x434: {  	[tilespmem:v10+s24+$0x0] =	vst.idx.msk vm6, v25  }
0x435: {  	v8 =	vld [tilespmem:s10+$0x20]  }
0x436: {  	v9 =	vld [tilespmem:s10+$0xFFFFFFC0]  }
0x437: {  	v10 =	vld [tilespmem:s10+$0x0]  }
0x438: {  	v14 =	vld [tilespmem:s10+$0x30]  }
0x439: {  	v11 =	vld [tilespmem:s10+$0xFFFFFFE0]  }
0x43a: {  	v12 =	vld [tilespmem:s10+$0xFFFFFFD0];
	v13 =	vadd.s32 $0xFFFEC400, v8;
	v8 =	vand.u32 $0x7F, v8  }
0x43b: {  	v15 =	vadd.s32 $0xFFFEC400, v9;
	vm0 =	vlt.u32 v13, $0x4AA0;
	v13 =	vand.u32 $0xFF80, v13  }
0x43c: {  	v9 =	vand.u32 $0x7F, v9;
	v16 =	vadd.s32 $0xFFFEC400, v10;
	v13 =	vor.u32 v8, v13  }
0x43d: {  	v18 =	vand.u32 $0xFF80, v15;
	v17 =	vadd.s32 $0xFFFEC400, v14;
	v8 =	vand.u32 $0xFF80, v16  }
0x43e: {  	v10 =	vand.u32 $0x7F, v10;
	vm1 =	vlt.u32 v16, $0x4AA0;
	v19 =	vld [tilespmem:s10+$0x10];
	v20 =	vadd.s32 $0xFFFEC400, v11  }
0x43f: {  	v22 =	vor.u32 v10, v8;
	v16 =	vld [tilespmem:s10+$0xFFFFFFF0];
	vm2 =	vlt.u32 v20, $0x4AA0;
	v21 =	vand.u32 $0x7F, v12;
	s10 =	smov.u32 s13;
	s13 =	smov.u32 s11  }
0x440: {  	v11 =	vand.u32 $0x7F, v11;
	v8 =	vadd.s32 $0xFFFEC400, v12;
	v10 =	vand.u32 $0xFF80, v20  }
0x441: {  	vm3 =	vlt.u32 v8, $0x4AA0;
	v8 =	vand.u32 $0xFF80, v8;
	v20 =	vor.u32 v11, v10  }
0x442: {  	v23 =	vand.u32 $0xFF80, v17;
	v21 =	vor.u32 v21, v8;
	v8 =	vld.idx.msk [tilespmem:v13+s21+$0x0], vm0  }
0x443: {  	v24 =	vor.u32 v9, v18;
	v12 =	vadd.s32 $0xFFFEC400, v19;
	v9 =	vld.idx.msk [tilespmem:v13+s5+$0x0], vm0  }
0x444: {  	vm7 =	vlt.u32 v15, $0x4AA0;
	v11 =	vadd.s32 $0xFFFEC400, v16;
	v13 =	vand.u32 $0xFF80, v12;
	v10 =	vld.idx.msk [tilespmem:v22+s21+$0x0], vm1  }
0x445: {  	v16 =	vand.u32 $0x7F, v16;
	vm5 =	vlt.u32 v11, $0x4AA0;
	v15 =	vand.u32 $0xFF80, v11;
	v11 =	vld.idx.msk [tilespmem:v22+s5+$0x0], vm1  }
0x446: {  	vm4 =	vlt.u32 v12, $0x4AA0;
	v12 =	vld.idx.msk [tilespmem:v20+s5+$0x0], vm2;
	v22 =	vor.u32 v16, v15;
	v15 =	vand.u32 $0x7F, v19  }
0x447: {  	v25 =	vor.u32 v15, v13;
	v13 =	vld.idx.msk [tilespmem:v20+s21+$0x0], vm2  }
0x448: {  	v15 =	vld.idx.msk [tilespmem:v21+s21+$0x0], vm3  }
0x449: {  	v18 =	vld.idx.msk [tilespmem:v21+s5+$0x0], vm3  }
0x44a: {  	v14 =	vand.u32 $0x7F, v14;
	vm6 =	vlt.u32 v17, $0x4AA0;
	v20 =	vld.idx.msk [tilespmem:v24+s21+$0x0], vm7  }
.Ltmp10:
0x44b: {  	v21 =	vld.idx.msk [tilespmem:v24+s5+$0x0], vm7;
	v24 =	vor.u32 v14, v23;
	(pc) =	sbr.rel @p0 .LBB2_18-.Ltmp10, $4  }
0x44c: {  	v16 =	vld.idx.msk [tilespmem:v22+s21+$0x0], vm5  }
0x44d: {  	v23 =	vor.u32 s14, v0;
	v19 =	vld.idx.msk [tilespmem:v22+s5+$0x0], vm5  }
0x44e: {  	v14 =	vld.idx.msk [tilespmem:v25+s21+$0x0], vm4  }
0x44f: {  	v22 =	vor.u32 s14, v1;
	v17 =	vld.idx.msk [tilespmem:v25+s5+$0x0], vm4  }
0x450: {  	_ =	sdelay $0x4  }
0x451: {  	v25 =	vld.idx.msk [tilespmem:v24+s21+$0x0], vm6;
	v26 =	vor.u32 s14, v2  }
0x452: {  	v56 =	vld.idx.msk [tilespmem:v24+s5+$0x0], vm6;
	[tilespmem:v23+s23+$0x0] =	vst.idx.msk vm7, v21  }
0x453: {  	[tilespmem:v23+s24+$0x0] =	vst.idx.msk vm7, v20;
	v20 =	vor.u32 s14, v3  }
0x454: {  	[tilespmem:v22+s23+$0x0] =	vst.idx.msk vm3, v18  }
0x455: {  	[tilespmem:v22+s24+$0x0] =	vst.idx.msk vm3, v15;
	v15 =	vor.u32 s14, v4  }
0x456: {  	[tilespmem:v26+s23+$0x0] =	vst.idx.msk vm2, v12  }
0x457: {  	v12 =	vor.u32 s14, v5;
	[tilespmem:v26+s24+$0x0] =	vst.idx.msk vm2, v13  }
0x458: {  	[tilespmem:v20+s23+$0x0] =	vst.idx.msk vm5, v19  }
0x459: {  	v13 =	vor.u32 s14, v6;
	[tilespmem:v20+s24+$0x0] =	vst.idx.msk vm5, v16  }
0x45a: {  	[tilespmem:v15+s23+$0x0] =	vst.idx.msk vm1, v11  }
0x45b: {  	[tilespmem:v15+s24+$0x0] =	vst.idx.msk vm1, v10;
	v10 =	vor.u32 s14, v7  }
0x45c: {  	[tilespmem:v12+s23+$0x0] =	vst.idx.msk vm4, v17  }
0x45d: {  	[tilespmem:v12+s24+$0x0] =	vst.idx.msk vm4, v14  }
0x45e: {  	[tilespmem:v13+s23+$0x0] =	vst.idx.msk vm0, v9  }
0x45f: {  	[tilespmem:v13+s24+$0x0] =	vst.idx.msk vm0, v8  }
0x460: {  	[tilespmem:v10+s23+$0x0] =	vst.idx.msk vm6, v56  }
0x461: {  	[tilespmem:v10+s24+$0x0] =	vst.idx.msk vm6, v25  }
0x462: {  	v8 =	vld [tilespmem:s10+$0x20]  }
0x463: {  	v9 =	vld [tilespmem:s10+$0x0]  }
0x464: {  	v10 =	vld [tilespmem:s10+$0xFFFFFFE0];
	_ =	sdelay $0x2  }
0x465: {  	v11 =	vadd.s32 $0xFFFEC400, v8  }
0x466: {  	v12 =	vld [tilespmem:s10+$0xFFFFFFD0];
	v8 =	vand.u32 $0x7F, v8;
	vm0 =	vlt.u32 v11, $0x4AA0;
	v11 =	vand.u32 $0xFF80, v11  }
0x467: {  	v13 =	vadd.s32 $0xFFFEC400, v9;
	v15 =	vadd.s32 $0xFFFEC400, v10;
	v8 =	vor.u32 v8, v11  }
0x468: {  	v10 =	vand.u32 $0x7F, v10;
	vm2 =	vlt.u32 v15, $0x4AA0;
	v15 =	vand.u32 $0xFF80, v15;
	v11 =	vld [tilespmem:s10+$0xFFFFFFC0]  }
0x469: {  	v16 =	vld [tilespmem:s10+$0x10];
	v9 =	vand.u32 $0x7F, v9;
	v14 =	vand.u32 $0xFF80, v13;
	v10 =	vor.u32 v10, v15  }
0x46a: {  	vm1 =	vlt.u32 v13, $0x4AA0;
	v9 =	vor.u32 v9, v14;
	v14 =	vld [tilespmem:s10+$0xFFFFFFF0]  }
0x46b: {  	v17 =	vadd.s32 $0xFFFEC400, v12;
	v13 =	vld [tilespmem:s10+$0x30]  }
0x46c: {  	v12 =	vand.u32 $0x7F, v12;
	vm3 =	vlt.u32 v17, $0x4AA0;
	v15 =	vand.u32 $0xFF80, v17;
	v17 =	vld.idx.msk [tilespmem:v8+s21+$0x0], vm0  }
0x46d: {  	v12 =	vor.u32 v12, v15;
	v18 =	vadd.s32 $0xFFFEC400, v11;
	v8 =	vld.idx.msk [tilespmem:v8+s5+$0x0], vm0  }
0x46e: {  	v11 =	vand.u32 $0x7F, v11;
	v19 =	vld.idx.msk [tilespmem:v10+s5+$0x0], vm2;
	v15 =	vand.u32 $0xFF80, v18;
	vm6 =	vlt.u32 v18, $0x4AA0  }
0x46f: {  	v10 =	vld.idx.msk [tilespmem:v10+s21+$0x0], vm2;
	v11 =	vor.u32 v11, v15;
	v15 =	vadd.s32 $0xFFFEC400, v14  }
0x470: {  	v18 =	vld.idx.msk [tilespmem:v9+s21+$0x0], vm1;
	v14 =	vand.u32 $0x7F, v14;
	vm4 =	vlt.u32 v15, $0x4AA0;
	v15 =	vand.u32 $0xFF80, v15  }
0x471: {  	v20 =	vadd.s32 $0xFFFEC400, v16;
	v9 =	vld.idx.msk [tilespmem:v9+s5+$0x0], vm1;
	v14 =	vor.u32 v14, v15  }
0x472: {  	v16 =	vand.u32 $0x7F, v16;
	vm5 =	vlt.u32 v20, $0x4AA0;
	v15 =	vand.u32 $0xFF80, v20;
	v20 =	vld.idx.msk [tilespmem:v12+s21+$0x0], vm3  }
0x473: {  	v21 =	vadd.s32 $0xFFFEC400, v13;
	v12 =	vld.idx.msk [tilespmem:v12+s5+$0x0], vm3;
	v15 =	vor.u32 v16, v15  }
0x474: {  	v13 =	vand.u32 $0x7F, v13;
	vm7 =	vlt.u32 v21, $0x4AA0;
	v16 =	vand.u32 $0xFF80, v21;
	v21 =	vld.idx.msk [tilespmem:v11+s21+$0x0], vm6  }
0x475: {  	v13 =	vor.u32 v13, v16;
	v11 =	vld.idx.msk [tilespmem:v11+s5+$0x0], vm6  }
0x476: {  	v22 =	vor.u32 s4, v0;
	v16 =	vld.idx.msk [tilespmem:v14+s21+$0x0], vm4  }
0x477: {  	v14 =	vld.idx.msk [tilespmem:v14+s5+$0x0], vm4  }
0x478: {  	v57 =	vor.u32 s4, v1;
	v23 =	vld.idx.msk [tilespmem:v15+s21+$0x0], vm5  }
0x479: {  	v15 =	vld.idx.msk [tilespmem:v15+s5+$0x0], vm5  }
0x47a: {  	v58 =	vor.u32 s4, v2;
	v25 =	vld.idx.msk [tilespmem:v13+s21+$0x0], vm7  }
0x47b: {  	v13 =	vld.idx.msk [tilespmem:v13+s5+$0x0], vm7;
	[tilespmem:v22+s23+$0x0] =	vst.idx.msk vm6, v11  }
0x47c: {  	v11 =	vor.u32 s4, v3;
	[tilespmem:v22+s24+$0x0] =	vst.idx.msk vm6, v21  }
0x47d: {  	[tilespmem:v57+s23+$0x0] =	vst.idx.msk vm3, v12  }
0x47e: {  	v12 =	vor.u32 s4, v4;
	[tilespmem:v57+s24+$0x0] =	vst.idx.msk vm3, v20  }
0x47f: {  	[tilespmem:v58+s23+$0x0] =	vst.idx.msk vm2, v19  }
0x480: {  	[tilespmem:v58+s24+$0x0] =	vst.idx.msk vm2, v10;
	v10 =	vor.u32 s4, v5  }
0x481: {  	[tilespmem:v11+s23+$0x0] =	vst.idx.msk vm4, v14  }
0x482: {  	[tilespmem:v11+s24+$0x0] =	vst.idx.msk vm4, v16;
	v11 =	vor.u32 s4, v6  }
0x483: {  	[tilespmem:v12+s23+$0x0] =	vst.idx.msk vm1, v9  }
0x484: {  	v9 =	vor.u32 s4, v7;
	[tilespmem:v12+s24+$0x0] =	vst.idx.msk vm1, v18  }
0x485: {  	[tilespmem:v10+s23+$0x0] =	vst.idx.msk vm5, v15  }
0x486: {  	[tilespmem:v10+s24+$0x0] =	vst.idx.msk vm5, v23  }
0x487: {  	[tilespmem:v11+s23+$0x0] =	vst.idx.msk vm0, v8  }
0x488: {  	[tilespmem:v11+s24+$0x0] =	vst.idx.msk vm0, v17  }
0x489: {  	[tilespmem:v9+s23+$0x0] =	vst.idx.msk vm7, v13  }
0x48a: {  	[tilespmem:v9+s24+$0x0] =	vst.idx.msk vm7, v25  }
0x48b: {  	v8 =	vld [tilespmem:s13+$0x20]  }
0x48c: {  	v9 =	vld [tilespmem:s13+$0x0]  }
0x48d: {  	v10 =	vld [tilespmem:s13+$0xFFFFFFE0];
	_ =	sdelay $0x2  }
0x48e: {  	v11 =	vadd.s32 $0xFFFEC400, v8  }
0x48f: {  	v12 =	vld [tilespmem:s13+$0xFFFFFFD0];
	v8 =	vand.u32 $0x7F, v8;
	vm0 =	vlt.u32 v11, $0x4AA0;
	v11 =	vand.u32 $0xFF80, v11  }
0x490: {  	v13 =	vadd.s32 $0xFFFEC400, v9;
	v15 =	vadd.s32 $0xFFFEC400, v10;
	v8 =	vor.u32 v8, v11  }
0x491: {  	v10 =	vand.u32 $0x7F, v10;
	vm2 =	vlt.u32 v15, $0x4AA0;
	v15 =	vand.u32 $0xFF80, v15;
	v11 =	vld [tilespmem:s13+$0xFFFFFFC0]  }
0x492: {  	v16 =	vld [tilespmem:s13+$0x10];
	v9 =	vand.u32 $0x7F, v9;
	v14 =	vand.u32 $0xFF80, v13;
	v10 =	vor.u32 v10, v15  }
0x493: {  	vm1 =	vlt.u32 v13, $0x4AA0;
	v9 =	vor.u32 v9, v14;
	v14 =	vld [tilespmem:s13+$0xFFFFFFF0]  }
0x494: {  	v17 =	vadd.s32 $0xFFFEC400, v12;
	v13 =	vld [tilespmem:s13+$0x30]  }
0x495: {  	v12 =	vand.u32 $0x7F, v12;
	vm3 =	vlt.u32 v17, $0x4AA0;
	v15 =	vand.u32 $0xFF80, v17;
	v17 =	vld.idx.msk [tilespmem:v8+s21+$0x0], vm0  }
0x496: {  	v12 =	vor.u32 v12, v15;
	v18 =	vadd.s32 $0xFFFEC400, v11;
	v8 =	vld.idx.msk [tilespmem:v8+s5+$0x0], vm0  }
0x497: {  	v11 =	vand.u32 $0x7F, v11;
	v19 =	vld.idx.msk [tilespmem:v10+s5+$0x0], vm2;
	v15 =	vand.u32 $0xFF80, v18;
	vm6 =	vlt.u32 v18, $0x4AA0  }
0x498: {  	v10 =	vld.idx.msk [tilespmem:v10+s21+$0x0], vm2;
	v11 =	vor.u32 v11, v15;
	v15 =	vadd.s32 $0xFFFEC400, v14  }
0x499: {  	v18 =	vld.idx.msk [tilespmem:v9+s21+$0x0], vm1;
	v14 =	vand.u32 $0x7F, v14;
	vm4 =	vlt.u32 v15, $0x4AA0;
	v15 =	vand.u32 $0xFF80, v15  }
0x49a: {  	v20 =	vadd.s32 $0xFFFEC400, v16;
	v9 =	vld.idx.msk [tilespmem:v9+s5+$0x0], vm1;
	v14 =	vor.u32 v14, v15  }
0x49b: {  	v16 =	vand.u32 $0x7F, v16;
	vm5 =	vlt.u32 v20, $0x4AA0;
	v15 =	vand.u32 $0xFF80, v20;
	v20 =	vld.idx.msk [tilespmem:v12+s21+$0x0], vm3  }
0x49c: {  	v21 =	vadd.s32 $0xFFFEC400, v13;
	v12 =	vld.idx.msk [tilespmem:v12+s5+$0x0], vm3;
	v15 =	vor.u32 v16, v15  }
0x49d: {  	v13 =	vand.u32 $0x7F, v13;
	vm7 =	vlt.u32 v21, $0x4AA0;
	v16 =	vand.u32 $0xFF80, v21;
	v21 =	vld.idx.msk [tilespmem:v11+s21+$0x0], vm6  }
0x49e: {  	v13 =	vor.u32 v13, v16;
	v11 =	vld.idx.msk [tilespmem:v11+s5+$0x0], vm6  }
0x49f: {  	v22 =	vor.u32 s12, v0;
	v16 =	vld.idx.msk [tilespmem:v14+s21+$0x0], vm4  }
0x4a0: {  	v14 =	vld.idx.msk [tilespmem:v14+s5+$0x0], vm4  }
0x4a1: {  	v59 =	vor.u32 s12, v1;
	v23 =	vld.idx.msk [tilespmem:v15+s21+$0x0], vm5  }
0x4a2: {  	v15 =	vld.idx.msk [tilespmem:v15+s5+$0x0], vm5  }
0x4a3: {  	v60 =	vor.u32 s12, v2;
	v25 =	vld.idx.msk [tilespmem:v13+s21+$0x0], vm7  }
0x4a4: {  	v13 =	vld.idx.msk [tilespmem:v13+s5+$0x0], vm7;
	[tilespmem:v22+s23+$0x0] =	vst.idx.msk vm6, v11  }
0x4a5: {  	v11 =	vor.u32 s12, v3;
	[tilespmem:v22+s24+$0x0] =	vst.idx.msk vm6, v21  }
0x4a6: {  	[tilespmem:v59+s23+$0x0] =	vst.idx.msk vm3, v12  }
0x4a7: {  	v12 =	vor.u32 s12, v4;
	[tilespmem:v59+s24+$0x0] =	vst.idx.msk vm3, v20  }
0x4a8: {  	[tilespmem:v60+s23+$0x0] =	vst.idx.msk vm2, v19  }
0x4a9: {  	[tilespmem:v60+s24+$0x0] =	vst.idx.msk vm2, v10;
	v10 =	vor.u32 s12, v5  }
0x4aa: {  	[tilespmem:v11+s23+$0x0] =	vst.idx.msk vm4, v14  }
0x4ab: {  	[tilespmem:v11+s24+$0x0] =	vst.idx.msk vm4, v16;
	v11 =	vor.u32 s12, v6  }
0x4ac: {  	[tilespmem:v12+s23+$0x0] =	vst.idx.msk vm1, v9  }
0x4ad: {  	v9 =	vor.u32 s12, v7;
	[tilespmem:v12+s24+$0x0] =	vst.idx.msk vm1, v18  }
0x4ae: {  	[tilespmem:v10+s23+$0x0] =	vst.idx.msk vm5, v15  }
0x4af: {  	[tilespmem:v10+s24+$0x0] =	vst.idx.msk vm5, v23  }
0x4b0: {  	[tilespmem:v11+s23+$0x0] =	vst.idx.msk vm0, v8  }
0x4b1: {  	[tilespmem:v11+s24+$0x0] =	vst.idx.msk vm0, v17  }
0x4b2: {  	[tilespmem:v9+s23+$0x0] =	vst.idx.msk vm7, v13  }
0x4b3: {  	s8 =	rddreg [dreg:$0x16];
	s12 =	simm.s32 $0x3;
	[tilespmem:v9+s24+$0x0] =	vst.idx.msk vm7, v25  }
0x4b4: {  	[hbm4b:s8+s19] =	stream.strided.scatter [tilespmem:s23], [sflag:$0x3], $0x4000, s20, s19, $0x38;
	[tilespmem:$0x1FE00] =	vst v63  }
0x4b5: {  	_ =	swait.ge [sflag:s12], $0x4000  }
0x4b6: {  	[sflag:s12] =	ssyncset.done $0x0  }
0x4b7: {  	s10 =	rddreg [dreg:$0x17];
	[sflag:s12] =	ssyncadd.s32 $0xFFFFC000  }
0x4b8: {  	[hbm4b:s10+s19] =	stream.strided.scatter [tilespmem:s24], [sflag:$0x3], $0x4000, s20, s19, $0x38;
	[tilespmem:$0x1FE00] =	vst v63  }
0x4b9: {  	_ =	swait.ge [sflag:s12], $0x4000  }
0x4ba: {  	[sflag:s12] =	ssyncset.done $0x0  }
0x4bb: {  	[sflag:s12] =	ssyncadd.s32 $0xFFFFC000  }
0x4bc: {  	s11 =	simm.s32 $0x13E00;
	s4 =	simm.s32 $0x0;
	s8 =	rddreg [dreg:$0x2]  }
0x4bd: {  	[tilespmem:s11], [sflag:$0x3] =	stream.linear.gather [hbm4b:s8+s4], $0x4000, $0x38;
	[tilespmem:$0x1FE00] =	vst v63  }
0x4be: {  	_ =	swait.ge [sflag:s12], $0x4000  }
0x4bf: {  	[sflag:s12] =	ssyncset.done $0x0  }
0x4c0: {  	s13 =	rddreg [dreg:$0x10];
	[sflag:s12] =	ssyncadd.s32 $0xFFFFC000  }
0x4c1: {  	[tilespmem:s4], [sflag:$0x1] =	stream.strided.gather [hbm4b:s13+s19], $0x380, s20, s19, $0x38;
	[tilespmem:$0x1FE00] =	vst v63  }
0x4c2: {  	s14 =	rddreg [dreg:$0x11]  }
0x4c3: {  	[tilespmem:s21], [sflag:$0x1] =	stream.strided.gather [hbm4b:s14+s19], $0x380, s20, s19, $0x38;
	[tilespmem:$0x1FE00] =	vst v63  }
0x4c4: {  	s16 =	simm.s32 $0x380;
	s15 =	rddreg [dreg:$0x14]  }
0x4c5: {  	[tilespmem:s16], [sflag:$0x1] =	stream.linear.gather [hbm4b:s15+s4], $0x80, $0x38;
	[tilespmem:$0x1FE00] =	vst v63  }
0x4c6: {  	s18 =	simm.s32 $0x5300;
	s17 =	rddreg [dreg:$0x15]  }
0x4c7: {  	[tilespmem:s18], [sflag:$0x1] =	stream.linear.gather [hbm4b:s17+s4], $0x80, $0x38;
	[tilespmem:$0x1FE00] =	vst v63  }
0x4c8: {  	_ =	swait.ge [sflag:s22], $0x380  }
0x4c9: {  	[sflag:s22] =	ssyncset.done $0x0  }
0x4ca: {  	[sflag:s22] =	ssyncadd.s32 $0xFFFFFC80  }
0x4cb: {  	_ =	swait.ge [sflag:s22], $0x380  }
0x4cc: {  	[sflag:s22] =	ssyncset.done $0x0  }
0x4cd: {  	[sflag:s22] =	ssyncadd.s32 $0xFFFFFC80  }
0x4ce: {  	_ =	swait.ge [sflag:s22], $0x80  }
0x4cf: {  	[sflag:s22] =	ssyncset.done $0x0  }
0x4d0: {  	[sflag:s22] =	ssyncadd.s32 $0xFFFFFF80  }
0x4d1: {  	_ =	swait.ge [sflag:s22], $0x80  }
0x4d2: {  	[sflag:s22] =	ssyncset.done $0x0  }
0x4d3: {  	s10 =	simm.s32 $0x13E40;
	[sflag:s22] =	ssyncadd.s32 $0xFFFFFF80  }
0x4d4: {  	v8 =	vld [tilespmem:s10+$0xFFFFFFC0];
	_ =	sdelay $0x1  }
0x4d5: {  	v9 =	vld [tilespmem:s10+$0xFFFFFFD0];
	_ =	sdelay $0x1  }
0x4d6: {  	v10 =	vld [tilespmem:s10+$0x0]  }
0x4d7: {  	v11 =	vld [tilespmem:s10+$0xFFFFFFE0];
	vm6 =	vlt.u32 v8, $0x3E8  }
0x4d8: {  	v8 =	vand.u32 $0xFFFF, v8  }
0x4d9: {  	v12 =	vld [tilespmem:s10+$0x10];
	vm7 =	vlt.u32 v9, $0x3E8  }
0x4da: {  	v13 =	vld [tilespmem:s10+$0xFFFFFFF0];
	v9 =	vand.u32 $0xFFFF, v9  }
0x4db: {  	v14 =	vld [tilespmem:s10+$0x30];
	vm0 =	vlt.u32 v10, $0x3E8  }
0x4dc: {  	v15 =	vld [tilespmem:s10+$0x20];
	vm3 =	vlt.u32 v11, $0x3E8;
	v10 =	vand.u32 $0xFFFF, v10  }
0x4dd: {  	v11 =	vand.u32 $0xFFFF, v11;
	v19 =	vld.idx.msk [tilespmem:v8+s5+$0x0], vm6  }
0x4de: {  	v20 =	vld.idx.msk [tilespmem:v8+s21+$0x0], vm6  }
0x4df: {  	vm1 =	vlt.u32 v12, $0x3E8;
	v22 =	vld.idx.msk [tilespmem:v9+s5+$0x0], vm7  }
0x4e0: {  	vm4 =	vlt.u32 v13, $0x3E8;
	v17 =	vand.u32 $0xFFFF, v12;
	v23 =	vld.idx.msk [tilespmem:v9+s21+$0x0], vm7  }
0x4e1: {  	v18 =	vand.u32 $0xFFFF, v13;
	vm2 =	vlt.u32 v15, $0x3E8;
	v8 =	vld.idx.msk [tilespmem:v10+s21+$0x0], vm0  }
0x4e2: {  	v61 =	vand.u32 $0xFFFF, v15;
	v13 =	vld.idx.msk [tilespmem:v11+s21+$0x0], vm3  }
0x4e3: {  	vm5 =	vlt.u32 v14, $0x3E8;
	v62 =	vld.idx.msk [tilespmem:v11+s5+$0x0], vm3  }
0x4e4: {  	v14 =	vand.u32 $0xFFFF, v14;
	v12 =	vld.idx.msk [tilespmem:v10+s5+$0x0], vm0  }
0x4e5: {  	v9 =	vld.idx.msk [tilespmem:v17+s21+$0x0], vm1  }
0x4e6: {  	v16 =	vld.idx.msk [tilespmem:v18+s21+$0x0], vm4  }
0x4e7: {  	v63 =	vor.u32 s4, v0;
	v10 =	vld.idx.msk [tilespmem:v61+s21+$0x0], vm2  }
0x4e8: {  	v15 =	vld.idx.msk [tilespmem:v17+s5+$0x0], vm1  }
0x4e9: {  	v27 =	vor.u32 s4, v1;
	v11 =	vld.idx.msk [tilespmem:v14+s21+$0x0], vm5  }
0x4ea: {  	v18 =	vld.idx.msk [tilespmem:v18+s5+$0x0], vm4  }
0x4eb: {  	v21 =	vor.u32 s4, v2;
	v14 =	vld.idx.msk [tilespmem:v14+s5+$0x0], vm5  }
0x4ec: {  	v17 =	vld.idx.msk [tilespmem:v61+s5+$0x0], vm2;
	[tilespmem:v63+s23+$0x0] =	vst.idx.msk vm6, v19  }
0x4ed: {  	[tilespmem:v63+s24+$0x0] =	vst.idx.msk vm6, v20  }
0x4ee: {  	[tilespmem:v27+s23+$0x0] =	vst.idx.msk vm7, v22;
	v22 =	vor.u32 s4, v3  }
0x4ef: {  	[tilespmem:v27+s24+$0x0] =	vst.idx.msk vm7, v23  }
0x4f0: {  	s8 =	simm.s32 $0x80;
	s17 =	rddreg [dreg:$0xb];
	v19 =	vor.u32 s4, v4;
	v20 =	vor.u32 s4, v5;
	[tilespmem:v21+s23+$0x0] =	vst.idx.msk vm3, v62  }
.LBB2_20:
0x4f1: {  	p0 =	sne.s32 s8, $0x3F80  }
0x4f2: {  	[tilespmem:v21+s24+$0x0] =	vst.idx.msk vm3, v13;
	s10 =	sadd.s32 $0x80, s10;
	s11 =	smov.u32 s8;
	s8 =	sadd.s32 $0x80, s8  }
0x4f3: {  	v13 =	vor.u32 s4, v6;
	[tilespmem:v22+s23+$0x0] =	vst.idx.msk vm4, v18  }
0x4f4: {  	[tilespmem:v22+s24+$0x0] =	vst.idx.msk vm4, v16  }
0x4f5: {  	[tilespmem:v19+s23+$0x0] =	vst.idx.msk vm0, v12;
	v12 =	vor.u32 s4, v7;
	s4 =	smov.u32 s11  }
0x4f6: {  	[tilespmem:v19+s24+$0x0] =	vst.idx.msk vm0, v8  }
0x4f7: {  	[tilespmem:v20+s23+$0x0] =	vst.idx.msk vm1, v15  }
0x4f8: {  	[tilespmem:v20+s24+$0x0] =	vst.idx.msk vm1, v9  }
0x4f9: {  	[tilespmem:v13+s23+$0x0] =	vst.idx.msk vm2, v17  }
0x4fa: {  	[tilespmem:v13+s24+$0x0] =	vst.idx.msk vm2, v10  }
0x4fb: {  	[tilespmem:v12+s23+$0x0] =	vst.idx.msk vm5, v14  }
0x4fc: {  	[tilespmem:v12+s24+$0x0] =	vst.idx.msk vm5, v11  }
0x4fd: {  	v8 =	vld [tilespmem:s10+$0xFFFFFFC0]  }
0x4fe: {  	v9 =	vld [tilespmem:s10+$0x10]  }
0x4ff: {  	v10 =	vld [tilespmem:s10+$0xFFFFFFD0]  }
0x500: {  	v11 =	vld [tilespmem:s10+$0x0]  }
0x501: {  	v12 =	vld [tilespmem:s10+$0xFFFFFFE0]  }
0x502: {  	v13 =	vld [tilespmem:s10+$0xFFFFFFF0];
	vm7 =	vlt.u32 v8, $0x3E8  }
0x503: {  	v8 =	vand.u32 $0xFFFF, v8  }
0x504: {  	vm6 =	vlt.u32 v10, $0x3E8  }
0x505: {  	v10 =	vand.u32 $0xFFFF, v10  }
0x506: {  	vm0 =	vlt.u32 v11, $0x3E8;
	v11 =	vand.u32 $0xFFFF, v11;
	v14 =	vld [tilespmem:s10+$0x30];
	vm3 =	vlt.u32 v12, $0x3E8  }
0x507: {  	v12 =	vand.u32 $0xFFFF, v12;
	v15 =	vld [tilespmem:s10+$0x20];
	vm4 =	vlt.u32 v13, $0x3E8;
	v17 =	vand.u32 $0xFFFF, v13  }
0x508: {  	v19 =	vld.idx.msk [tilespmem:v8+s5+$0x0], vm7  }
0x509: {  	v20 =	vld.idx.msk [tilespmem:v8+s21+$0x0], vm7  }
0x50a: {  	vm1 =	vlt.u32 v9, $0x3E8;
	v23 =	vld.idx.msk [tilespmem:v10+s5+$0x0], vm6  }
0x50b: {  	v18 =	vand.u32 $0xFFFF, v9;
	v24 =	vld.idx.msk [tilespmem:v10+s21+$0x0], vm6  }
0x50c: {  	vm2 =	vlt.u32 v15, $0x3E8;
	v8 =	vld.idx.msk [tilespmem:v11+s21+$0x0], vm0  }
0x50d: {  	v22 =	vand.u32 $0xFFFF, v15;
	v13 =	vld.idx.msk [tilespmem:v12+s21+$0x0], vm3  }
0x50e: {  	vm5 =	vlt.u32 v14, $0x3E8;
	v25 =	vld.idx.msk [tilespmem:v12+s5+$0x0], vm3  }
0x50f: {  	v14 =	vand.u32 $0xFFFF, v14;
	v12 =	vld.idx.msk [tilespmem:v11+s5+$0x0], vm0  }
0x510: {  	v9 =	vld.idx.msk [tilespmem:v18+s21+$0x0], vm1  }
0x511: {  	v16 =	vld.idx.msk [tilespmem:v17+s21+$0x0], vm4  }
0x512: {  	v26 =	vor.u32 s4, v0;
	v10 =	vld.idx.msk [tilespmem:v22+s21+$0x0], vm2  }
0x513: {  	v15 =	vld.idx.msk [tilespmem:v18+s5+$0x0], vm1  }
0x514: {  	v27 =	vor.u32 s4, v1;
	v11 =	vld.idx.msk [tilespmem:v14+s21+$0x0], vm5  }
0x515: {  	v18 =	vld.idx.msk [tilespmem:v17+s5+$0x0], vm4  }
0x516: {  	v21 =	vor.u32 s4, v2;
	v14 =	vld.idx.msk [tilespmem:v14+s5+$0x0], vm5  }
0x517: {  	v17 =	vld.idx.msk [tilespmem:v22+s5+$0x0], vm2  }
.Ltmp11:
0x518: {  	v22 =	vor.u32 s4, v3;
	[tilespmem:v26+s23+$0x0] =	vst.idx.msk vm7, v19;
	(pc) =	sbr.rel @p0 .LBB2_20-.Ltmp11, $4  }
0x519: {  	[tilespmem:v26+s24+$0x0] =	vst.idx.msk vm7, v20  }
0x51a: {  	v19 =	vor.u32 s4, v4;
	[tilespmem:v27+s23+$0x0] =	vst.idx.msk vm6, v23  }
0x51b: {  	[tilespmem:v27+s24+$0x0] =	vst.idx.msk vm6, v24  }
0x51c: {  	v20 =	vor.u32 s4, v5;
	[tilespmem:v21+s23+$0x0] =	vst.idx.msk vm3, v25  }
0x51d: {  	_ =	sdelay $0x4  }
0x51e: {  	[tilespmem:v21+s24+$0x0] =	vst.idx.msk vm3, v13  }
0x51f: {  	[tilespmem:v22+s23+$0x0] =	vst.idx.msk vm4, v18  }
0x520: {  	v62 =	vor.u32 s4, v6;
	[tilespmem:v22+s24+$0x0] =	vst.idx.msk vm4, v16  }
0x521: {  	[tilespmem:v19+s23+$0x0] =	vst.idx.msk vm0, v12  }
0x522: {  	v63 =	vor.u32 s4, v7;
	[tilespmem:v19+s24+$0x0] =	vst.idx.msk vm0, v8  }
0x523: {  	[tilespmem:v20+s23+$0x0] =	vst.idx.msk vm1, v15  }
0x524: {  	[tilespmem:v20+s24+$0x0] =	vst.idx.msk vm1, v9  }
0x525: {  	[tilespmem:v62+s23+$0x0] =	vst.idx.msk vm2, v17  }
0x526: {  	[tilespmem:v62+s24+$0x0] =	vst.idx.msk vm2, v10  }
0x527: {  	[tilespmem:v63+s23+$0x0] =	vst.idx.msk vm5, v14  }
0x528: {  	s15 =	rddreg [dreg:$0x18];
	[tilespmem:v63+s24+$0x0] =	vst.idx.msk vm5, v11  }
0x529: {  	[hbm4b:s15+s19] =	stream.strided.scatter [tilespmem:s23], [sflag:$0x3], $0x4000, s20, s19, $0x38;
	[tilespmem:$0x1FE00] =	vst v63  }
0x52a: {  	_ =	swait.ge [sflag:s12], $0x4000  }
0x52b: {  	[sflag:s12] =	ssyncset.done $0x0  }
0x52c: {  	s16 =	rddreg [dreg:$0x19];
	[sflag:s12] =	ssyncadd.s32 $0xFFFFC000  }
0x52d: {  	[hbm4b:s16+s19] =	stream.strided.scatter [tilespmem:s24], [sflag:$0x3], $0x4000, s20, s19, $0x38;
	[tilespmem:$0x1FE00] =	vst v63  }
0x52e: {  	_ =	swait.ge [sflag:s12], $0x4000  }
0x52f: {  	s8 =	sld [smem:$0x7FD];
	_ =	sdelay $0x2  }
0x530: {  	s18 =	rddreg [dreg:$0x1e];
	s8 =	sadd.s32 $0x1, s8  }
0x531: {  	p0 =	sne.s32 s8, s18  }
.Ltmp12:
0x532: {  	_ = 	snop;
	(pc) =	sbr.rel @p0 .LBB2_1-.Ltmp12, $3  }
0x533: {  	_ =	sdelay $0x1  }
0x534: {  	[sflag:s12] =	ssyncset.done $0x0  }
0x535: {  	[sflag:s12] =	ssyncadd.s32 $0xFFFFC000  }
0x536: {  	_ =	sfence.sel $0x180000  }
0x537: {  	[bflag:$0x0] =	sbarrier.arrive $0xFFFF  }
0x538: {  	_ =	strace $0x90000047  }
0x539: {  	s0 =	stileid.u32;
	[bflag:$0x2] =	sbarrier.arrive $0xFFFF  }
0x53a: {  	p0 =	sne.s32 s0, $0x0;
	s0 =	rddreg [dreg:$0xa]  }
0x53b: {  	s0 =	sadd.s32 @!p0 $0x100000, s0  }
0x53c: {  	[sflag:s0] =	ssyncadd.tile.s32 @!p0 $0x1;
	_ =	shalt  }
.Lfunc_end2:
_tile_overlayer_lowered:
.L_overlay_start_2:
0x53d: {  	(tag) =	ssettag $0x2  }
0x53e: {  	s0 =	rddreg [dreg:$0x0];
	s2 =	stileid.u32  }
0x53f: {  	s1 =	rddreg [dreg:$0x1];
	p0 =	sne.s32 s2, $0x0  }
0x540: {  	s3 =	rddreg [dreg:$0x2];
	[bflag:$0x3] =	sbarrier.arrive $0xFFFF;
	s2 =	simm.s32 @!p0 $0x1C03  }
0x541: {  	[timem:s3], [sflag:s2] =	dma.local @!p0 [hbm:s0], s1  }
0x542: {  	s0 =	simm.s32 @!p0 $0x3  }
0x543: {  	_ =	swait.ge @!p0 [sflag:s0], s1  }
0x544: {  	s1 =	ssub.s32 @!p0 $0x0, s1;
	[sflag:s0] =	ssyncset.done @!p0 $0x0  }
0x545: {  	[sflag:s0] =	ssyncadd.s32 @!p0 s1  }
0x546: {  	[bflag:$0x3] =	sbarrier.arrive $0xFFFF  }
0x547: {  	_ =	shalt  }

</sc_bundles>
